<compile_context>
chip_gen: v7x
topology: tpu7x:2x2x1
jax: 0.10.2.dev20260603
libtpu: 0.0.44.dev20260713+nightly
codegen_flags: <defaults>
</compile_context>

<pallas_src>
import functools

import jax
import jax.numpy as jnp
from jax import lax
from jax.experimental import pallas as pl
from jax.experimental.pallas import tpu as pltpu
from jax.experimental.pallas import tpu_sc as plsc

_R, _C = 8192, 512
_S_ROWS = 2560
_T_ROWS = _R - _S_ROWS
_TC_BLOCK_R = 512
_NC, _NS, _L = 2, 16, 16
_NW = _NC * _NS
_ROWS_W = _S_ROWS // _NW
_CHUNK_R = 16
_NCHUNKS = _ROWS_W // _CHUNK_R
_UNROLL = 4
_LN2 = 0.6931471805599453

_D0 = 89.76645166961427
_D1 = -2.806980531444208
_D2 = 1.455194772067026
_D3 = -0.440502738630688
_D4 = 0.05545931374210546

_mesh = plsc.VectorSubcoreMesh(core_axis_name="c", subcore_axis_name="s")


def _neg_log_clipped(q):
    bits = lax.bitcast_convert_type(q, jnp.int32)
    e = (bits >> 23).astype(jnp.float32)
    m = lax.bitcast_convert_type((bits & 0x007FFFFF) | 0x3F800000, jnp.float32)
    nl_m = _D0 + m * (_D1 + m * (_D2 + m * (_D3 + m * _D4)))
    nl = e * (-_LN2) + nl_m
    return jnp.where(q > 0.0, nl, 100.0)


@functools.partial(
    pl.kernel,
    mesh=_mesh,
    out_type=jax.ShapeDtypeStruct((_NW, 4, _L), jnp.float32),
    scratch_types=[
        pltpu.VMEM((2, _CHUNK_R, _C), jnp.float32),
        pltpu.VMEM((2, _CHUNK_R, _C), jnp.float32),
        pltpu.VMEM((2, _CHUNK_R, _C), jnp.float32),
        pltpu.VMEM((4, _L), jnp.float32),
        pltpu.SemaphoreType.DMA,
        pltpu.SemaphoreType.DMA,
    ],
    compiler_params=pltpu.CompilerParams(use_tc_tiling_on_sc=True),
)
def _pass1(pred_h, gt_h, mask_h, out_h, pb, gb, mb, acc, s0, s1):
    wid = lax.axis_index("c") * _NS + lax.axis_index("s")
    base = wid * _ROWS_W
    sems = (s0, s1)

    def start(c):
        b = c % 2
        row = base + c * _CHUNK_R
        return [
            pltpu.async_copy(h.at[pl.ds(row, _CHUNK_R), :], buf.at[b], sems[b])
            for h, buf in ((pred_h, pb), (gt_h, gb), (mask_h, mb))
        ]

    zeros = jnp.zeros((_L,), jnp.float32)
    carry = (zeros, zeros, zeros, zeros)
    pend = start(0)
    for c in range(_NCHUNKS):
        nxt = start(c + 1) if c + 1 < _NCHUNKS else None
        for h in pend:
            h.wait()
        b = c % 2

        def row_body(r, cr0, b=b):
            def slice_body(i, cr, b=b, r=r):
                ps, ts, pc, mc = cr
                for u in range(_UNROLL):
                    sl = pl.ds(i * (_L * _UNROLL) + u * _L, _L)
                    p = pb[b, r, sl]
                    g = gb[b, r, sl]
                    m = mb[b, r, sl]
                    q = jnp.where(g > 0.5, p, 1.0 - p)
                    l = _neg_log_clipped(q)
                    gm = g * m
                    ps = ps + l * gm
                    ts = ts + l * m
                    pc = pc + gm
                    mc = mc + m
                return (ps, ts, pc, mc)

            return lax.fori_loop(0, _C // (_L * _UNROLL), slice_body, cr0)

        carry = lax.fori_loop(0, _CHUNK_R, row_body, carry)
        pend = nxt
    ps, ts, pc, mc = carry
    acc[0, :] = ps
    acc[1, :] = ts
    acc[2, :] = pc
    acc[3, :] = mc
    pltpu.sync_copy(acc, out_h.at[wid])


def _fold8(x):
    acc = x[0:8]
    for i in range(1, _TC_BLOCK_R // 8):
        acc = acc + x[i * 8:(i + 1) * 8]
    return acc


def _tc_body(p_ref, g_ref, m_ref, o_ref):
    p = p_ref[...]
    g = g_ref[...]
    m = m_ref[...]
    q = jnp.where(g > 0.5, p, 1.0 - p)
    bits = lax.bitcast_convert_type(q, jnp.int32)
    e = (bits >> 23).astype(jnp.float32)
    mant = lax.bitcast_convert_type((bits & 0x007FFFFF) | 0x3F800000, jnp.float32)
    nl_m = _D0 + mant * (_D1 + mant * (_D2 + mant * (_D3 + mant * _D4)))
    l = jnp.where(q > 0.0, e * (-_LN2) + nl_m, 100.0)
    gm = g * m
    w8 = jnp.full((8, _TC_BLOCK_R), 0.125, jnp.float32)
    o_ref[...] = jnp.concatenate(
        [w8 @ (l * gm), w8 @ (l * m), w8 @ gm, w8 @ m], axis=0
    )


def _thr_body(p_ref, g_ref, m_ref, t_ref, o_ref):
    t = t_ref[0, 0]
    p = p_ref[...]
    g = g_ref[...]
    m = m_ref[...]
    q = jnp.where(g > 0.5, p, 1.0 - p)
    bits = lax.bitcast_convert_type(q, jnp.int32)
    e = (bits >> 23).astype(jnp.float32)
    mant = lax.bitcast_convert_type((bits & 0x007FFFFF) | 0x3F800000, jnp.float32)
    nl_m = _D0 + mant * (_D1 + mant * (_D2 + mant * (_D3 + mant * _D4)))
    l = jnp.where(q > 0.0, e * (-_LN2) + nl_m, 100.0)
    v = l * ((1.0 - g) * m)
    above = (v > t).astype(jnp.float32)
    o_ref[...] = jnp.concatenate([_fold8(above), _fold8(v * above)], axis=0)


_thr_grid = _R // _TC_BLOCK_R
_thr_pass = pl.pallas_call(
    _thr_body,
    grid=(_thr_grid,),
    in_specs=[pl.BlockSpec((_TC_BLOCK_R, _C), lambda i: (i, 0))] * 3
    + [pl.BlockSpec(memory_space=pltpu.SMEM)],
    out_specs=pl.BlockSpec((16, _C), lambda i: (i, 0)),
    out_shape=jax.ShapeDtypeStruct((_thr_grid * 16, _C), jnp.float32),
)


def _count_sum_above(pf, gf, mf, thresh):
    parts = _thr_pass(pf, gf, mf, thresh.reshape(1, 1))
    r = parts.reshape(_thr_grid, 2, 8, _C).sum(axis=(0, 2, 3))
    return r[0], r[1]


_tc_grid = _T_ROWS // _TC_BLOCK_R
_tc_off = _S_ROWS // _TC_BLOCK_R
_tc_pass = pl.pallas_call(
    _tc_body,
    grid=(_tc_grid,),
    in_specs=[pl.BlockSpec((_TC_BLOCK_R, _C), lambda i: (i + _tc_off, 0))] * 3,
    out_specs=pl.BlockSpec((32, _C), lambda i: (i, 0)),
    out_shape=jax.ShapeDtypeStruct((_tc_grid * 32, _C), jnp.float32),
)


def kernel(pred, gt, mask):
    pf = pred.reshape(_R, _C)
    gf = gt.reshape(_R, _C)
    mf = mask.reshape(_R, _C)
    parts = _pass1(pf, gf, mf)
    tc_parts = _tc_pass(pf, gf, mf)
    t = parts.sum(axis=(0, 2)) + tc_parts.reshape(_tc_grid, 4, 8, _C).sum(
        axis=(0, 2, 3)
    )
    pos_loss, tot_loss, no_pos, mask_cnt = t[0], t[1], t[2], t[3]
    neg_loss = tot_loss - pos_loss
    neg_cnt = mask_cnt - no_pos
    no_neg = jnp.minimum(no_pos * 3.0, neg_cnt)

    def _topk_all(_):
        return neg_loss

    def _topk_search(_):
        k = no_neg

        def body(st):
            lo, hi = st
            mid = (lo + hi) // 2
            c, _ = _count_sum_above(pf, gf, mf, lax.bitcast_convert_type(mid, jnp.float32))
            ok = c <= k
            return (jnp.where(ok, lo, mid + 1), jnp.where(ok, mid, hi))

        lo, _ = lax.while_loop(
            lambda st: st[0] < st[1],
            body,
            (jnp.int32(0), jnp.int32(0x42C80000)),
        )
        tstar = lax.bitcast_convert_type(lo, jnp.float32)
        c, s = _count_sum_above(pf, gf, mf, tstar)
        return s + (k - c) * tstar

    topk = lax.cond(no_neg >= neg_cnt, _topk_all, _topk_search, None)
    return (pos_loss + topk) / (no_neg + no_pos + 1e-6)

# --- scband reference (transcript-rebuilt; emitter-appended) ---
"""Pipeline reference for scband-ohembalance-cross-entropy-loss-48275432407705 (READ-ONLY COPY).

The authoritative reference and input builder live on the scoring server;
editing this copy changes nothing except your own understanding.
"""

import jax, jax.numpy as jnp
import numpy as np


def setup_inputs(seed: int = 0) -> dict:
    key = jax.random.key(seed)
    k1, k2, k3 = jax.random.split(key, 3)
    N, H, W = 16, 512, 512
    pred = jax.random.uniform(k1, (N, 1, H, W), dtype=jnp.float32)
    gt = jax.random.randint(k2, (N, 1, H, W), 0, 2).astype(jnp.float32)
    mask = jax.random.randint(k3, (N, 1, H, W), 0, 2).astype(jnp.float32)
    return {"pred": pred, "gt": gt, "mask": mask}


def _bce_none(pred, gt):
    # torch F.binary_cross_entropy clamps log terms at -100
    log_p = jnp.clip(jnp.log(pred), -100.0)
    log_1mp = jnp.clip(jnp.log(1.0 - pred), -100.0)
    return -(gt * log_p + (1.0 - gt) * log_1mp)


def reference(pred, gt, mask):
    negative_ratio = 3
    eps = 1e-06
    # gt and mask are {0,1}-valued, so the byte() casts are identity on values
    positive = gt * mask
    negative = (1.0 - gt) * mask
    no_positive = positive.sum()
    no_negative_expect = no_positive * negative_ratio
    no_negative_current = negative.sum()
    no_negative = jnp.minimum(no_negative_expect, no_negative_current)
    loss = _bce_none(pred, gt)
    positive_loss = loss * positive
    negative_loss = loss * negative
    flat = negative_loss.reshape(-1)
    neg_sorted, _ = jax.lax.top_k(flat, flat.shape[0])
    keep = jnp.arange(flat.shape[0], dtype=jnp.int32) < no_negative.astype(jnp.int32)
    neg_topk_sum = jnp.where(keep, neg_sorted, 0.0).sum()
    balance_loss = (positive_loss.sum() + neg_topk_sum) / (no_negative + no_positive + eps)
    return balance_loss

if __name__ == "__main__":
    import jax
    _d = setup_inputs()
    print(jax.jit(kernel)(*tuple(_d.values())))

</pallas_src>

<mosaic_0001>
#map = affine_map<(d0, d1) -> (0, 0)>
#map1 = affine_map<(d0, d1) -> (0, 0, 0)>
module attributes {stable_mosaic.version = 14 : i64} {
  func.func @_pass1(%arg0: i32, %arg1: i32, %arg2: memref<8192x512xf32, #tpu.memory_space<hbm>>, %arg3: memref<8192x512xf32, #tpu.memory_space<hbm>>, %arg4: memref<8192x512xf32, #tpu.memory_space<hbm>>, %arg5: memref<32x4x16xf32, #tpu.memory_space<hbm>>, %arg6: memref<2x16x512xf32, #tpu.memory_space<vmem>>, %arg7: memref<2x16x512xf32, #tpu.memory_space<vmem>>, %arg8: memref<2x16x512xf32, #tpu.memory_space<vmem>>, %arg9: memref<4x16xf32, #tpu.memory_space<vmem>>, %arg10: memref<!tpu.dma_semaphore, #tpu.memory_space<semaphore_mem>>, %arg11: memref<!tpu.dma_semaphore, #tpu.memory_space<semaphore_mem>>) attributes {dimension_semantics = [#tpu.dimension_semantics<core_parallel>, #tpu.dimension_semantics<subcore_parallel>], iteration_bounds = array<i64: 2, 16>, scalar_prefetch = 0 : i64, scratch_operands = 6 : i64, tpu.core_type = #tpu.core_type<sc_vector_subcore>, window_params = [{transform_indices = #map}, {transform_indices = #map}, {transform_indices = #map}, {transform_indices = #map1}]} {
    %mul3A = arith.constant 16 : i32
    %mul3A_0 = arith.muli %arg0, %mul3A : i32
    %add3A = arith.addi %mul3A_0, %arg1 : i32
    %mul3A_1 = arith.constant 80 : i32
    %mul3A_2 = arith.muli %add3A, %mul3A_1 : i32
    %broadcast_in_dim3A = arith.constant 0.000000e+00 : f32
    %broadcast_in_dim3A_3 = vector.broadcast %broadcast_in_dim3A : f32 to vector<16xf32>
    %add3A_4 = arith.constant 0 : i32
    %add3A_5 = arith.addi %mul3A_2, %add3A_4 : i32
    %dma_start3A = arith.constant 0 : i32
    %dma_start3A_6 = arith.constant 0 : i32
    %dma_start3A_7 = arith.constant 0 : i32
    %dma_start3A_8 = tpu.memref_slice %arg6[%dma_start3A, %dma_start3A_6, %dma_start3A_7] : memref<2x16x512xf32, #tpu.memory_space<vmem>> -> memref<1x16x512xf32, #tpu.memory_space<vmem>>
    %dma_start3A_9 = tpu.memref_squeeze %dma_start3A_8 : memref<1x16x512xf32, #tpu.memory_space<vmem>> -> memref<16x512xf32, #tpu.memory_space<vmem>>
    %dma_start3A_10 = arith.constant 0 : i32
    %dma_start3A_11 = tpu.memref_slice %arg2[%add3A_5, %dma_start3A_10] : memref<8192x512xf32, #tpu.memory_space<hbm>> -> memref<16x512xf32, #tpu.memory_space<hbm>>
    %dma_start3A_12 = arith.constant 0 : i32
    %dma_start3A_13 = arith.constant 0 : i32
    %dma_start3A_14 = tpu.memref_slice %arg6[%dma_start3A, %dma_start3A_12, %dma_start3A_13] : memref<2x16x512xf32, #tpu.memory_space<vmem>> -> memref<1x16x512xf32, #tpu.memory_space<vmem>>
    %dma_start3A_15 = tpu.memref_squeeze %dma_start3A_14 : memref<1x16x512xf32, #tpu.memory_space<vmem>> -> memref<16x512xf32, #tpu.memory_space<vmem>>
    %dma_start3A_16 = arith.constant 0 : i32
    %dma_start3A_17 = tpu.memref_slice %arg2[%add3A_5, %dma_start3A_16] : memref<8192x512xf32, #tpu.memory_space<hbm>> -> memref<16x512xf32, #tpu.memory_space<hbm>>
    tpu.enqueue_dma source(%dma_start3A_17 : memref<16x512xf32, #tpu.memory_space<hbm>>) target(%dma_start3A_15 : memref<16x512xf32, #tpu.memory_space<vmem>>) target_semaphore(%arg10 : memref<!tpu.dma_semaphore, #tpu.memory_space<semaphore_mem>>)
    %dma_start3A_18 = arith.constant 0 : i32
    %dma_start3A_19 = arith.constant 0 : i32
    %dma_start3A_20 = arith.constant 0 : i32
    %dma_start3A_21 = tpu.memref_slice %arg7[%dma_start3A_18, %dma_start3A_19, %dma_start3A_20] : memref<2x16x512xf32, #tpu.memory_space<vmem>> -> memref<1x16x512xf32, #tpu.memory_space<vmem>>
    %dma_start3A_22 = tpu.memref_squeeze %dma_start3A_21 : memref<1x16x512xf32, #tpu.memory_space<vmem>> -> memref<16x512xf32, #tpu.memory_space<vmem>>
    %dma_start3A_23 = arith.constant 0 : i32
    %dma_start3A_24 = tpu.memref_slice %arg3[%add3A_5, %dma_start3A_23] : memref<8192x512xf32, #tpu.memory_space<hbm>> -> memref<16x512xf32, #tpu.memory_space<hbm>>
    %dma_start3A_25 = arith.constant 0 : i32
    %dma_start3A_26 = arith.constant 0 : i32
    %dma_start3A_27 = tpu.memref_slice %arg7[%dma_start3A_18, %dma_start3A_25, %dma_start3A_26] : memref<2x16x512xf32, #tpu.memory_space<vmem>> -> memref<1x16x512xf32, #tpu.memory_space<vmem>>
    %dma_start3A_28 = tpu.memref_squeeze %dma_start3A_27 : memref<1x16x512xf32, #tpu.memory_space<vmem>> -> memref<16x512xf32, #tpu.memory_space<vmem>>
    %dma_start3A_29 = arith.constant 0 : i32
    %dma_start3A_30 = tpu.memref_slice %arg3[%add3A_5, %dma_start3A_29] : memref<8192x512xf32, #tpu.memory_space<hbm>> -> memref<16x512xf32, #tpu.memory_space<hbm>>
    tpu.enqueue_dma source(%dma_start3A_30 : memref<16x512xf32, #tpu.memory_space<hbm>>) target(%dma_start3A_28 : memref<16x512xf32, #tpu.memory_space<vmem>>) target_semaphore(%arg10 : memref<!tpu.dma_semaphore, #tpu.memory_space<semaphore_mem>>)
    %dma_start3A_31 = arith.constant 0 : i32
    %dma_start3A_32 = arith.constant 0 : i32
    %dma_start3A_33 = arith.constant 0 : i32
    %dma_start3A_34 = tpu.memref_slice %arg8[%dma_start3A_31, %dma_start3A_32, %dma_start3A_33] : memref<2x16x512xf32, #tpu.memory_space<vmem>> -> memref<1x16x512xf32, #tpu.memory_space<vmem>>
    %dma_start3A_35 = tpu.memref_squeeze %dma_start3A_34 : memref<1x16x512xf32, #tpu.memory_space<vmem>> -> memref<16x512xf32, #tpu.memory_space<vmem>>
    %dma_start3A_36 = arith.constant 0 : i32
    %dma_start3A_37 = tpu.memref_slice %arg4[%add3A_5, %dma_start3A_36] : memref<8192x512xf32, #tpu.memory_space<hbm>> -> memref<16x512xf32, #tpu.memory_space<hbm>>
    %dma_start3A_38 = arith.constant 0 : i32
    %dma_start3A_39 = arith.constant 0 : i32
    %dma_start3A_40 = tpu.memref_slice %arg8[%dma_start3A_31, %dma_start3A_38, %dma_start3A_39] : memref<2x16x512xf32, #tpu.memory_space<vmem>> -> memref<1x16x512xf32, #tpu.memory_space<vmem>>
    %dma_start3A_41 = tpu.memref_squeeze %dma_start3A_40 : memref<1x16x512xf32, #tpu.memory_space<vmem>> -> memref<16x512xf32, #tpu.memory_space<vmem>>
    %dma_start3A_42 = arith.constant 0 : i32
    %dma_start3A_43 = tpu.memref_slice %arg4[%add3A_5, %dma_start3A_42] : memref<8192x512xf32, #tpu.memory_space<hbm>> -> memref<16x512xf32, #tpu.memory_space<hbm>>
    tpu.enqueue_dma source(%dma_start3A_43 : memref<16x512xf32, #tpu.memory_space<hbm>>) target(%dma_start3A_41 : memref<16x512xf32, #tpu.memory_space<vmem>>) target_semaphore(%arg10 : memref<!tpu.dma_semaphore, #tpu.memory_space<semaphore_mem>>)
    %add3A_44 = arith.constant 16 : i32
    %add3A_45 = arith.addi %mul3A_2, %add3A_44 : i32
    %dma_start3A_46 = arith.constant 1 : i32
    %dma_start3A_47 = arith.constant 0 : i32
    %dma_start3A_48 = arith.constant 0 : i32
    %dma_start3A_49 = tpu.memref_slice %arg6[%dma_start3A_46, %dma_start3A_47, %dma_start3A_48] : memref<2x16x512xf32, #tpu.memory_space<vmem>> -> memref<1x16x512xf32, #tpu.memory_space<vmem>>
    %dma_start3A_50 = tpu.memref_squeeze %dma_start3A_49 : memref<1x16x512xf32, #tpu.memory_space<vmem>> -> memref<16x512xf32, #tpu.memory_space<vmem>>
    %dma_start3A_51 = arith.constant 0 : i32
    %dma_start3A_52 = tpu.memref_slice %arg2[%add3A_45, %dma_start3A_51] : memref<8192x512xf32, #tpu.memory_space<hbm>> -> memref<16x512xf32, #tpu.memory_space<hbm>>
    %dma_start3A_53 = arith.constant 0 : i32
    %dma_start3A_54 = arith.constant 0 : i32
    %dma_start3A_55 = tpu.memref_slice %arg6[%dma_start3A_46, %dma_start3A_53, %dma_start3A_54] : memref<2x16x512xf32, #tpu.memory_space<vmem>> -> memref<1x16x512xf32, #tpu.memory_space<vmem>>
    %dma_start3A_56 = tpu.memref_squeeze %dma_start3A_55 : memref<1x16x512xf32, #tpu.memory_space<vmem>> -> memref<16x512xf32, #tpu.memory_space<vmem>>
    %dma_start3A_57 = arith.constant 0 : i32
    %dma_start3A_58 = tpu.memref_slice %arg2[%add3A_45, %dma_start3A_57] : memref<8192x512xf32, #tpu.memory_space<hbm>> -> memref<16x512xf32, #tpu.memory_space<hbm>>
    tpu.enqueue_dma source(%dma_start3A_58 : memref<16x512xf32, #tpu.memory_space<hbm>>) target(%dma_start3A_56 : memref<16x512xf32, #tpu.memory_space<vmem>>) target_semaphore(%arg11 : memref<!tpu.dma_semaphore, #tpu.memory_space<semaphore_mem>>)
    %dma_start3A_59 = arith.constant 1 : i32
    %dma_start3A_60 = arith.constant 0 : i32
    %dma_start3A_61 = arith.constant 0 : i32
    %dma_start3A_62 = tpu.memref_slice %arg7[%dma_start3A_59, %dma_start3A_60, %dma_start3A_61] : memref<2x16x512xf32, #tpu.memory_space<vmem>> -> memref<1x16x512xf32, #tpu.memory_space<vmem>>
    %dma_start3A_63 = tpu.memref_squeeze %dma_start3A_62 : memref<1x16x512xf32, #tpu.memory_space<vmem>> -> memref<16x512xf32, #tpu.memory_space<vmem>>
    %dma_start3A_64 = arith.constant 0 : i32
    %dma_start3A_65 = tpu.memref_slice %arg3[%add3A_45, %dma_start3A_64] : memref<8192x512xf32, #tpu.memory_space<hbm>> -> memref<16x512xf32, #tpu.memory_space<hbm>>
    %dma_start3A_66 = arith.constant 0 : i32
    %dma_start3A_67 = arith.constant 0 : i32
    %dma_start3A_68 = tpu.memref_slice %arg7[%dma_start3A_59, %dma_start3A_66, %dma_start3A_67] : memref<2x16x512xf32, #tpu.memory_space<vmem>> -> memref<1x16x512xf32, #tpu.memory_space<vmem>>
    %dma_start3A_69 = tpu.memref_squeeze %dma_start3A_68 : memref<1x16x512xf32, #tpu.memory_space<vmem>> -> memref<16x512xf32, #tpu.memory_space<vmem>>
    %dma_start3A_70 = arith.constant 0 : i32
    %dma_start3A_71 = tpu.memref_slice %arg3[%add3A_45, %dma_start3A_70] : memref<8192x512xf32, #tpu.memory_space<hbm>> -> memref<16x512xf32, #tpu.memory_space<hbm>>
    tpu.enqueue_dma source(%dma_start3A_71 : memref<16x512xf32, #tpu.memory_space<hbm>>) target(%dma_start3A_69 : memref<16x512xf32, #tpu.memory_space<vmem>>) target_semaphore(%arg11 : memref<!tpu.dma_semaphore, #tpu.memory_space<semaphore_mem>>)
    %dma_start3A_72 = arith.constant 1 : i32
    %dma_start3A_73 = arith.constant 0 : i32
    %dma_start3A_74 = arith.constant 0 : i32
    %dma_start3A_75 = tpu.memref_slice %arg8[%dma_start3A_72, %dma_start3A_73, %dma_start3A_74] : memref<2x16x512xf32, #tpu.memory_space<vmem>> -> memref<1x16x512xf32, #tpu.memory_space<vmem>>
    %dma_start3A_76 = tpu.memref_squeeze %dma_start3A_75 : memref<1x16x512xf32, #tpu.memory_space<vmem>> -> memref<16x512xf32, #tpu.memory_space<vmem>>
    %dma_start3A_77 = arith.constant 0 : i32
    %dma_start3A_78 = tpu.memref_slice %arg4[%add3A_45, %dma_start3A_77] : memref<8192x512xf32, #tpu.memory_space<hbm>> -> memref<16x512xf32, #tpu.memory_space<hbm>>
    %dma_start3A_79 = arith.constant 0 : i32
    %dma_start3A_80 = arith.constant 0 : i32
    %dma_start3A_81 = tpu.memref_slice %arg8[%dma_start3A_72, %dma_start3A_79, %dma_start3A_80] : memref<2x16x512xf32, #tpu.memory_space<vmem>> -> memref<1x16x512xf32, #tpu.memory_space<vmem>>
    %dma_start3A_82 = tpu.memref_squeeze %dma_start3A_81 : memref<1x16x512xf32, #tpu.memory_space<vmem>> -> memref<16x512xf32, #tpu.memory_space<vmem>>
    %dma_start3A_83 = arith.constant 0 : i32
    %dma_start3A_84 = tpu.memref_slice %arg4[%add3A_45, %dma_start3A_83] : memref<8192x512xf32, #tpu.memory_space<hbm>> -> memref<16x512xf32, #tpu.memory_space<hbm>>
    tpu.enqueue_dma source(%dma_start3A_84 : memref<16x512xf32, #tpu.memory_space<hbm>>) target(%dma_start3A_82 : memref<16x512xf32, #tpu.memory_space<vmem>>) target_semaphore(%arg11 : memref<!tpu.dma_semaphore, #tpu.memory_space<semaphore_mem>>)
    %dma_wait3A = arith.constant 0 : i32
    %dma_wait3A_85 = arith.constant 0 : i32
    %dma_wait3A_86 = arith.constant 0 : i32
    %dma_wait3A_87 = tpu.memref_slice %arg6[%dma_wait3A, %dma_wait3A_85, %dma_wait3A_86] : memref<2x16x512xf32, #tpu.memory_space<vmem>> -> memref<1x16x512xf32, #tpu.memory_space<vmem>>
    %dma_wait3A_88 = tpu.memref_squeeze %dma_wait3A_87 : memref<1x16x512xf32, #tpu.memory_space<vmem>> -> memref<16x512xf32, #tpu.memory_space<vmem>>
    %dma_wait3A_89 = arith.constant 0 : i32
    %dma_wait3A_90 = tpu.memref_slice %arg2[%add3A_5, %dma_wait3A_89] : memref<8192x512xf32, #tpu.memory_space<hbm>> -> memref<16x512xf32, #tpu.memory_space<hbm>>
    %dma_wait3A_91 = arith.constant 0 : i32
    %dma_wait3A_92 = arith.constant 0 : i32
    %dma_wait3A_93 = tpu.memref_slice %arg6[%dma_wait3A, %dma_wait3A_91, %dma_wait3A_92] : memref<2x16x512xf32, #tpu.memory_space<vmem>> -> memref<1x16x512xf32, #tpu.memory_space<vmem>>
    %dma_wait3A_94 = tpu.memref_squeeze %dma_wait3A_93 : memref<1x16x512xf32, #tpu.memory_space<vmem>> -> memref<16x512xf32, #tpu.memory_space<vmem>>
    %dma_wait3A_95 = arith.constant 0 : i32
    %dma_wait3A_96 = tpu.memref_slice %arg2[%add3A_5, %dma_wait3A_95] : memref<8192x512xf32, #tpu.memory_space<hbm>> -> memref<16x512xf32, #tpu.memory_space<hbm>>
    tpu.wait_dma2 semaphore(%arg10 : memref<!tpu.dma_semaphore, #tpu.memory_space<semaphore_mem>>) src(%dma_wait3A_96 : memref<16x512xf32, #tpu.memory_space<hbm>>) dst(%dma_wait3A_94 : memref<16x512xf32, #tpu.memory_space<vmem>>)
    %dma_wait3A_97 = arith.constant 0 : i32
    %dma_wait3A_98 = arith.constant 0 : i32
    %dma_wait3A_99 = arith.constant 0 : i32
    %dma_wait3A_100 = tpu.memref_slice %arg7[%dma_wait3A_97, %dma_wait3A_98, %dma_wait3A_99] : memref<2x16x512xf32, #tpu.memory_space<vmem>> -> memref<1x16x512xf32, #tpu.memory_space<vmem>>
    %dma_wait3A_101 = tpu.memref_squeeze %dma_wait3A_100 : memref<1x16x512xf32, #tpu.memory_space<vmem>> -> memref<16x512xf32, #tpu.memory_space<vmem>>
    %dma_wait3A_102 = arith.constant 0 : i32
    %dma_wait3A_103 = tpu.memref_slice %arg3[%add3A_5, %dma_wait3A_102] : memref<8192x512xf32, #tpu.memory_space<hbm>> -> memref<16x512xf32, #tpu.memory_space<hbm>>
    %dma_wait3A_104 = arith.constant 0 : i32
    %dma_wait3A_105 = arith.constant 0 : i32
    %dma_wait3A_106 = tpu.memref_slice %arg7[%dma_wait3A_97, %dma_wait3A_104, %dma_wait3A_105] : memref<2x16x512xf32, #tpu.memory_space<vmem>> -> memref<1x16x512xf32, #tpu.memory_space<vmem>>
    %dma_wait3A_107 = tpu.memref_squeeze %dma_wait3A_106 : memref<1x16x512xf32, #tpu.memory_space<vmem>> -> memref<16x512xf32, #tpu.memory_space<vmem>>
    %dma_wait3A_108 = arith.constant 0 : i32
    %dma_wait3A_109 = tpu.memref_slice %arg3[%add3A_5, %dma_wait3A_108] : memref<8192x512xf32, #tpu.memory_space<hbm>> -> memref<16x512xf32, #tpu.memory_space<hbm>>
    tpu.wait_dma2 semaphore(%arg10 : memref<!tpu.dma_semaphore, #tpu.memory_space<semaphore_mem>>) src(%dma_wait3A_109 : memref<16x512xf32, #tpu.memory_space<hbm>>) dst(%dma_wait3A_107 : memref<16x512xf32, #tpu.memory_space<vmem>>)
    %dma_wait3A_110 = arith.constant 0 : i32
    %dma_wait3A_111 = arith.constant 0 : i32
    %dma_wait3A_112 = arith.constant 0 : i32
    %dma_wait3A_113 = tpu.memref_slice %arg8[%dma_wait3A_110, %dma_wait3A_111, %dma_wait3A_112] : memref<2x16x512xf32, #tpu.memory_space<vmem>> -> memref<1x16x512xf32, #tpu.memory_space<vmem>>
    %dma_wait3A_114 = tpu.memref_squeeze %dma_wait3A_113 : memref<1x16x512xf32, #tpu.memory_space<vmem>> -> memref<16x512xf32, #tpu.memory_space<vmem>>
    %dma_wait3A_115 = arith.constant 0 : i32
    %dma_wait3A_116 = tpu.memref_slice %arg4[%add3A_5, %dma_wait3A_115] : memref<8192x512xf32, #tpu.memory_space<hbm>> -> memref<16x512xf32, #tpu.memory_space<hbm>>
    %dma_wait3A_117 = arith.constant 0 : i32
    %dma_wait3A_118 = arith.constant 0 : i32
    %dma_wait3A_119 = tpu.memref_slice %arg8[%dma_wait3A_110, %dma_wait3A_117, %dma_wait3A_118] : memref<2x16x512xf32, #tpu.memory_space<vmem>> -> memref<1x16x512xf32, #tpu.memory_space<vmem>>
    %dma_wait3A_120 = tpu.memref_squeeze %dma_wait3A_119 : memref<1x16x512xf32, #tpu.memory_space<vmem>> -> memref<16x512xf32, #tpu.memory_space<vmem>>
    %dma_wait3A_121 = arith.constant 0 : i32
    %dma_wait3A_122 = tpu.memref_slice %arg4[%add3A_5, %dma_wait3A_121] : memref<8192x512xf32, #tpu.memory_space<hbm>> -> memref<16x512xf32, #tpu.memory_space<hbm>>
    tpu.wait_dma2 semaphore(%arg10 : memref<!tpu.dma_semaphore, #tpu.memory_space<semaphore_mem>>) src(%dma_wait3A_122 : memref<16x512xf32, #tpu.memory_space<hbm>>) dst(%dma_wait3A_120 : memref<16x512xf32, #tpu.memory_space<vmem>>)
    %scan3A = arith.constant 0 : i32
    %scan3A_123 = arith.constant 16 : i32
    %scan3A_124 = arith.addi %scan3A, %scan3A_123 : i32
    %scan3A_125 = arith.constant 1 : i32
    %scan3A_126:4 = scf.for %scan3A_454 = %scan3A to %scan3A_124 step %scan3A_125 iter_args(%scan3A_455 = %broadcast_in_dim3A_3, %scan3A_456 = %broadcast_in_dim3A_3, %scan3A_457 = %broadcast_in_dim3A_3, %scan3A_458 = %broadcast_in_dim3A_3) -> (vector<16xf32>, vector<16xf32>, vector<16xf32>, vector<16xf32>)  : i32 {
      %scan3A_459 = arith.constant 0 : i32
      %scan3A_460 = arith.constant 8 : i32
      %scan3A_461 = arith.addi %scan3A_459, %scan3A_460 : i32
      %scan3A_462 = arith.constant 1 : i32
      %scan3A_463:4 = scf.for %scan3A_465 = %scan3A_459 to %scan3A_461 step %scan3A_462 iter_args(%scan3A_466 = %scan3A_455, %scan3A_467 = %scan3A_456, %scan3A_468 = %scan3A_457, %scan3A_469 = %scan3A_458) -> (vector<16xf32>, vector<16xf32>, vector<16xf32>, vector<16xf32>)  : i32 {
        %mul3A_470 = arith.constant 64 : i32
        %mul3A_471 = arith.muli %scan3A_465, %mul3A_470 : i32
        %add3A_472 = arith.constant 0 : i32
        %add3A_473 = arith.addi %mul3A_471, %add3A_472 : i32
        %get3A = arith.constant 0 : i32
        %get3A_474 = arith.index_cast %get3A : i32 to index
        %get3A_475 = arith.index_cast %scan3A_454 : i32 to index
        %get3A_476 = arith.index_cast %add3A_473 : i32 to index
        %get3A_477 = tpu.vector_load %arg6[%get3A_474, %get3A_475, %get3A_476] {strides = array<i32>} : memref<2x16x512xf32, #tpu.memory_space<vmem>>, vector<1x1x16xf32>,
        %get3A_478 = vector.shape_cast %get3A_477 : vector<1x1x16xf32> to vector<16xf32>
        %get3A_479 = arith.constant 0 : i32
        %get3A_480 = arith.index_cast %get3A_479 : i32 to index
        %get3A_481 = arith.index_cast %scan3A_454 : i32 to index
        %get3A_482 = arith.index_cast %add3A_473 : i32 to index
        %get3A_483 = tpu.vector_load %arg7[%get3A_480, %get3A_481, %get3A_482] {strides = array<i32>} : memref<2x16x512xf32, #tpu.memory_space<vmem>>, vector<1x1x16xf32>,
        %get3A_484 = vector.shape_cast %get3A_483 : vector<1x1x16xf32> to vector<16xf32>
        %get3A_485 = arith.constant 0 : i32
        %get3A_486 = arith.index_cast %get3A_485 : i32 to index
        %get3A_487 = arith.index_cast %scan3A_454 : i32 to index
        %get3A_488 = arith.index_cast %add3A_473 : i32 to index
        %get3A_489 = tpu.vector_load %arg8[%get3A_486, %get3A_487, %get3A_488] {strides = array<i32>} : memref<2x16x512xf32, #tpu.memory_space<vmem>>, vector<1x1x16xf32>,
        %get3A_490 = vector.shape_cast %get3A_489 : vector<1x1x16xf32> to vector<16xf32>
        %gt3A = arith.constant 5.000000e-01 : f32
        %gt3A_491 = vector.broadcast %gt3A : f32 to vector<16xf32>
        %gt3A_492 = arith.cmpf ogt, %get3A_484, %gt3A_491 : vector<16xf32>
        %sub3A = arith.constant 1.000000e+00 : f32
        %sub3A_493 = vector.broadcast %sub3A : f32 to vector<16xf32>
        %sub3A_494 = arith.subf %sub3A_493, %get3A_478 : vector<16xf32>
        %select_n3A = arith.select %gt3A_492, %get3A_478, %sub3A_494 : vector<16xi1>, vector<16xf32>
        %bitcast_convert_type3A = tpu.bitcast %select_n3A : vector<16xf32> -> vector<16xi32>
        %shift_right_arithmetic3A = arith.constant 23 : i32
        %shift_right_arithmetic3A_495 = vector.broadcast %shift_right_arithmetic3A : i32 to vector<16xi32>
        %shift_right_arithmetic3A_496 = arith.shrsi %bitcast_convert_type3A, %shift_right_arithmetic3A_495 : vector<16xi32>
        %convert_element_type3A = arith.sitofp %shift_right_arithmetic3A_496 : vector<16xi32> to vector<16xf32>
        %and3A = arith.constant 8388607 : i32
        %and3A_497 = vector.broadcast %and3A : i32 to vector<16xi32>
        %and3A_498 = arith.andi %bitcast_convert_type3A, %and3A_497 : vector<16xi32>
        %or3A = arith.constant 1065353216 : i32
        %or3A_499 = vector.broadcast %or3A : i32 to vector<16xi32>
        %or3A_500 = arith.ori %and3A_498, %or3A_499 : vector<16xi32>
        %bitcast_convert_type3A_501 = tpu.bitcast %or3A_500 : vector<16xi32> -> vector<16xf32>
        %mul3A_502 = arith.constant 0.0554593131 : f32
        %mul3A_503 = vector.broadcast %mul3A_502 : f32 to vector<16xf32>
        %mul3A_504 = arith.mulf %bitcast_convert_type3A_501, %mul3A_503 : vector<16xf32>
        %add3A_505 = arith.constant -0.440502733 : f32
        %add3A_506 = vector.broadcast %add3A_505 : f32 to vector<16xf32>
        %add3A_507 = arith.addf %add3A_506, %mul3A_504 : vector<16xf32>
        %mul3A_508 = arith.mulf %bitcast_convert_type3A_501, %add3A_507 : vector<16xf32>
        %add3A_509 = arith.constant 1.45519483 : f32
        %add3A_510 = vector.broadcast %add3A_509 : f32 to vector<16xf32>
        %add3A_511 = arith.addf %add3A_510, %mul3A_508 : vector<16xf32>
        %mul3A_512 = arith.mulf %bitcast_convert_type3A_501, %add3A_511 : vector<16xf32>
        %add3A_513 = arith.constant -2.80698061 : f32
        %add3A_514 = vector.broadcast %add3A_513 : f32 to vector<16xf32>
        %add3A_515 = arith.addf %add3A_514, %mul3A_512 : vector<16xf32>
        %mul3A_516 = arith.mulf %bitcast_convert_type3A_501, %add3A_515 : vector<16xf32>
        %add3A_517 = arith.constant 89.7664489 : f32
        %add3A_518 = vector.broadcast %add3A_517 : f32 to vector<16xf32>
        %add3A_519 = arith.addf %add3A_518, %mul3A_516 : vector<16xf32>
        %mul3A_520 = arith.constant -0.693147182 : f32
        %mul3A_521 = vector.broadcast %mul3A_520 : f32 to vector<16xf32>
        %mul3A_522 = arith.mulf %convert_element_type3A, %mul3A_521 : vector<16xf32>
        %add3A_523 = arith.addf %mul3A_522, %add3A_519 : vector<16xf32>
        %gt3A_524 = arith.constant 0.000000e+00 : f32
        %gt3A_525 = vector.broadcast %gt3A_524 : f32 to vector<16xf32>
        %gt3A_526 = arith.cmpf ogt, %select_n3A, %gt3A_525 : vector<16xf32>
        %jit3A = arith.constant 1.000000e+02 : f32
        %broadcast_in_dim3A_527 = vector.broadcast %jit3A : f32 to vector<16xf32>
        %select_n3A_528 = arith.select %gt3A_526, %add3A_523, %broadcast_in_dim3A_527 : vector<16xi1>, vector<16xf32>
        %mul3A_529 = arith.mulf %get3A_484, %get3A_490 : vector<16xf32>
        %mul3A_530 = arith.mulf %select_n3A_528, %mul3A_529 : vector<16xf32>
        %add3A_531 = arith.addf %scan3A_466, %mul3A_530 : vector<16xf32>
        %mul3A_532 = arith.mulf %select_n3A_528, %get3A_490 : vector<16xf32>
        %add3A_533 = arith.addf %scan3A_467, %mul3A_532 : vector<16xf32>
        %add3A_534 = arith.addf %scan3A_468, %mul3A_529 : vector<16xf32>
        %add3A_535 = arith.addf %scan3A_469, %get3A_490 : vector<16xf32>
        %mul3A_536 = arith.constant 64 : i32
        %mul3A_537 = arith.muli %scan3A_465, %mul3A_536 : i32
        %add3A_538 = arith.constant 16 : i32
        %add3A_539 = arith.addi %mul3A_537, %add3A_538 : i32
        %get3A_540 = arith.constant 0 : i32
        %get3A_541 = arith.index_cast %get3A_540 : i32 to index
        %get3A_542 = arith.index_cast %scan3A_454 : i32 to index
        %get3A_543 = arith.index_cast %add3A_539 : i32 to index
        %get3A_544 = tpu.vector_load %arg6[%get3A_541, %get3A_542, %get3A_543] {strides = array<i32>} : memref<2x16x512xf32, #tpu.memory_space<vmem>>, vector<1x1x16xf32>,
        %get3A_545 = vector.shape_cast %get3A_544 : vector<1x1x16xf32> to vector<16xf32>
        %get3A_546 = arith.constant 0 : i32
        %get3A_547 = arith.index_cast %get3A_546 : i32 to index
        %get3A_548 = arith.index_cast %scan3A_454 : i32 to index
        %get3A_549 = arith.index_cast %add3A_539 : i32 to index
        %get3A_550 = tpu.vector_load %arg7[%get3A_547, %get3A_548, %get3A_549] {strides = array<i32>} : memref<2x16x512xf32, #tpu.memory_space<vmem>>, vector<1x1x16xf32>,
        %get3A_551 = vector.shape_cast %get3A_550 : vector<1x1x16xf32> to vector<16xf32>
        %get3A_552 = arith.constant 0 : i32
        %get3A_553 = arith.index_cast %get3A_552 : i32 to index
        %get3A_554 = arith.index_cast %scan3A_454 : i32 to index
        %get3A_555 = arith.index_cast %add3A_539 : i32 to index
        %get3A_556 = tpu.vector_load %arg8[%get3A_553, %get3A_554, %get3A_555] {strides = array<i32>} : memref<2x16x512xf32, #tpu.memory_space<vmem>>, vector<1x1x16xf32>,
        %get3A_557 = vector.shape_cast %get3A_556 : vector<1x1x16xf32> to vector<16xf32>
        %gt3A_558 = arith.constant 5.000000e-01 : f32
        %gt3A_559 = vector.broadcast %gt3A_558 : f32 to vector<16xf32>
        %gt3A_560 = arith.cmpf ogt, %get3A_551, %gt3A_559 : vector<16xf32>
        %sub3A_561 = arith.constant 1.000000e+00 : f32
        %sub3A_562 = vector.broadcast %sub3A_561 : f32 to vector<16xf32>
        %sub3A_563 = arith.subf %sub3A_562, %get3A_545 : vector<16xf32>
        %select_n3A_564 = arith.select %gt3A_560, %get3A_545, %sub3A_563 : vector<16xi1>, vector<16xf32>
        %bitcast_convert_type3A_565 = tpu.bitcast %select_n3A_564 : vector<16xf32> -> vector<16xi32>
        %shift_right_arithmetic3A_566 = arith.constant 23 : i32
        %shift_right_arithmetic3A_567 = vector.broadcast %shift_right_arithmetic3A_566 : i32 to vector<16xi32>
        %shift_right_arithmetic3A_568 = arith.shrsi %bitcast_convert_type3A_565, %shift_right_arithmetic3A_567 : vector<16xi32>
        %convert_element_type3A_569 = arith.sitofp %shift_right_arithmetic3A_568 : vector<16xi32> to vector<16xf32>
        %and3A_570 = arith.constant 8388607 : i32
        %and3A_571 = vector.broadcast %and3A_570 : i32 to vector<16xi32>
        %and3A_572 = arith.andi %bitcast_convert_type3A_565, %and3A_571 : vector<16xi32>
        %or3A_573 = arith.constant 1065353216 : i32
        %or3A_574 = vector.broadcast %or3A_573 : i32 to vector<16xi32>
        %or3A_575 = arith.ori %and3A_572, %or3A_574 : vector<16xi32>
        %bitcast_convert_type3A_576 = tpu.bitcast %or3A_575 : vector<16xi32> -> vector<16xf32>
        %mul3A_577 = arith.constant 0.0554593131 : f32
        %mul3A_578 = vector.broadcast %mul3A_577 : f32 to vector<16xf32>
        %mul3A_579 = arith.mulf %bitcast_convert_type3A_576, %mul3A_578 : vector<16xf32>
        %add3A_580 = arith.constant -0.440502733 : f32
        %add3A_581 = vector.broadcast %add3A_580 : f32 to vector<16xf32>
        %add3A_582 = arith.addf %add3A_581, %mul3A_579 : vector<16xf32>
        %mul3A_583 = arith.mulf %bitcast_convert_type3A_576, %add3A_582 : vector<16xf32>
        %add3A_584 = arith.constant 1.45519483 : f32
        %add3A_585 = vector.broadcast %add3A_584 : f32 to vector<16xf32>
        %add3A_586 = arith.addf %add3A_585, %mul3A_583 : vector<16xf32>
        %mul3A_587 = arith.mulf %bitcast_convert_type3A_576, %add3A_586 : vector<16xf32>
        %add3A_588 = arith.constant -2.80698061 : f32
        %add3A_589 = vector.broadcast %add3A_588 : f32 to vector<16xf32>
        %add3A_590 = arith.addf %add3A_589, %mul3A_587 : vector<16xf32>
        %mul3A_591 = arith.mulf %bitcast_convert_type3A_576, %add3A_590 : vector<16xf32>
        %add3A_592 = arith.constant 89.7664489 : f32
        %add3A_593 = vector.broadcast %add3A_592 : f32 to vector<16xf32>
        %add3A_594 = arith.addf %add3A_593, %mul3A_591 : vector<16xf32>
        %mul3A_595 = arith.constant -0.693147182 : f32
        %mul3A_596 = vector.broadcast %mul3A_595 : f32 to vector<16xf32>
        %mul3A_597 = arith.mulf %convert_element_type3A_569, %mul3A_596 : vector<16xf32>
        %add3A_598 = arith.addf %mul3A_597, %add3A_594 : vector<16xf32>
        %gt3A_599 = arith.constant 0.000000e+00 : f32
        %gt3A_600 = vector.broadcast %gt3A_599 : f32 to vector<16xf32>
        %gt3A_601 = arith.cmpf ogt, %select_n3A_564, %gt3A_600 : vector<16xf32>
        %jit3A_602 = arith.constant 1.000000e+02 : f32
        %broadcast_in_dim3A_603 = vector.broadcast %jit3A_602 : f32 to vector<16xf32>
        %select_n3A_604 = arith.select %gt3A_601, %add3A_598, %broadcast_in_dim3A_603 : vector<16xi1>, vector<16xf32>
        %mul3A_605 = arith.mulf %get3A_551, %get3A_557 : vector<16xf32>
        %mul3A_606 = arith.mulf %select_n3A_604, %mul3A_605 : vector<16xf32>
        %add3A_607 = arith.addf %add3A_531, %mul3A_606 : vector<16xf32>
        %mul3A_608 = arith.mulf %select_n3A_604, %get3A_557 : vector<16xf32>
        %add3A_609 = arith.addf %add3A_533, %mul3A_608 : vector<16xf32>
        %add3A_610 = arith.addf %add3A_534, %mul3A_605 : vector<16xf32>
        %add3A_611 = arith.addf %add3A_535, %get3A_557 : vector<16xf32>
        %mul3A_612 = arith.constant 64 : i32
        %mul3A_613 = arith.muli %scan3A_465, %mul3A_612 : i32
        %add3A_614 = arith.constant 32 : i32
        %add3A_615 = arith.addi %mul3A_613, %add3A_614 : i32
        %get3A_616 = arith.constant 0 : i32
        %get3A_617 = arith.index_cast %get3A_616 : i32 to index
        %get3A_618 = arith.index_cast %scan3A_454 : i32 to index
        %get3A_619 = arith.index_cast %add3A_615 : i32 to index
        %get3A_620 = tpu.vector_load %arg6[%get3A_617, %get3A_618, %get3A_619] {strides = array<i32>} : memref<2x16x512xf32, #tpu.memory_space<vmem>>, vector<1x1x16xf32>,
        %get3A_621 = vector.shape_cast %get3A_620 : vector<1x1x16xf32> to vector<16xf32>
        %get3A_622 = arith.constant 0 : i32
        %get3A_623 = arith.index_cast %get3A_622 : i32 to index
        %get3A_624 = arith.index_cast %scan3A_454 : i32 to index
        %get3A_625 = arith.index_cast %add3A_615 : i32 to index
        %get3A_626 = tpu.vector_load %arg7[%get3A_623, %get3A_624, %get3A_625] {strides = array<i32>} : memref<2x16x512xf32, #tpu.memory_space<vmem>>, vector<1x1x16xf32>,
        %get3A_627 = vector.shape_cast %get3A_626 : vector<1x1x16xf32> to vector<16xf32>
        %get3A_628 = arith.constant 0 : i32
        %get3A_629 = arith.index_cast %get3A_628 : i32 to index
        %get3A_630 = arith.index_cast %scan3A_454 : i32 to index
        %get3A_631 = arith.index_cast %add3A_615 : i32 to index
        %get3A_632 = tpu.vector_load %arg8[%get3A_629, %get3A_630, %get3A_631] {strides = array<i32>} : memref<2x16x512xf32, #tpu.memory_space<vmem>>, vector<1x1x16xf32>,
        %get3A_633 = vector.shape_cast %get3A_632 : vector<1x1x16xf32> to vector<16xf32>
        %gt3A_634 = arith.constant 5.000000e-01 : f32
        %gt3A_635 = vector.broadcast %gt3A_634 : f32 to vector<16xf32>
        %gt3A_636 = arith.cmpf ogt, %get3A_627, %gt3A_635 : vector<16xf32>
        %sub3A_637 = arith.constant 1.000000e+00 : f32
        %sub3A_638 = vector.broadcast %sub3A_637 : f32 to vector<16xf32>
        %sub3A_639 = arith.subf %sub3A_638, %get3A_621 : vector<16xf32>
        %select_n3A_640 = arith.select %gt3A_636, %get3A_621, %sub3A_639 : vector<16xi1>, vector<16xf32>
        %bitcast_convert_type3A_641 = tpu.bitcast %select_n3A_640 : vector<16xf32> -> vector<16xi32>
        %shift_right_arithmetic3A_642 = arith.constant 23 : i32
        %shift_right_arithmetic3A_643 = vector.broadcast %shift_right_arithmetic3A_642 : i32 to vector<16xi32>
        %shift_right_arithmetic3A_644 = arith.shrsi %bitcast_convert_type3A_641, %shift_right_arithmetic3A_643 : vector<16xi32>
        %convert_element_type3A_645 = arith.sitofp %shift_right_arithmetic3A_644 : vector<16xi32> to vector<16xf32>
        %and3A_646 = arith.constant 8388607 : i32
        %and3A_647 = vector.broadcast %and3A_646 : i32 to vector<16xi32>
        %and3A_648 = arith.andi %bitcast_convert_type3A_641, %and3A_647 : vector<16xi32>
        %or3A_649 = arith.constant 1065353216 : i32
        %or3A_650 = vector.broadcast %or3A_649 : i32 to vector<16xi32>
        %or3A_651 = arith.ori %and3A_648, %or3A_650 : vector<16xi32>
        %bitcast_convert_type3A_652 = tpu.bitcast %or3A_651 : vector<16xi32> -> vector<16xf32>
        %mul3A_653 = arith.constant 0.0554593131 : f32
        %mul3A_654 = vector.broadcast %mul3A_653 : f32 to vector<16xf32>
        %mul3A_655 = arith.mulf %bitcast_convert_type3A_652, %mul3A_654 : vector<16xf32>
        %add3A_656 = arith.constant -0.440502733 : f32
        %add3A_657 = vector.broadcast %add3A_656 : f32 to vector<16xf32>
        %add3A_658 = arith.addf %add3A_657, %mul3A_655 : vector<16xf32>
        %mul3A_659 = arith.mulf %bitcast_convert_type3A_652, %add3A_658 : vector<16xf32>
        %add3A_660 = arith.constant 1.45519483 : f32
        %add3A_661 = vector.broadcast %add3A_660 : f32 to vector<16xf32>
        %add3A_662 = arith.addf %add3A_661, %mul3A_659 : vector<16xf32>
        %mul3A_663 = arith.mulf %bitcast_convert_type3A_652, %add3A_662 : vector<16xf32>
        %add3A_664 = arith.constant -2.80698061 : f32
        %add3A_665 = vector.broadcast %add3A_664 : f32 to vector<16xf32>
        %add3A_666 = arith.addf %add3A_665, %mul3A_663 : vector<16xf32>
        %mul3A_667 = arith.mulf %bitcast_convert_type3A_652, %add3A_666 : vector<16xf32>
        %add3A_668 = arith.constant 89.7664489 : f32
        %add3A_669 = vector.broadcast %add3A_668 : f32 to vector<16xf32>
        %add3A_670 = arith.addf %add3A_669, %mul3A_667 : vector<16xf32>
        %mul3A_671 = arith.constant -0.693147182 : f32
        %mul3A_672 = vector.broadcast %mul3A_671 : f32 to vector<16xf32>
        %mul3A_673 = arith.mulf %convert_element_type3A_645, %mul3A_672 : vector<16xf32>
        %add3A_674 = arith.addf %mul3A_673, %add3A_670 : vector<16xf32>
        %gt3A_675 = arith.constant 0.000000e+00 : f32
        %gt3A_676 = vector.broadcast %gt3A_675 : f32 to vector<16xf32>
        %gt3A_677 = arith.cmpf ogt, %select_n3A_640, %gt3A_676 : vector<16xf32>
        %jit3A_678 = arith.constant 1.000000e+02 : f32
        %broadcast_in_dim3A_679 = vector.broadcast %jit3A_678 : f32 to vector<16xf32>
        %select_n3A_680 = arith.select %gt3A_677, %add3A_674, %broadcast_in_dim3A_679 : vector<16xi1>, vector<16xf32>
        %mul3A_681 = arith.mulf %get3A_627, %get3A_633 : vector<16xf32>
        %mul3A_682 = arith.mulf %select_n3A_680, %mul3A_681 : vector<16xf32>
        %add3A_683 = arith.addf %add3A_607, %mul3A_682 : vector<16xf32>
        %mul3A_684 = arith.mulf %select_n3A_680, %get3A_633 : vector<16xf32>
        %add3A_685 = arith.addf %add3A_609, %mul3A_684 : vector<16xf32>
        %add3A_686 = arith.addf %add3A_610, %mul3A_681 : vector<16xf32>
        %add3A_687 = arith.addf %add3A_611, %get3A_633 : vector<16xf32>
        %mul3A_688 = arith.constant 64 : i32
        %mul3A_689 = arith.muli %scan3A_465, %mul3A_688 : i32
        %add3A_690 = arith.constant 48 : i32
        %add3A_691 = arith.addi %mul3A_689, %add3A_690 : i32
        %get3A_692 = arith.constant 0 : i32
        %get3A_693 = arith.index_cast %get3A_692 : i32 to index
        %get3A_694 = arith.index_cast %scan3A_454 : i32 to index
        %get3A_695 = arith.index_cast %add3A_691 : i32 to index
        %get3A_696 = tpu.vector_load %arg6[%get3A_693, %get3A_694, %get3A_695] {strides = array<i32>} : memref<2x16x512xf32, #tpu.memory_space<vmem>>, vector<1x1x16xf32>,
        %get3A_697 = vector.shape_cast %get3A_696 : vector<1x1x16xf32> to vector<16xf32>
        %get3A_698 = arith.constant 0 : i32
        %get3A_699 = arith.index_cast %get3A_698 : i32 to index
        %get3A_700 = arith.index_cast %scan3A_454 : i32 to index
        %get3A_701 = arith.index_cast %add3A_691 : i32 to index
        %get3A_702 = tpu.vector_load %arg7[%get3A_699, %get3A_700, %get3A_701] {strides = array<i32>} : memref<2x16x512xf32, #tpu.memory_space<vmem>>, vector<1x1x16xf32>,
        %get3A_703 = vector.shape_cast %get3A_702 : vector<1x1x16xf32> to vector<16xf32>
        %get3A_704 = arith.constant 0 : i32
        %get3A_705 = arith.index_cast %get3A_704 : i32 to index
        %get3A_706 = arith.index_cast %scan3A_454 : i32 to index
        %get3A_707 = arith.index_cast %add3A_691 : i32 to index
        %get3A_708 = tpu.vector_load %arg8[%get3A_705, %get3A_706, %get3A_707] {strides = array<i32>} : memref<2x16x512xf32, #tpu.memory_space<vmem>>, vector<1x1x16xf32>,
        %get3A_709 = vector.shape_cast %get3A_708 : vector<1x1x16xf32> to vector<16xf32>
        %gt3A_710 = arith.constant 5.000000e-01 : f32
        %gt3A_711 = vector.broadcast %gt3A_710 : f32 to vector<16xf32>
        %gt3A_712 = arith.cmpf ogt, %get3A_703, %gt3A_711 : vector<16xf32>
        %sub3A_713 = arith.constant 1.000000e+00 : f32
        %sub3A_714 = vector.broadcast %sub3A_713 : f32 to vector<16xf32>
        %sub3A_715 = arith.subf %sub3A_714, %get3A_697 : vector<16xf32>
        %select_n3A_716 = arith.select %gt3A_712, %get3A_697, %sub3A_715 : vector<16xi1>, vector<16xf32>
        %bitcast_convert_type3A_717 = tpu.bitcast %select_n3A_716 : vector<16xf32> -> vector<16xi32>
        %shift_right_arithmetic3A_718 = arith.constant 23 : i32
        %shift_right_arithmetic3A_719 = vector.broadcast %shift_right_arithmetic3A_718 : i32 to vector<16xi32>
        %shift_right_arithmetic3A_720 = arith.shrsi %bitcast_convert_type3A_717, %shift_right_arithmetic3A_719 : vector<16xi32>
        %convert_element_type3A_721 = arith.sitofp %shift_right_arithmetic3A_720 : vector<16xi32> to vector<16xf32>
        %and3A_722 = arith.constant 8388607 : i32
        %and3A_723 = vector.broadcast %and3A_722 : i32 to vector<16xi32>
        %and3A_724 = arith.andi %bitcast_convert_type3A_717, %and3A_723 : vector<16xi32>
        %or3A_725 = arith.constant 1065353216 : i32
        %or3A_726 = vector.broadcast %or3A_725 : i32 to vector<16xi32>
        %or3A_727 = arith.ori %and3A_724, %or3A_726 : vector<16xi32>
        %bitcast_convert_type3A_728 = tpu.bitcast %or3A_727 : vector<16xi32> -> vector<16xf32>
        %mul3A_729 = arith.constant 0.0554593131 : f32
        %mul3A_730 = vector.broadcast %mul3A_729 : f32 to vector<16xf32>
        %mul3A_731 = arith.mulf %bitcast_convert_type3A_728, %mul3A_730 : vector<16xf32>
        %add3A_732 = arith.constant -0.440502733 : f32
        %add3A_733 = vector.broadcast %add3A_732 : f32 to vector<16xf32>
        %add3A_734 = arith.addf %add3A_733, %mul3A_731 : vector<16xf32>
        %mul3A_735 = arith.mulf %bitcast_convert_type3A_728, %add3A_734 : vector<16xf32>
        %add3A_736 = arith.constant 1.45519483 : f32
        %add3A_737 = vector.broadcast %add3A_736 : f32 to vector<16xf32>
        %add3A_738 = arith.addf %add3A_737, %mul3A_735 : vector<16xf32>
        %mul3A_739 = arith.mulf %bitcast_convert_type3A_728, %add3A_738 : vector<16xf32>
        %add3A_740 = arith.constant -2.80698061 : f32
        %add3A_741 = vector.broadcast %add3A_740 : f32 to vector<16xf32>
        %add3A_742 = arith.addf %add3A_741, %mul3A_739 : vector<16xf32>
        %mul3A_743 = arith.mulf %bitcast_convert_type3A_728, %add3A_742 : vector<16xf32>
        %add3A_744 = arith.constant 89.7664489 : f32
        %add3A_745 = vector.broadcast %add3A_744 : f32 to vector<16xf32>
        %add3A_746 = arith.addf %add3A_745, %mul3A_743 : vector<16xf32>
        %mul3A_747 = arith.constant -0.693147182 : f32
        %mul3A_748 = vector.broadcast %mul3A_747 : f32 to vector<16xf32>
        %mul3A_749 = arith.mulf %convert_element_type3A_721, %mul3A_748 : vector<16xf32>
        %add3A_750 = arith.addf %mul3A_749, %add3A_746 : vector<16xf32>
        %gt3A_751 = arith.constant 0.000000e+00 : f32
        %gt3A_752 = vector.broadcast %gt3A_751 : f32 to vector<16xf32>
        %gt3A_753 = arith.cmpf ogt, %select_n3A_716, %gt3A_752 : vector<16xf32>
        %jit3A_754 = arith.constant 1.000000e+02 : f32
        %broadcast_in_dim3A_755 = vector.broadcast %jit3A_754 : f32 to vector<16xf32>
        %select_n3A_756 = arith.select %gt3A_753, %add3A_750, %broadcast_in_dim3A_755 : vector<16xi1>, vector<16xf32>
        %mul3A_757 = arith.mulf %get3A_703, %get3A_709 : vector<16xf32>
        %mul3A_758 = arith.mulf %select_n3A_756, %mul3A_757 : vector<16xf32>
        %add3A_759 = arith.addf %add3A_683, %mul3A_758 : vector<16xf32>
        %mul3A_760 = arith.mulf %select_n3A_756, %get3A_709 : vector<16xf32>
        %add3A_761 = arith.addf %add3A_685, %mul3A_760 : vector<16xf32>
        %add3A_762 = arith.addf %add3A_686, %mul3A_757 : vector<16xf32>
        %add3A_763 = arith.addf %add3A_687, %get3A_709 : vector<16xf32>
        scf.yield %add3A_759, %add3A_761, %add3A_762, %add3A_763 : vector<16xf32>, vector<16xf32>, vector<16xf32>, vector<16xf32>
      }
      %scan3A_464 = arith.constant 8 : i32
      scf.yield %scan3A_463#0, %scan3A_463#1, %scan3A_463#2, %scan3A_463#3 : vector<16xf32>, vector<16xf32>, vector<16xf32>, vector<16xf32>
    }
    %scan3A_127 = arith.constant 16 : i32
    %add3A_128 = arith.constant 32 : i32
    %add3A_129 = arith.addi %mul3A_2, %add3A_128 : i32
    %dma_start3A_130 = arith.constant 0 : i32
    %dma_start3A_131 = arith.constant 0 : i32
    %dma_start3A_132 = arith.constant 0 : i32
    %dma_start3A_133 = tpu.memref_slice %arg6[%dma_start3A_130, %dma_start3A_131, %dma_start3A_132] : memref<2x16x512xf32, #tpu.memory_space<vmem>> -> memref<1x16x512xf32, #tpu.memory_space<vmem>>
    %dma_start3A_134 = tpu.memref_squeeze %dma_start3A_133 : memref<1x16x512xf32, #tpu.memory_space<vmem>> -> memref<16x512xf32, #tpu.memory_space<vmem>>
    %dma_start3A_135 = arith.constant 0 : i32
    %dma_start3A_136 = tpu.memref_slice %arg2[%add3A_129, %dma_start3A_135] : memref<8192x512xf32, #tpu.memory_space<hbm>> -> memref<16x512xf32, #tpu.memory_space<hbm>>
    %dma_start3A_137 = arith.constant 0 : i32
    %dma_start3A_138 = arith.constant 0 : i32
    %dma_start3A_139 = tpu.memref_slice %arg6[%dma_start3A_130, %dma_start3A_137, %dma_start3A_138] : memref<2x16x512xf32, #tpu.memory_space<vmem>> -> memref<1x16x512xf32, #tpu.memory_space<vmem>>
    %dma_start3A_140 = tpu.memref_squeeze %dma_start3A_139 : memref<1x16x512xf32, #tpu.memory_space<vmem>> -> memref<16x512xf32, #tpu.memory_space<vmem>>
    %dma_start3A_141 = arith.constant 0 : i32
    %dma_start3A_142 = tpu.memref_slice %arg2[%add3A_129, %dma_start3A_141] : memref<8192x512xf32, #tpu.memory_space<hbm>> -> memref<16x512xf32, #tpu.memory_space<hbm>>
    tpu.enqueue_dma source(%dma_start3A_142 : memref<16x512xf32, #tpu.memory_space<hbm>>) target(%dma_start3A_140 : memref<16x512xf32, #tpu.memory_space<vmem>>) target_semaphore(%arg10 : memref<!tpu.dma_semaphore, #tpu.memory_space<semaphore_mem>>)
    %dma_start3A_143 = arith.constant 0 : i32
    %dma_start3A_144 = arith.constant 0 : i32
    %dma_start3A_145 = arith.constant 0 : i32
    %dma_start3A_146 = tpu.memref_slice %arg7[%dma_start3A_143, %dma_start3A_144, %dma_start3A_145] : memref<2x16x512xf32, #tpu.memory_space<vmem>> -> memref<1x16x512xf32, #tpu.memory_space<vmem>>
    %dma_start3A_147 = tpu.memref_squeeze %dma_start3A_146 : memref<1x16x512xf32, #tpu.memory_space<vmem>> -> memref<16x512xf32, #tpu.memory_space<vmem>>
    %dma_start3A_148 = arith.constant 0 : i32
    %dma_start3A_149 = tpu.memref_slice %arg3[%add3A_129, %dma_start3A_148] : memref<8192x512xf32, #tpu.memory_space<hbm>> -> memref<16x512xf32, #tpu.memory_space<hbm>>
    %dma_start3A_150 = arith.constant 0 : i32
    %dma_start3A_151 = arith.constant 0 : i32
    %dma_start3A_152 = tpu.memref_slice %arg7[%dma_start3A_143, %dma_start3A_150, %dma_start3A_151] : memref<2x16x512xf32, #tpu.memory_space<vmem>> -> memref<1x16x512xf32, #tpu.memory_space<vmem>>
    %dma_start3A_153 = tpu.memref_squeeze %dma_start3A_152 : memref<1x16x512xf32, #tpu.memory_space<vmem>> -> memref<16x512xf32, #tpu.memory_space<vmem>>
    %dma_start3A_154 = arith.constant 0 : i32
    %dma_start3A_155 = tpu.memref_slice %arg3[%add3A_129, %dma_start3A_154] : memref<8192x512xf32, #tpu.memory_space<hbm>> -> memref<16x512xf32, #tpu.memory_space<hbm>>
    tpu.enqueue_dma source(%dma_start3A_155 : memref<16x512xf32, #tpu.memory_space<hbm>>) target(%dma_start3A_153 : memref<16x512xf32, #tpu.memory_space<vmem>>) target_semaphore(%arg10 : memref<!tpu.dma_semaphore, #tpu.memory_space<semaphore_mem>>)
    %dma_start3A_156 = arith.constant 0 : i32
    %dma_start3A_157 = arith.constant 0 : i32
    %dma_start3A_158 = arith.constant 0 : i32
    %dma_start3A_159 = tpu.memref_slice %arg8[%dma_start3A_156, %dma_start3A_157, %dma_start3A_158] : memref<2x16x512xf32, #tpu.memory_space<vmem>> -> memref<1x16x512xf32, #tpu.memory_space<vmem>>
    %dma_start3A_160 = tpu.memref_squeeze %dma_start3A_159 : memref<1x16x512xf32, #tpu.memory_space<vmem>> -> memref<16x512xf32, #tpu.memory_space<vmem>>
    %dma_start3A_161 = arith.constant 0 : i32
    %dma_start3A_162 = tpu.memref_slice %arg4[%add3A_129, %dma_start3A_161] : memref<8192x512xf32, #tpu.memory_space<hbm>> -> memref<16x512xf32, #tpu.memory_space<hbm>>
    %dma_start3A_163 = arith.constant 0 : i32
    %dma_start3A_164 = arith.constant 0 : i32
    %dma_start3A_165 = tpu.memref_slice %arg8[%dma_start3A_156, %dma_start3A_163, %dma_start3A_164] : memref<2x16x512xf32, #tpu.memory_space<vmem>> -> memref<1x16x512xf32, #tpu.memory_space<vmem>>
    %dma_start3A_166 = tpu.memref_squeeze %dma_start3A_165 : memref<1x16x512xf32, #tpu.memory_space<vmem>> -> memref<16x512xf32, #tpu.memory_space<vmem>>
    %dma_start3A_167 = arith.constant 0 : i32
    %dma_start3A_168 = tpu.memref_slice %arg4[%add3A_129, %dma_start3A_167] : memref<8192x512xf32, #tpu.memory_space<hbm>> -> memref<16x512xf32, #tpu.memory_space<hbm>>
    tpu.enqueue_dma source(%dma_start3A_168 : memref<16x512xf32, #tpu.memory_space<hbm>>) target(%dma_start3A_166 : memref<16x512xf32, #tpu.memory_space<vmem>>) target_semaphore(%arg10 : memref<!tpu.dma_semaphore, #tpu.memory_space<semaphore_mem>>)
    %dma_wait3A_169 = arith.constant 1 : i32
    %dma_wait3A_170 = arith.constant 0 : i32
    %dma_wait3A_171 = arith.constant 0 : i32
    %dma_wait3A_172 = tpu.memref_slice %arg6[%dma_wait3A_169, %dma_wait3A_170, %dma_wait3A_171] : memref<2x16x512xf32, #tpu.memory_space<vmem>> -> memref<1x16x512xf32, #tpu.memory_space<vmem>>
    %dma_wait3A_173 = tpu.memref_squeeze %dma_wait3A_172 : memref<1x16x512xf32, #tpu.memory_space<vmem>> -> memref<16x512xf32, #tpu.memory_space<vmem>>
    %dma_wait3A_174 = arith.constant 0 : i32
    %dma_wait3A_175 = tpu.memref_slice %arg2[%add3A_45, %dma_wait3A_174] : memref<8192x512xf32, #tpu.memory_space<hbm>> -> memref<16x512xf32, #tpu.memory_space<hbm>>
    %dma_wait3A_176 = arith.constant 0 : i32
    %dma_wait3A_177 = arith.constant 0 : i32
    %dma_wait3A_178 = tpu.memref_slice %arg6[%dma_wait3A_169, %dma_wait3A_176, %dma_wait3A_177] : memref<2x16x512xf32, #tpu.memory_space<vmem>> -> memref<1x16x512xf32, #tpu.memory_space<vmem>>
    %dma_wait3A_179 = tpu.memref_squeeze %dma_wait3A_178 : memref<1x16x512xf32, #tpu.memory_space<vmem>> -> memref<16x512xf32, #tpu.memory_space<vmem>>
    %dma_wait3A_180 = arith.constant 0 : i32
    %dma_wait3A_181 = tpu.memref_slice %arg2[%add3A_45, %dma_wait3A_180] : memref<8192x512xf32, #tpu.memory_space<hbm>> -> memref<16x512xf32, #tpu.memory_space<hbm>>
    tpu.wait_dma2 semaphore(%arg11 : memref<!tpu.dma_semaphore, #tpu.memory_space<semaphore_mem>>) src(%dma_wait3A_181 : memref<16x512xf32, #tpu.memory_space<hbm>>) dst(%dma_wait3A_179 : memref<16x512xf32, #tpu.memory_space<vmem>>)
    %dma_wait3A_182 = arith.constant 1 : i32
    %dma_wait3A_183 = arith.constant 0 : i32
    %dma_wait3A_184 = arith.constant 0 : i32
    %dma_wait3A_185 = tpu.memref_slice %arg7[%dma_wait3A_182, %dma_wait3A_183, %dma_wait3A_184] : memref<2x16x512xf32, #tpu.memory_space<vmem>> -> memref<1x16x512xf32, #tpu.memory_space<vmem>>
    %dma_wait3A_186 = tpu.memref_squeeze %dma_wait3A_185 : memref<1x16x512xf32, #tpu.memory_space<vmem>> -> memref<16x512xf32, #tpu.memory_space<vmem>>
    %dma_wait3A_187 = arith.constant 0 : i32
    %dma_wait3A_188 = tpu.memref_slice %arg3[%add3A_45, %dma_wait3A_187] : memref<8192x512xf32, #tpu.memory_space<hbm>> -> memref<16x512xf32, #tpu.memory_space<hbm>>
    %dma_wait3A_189 = arith.constant 0 : i32
    %dma_wait3A_190 = arith.constant 0 : i32
    %dma_wait3A_191 = tpu.memref_slice %arg7[%dma_wait3A_182, %dma_wait3A_189, %dma_wait3A_190] : memref<2x16x512xf32, #tpu.memory_space<vmem>> -> memref<1x16x512xf32, #tpu.memory_space<vmem>>
    %dma_wait3A_192 = tpu.memref_squeeze %dma_wait3A_191 : memref<1x16x512xf32, #tpu.memory_space<vmem>> -> memref<16x512xf32, #tpu.memory_space<vmem>>
    %dma_wait3A_193 = arith.constant 0 : i32
    %dma_wait3A_194 = tpu.memref_slice %arg3[%add3A_45, %dma_wait3A_193] : memref<8192x512xf32, #tpu.memory_space<hbm>> -> memref<16x512xf32, #tpu.memory_space<hbm>>
    tpu.wait_dma2 semaphore(%arg11 : memref<!tpu.dma_semaphore, #tpu.memory_space<semaphore_mem>>) src(%dma_wait3A_194 : memref<16x512xf32, #tpu.memory_space<hbm>>) dst(%dma_wait3A_192 : memref<16x512xf32, #tpu.memory_space<vmem>>)
    %dma_wait3A_195 = arith.constant 1 : i32
    %dma_wait3A_196 = arith.constant 0 : i32
    %dma_wait3A_197 = arith.constant 0 : i32
    %dma_wait3A_198 = tpu.memref_slice %arg8[%dma_wait3A_195, %dma_wait3A_196, %dma_wait3A_197] : memref<2x16x512xf32, #tpu.memory_space<vmem>> -> memref<1x16x512xf32, #tpu.memory_space<vmem>>
    %dma_wait3A_199 = tpu.memref_squeeze %dma_wait3A_198 : memref<1x16x512xf32, #tpu.memory_space<vmem>> -> memref<16x512xf32, #tpu.memory_space<vmem>>
    %dma_wait3A_200 = arith.constant 0 : i32
    %dma_wait3A_201 = tpu.memref_slice %arg4[%add3A_45, %dma_wait3A_200] : memref<8192x512xf32, #tpu.memory_space<hbm>> -> memref<16x512xf32, #tpu.memory_space<hbm>>
    %dma_wait3A_202 = arith.constant 0 : i32
    %dma_wait3A_203 = arith.constant 0 : i32
    %dma_wait3A_204 = tpu.memref_slice %arg8[%dma_wait3A_195, %dma_wait3A_202, %dma_wait3A_203] : memref<2x16x512xf32, #tpu.memory_space<vmem>> -> memref<1x16x512xf32, #tpu.memory_space<vmem>>
    %dma_wait3A_205 = tpu.memref_squeeze %dma_wait3A_204 : memref<1x16x512xf32, #tpu.memory_space<vmem>> -> memref<16x512xf32, #tpu.memory_space<vmem>>
    %dma_wait3A_206 = arith.constant 0 : i32
    %dma_wait3A_207 = tpu.memref_slice %arg4[%add3A_45, %dma_wait3A_206] : memref<8192x512xf32, #tpu.memory_space<hbm>> -> memref<16x512xf32, #tpu.memory_space<hbm>>
    tpu.wait_dma2 semaphore(%arg11 : memref<!tpu.dma_semaphore, #tpu.memory_space<semaphore_mem>>) src(%dma_wait3A_207 : memref<16x512xf32, #tpu.memory_space<hbm>>) dst(%dma_wait3A_205 : memref<16x512xf32, #tpu.memory_space<vmem>>)
    %scan3A_208 = arith.constant 0 : i32
    %scan3A_209 = arith.constant 16 : i32
    %scan3A_210 = arith.addi %scan3A_208, %scan3A_209 : i32
    %scan3A_211 = arith.constant 1 : i32
    %scan3A_212:4 = scf.for %scan3A_454 = %scan3A_208 to %scan3A_210 step %scan3A_211 iter_args(%scan3A_455 = %scan3A_126#0, %scan3A_456 = %scan3A_126#1, %scan3A_457 = %scan3A_126#2, %scan3A_458 = %scan3A_126#3) -> (vector<16xf32>, vector<16xf32>, vector<16xf32>, vector<16xf32>)  : i32 {
      %scan3A_459 = arith.constant 0 : i32
      %scan3A_460 = arith.constant 8 : i32
      %scan3A_461 = arith.addi %scan3A_459, %scan3A_460 : i32
      %scan3A_462 = arith.constant 1 : i32
      %scan3A_463:4 = scf.for %scan3A_465 = %scan3A_459 to %scan3A_461 step %scan3A_462 iter_args(%scan3A_466 = %scan3A_455, %scan3A_467 = %scan3A_456, %scan3A_468 = %scan3A_457, %scan3A_469 = %scan3A_458) -> (vector<16xf32>, vector<16xf32>, vector<16xf32>, vector<16xf32>)  : i32 {
        %mul3A_470 = arith.constant 64 : i32
        %mul3A_471 = arith.muli %scan3A_465, %mul3A_470 : i32
        %add3A_472 = arith.constant 0 : i32
        %add3A_473 = arith.addi %mul3A_471, %add3A_472 : i32
        %get3A = arith.constant 1 : i32
        %get3A_474 = arith.index_cast %get3A : i32 to index
        %get3A_475 = arith.index_cast %scan3A_454 : i32 to index
        %get3A_476 = arith.index_cast %add3A_473 : i32 to index
        %get3A_477 = tpu.vector_load %arg6[%get3A_474, %get3A_475, %get3A_476] {strides = array<i32>} : memref<2x16x512xf32, #tpu.memory_space<vmem>>, vector<1x1x16xf32>,
        %get3A_478 = vector.shape_cast %get3A_477 : vector<1x1x16xf32> to vector<16xf32>
        %get3A_479 = arith.constant 1 : i32
        %get3A_480 = arith.index_cast %get3A_479 : i32 to index
        %get3A_481 = arith.index_cast %scan3A_454 : i32 to index
        %get3A_482 = arith.index_cast %add3A_473 : i32 to index
        %get3A_483 = tpu.vector_load %arg7[%get3A_480, %get3A_481, %get3A_482] {strides = array<i32>} : memref<2x16x512xf32, #tpu.memory_space<vmem>>, vector<1x1x16xf32>,
        %get3A_484 = vector.shape_cast %get3A_483 : vector<1x1x16xf32> to vector<16xf32>
        %get3A_485 = arith.constant 1 : i32
        %get3A_486 = arith.index_cast %get3A_485 : i32 to index
        %get3A_487 = arith.index_cast %scan3A_454 : i32 to index
        %get3A_488 = arith.index_cast %add3A_473 : i32 to index
        %get3A_489 = tpu.vector_load %arg8[%get3A_486, %get3A_487, %get3A_488] {strides = array<i32>} : memref<2x16x512xf32, #tpu.memory_space<vmem>>, vector<1x1x16xf32>,
        %get3A_490 = vector.shape_cast %get3A_489 : vector<1x1x16xf32> to vector<16xf32>
        %gt3A = arith.constant 5.000000e-01 : f32
        %gt3A_491 = vector.broadcast %gt3A : f32 to vector<16xf32>
        %gt3A_492 = arith.cmpf ogt, %get3A_484, %gt3A_491 : vector<16xf32>
        %sub3A = arith.constant 1.000000e+00 : f32
        %sub3A_493 = vector.broadcast %sub3A : f32 to vector<16xf32>
        %sub3A_494 = arith.subf %sub3A_493, %get3A_478 : vector<16xf32>
        %select_n3A = arith.select %gt3A_492, %get3A_478, %sub3A_494 : vector<16xi1>, vector<16xf32>
        %bitcast_convert_type3A = tpu.bitcast %select_n3A : vector<16xf32> -> vector<16xi32>
        %shift_right_arithmetic3A = arith.constant 23 : i32
        %shift_right_arithmetic3A_495 = vector.broadcast %shift_right_arithmetic3A : i32 to vector<16xi32>
        %shift_right_arithmetic3A_496 = arith.shrsi %bitcast_convert_type3A, %shift_right_arithmetic3A_495 : vector<16xi32>
        %convert_element_type3A = arith.sitofp %shift_right_arithmetic3A_496 : vector<16xi32> to vector<16xf32>
        %and3A = arith.constant 8388607 : i32
        %and3A_497 = vector.broadcast %and3A : i32 to vector<16xi32>
        %and3A_498 = arith.andi %bitcast_convert_type3A, %and3A_497 : vector<16xi32>
        %or3A = arith.constant 1065353216 : i32
        %or3A_499 = vector.broadcast %or3A : i32 to vector<16xi32>
        %or3A_500 = arith.ori %and3A_498, %or3A_499 : vector<16xi32>
        %bitcast_convert_type3A_501 = tpu.bitcast %or3A_500 : vector<16xi32> -> vector<16xf32>
        %mul3A_502 = arith.constant 0.0554593131 : f32
        %mul3A_503 = vector.broadcast %mul3A_502 : f32 to vector<16xf32>
        %mul3A_504 = arith.mulf %bitcast_convert_type3A_501, %mul3A_503 : vector<16xf32>
        %add3A_505 = arith.constant -0.440502733 : f32
        %add3A_506 = vector.broadcast %add3A_505 : f32 to vector<16xf32>
        %add3A_507 = arith.addf %add3A_506, %mul3A_504 : vector<16xf32>
        %mul3A_508 = arith.mulf %bitcast_convert_type3A_501, %add3A_507 : vector<16xf32>
        %add3A_509 = arith.constant 1.45519483 : f32
        %add3A_510 = vector.broadcast %add3A_509 : f32 to vector<16xf32>
        %add3A_511 = arith.addf %add3A_510, %mul3A_508 : vector<16xf32>
        %mul3A_512 = arith.mulf %bitcast_convert_type3A_501, %add3A_511 : vector<16xf32>
        %add3A_513 = arith.constant -2.80698061 : f32
        %add3A_514 = vector.broadcast %add3A_513 : f32 to vector<16xf32>
        %add3A_515 = arith.addf %add3A_514, %mul3A_512 : vector<16xf32>
        %mul3A_516 = arith.mulf %bitcast_convert_type3A_501, %add3A_515 : vector<16xf32>
        %add3A_517 = arith.constant 89.7664489 : f32
        %add3A_518 = vector.broadcast %add3A_517 : f32 to vector<16xf32>
        %add3A_519 = arith.addf %add3A_518, %mul3A_516 : vector<16xf32>
        %mul3A_520 = arith.constant -0.693147182 : f32
        %mul3A_521 = vector.broadcast %mul3A_520 : f32 to vector<16xf32>
        %mul3A_522 = arith.mulf %convert_element_type3A, %mul3A_521 : vector<16xf32>
        %add3A_523 = arith.addf %mul3A_522, %add3A_519 : vector<16xf32>
        %gt3A_524 = arith.constant 0.000000e+00 : f32
        %gt3A_525 = vector.broadcast %gt3A_524 : f32 to vector<16xf32>
        %gt3A_526 = arith.cmpf ogt, %select_n3A, %gt3A_525 : vector<16xf32>
        %jit3A = arith.constant 1.000000e+02 : f32
        %broadcast_in_dim3A_527 = vector.broadcast %jit3A : f32 to vector<16xf32>
        %select_n3A_528 = arith.select %gt3A_526, %add3A_523, %broadcast_in_dim3A_527 : vector<16xi1>, vector<16xf32>
        %mul3A_529 = arith.mulf %get3A_484, %get3A_490 : vector<16xf32>
        %mul3A_530 = arith.mulf %select_n3A_528, %mul3A_529 : vector<16xf32>
        %add3A_531 = arith.addf %scan3A_466, %mul3A_530 : vector<16xf32>
        %mul3A_532 = arith.mulf %select_n3A_528, %get3A_490 : vector<16xf32>
        %add3A_533 = arith.addf %scan3A_467, %mul3A_532 : vector<16xf32>
        %add3A_534 = arith.addf %scan3A_468, %mul3A_529 : vector<16xf32>
        %add3A_535 = arith.addf %scan3A_469, %get3A_490 : vector<16xf32>
        %mul3A_536 = arith.constant 64 : i32
        %mul3A_537 = arith.muli %scan3A_465, %mul3A_536 : i32
        %add3A_538 = arith.constant 16 : i32
        %add3A_539 = arith.addi %mul3A_537, %add3A_538 : i32
        %get3A_540 = arith.constant 1 : i32
        %get3A_541 = arith.index_cast %get3A_540 : i32 to index
        %get3A_542 = arith.index_cast %scan3A_454 : i32 to index
        %get3A_543 = arith.index_cast %add3A_539 : i32 to index
        %get3A_544 = tpu.vector_load %arg6[%get3A_541, %get3A_542, %get3A_543] {strides = array<i32>} : memref<2x16x512xf32, #tpu.memory_space<vmem>>, vector<1x1x16xf32>,
        %get3A_545 = vector.shape_cast %get3A_544 : vector<1x1x16xf32> to vector<16xf32>
        %get3A_546 = arith.constant 1 : i32
        %get3A_547 = arith.index_cast %get3A_546 : i32 to index
        %get3A_548 = arith.index_cast %scan3A_454 : i32 to index
        %get3A_549 = arith.index_cast %add3A_539 : i32 to index
        %get3A_550 = tpu.vector_load %arg7[%get3A_547, %get3A_548, %get3A_549] {strides = array<i32>} : memref<2x16x512xf32, #tpu.memory_space<vmem>>, vector<1x1x16xf32>,
        %get3A_551 = vector.shape_cast %get3A_550 : vector<1x1x16xf32> to vector<16xf32>
        %get3A_552 = arith.constant 1 : i32
        %get3A_553 = arith.index_cast %get3A_552 : i32 to index
        %get3A_554 = arith.index_cast %scan3A_454 : i32 to index
        %get3A_555 = arith.index_cast %add3A_539 : i32 to index
        %get3A_556 = tpu.vector_load %arg8[%get3A_553, %get3A_554, %get3A_555] {strides = array<i32>} : memref<2x16x512xf32, #tpu.memory_space<vmem>>, vector<1x1x16xf32>,
        %get3A_557 = vector.shape_cast %get3A_556 : vector<1x1x16xf32> to vector<16xf32>
        %gt3A_558 = arith.constant 5.000000e-01 : f32
        %gt3A_559 = vector.broadcast %gt3A_558 : f32 to vector<16xf32>
        %gt3A_560 = arith.cmpf ogt, %get3A_551, %gt3A_559 : vector<16xf32>
        %sub3A_561 = arith.constant 1.000000e+00 : f32
        %sub3A_562 = vector.broadcast %sub3A_561 : f32 to vector<16xf32>
        %sub3A_563 = arith.subf %sub3A_562, %get3A_545 : vector<16xf32>
        %select_n3A_564 = arith.select %gt3A_560, %get3A_545, %sub3A_563 : vector<16xi1>, vector<16xf32>
        %bitcast_convert_type3A_565 = tpu.bitcast %select_n3A_564 : vector<16xf32> -> vector<16xi32>
        %shift_right_arithmetic3A_566 = arith.constant 23 : i32
        %shift_right_arithmetic3A_567 = vector.broadcast %shift_right_arithmetic3A_566 : i32 to vector<16xi32>
        %shift_right_arithmetic3A_568 = arith.shrsi %bitcast_convert_type3A_565, %shift_right_arithmetic3A_567 : vector<16xi32>
        %convert_element_type3A_569 = arith.sitofp %shift_right_arithmetic3A_568 : vector<16xi32> to vector<16xf32>
        %and3A_570 = arith.constant 8388607 : i32
        %and3A_571 = vector.broadcast %and3A_570 : i32 to vector<16xi32>
        %and3A_572 = arith.andi %bitcast_convert_type3A_565, %and3A_571 : vector<16xi32>
        %or3A_573 = arith.constant 1065353216 : i32
        %or3A_574 = vector.broadcast %or3A_573 : i32 to vector<16xi32>
        %or3A_575 = arith.ori %and3A_572, %or3A_574 : vector<16xi32>
        %bitcast_convert_type3A_576 = tpu.bitcast %or3A_575 : vector<16xi32> -> vector<16xf32>
        %mul3A_577 = arith.constant 0.0554593131 : f32
        %mul3A_578 = vector.broadcast %mul3A_577 : f32 to vector<16xf32>
        %mul3A_579 = arith.mulf %bitcast_convert_type3A_576, %mul3A_578 : vector<16xf32>
        %add3A_580 = arith.constant -0.440502733 : f32
        %add3A_581 = vector.broadcast %add3A_580 : f32 to vector<16xf32>
        %add3A_582 = arith.addf %add3A_581, %mul3A_579 : vector<16xf32>
        %mul3A_583 = arith.mulf %bitcast_convert_type3A_576, %add3A_582 : vector<16xf32>
        %add3A_584 = arith.constant 1.45519483 : f32
        %add3A_585 = vector.broadcast %add3A_584 : f32 to vector<16xf32>
        %add3A_586 = arith.addf %add3A_585, %mul3A_583 : vector<16xf32>
        %mul3A_587 = arith.mulf %bitcast_convert_type3A_576, %add3A_586 : vector<16xf32>
        %add3A_588 = arith.constant -2.80698061 : f32
        %add3A_589 = vector.broadcast %add3A_588 : f32 to vector<16xf32>
        %add3A_590 = arith.addf %add3A_589, %mul3A_587 : vector<16xf32>
        %mul3A_591 = arith.mulf %bitcast_convert_type3A_576, %add3A_590 : vector<16xf32>
        %add3A_592 = arith.constant 89.7664489 : f32
        %add3A_593 = vector.broadcast %add3A_592 : f32 to vector<16xf32>
        %add3A_594 = arith.addf %add3A_593, %mul3A_591 : vector<16xf32>
        %mul3A_595 = arith.constant -0.693147182 : f32
        %mul3A_596 = vector.broadcast %mul3A_595 : f32 to vector<16xf32>
        %mul3A_597 = arith.mulf %convert_element_type3A_569, %mul3A_596 : vector<16xf32>
        %add3A_598 = arith.addf %mul3A_597, %add3A_594 : vector<16xf32>
        %gt3A_599 = arith.constant 0.000000e+00 : f32
        %gt3A_600 = vector.broadcast %gt3A_599 : f32 to vector<16xf32>
        %gt3A_601 = arith.cmpf ogt, %select_n3A_564, %gt3A_600 : vector<16xf32>
        %jit3A_602 = arith.constant 1.000000e+02 : f32
        %broadcast_in_dim3A_603 = vector.broadcast %jit3A_602 : f32 to vector<16xf32>
        %select_n3A_604 = arith.select %gt3A_601, %add3A_598, %broadcast_in_dim3A_603 : vector<16xi1>, vector<16xf32>
        %mul3A_605 = arith.mulf %get3A_551, %get3A_557 : vector<16xf32>
        %mul3A_606 = arith.mulf %select_n3A_604, %mul3A_605 : vector<16xf32>
        %add3A_607 = arith.addf %add3A_531, %mul3A_606 : vector<16xf32>
        %mul3A_608 = arith.mulf %select_n3A_604, %get3A_557 : vector<16xf32>
        %add3A_609 = arith.addf %add3A_533, %mul3A_608 : vector<16xf32>
        %add3A_610 = arith.addf %add3A_534, %mul3A_605 : vector<16xf32>
        %add3A_611 = arith.addf %add3A_535, %get3A_557 : vector<16xf32>
        %mul3A_612 = arith.constant 64 : i32
        %mul3A_613 = arith.muli %scan3A_465, %mul3A_612 : i32
        %add3A_614 = arith.constant 32 : i32
        %add3A_615 = arith.addi %mul3A_613, %add3A_614 : i32
        %get3A_616 = arith.constant 1 : i32
        %get3A_617 = arith.index_cast %get3A_616 : i32 to index
        %get3A_618 = arith.index_cast %scan3A_454 : i32 to index
        %get3A_619 = arith.index_cast %add3A_615 : i32 to index
        %get3A_620 = tpu.vector_load %arg6[%get3A_617, %get3A_618, %get3A_619] {strides = array<i32>} : memref<2x16x512xf32, #tpu.memory_space<vmem>>, vector<1x1x16xf32>,
        %get3A_621 = vector.shape_cast %get3A_620 : vector<1x1x16xf32> to vector<16xf32>
        %get3A_622 = arith.constant 1 : i32
        %get3A_623 = arith.index_cast %get3A_622 : i32 to index
        %get3A_624 = arith.index_cast %scan3A_454 : i32 to index
        %get3A_625 = arith.index_cast %add3A_615 : i32 to index
        %get3A_626 = tpu.vector_load %arg7[%get3A_623, %get3A_624, %get3A_625] {strides = array<i32>} : memref<2x16x512xf32, #tpu.memory_space<vmem>>, vector<1x1x16xf32>,
        %get3A_627 = vector.shape_cast %get3A_626 : vector<1x1x16xf32> to vector<16xf32>
        %get3A_628 = arith.constant 1 : i32
        %get3A_629 = arith.index_cast %get3A_628 : i32 to index
        %get3A_630 = arith.index_cast %scan3A_454 : i32 to index
        %get3A_631 = arith.index_cast %add3A_615 : i32 to index
        %get3A_632 = tpu.vector_load %arg8[%get3A_629, %get3A_630, %get3A_631] {strides = array<i32>} : memref<2x16x512xf32, #tpu.memory_space<vmem>>, vector<1x1x16xf32>,
        %get3A_633 = vector.shape_cast %get3A_632 : vector<1x1x16xf32> to vector<16xf32>
        %gt3A_634 = arith.constant 5.000000e-01 : f32
        %gt3A_635 = vector.broadcast %gt3A_634 : f32 to vector<16xf32>
        %gt3A_636 = arith.cmpf ogt, %get3A_627, %gt3A_635 : vector<16xf32>
        %sub3A_637 = arith.constant 1.000000e+00 : f32
        %sub3A_638 = vector.broadcast %sub3A_637 : f32 to vector<16xf32>
        %sub3A_639 = arith.subf %sub3A_638, %get3A_621 : vector<16xf32>
        %select_n3A_640 = arith.select %gt3A_636, %get3A_621, %sub3A_639 : vector<16xi1>, vector<16xf32>
        %bitcast_convert_type3A_641 = tpu.bitcast %select_n3A_640 : vector<16xf32> -> vector<16xi32>
        %shift_right_arithmetic3A_642 = arith.constant 23 : i32
        %shift_right_arithmetic3A_643 = vector.broadcast %shift_right_arithmetic3A_642 : i32 to vector<16xi32>
        %shift_right_arithmetic3A_644 = arith.shrsi %bitcast_convert_type3A_641, %shift_right_arithmetic3A_643 : vector<16xi32>
        %convert_element_type3A_645 = arith.sitofp %shift_right_arithmetic3A_644 : vector<16xi32> to vector<16xf32>
        %and3A_646 = arith.constant 8388607 : i32
        %and3A_647 = vector.broadcast %and3A_646 : i32 to vector<16xi32>
        %and3A_648 = arith.andi %bitcast_convert_type3A_641, %and3A_647 : vector<16xi32>
        %or3A_649 = arith.constant 1065353216 : i32
        %or3A_650 = vector.broadcast %or3A_649 : i32 to vector<16xi32>
        %or3A_651 = arith.ori %and3A_648, %or3A_650 : vector<16xi32>
        %bitcast_convert_type3A_652 = tpu.bitcast %or3A_651 : vector<16xi32> -> vector<16xf32>
        %mul3A_653 = arith.constant 0.0554593131 : f32
        %mul3A_654 = vector.broadcast %mul3A_653 : f32 to vector<16xf32>
        %mul3A_655 = arith.mulf %bitcast_convert_type3A_652, %mul3A_654 : vector<16xf32>
        %add3A_656 = arith.constant -0.440502733 : f32
        %add3A_657 = vector.broadcast %add3A_656 : f32 to vector<16xf32>
        %add3A_658 = arith.addf %add3A_657, %mul3A_655 : vector<16xf32>
        %mul3A_659 = arith.mulf %bitcast_convert_type3A_652, %add3A_658 : vector<16xf32>
        %add3A_660 = arith.constant 1.45519483 : f32
        %add3A_661 = vector.broadcast %add3A_660 : f32 to vector<16xf32>
        %add3A_662 = arith.addf %add3A_661, %mul3A_659 : vector<16xf32>
        %mul3A_663 = arith.mulf %bitcast_convert_type3A_652, %add3A_662 : vector<16xf32>
        %add3A_664 = arith.constant -2.80698061 : f32
        %add3A_665 = vector.broadcast %add3A_664 : f32 to vector<16xf32>
        %add3A_666 = arith.addf %add3A_665, %mul3A_663 : vector<16xf32>
        %mul3A_667 = arith.mulf %bitcast_convert_type3A_652, %add3A_666 : vector<16xf32>
        %add3A_668 = arith.constant 89.7664489 : f32
        %add3A_669 = vector.broadcast %add3A_668 : f32 to vector<16xf32>
        %add3A_670 = arith.addf %add3A_669, %mul3A_667 : vector<16xf32>
        %mul3A_671 = arith.constant -0.693147182 : f32
        %mul3A_672 = vector.broadcast %mul3A_671 : f32 to vector<16xf32>
        %mul3A_673 = arith.mulf %convert_element_type3A_645, %mul3A_672 : vector<16xf32>
        %add3A_674 = arith.addf %mul3A_673, %add3A_670 : vector<16xf32>
        %gt3A_675 = arith.constant 0.000000e+00 : f32
        %gt3A_676 = vector.broadcast %gt3A_675 : f32 to vector<16xf32>
        %gt3A_677 = arith.cmpf ogt, %select_n3A_640, %gt3A_676 : vector<16xf32>
        %jit3A_678 = arith.constant 1.000000e+02 : f32
        %broadcast_in_dim3A_679 = vector.broadcast %jit3A_678 : f32 to vector<16xf32>
        %select_n3A_680 = arith.select %gt3A_677, %add3A_674, %broadcast_in_dim3A_679 : vector<16xi1>, vector<16xf32>
        %mul3A_681 = arith.mulf %get3A_627, %get3A_633 : vector<16xf32>
        %mul3A_682 = arith.mulf %select_n3A_680, %mul3A_681 : vector<16xf32>
        %add3A_683 = arith.addf %add3A_607, %mul3A_682 : vector<16xf32>
        %mul3A_684 = arith.mulf %select_n3A_680, %get3A_633 : vector<16xf32>
        %add3A_685 = arith.addf %add3A_609, %mul3A_684 : vector<16xf32>
        %add3A_686 = arith.addf %add3A_610, %mul3A_681 : vector<16xf32>
        %add3A_687 = arith.addf %add3A_611, %get3A_633 : vector<16xf32>
        %mul3A_688 = arith.constant 64 : i32
        %mul3A_689 = arith.muli %scan3A_465, %mul3A_688 : i32
        %add3A_690 = arith.constant 48 : i32
        %add3A_691 = arith.addi %mul3A_689, %add3A_690 : i32
        %get3A_692 = arith.constant 1 : i32
        %get3A_693 = arith.index_cast %get3A_692 : i32 to index
        %get3A_694 = arith.index_cast %scan3A_454 : i32 to index
        %get3A_695 = arith.index_cast %add3A_691 : i32 to index
        %get3A_696 = tpu.vector_load %arg6[%get3A_693, %get3A_694, %get3A_695] {strides = array<i32>} : memref<2x16x512xf32, #tpu.memory_space<vmem>>, vector<1x1x16xf32>,
        %get3A_697 = vector.shape_cast %get3A_696 : vector<1x1x16xf32> to vector<16xf32>
        %get3A_698 = arith.constant 1 : i32
        %get3A_699 = arith.index_cast %get3A_698 : i32 to index
        %get3A_700 = arith.index_cast %scan3A_454 : i32 to index
        %get3A_701 = arith.index_cast %add3A_691 : i32 to index
        %get3A_702 = tpu.vector_load %arg7[%get3A_699, %get3A_700, %get3A_701] {strides = array<i32>} : memref<2x16x512xf32, #tpu.memory_space<vmem>>, vector<1x1x16xf32>,
        %get3A_703 = vector.shape_cast %get3A_702 : vector<1x1x16xf32> to vector<16xf32>
        %get3A_704 = arith.constant 1 : i32
        %get3A_705 = arith.index_cast %get3A_704 : i32 to index
        %get3A_706 = arith.index_cast %scan3A_454 : i32 to index
        %get3A_707 = arith.index_cast %add3A_691 : i32 to index
        %get3A_708 = tpu.vector_load %arg8[%get3A_705, %get3A_706, %get3A_707] {strides = array<i32>} : memref<2x16x512xf32, #tpu.memory_space<vmem>>, vector<1x1x16xf32>,
        %get3A_709 = vector.shape_cast %get3A_708 : vector<1x1x16xf32> to vector<16xf32>
        %gt3A_710 = arith.constant 5.000000e-01 : f32
        %gt3A_711 = vector.broadcast %gt3A_710 : f32 to vector<16xf32>
        %gt3A_712 = arith.cmpf ogt, %get3A_703, %gt3A_711 : vector<16xf32>
        %sub3A_713 = arith.constant 1.000000e+00 : f32
        %sub3A_714 = vector.broadcast %sub3A_713 : f32 to vector<16xf32>
        %sub3A_715 = arith.subf %sub3A_714, %get3A_697 : vector<16xf32>
        %select_n3A_716 = arith.select %gt3A_712, %get3A_697, %sub3A_715 : vector<16xi1>, vector<16xf32>
        %bitcast_convert_type3A_717 = tpu.bitcast %select_n3A_716 : vector<16xf32> -> vector<16xi32>
        %shift_right_arithmetic3A_718 = arith.constant 23 : i32
        %shift_right_arithmetic3A_719 = vector.broadcast %shift_right_arithmetic3A_718 : i32 to vector<16xi32>
        %shift_right_arithmetic3A_720 = arith.shrsi %bitcast_convert_type3A_717, %shift_right_arithmetic3A_719 : vector<16xi32>
        %convert_element_type3A_721 = arith.sitofp %shift_right_arithmetic3A_720 : vector<16xi32> to vector<16xf32>
        %and3A_722 = arith.constant 8388607 : i32
        %and3A_723 = vector.broadcast %and3A_722 : i32 to vector<16xi32>
        %and3A_724 = arith.andi %bitcast_convert_type3A_717, %and3A_723 : vector<16xi32>
        %or3A_725 = arith.constant 1065353216 : i32
        %or3A_726 = vector.broadcast %or3A_725 : i32 to vector<16xi32>
        %or3A_727 = arith.ori %and3A_724, %or3A_726 : vector<16xi32>
        %bitcast_convert_type3A_728 = tpu.bitcast %or3A_727 : vector<16xi32> -> vector<16xf32>
        %mul3A_729 = arith.constant 0.0554593131 : f32
        %mul3A_730 = vector.broadcast %mul3A_729 : f32 to vector<16xf32>
        %mul3A_731 = arith.mulf %bitcast_convert_type3A_728, %mul3A_730 : vector<16xf32>
        %add3A_732 = arith.constant -0.440502733 : f32
        %add3A_733 = vector.broadcast %add3A_732 : f32 to vector<16xf32>
        %add3A_734 = arith.addf %add3A_733, %mul3A_731 : vector<16xf32>
        %mul3A_735 = arith.mulf %bitcast_convert_type3A_728, %add3A_734 : vector<16xf32>
        %add3A_736 = arith.constant 1.45519483 : f32
        %add3A_737 = vector.broadcast %add3A_736 : f32 to vector<16xf32>
        %add3A_738 = arith.addf %add3A_737, %mul3A_735 : vector<16xf32>
        %mul3A_739 = arith.mulf %bitcast_convert_type3A_728, %add3A_738 : vector<16xf32>
        %add3A_740 = arith.constant -2.80698061 : f32
        %add3A_741 = vector.broadcast %add3A_740 : f32 to vector<16xf32>
        %add3A_742 = arith.addf %add3A_741, %mul3A_739 : vector<16xf32>
        %mul3A_743 = arith.mulf %bitcast_convert_type3A_728, %add3A_742 : vector<16xf32>
        %add3A_744 = arith.constant 89.7664489 : f32
        %add3A_745 = vector.broadcast %add3A_744 : f32 to vector<16xf32>
        %add3A_746 = arith.addf %add3A_745, %mul3A_743 : vector<16xf32>
        %mul3A_747 = arith.constant -0.693147182 : f32
        %mul3A_748 = vector.broadcast %mul3A_747 : f32 to vector<16xf32>
        %mul3A_749 = arith.mulf %convert_element_type3A_721, %mul3A_748 : vector<16xf32>
        %add3A_750 = arith.addf %mul3A_749, %add3A_746 : vector<16xf32>
        %gt3A_751 = arith.constant 0.000000e+00 : f32
        %gt3A_752 = vector.broadcast %gt3A_751 : f32 to vector<16xf32>
        %gt3A_753 = arith.cmpf ogt, %select_n3A_716, %gt3A_752 : vector<16xf32>
        %jit3A_754 = arith.constant 1.000000e+02 : f32
        %broadcast_in_dim3A_755 = vector.broadcast %jit3A_754 : f32 to vector<16xf32>
        %select_n3A_756 = arith.select %gt3A_753, %add3A_750, %broadcast_in_dim3A_755 : vector<16xi1>, vector<16xf32>
        %mul3A_757 = arith.mulf %get3A_703, %get3A_709 : vector<16xf32>
        %mul3A_758 = arith.mulf %select_n3A_756, %mul3A_757 : vector<16xf32>
        %add3A_759 = arith.addf %add3A_683, %mul3A_758 : vector<16xf32>
        %mul3A_760 = arith.mulf %select_n3A_756, %get3A_709 : vector<16xf32>
        %add3A_761 = arith.addf %add3A_685, %mul3A_760 : vector<16xf32>
        %add3A_762 = arith.addf %add3A_686, %mul3A_757 : vector<16xf32>
        %add3A_763 = arith.addf %add3A_687, %get3A_709 : vector<16xf32>
        scf.yield %add3A_759, %add3A_761, %add3A_762, %add3A_763 : vector<16xf32>, vector<16xf32>, vector<16xf32>, vector<16xf32>
      }
      %scan3A_464 = arith.constant 8 : i32
      scf.yield %scan3A_463#0, %scan3A_463#1, %scan3A_463#2, %scan3A_463#3 : vector<16xf32>, vector<16xf32>, vector<16xf32>, vector<16xf32>
    }
    %scan3A_213 = arith.constant 16 : i32
    %add3A_214 = arith.constant 48 : i32
    %add3A_215 = arith.addi %mul3A_2, %add3A_214 : i32
    %dma_start3A_216 = arith.constant 1 : i32
    %dma_start3A_217 = arith.constant 0 : i32
    %dma_start3A_218 = arith.constant 0 : i32
    %dma_start3A_219 = tpu.memref_slice %arg6[%dma_start3A_216, %dma_start3A_217, %dma_start3A_218] : memref<2x16x512xf32, #tpu.memory_space<vmem>> -> memref<1x16x512xf32, #tpu.memory_space<vmem>>
    %dma_start3A_220 = tpu.memref_squeeze %dma_start3A_219 : memref<1x16x512xf32, #tpu.memory_space<vmem>> -> memref<16x512xf32, #tpu.memory_space<vmem>>
    %dma_start3A_221 = arith.constant 0 : i32
    %dma_start3A_222 = tpu.memref_slice %arg2[%add3A_215, %dma_start3A_221] : memref<8192x512xf32, #tpu.memory_space<hbm>> -> memref<16x512xf32, #tpu.memory_space<hbm>>
    %dma_start3A_223 = arith.constant 0 : i32
    %dma_start3A_224 = arith.constant 0 : i32
    %dma_start3A_225 = tpu.memref_slice %arg6[%dma_start3A_216, %dma_start3A_223, %dma_start3A_224] : memref<2x16x512xf32, #tpu.memory_space<vmem>> -> memref<1x16x512xf32, #tpu.memory_space<vmem>>
    %dma_start3A_226 = tpu.memref_squeeze %dma_start3A_225 : memref<1x16x512xf32, #tpu.memory_space<vmem>> -> memref<16x512xf32, #tpu.memory_space<vmem>>
    %dma_start3A_227 = arith.constant 0 : i32
    %dma_start3A_228 = tpu.memref_slice %arg2[%add3A_215, %dma_start3A_227] : memref<8192x512xf32, #tpu.memory_space<hbm>> -> memref<16x512xf32, #tpu.memory_space<hbm>>
    tpu.enqueue_dma source(%dma_start3A_228 : memref<16x512xf32, #tpu.memory_space<hbm>>) target(%dma_start3A_226 : memref<16x512xf32, #tpu.memory_space<vmem>>) target_semaphore(%arg11 : memref<!tpu.dma_semaphore, #tpu.memory_space<semaphore_mem>>)
    %dma_start3A_229 = arith.constant 1 : i32
    %dma_start3A_230 = arith.constant 0 : i32
    %dma_start3A_231 = arith.constant 0 : i32
    %dma_start3A_232 = tpu.memref_slice %arg7[%dma_start3A_229, %dma_start3A_230, %dma_start3A_231] : memref<2x16x512xf32, #tpu.memory_space<vmem>> -> memref<1x16x512xf32, #tpu.memory_space<vmem>>
    %dma_start3A_233 = tpu.memref_squeeze %dma_start3A_232 : memref<1x16x512xf32, #tpu.memory_space<vmem>> -> memref<16x512xf32, #tpu.memory_space<vmem>>
    %dma_start3A_234 = arith.constant 0 : i32
    %dma_start3A_235 = tpu.memref_slice %arg3[%add3A_215, %dma_start3A_234] : memref<8192x512xf32, #tpu.memory_space<hbm>> -> memref<16x512xf32, #tpu.memory_space<hbm>>
    %dma_start3A_236 = arith.constant 0 : i32
    %dma_start3A_237 = arith.constant 0 : i32
    %dma_start3A_238 = tpu.memref_slice %arg7[%dma_start3A_229, %dma_start3A_236, %dma_start3A_237] : memref<2x16x512xf32, #tpu.memory_space<vmem>> -> memref<1x16x512xf32, #tpu.memory_space<vmem>>
    %dma_start3A_239 = tpu.memref_squeeze %dma_start3A_238 : memref<1x16x512xf32, #tpu.memory_space<vmem>> -> memref<16x512xf32, #tpu.memory_space<vmem>>
    %dma_start3A_240 = arith.constant 0 : i32
    %dma_start3A_241 = tpu.memref_slice %arg3[%add3A_215, %dma_start3A_240] : memref<8192x512xf32, #tpu.memory_space<hbm>> -> memref<16x512xf32, #tpu.memory_space<hbm>>
    tpu.enqueue_dma source(%dma_start3A_241 : memref<16x512xf32, #tpu.memory_space<hbm>>) target(%dma_start3A_239 : memref<16x512xf32, #tpu.memory_space<vmem>>) target_semaphore(%arg11 : memref<!tpu.dma_semaphore, #tpu.memory_space<semaphore_mem>>)
    %dma_start3A_242 = arith.constant 1 : i32
    %dma_start3A_243 = arith.constant 0 : i32
    %dma_start3A_244 = arith.constant 0 : i32
    %dma_start3A_245 = tpu.memref_slice %arg8[%dma_start3A_242, %dma_start3A_243, %dma_start3A_244] : memref<2x16x512xf32, #tpu.memory_space<vmem>> -> memref<1x16x512xf32, #tpu.memory_space<vmem>>
    %dma_start3A_246 = tpu.memref_squeeze %dma_start3A_245 : memref<1x16x512xf32, #tpu.memory_space<vmem>> -> memref<16x512xf32, #tpu.memory_space<vmem>>
    %dma_start3A_247 = arith.constant 0 : i32
    %dma_start3A_248 = tpu.memref_slice %arg4[%add3A_215, %dma_start3A_247] : memref<8192x512xf32, #tpu.memory_space<hbm>> -> memref<16x512xf32, #tpu.memory_space<hbm>>
    %dma_start3A_249 = arith.constant 0 : i32
    %dma_start3A_250 = arith.constant 0 : i32
    %dma_start3A_251 = tpu.memref_slice %arg8[%dma_start3A_242, %dma_start3A_249, %dma_start3A_250] : memref<2x16x512xf32, #tpu.memory_space<vmem>> -> memref<1x16x512xf32, #tpu.memory_space<vmem>>
    %dma_start3A_252 = tpu.memref_squeeze %dma_start3A_251 : memref<1x16x512xf32, #tpu.memory_space<vmem>> -> memref<16x512xf32, #tpu.memory_space<vmem>>
    %dma_start3A_253 = arith.constant 0 : i32
    %dma_start3A_254 = tpu.memref_slice %arg4[%add3A_215, %dma_start3A_253] : memref<8192x512xf32, #tpu.memory_space<hbm>> -> memref<16x512xf32, #tpu.memory_space<hbm>>
    tpu.enqueue_dma source(%dma_start3A_254 : memref<16x512xf32, #tpu.memory_space<hbm>>) target(%dma_start3A_252 : memref<16x512xf32, #tpu.memory_space<vmem>>) target_semaphore(%arg11 : memref<!tpu.dma_semaphore, #tpu.memory_space<semaphore_mem>>)
    %dma_wait3A_255 = arith.constant 0 : i32
    %dma_wait3A_256 = arith.constant 0 : i32
    %dma_wait3A_257 = arith.constant 0 : i32
    %dma_wait3A_258 = tpu.memref_slice %arg6[%dma_wait3A_255, %dma_wait3A_256, %dma_wait3A_257] : memref<2x16x512xf32, #tpu.memory_space<vmem>> -> memref<1x16x512xf32, #tpu.memory_space<vmem>>
    %dma_wait3A_259 = tpu.memref_squeeze %dma_wait3A_258 : memref<1x16x512xf32, #tpu.memory_space<vmem>> -> memref<16x512xf32, #tpu.memory_space<vmem>>
    %dma_wait3A_260 = arith.constant 0 : i32
    %dma_wait3A_261 = tpu.memref_slice %arg2[%add3A_129, %dma_wait3A_260] : memref<8192x512xf32, #tpu.memory_space<hbm>> -> memref<16x512xf32, #tpu.memory_space<hbm>>
    %dma_wait3A_262 = arith.constant 0 : i32
    %dma_wait3A_263 = arith.constant 0 : i32
    %dma_wait3A_264 = tpu.memref_slice %arg6[%dma_wait3A_255, %dma_wait3A_262, %dma_wait3A_263] : memref<2x16x512xf32, #tpu.memory_space<vmem>> -> memref<1x16x512xf32, #tpu.memory_space<vmem>>
    %dma_wait3A_265 = tpu.memref_squeeze %dma_wait3A_264 : memref<1x16x512xf32, #tpu.memory_space<vmem>> -> memref<16x512xf32, #tpu.memory_space<vmem>>
    %dma_wait3A_266 = arith.constant 0 : i32
    %dma_wait3A_267 = tpu.memref_slice %arg2[%add3A_129, %dma_wait3A_266] : memref<8192x512xf32, #tpu.memory_space<hbm>> -> memref<16x512xf32, #tpu.memory_space<hbm>>
    tpu.wait_dma2 semaphore(%arg10 : memref<!tpu.dma_semaphore, #tpu.memory_space<semaphore_mem>>) src(%dma_wait3A_267 : memref<16x512xf32, #tpu.memory_space<hbm>>) dst(%dma_wait3A_265 : memref<16x512xf32, #tpu.memory_space<vmem>>)
    %dma_wait3A_268 = arith.constant 0 : i32
    %dma_wait3A_269 = arith.constant 0 : i32
    %dma_wait3A_270 = arith.constant 0 : i32
    %dma_wait3A_271 = tpu.memref_slice %arg7[%dma_wait3A_268, %dma_wait3A_269, %dma_wait3A_270] : memref<2x16x512xf32, #tpu.memory_space<vmem>> -> memref<1x16x512xf32, #tpu.memory_space<vmem>>
    %dma_wait3A_272 = tpu.memref_squeeze %dma_wait3A_271 : memref<1x16x512xf32, #tpu.memory_space<vmem>> -> memref<16x512xf32, #tpu.memory_space<vmem>>
    %dma_wait3A_273 = arith.constant 0 : i32
    %dma_wait3A_274 = tpu.memref_slice %arg3[%add3A_129, %dma_wait3A_273] : memref<8192x512xf32, #tpu.memory_space<hbm>> -> memref<16x512xf32, #tpu.memory_space<hbm>>
    %dma_wait3A_275 = arith.constant 0 : i32
    %dma_wait3A_276 = arith.constant 0 : i32
    %dma_wait3A_277 = tpu.memref_slice %arg7[%dma_wait3A_268, %dma_wait3A_275, %dma_wait3A_276] : memref<2x16x512xf32, #tpu.memory_space<vmem>> -> memref<1x16x512xf32, #tpu.memory_space<vmem>>
    %dma_wait3A_278 = tpu.memref_squeeze %dma_wait3A_277 : memref<1x16x512xf32, #tpu.memory_space<vmem>> -> memref<16x512xf32, #tpu.memory_space<vmem>>
    %dma_wait3A_279 = arith.constant 0 : i32
    %dma_wait3A_280 = tpu.memref_slice %arg3[%add3A_129, %dma_wait3A_279] : memref<8192x512xf32, #tpu.memory_space<hbm>> -> memref<16x512xf32, #tpu.memory_space<hbm>>
    tpu.wait_dma2 semaphore(%arg10 : memref<!tpu.dma_semaphore, #tpu.memory_space<semaphore_mem>>) src(%dma_wait3A_280 : memref<16x512xf32, #tpu.memory_space<hbm>>) dst(%dma_wait3A_278 : memref<16x512xf32, #tpu.memory_space<vmem>>)
    %dma_wait3A_281 = arith.constant 0 : i32
    %dma_wait3A_282 = arith.constant 0 : i32
    %dma_wait3A_283 = arith.constant 0 : i32
    %dma_wait3A_284 = tpu.memref_slice %arg8[%dma_wait3A_281, %dma_wait3A_282, %dma_wait3A_283] : memref<2x16x512xf32, #tpu.memory_space<vmem>> -> memref<1x16x512xf32, #tpu.memory_space<vmem>>
    %dma_wait3A_285 = tpu.memref_squeeze %dma_wait3A_284 : memref<1x16x512xf32, #tpu.memory_space<vmem>> -> memref<16x512xf32, #tpu.memory_space<vmem>>
    %dma_wait3A_286 = arith.constant 0 : i32
    %dma_wait3A_287 = tpu.memref_slice %arg4[%add3A_129, %dma_wait3A_286] : memref<8192x512xf32, #tpu.memory_space<hbm>> -> memref<16x512xf32, #tpu.memory_space<hbm>>
    %dma_wait3A_288 = arith.constant 0 : i32
    %dma_wait3A_289 = arith.constant 0 : i32
    %dma_wait3A_290 = tpu.memref_slice %arg8[%dma_wait3A_281, %dma_wait3A_288, %dma_wait3A_289] : memref<2x16x512xf32, #tpu.memory_space<vmem>> -> memref<1x16x512xf32, #tpu.memory_space<vmem>>
    %dma_wait3A_291 = tpu.memref_squeeze %dma_wait3A_290 : memref<1x16x512xf32, #tpu.memory_space<vmem>> -> memref<16x512xf32, #tpu.memory_space<vmem>>
    %dma_wait3A_292 = arith.constant 0 : i32
    %dma_wait3A_293 = tpu.memref_slice %arg4[%add3A_129, %dma_wait3A_292] : memref<8192x512xf32, #tpu.memory_space<hbm>> -> memref<16x512xf32, #tpu.memory_space<hbm>>
    tpu.wait_dma2 semaphore(%arg10 : memref<!tpu.dma_semaphore, #tpu.memory_space<semaphore_mem>>) src(%dma_wait3A_293 : memref<16x512xf32, #tpu.memory_space<hbm>>) dst(%dma_wait3A_291 : memref<16x512xf32, #tpu.memory_space<vmem>>)
    %scan3A_294 = arith.constant 0 : i32
    %scan3A_295 = arith.constant 16 : i32
    %scan3A_296 = arith.addi %scan3A_294, %scan3A_295 : i32
    %scan3A_297 = arith.constant 1 : i32
    %scan3A_298:4 = scf.for %scan3A_454 = %scan3A_294 to %scan3A_296 step %scan3A_297 iter_args(%scan3A_455 = %scan3A_212#0, %scan3A_456 = %scan3A_212#1, %scan3A_457 = %scan3A_212#2, %scan3A_458 = %scan3A_212#3) -> (vector<16xf32>, vector<16xf32>, vector<16xf32>, vector<16xf32>)  : i32 {
      %scan3A_459 = arith.constant 0 : i32
      %scan3A_460 = arith.constant 8 : i32
      %scan3A_461 = arith.addi %scan3A_459, %scan3A_460 : i32
      %scan3A_462 = arith.constant 1 : i32
      %scan3A_463:4 = scf.for %scan3A_465 = %scan3A_459 to %scan3A_461 step %scan3A_462 iter_args(%scan3A_466 = %scan3A_455, %scan3A_467 = %scan3A_456, %scan3A_468 = %scan3A_457, %scan3A_469 = %scan3A_458) -> (vector<16xf32>, vector<16xf32>, vector<16xf32>, vector<16xf32>)  : i32 {
        %mul3A_470 = arith.constant 64 : i32
        %mul3A_471 = arith.muli %scan3A_465, %mul3A_470 : i32
        %add3A_472 = arith.constant 0 : i32
        %add3A_473 = arith.addi %mul3A_471, %add3A_472 : i32
        %get3A = arith.constant 0 : i32
        %get3A_474 = arith.index_cast %get3A : i32 to index
        %get3A_475 = arith.index_cast %scan3A_454 : i32 to index
        %get3A_476 = arith.index_cast %add3A_473 : i32 to index
        %get3A_477 = tpu.vector_load %arg6[%get3A_474, %get3A_475, %get3A_476] {strides = array<i32>} : memref<2x16x512xf32, #tpu.memory_space<vmem>>, vector<1x1x16xf32>,
        %get3A_478 = vector.shape_cast %get3A_477 : vector<1x1x16xf32> to vector<16xf32>
        %get3A_479 = arith.constant 0 : i32
        %get3A_480 = arith.index_cast %get3A_479 : i32 to index
        %get3A_481 = arith.index_cast %scan3A_454 : i32 to index
        %get3A_482 = arith.index_cast %add3A_473 : i32 to index
        %get3A_483 = tpu.vector_load %arg7[%get3A_480, %get3A_481, %get3A_482] {strides = array<i32>} : memref<2x16x512xf32, #tpu.memory_space<vmem>>, vector<1x1x16xf32>,
        %get3A_484 = vector.shape_cast %get3A_483 : vector<1x1x16xf32> to vector<16xf32>
        %get3A_485 = arith.constant 0 : i32
        %get3A_486 = arith.index_cast %get3A_485 : i32 to index
        %get3A_487 = arith.index_cast %scan3A_454 : i32 to index
        %get3A_488 = arith.index_cast %add3A_473 : i32 to index
        %get3A_489 = tpu.vector_load %arg8[%get3A_486, %get3A_487, %get3A_488] {strides = array<i32>} : memref<2x16x512xf32, #tpu.memory_space<vmem>>, vector<1x1x16xf32>,
        %get3A_490 = vector.shape_cast %get3A_489 : vector<1x1x16xf32> to vector<16xf32>
        %gt3A = arith.constant 5.000000e-01 : f32
        %gt3A_491 = vector.broadcast %gt3A : f32 to vector<16xf32>
        %gt3A_492 = arith.cmpf ogt, %get3A_484, %gt3A_491 : vector<16xf32>
        %sub3A = arith.constant 1.000000e+00 : f32
        %sub3A_493 = vector.broadcast %sub3A : f32 to vector<16xf32>
        %sub3A_494 = arith.subf %sub3A_493, %get3A_478 : vector<16xf32>
        %select_n3A = arith.select %gt3A_492, %get3A_478, %sub3A_494 : vector<16xi1>, vector<16xf32>
        %bitcast_convert_type3A = tpu.bitcast %select_n3A : vector<16xf32> -> vector<16xi32>
        %shift_right_arithmetic3A = arith.constant 23 : i32
        %shift_right_arithmetic3A_495 = vector.broadcast %shift_right_arithmetic3A : i32 to vector<16xi32>
        %shift_right_arithmetic3A_496 = arith.shrsi %bitcast_convert_type3A, %shift_right_arithmetic3A_495 : vector<16xi32>
        %convert_element_type3A = arith.sitofp %shift_right_arithmetic3A_496 : vector<16xi32> to vector<16xf32>
        %and3A = arith.constant 8388607 : i32
        %and3A_497 = vector.broadcast %and3A : i32 to vector<16xi32>
        %and3A_498 = arith.andi %bitcast_convert_type3A, %and3A_497 : vector<16xi32>
        %or3A = arith.constant 1065353216 : i32
        %or3A_499 = vector.broadcast %or3A : i32 to vector<16xi32>
        %or3A_500 = arith.ori %and3A_498, %or3A_499 : vector<16xi32>
        %bitcast_convert_type3A_501 = tpu.bitcast %or3A_500 : vector<16xi32> -> vector<16xf32>
        %mul3A_502 = arith.constant 0.0554593131 : f32
        %mul3A_503 = vector.broadcast %mul3A_502 : f32 to vector<16xf32>
        %mul3A_504 = arith.mulf %bitcast_convert_type3A_501, %mul3A_503 : vector<16xf32>
        %add3A_505 = arith.constant -0.440502733 : f32
        %add3A_506 = vector.broadcast %add3A_505 : f32 to vector<16xf32>
        %add3A_507 = arith.addf %add3A_506, %mul3A_504 : vector<16xf32>
        %mul3A_508 = arith.mulf %bitcast_convert_type3A_501, %add3A_507 : vector<16xf32>
        %add3A_509 = arith.constant 1.45519483 : f32
        %add3A_510 = vector.broadcast %add3A_509 : f32 to vector<16xf32>
        %add3A_511 = arith.addf %add3A_510, %mul3A_508 : vector<16xf32>
        %mul3A_512 = arith.mulf %bitcast_convert_type3A_501, %add3A_511 : vector<16xf32>
        %add3A_513 = arith.constant -2.80698061 : f32
        %add3A_514 = vector.broadcast %add3A_513 : f32 to vector<16xf32>
        %add3A_515 = arith.addf %add3A_514, %mul3A_512 : vector<16xf32>
        %mul3A_516 = arith.mulf %bitcast_convert_type3A_501, %add3A_515 : vector<16xf32>
        %add3A_517 = arith.constant 89.7664489 : f32
        %add3A_518 = vector.broadcast %add3A_517 : f32 to vector<16xf32>
        %add3A_519 = arith.addf %add3A_518, %mul3A_516 : vector<16xf32>
        %mul3A_520 = arith.constant -0.693147182 : f32
        %mul3A_521 = vector.broadcast %mul3A_520 : f32 to vector<16xf32>
        %mul3A_522 = arith.mulf %convert_element_type3A, %mul3A_521 : vector<16xf32>
        %add3A_523 = arith.addf %mul3A_522, %add3A_519 : vector<16xf32>
        %gt3A_524 = arith.constant 0.000000e+00 : f32
        %gt3A_525 = vector.broadcast %gt3A_524 : f32 to vector<16xf32>
        %gt3A_526 = arith.cmpf ogt, %select_n3A, %gt3A_525 : vector<16xf32>
        %jit3A = arith.constant 1.000000e+02 : f32
        %broadcast_in_dim3A_527 = vector.broadcast %jit3A : f32 to vector<16xf32>
        %select_n3A_528 = arith.select %gt3A_526, %add3A_523, %broadcast_in_dim3A_527 : vector<16xi1>, vector<16xf32>
        %mul3A_529 = arith.mulf %get3A_484, %get3A_490 : vector<16xf32>
        %mul3A_530 = arith.mulf %select_n3A_528, %mul3A_529 : vector<16xf32>
        %add3A_531 = arith.addf %scan3A_466, %mul3A_530 : vector<16xf32>
        %mul3A_532 = arith.mulf %select_n3A_528, %get3A_490 : vector<16xf32>
        %add3A_533 = arith.addf %scan3A_467, %mul3A_532 : vector<16xf32>
        %add3A_534 = arith.addf %scan3A_468, %mul3A_529 : vector<16xf32>
        %add3A_535 = arith.addf %scan3A_469, %get3A_490 : vector<16xf32>
        %mul3A_536 = arith.constant 64 : i32
        %mul3A_537 = arith.muli %scan3A_465, %mul3A_536 : i32
        %add3A_538 = arith.constant 16 : i32
        %add3A_539 = arith.addi %mul3A_537, %add3A_538 : i32
        %get3A_540 = arith.constant 0 : i32
        %get3A_541 = arith.index_cast %get3A_540 : i32 to index
        %get3A_542 = arith.index_cast %scan3A_454 : i32 to index
        %get3A_543 = arith.index_cast %add3A_539 : i32 to index
        %get3A_544 = tpu.vector_load %arg6[%get3A_541, %get3A_542, %get3A_543] {strides = array<i32>} : memref<2x16x512xf32, #tpu.memory_space<vmem>>, vector<1x1x16xf32>,
        %get3A_545 = vector.shape_cast %get3A_544 : vector<1x1x16xf32> to vector<16xf32>
        %get3A_546 = arith.constant 0 : i32
        %get3A_547 = arith.index_cast %get3A_546 : i32 to index
        %get3A_548 = arith.index_cast %scan3A_454 : i32 to index
        %get3A_549 = arith.index_cast %add3A_539 : i32 to index
        %get3A_550 = tpu.vector_load %arg7[%get3A_547, %get3A_548, %get3A_549] {strides = array<i32>} : memref<2x16x512xf32, #tpu.memory_space<vmem>>, vector<1x1x16xf32>,
        %get3A_551 = vector.shape_cast %get3A_550 : vector<1x1x16xf32> to vector<16xf32>
        %get3A_552 = arith.constant 0 : i32
        %get3A_553 = arith.index_cast %get3A_552 : i32 to index
        %get3A_554 = arith.index_cast %scan3A_454 : i32 to index
        %get3A_555 = arith.index_cast %add3A_539 : i32 to index
        %get3A_556 = tpu.vector_load %arg8[%get3A_553, %get3A_554, %get3A_555] {strides = array<i32>} : memref<2x16x512xf32, #tpu.memory_space<vmem>>, vector<1x1x16xf32>,
        %get3A_557 = vector.shape_cast %get3A_556 : vector<1x1x16xf32> to vector<16xf32>
        %gt3A_558 = arith.constant 5.000000e-01 : f32
        %gt3A_559 = vector.broadcast %gt3A_558 : f32 to vector<16xf32>
        %gt3A_560 = arith.cmpf ogt, %get3A_551, %gt3A_559 : vector<16xf32>
        %sub3A_561 = arith.constant 1.000000e+00 : f32
        %sub3A_562 = vector.broadcast %sub3A_561 : f32 to vector<16xf32>
        %sub3A_563 = arith.subf %sub3A_562, %get3A_545 : vector<16xf32>
        %select_n3A_564 = arith.select %gt3A_560, %get3A_545, %sub3A_563 : vector<16xi1>, vector<16xf32>
        %bitcast_convert_type3A_565 = tpu.bitcast %select_n3A_564 : vector<16xf32> -> vector<16xi32>
        %shift_right_arithmetic3A_566 = arith.constant 23 : i32
        %shift_right_arithmetic3A_567 = vector.broadcast %shift_right_arithmetic3A_566 : i32 to vector<16xi32>
        %shift_right_arithmetic3A_568 = arith.shrsi %bitcast_convert_type3A_565, %shift_right_arithmetic3A_567 : vector<16xi32>
        %convert_element_type3A_569 = arith.sitofp %shift_right_arithmetic3A_568 : vector<16xi32> to vector<16xf32>
        %and3A_570 = arith.constant 8388607 : i32
        %and3A_571 = vector.broadcast %and3A_570 : i32 to vector<16xi32>
        %and3A_572 = arith.andi %bitcast_convert_type3A_565, %and3A_571 : vector<16xi32>
        %or3A_573 = arith.constant 1065353216 : i32
        %or3A_574 = vector.broadcast %or3A_573 : i32 to vector<16xi32>
        %or3A_575 = arith.ori %and3A_572, %or3A_574 : vector<16xi32>
        %bitcast_convert_type3A_576 = tpu.bitcast %or3A_575 : vector<16xi32> -> vector<16xf32>
        %mul3A_577 = arith.constant 0.0554593131 : f32
        %mul3A_578 = vector.broadcast %mul3A_577 : f32 to vector<16xf32>
        %mul3A_579 = arith.mulf %bitcast_convert_type3A_576, %mul3A_578 : vector<16xf32>
        %add3A_580 = arith.constant -0.440502733 : f32
        %add3A_581 = vector.broadcast %add3A_580 : f32 to vector<16xf32>
        %add3A_582 = arith.addf %add3A_581, %mul3A_579 : vector<16xf32>
        %mul3A_583 = arith.mulf %bitcast_convert_type3A_576, %add3A_582 : vector<16xf32>
        %add3A_584 = arith.constant 1.45519483 : f32
        %add3A_585 = vector.broadcast %add3A_584 : f32 to vector<16xf32>
        %add3A_586 = arith.addf %add3A_585, %mul3A_583 : vector<16xf32>
        %mul3A_587 = arith.mulf %bitcast_convert_type3A_576, %add3A_586 : vector<16xf32>
        %add3A_588 = arith.constant -2.80698061 : f32
        %add3A_589 = vector.broadcast %add3A_588 : f32 to vector<16xf32>
        %add3A_590 = arith.addf %add3A_589, %mul3A_587 : vector<16xf32>
        %mul3A_591 = arith.mulf %bitcast_convert_type3A_576, %add3A_590 : vector<16xf32>
        %add3A_592 = arith.constant 89.7664489 : f32
        %add3A_593 = vector.broadcast %add3A_592 : f32 to vector<16xf32>
        %add3A_594 = arith.addf %add3A_593, %mul3A_591 : vector<16xf32>
        %mul3A_595 = arith.constant -0.693147182 : f32
        %mul3A_596 = vector.broadcast %mul3A_595 : f32 to vector<16xf32>
        %mul3A_597 = arith.mulf %convert_element_type3A_569, %mul3A_596 : vector<16xf32>
        %add3A_598 = arith.addf %mul3A_597, %add3A_594 : vector<16xf32>
        %gt3A_599 = arith.constant 0.000000e+00 : f32
        %gt3A_600 = vector.broadcast %gt3A_599 : f32 to vector<16xf32>
        %gt3A_601 = arith.cmpf ogt, %select_n3A_564, %gt3A_600 : vector<16xf32>
        %jit3A_602 = arith.constant 1.000000e+02 : f32
        %broadcast_in_dim3A_603 = vector.broadcast %jit3A_602 : f32 to vector<16xf32>
        %select_n3A_604 = arith.select %gt3A_601, %add3A_598, %broadcast_in_dim3A_603 : vector<16xi1>, vector<16xf32>
        %mul3A_605 = arith.mulf %get3A_551, %get3A_557 : vector<16xf32>
        %mul3A_606 = arith.mulf %select_n3A_604, %mul3A_605 : vector<16xf32>
        %add3A_607 = arith.addf %add3A_531, %mul3A_606 : vector<16xf32>
        %mul3A_608 = arith.mulf %select_n3A_604, %get3A_557 : vector<16xf32>
        %add3A_609 = arith.addf %add3A_533, %mul3A_608 : vector<16xf32>
        %add3A_610 = arith.addf %add3A_534, %mul3A_605 : vector<16xf32>
        %add3A_611 = arith.addf %add3A_535, %get3A_557 : vector<16xf32>
        %mul3A_612 = arith.constant 64 : i32
        %mul3A_613 = arith.muli %scan3A_465, %mul3A_612 : i32
        %add3A_614 = arith.constant 32 : i32
        %add3A_615 = arith.addi %mul3A_613, %add3A_614 : i32
        %get3A_616 = arith.constant 0 : i32
        %get3A_617 = arith.index_cast %get3A_616 : i32 to index
        %get3A_618 = arith.index_cast %scan3A_454 : i32 to index
        %get3A_619 = arith.index_cast %add3A_615 : i32 to index
        %get3A_620 = tpu.vector_load %arg6[%get3A_617, %get3A_618, %get3A_619] {strides = array<i32>} : memref<2x16x512xf32, #tpu.memory_space<vmem>>, vector<1x1x16xf32>,
        %get3A_621 = vector.shape_cast %get3A_620 : vector<1x1x16xf32> to vector<16xf32>
        %get3A_622 = arith.constant 0 : i32
        %get3A_623 = arith.index_cast %get3A_622 : i32 to index
        %get3A_624 = arith.index_cast %scan3A_454 : i32 to index
        %get3A_625 = arith.index_cast %add3A_615 : i32 to index
        %get3A_626 = tpu.vector_load %arg7[%get3A_623, %get3A_624, %get3A_625] {strides = array<i32>} : memref<2x16x512xf32, #tpu.memory_space<vmem>>, vector<1x1x16xf32>,
        %get3A_627 = vector.shape_cast %get3A_626 : vector<1x1x16xf32> to vector<16xf32>
        %get3A_628 = arith.constant 0 : i32
        %get3A_629 = arith.index_cast %get3A_628 : i32 to index
        %get3A_630 = arith.index_cast %scan3A_454 : i32 to index
        %get3A_631 = arith.index_cast %add3A_615 : i32 to index
        %get3A_632 = tpu.vector_load %arg8[%get3A_629, %get3A_630, %get3A_631] {strides = array<i32>} : memref<2x16x512xf32, #tpu.memory_space<vmem>>, vector<1x1x16xf32>,
        %get3A_633 = vector.shape_cast %get3A_632 : vector<1x1x16xf32> to vector<16xf32>
        %gt3A_634 = arith.constant 5.000000e-01 : f32
        %gt3A_635 = vector.broadcast %gt3A_634 : f32 to vector<16xf32>
        %gt3A_636 = arith.cmpf ogt, %get3A_627, %gt3A_635 : vector<16xf32>
        %sub3A_637 = arith.constant 1.000000e+00 : f32
        %sub3A_638 = vector.broadcast %sub3A_637 : f32 to vector<16xf32>
        %sub3A_639 = arith.subf %sub3A_638, %get3A_621 : vector<16xf32>
        %select_n3A_640 = arith.select %gt3A_636, %get3A_621, %sub3A_639 : vector<16xi1>, vector<16xf32>
        %bitcast_convert_type3A_641 = tpu.bitcast %select_n3A_640 : vector<16xf32> -> vector<16xi32>
        %shift_right_arithmetic3A_642 = arith.constant 23 : i32
        %shift_right_arithmetic3A_643 = vector.broadcast %shift_right_arithmetic3A_642 : i32 to vector<16xi32>
        %shift_right_arithmetic3A_644 = arith.shrsi %bitcast_convert_type3A_641, %shift_right_arithmetic3A_643 : vector<16xi32>
        %convert_element_type3A_645 = arith.sitofp %shift_right_arithmetic3A_644 : vector<16xi32> to vector<16xf32>
        %and3A_646 = arith.constant 8388607 : i32
        %and3A_647 = vector.broadcast %and3A_646 : i32 to vector<16xi32>
        %and3A_648 = arith.andi %bitcast_convert_type3A_641, %and3A_647 : vector<16xi32>
        %or3A_649 = arith.constant 1065353216 : i32
        %or3A_650 = vector.broadcast %or3A_649 : i32 to vector<16xi32>
        %or3A_651 = arith.ori %and3A_648, %or3A_650 : vector<16xi32>
        %bitcast_convert_type3A_652 = tpu.bitcast %or3A_651 : vector<16xi32> -> vector<16xf32>
        %mul3A_653 = arith.constant 0.0554593131 : f32
        %mul3A_654 = vector.broadcast %mul3A_653 : f32 to vector<16xf32>
        %mul3A_655 = arith.mulf %bitcast_convert_type3A_652, %mul3A_654 : vector<16xf32>
        %add3A_656 = arith.constant -0.440502733 : f32
        %add3A_657 = vector.broadcast %add3A_656 : f32 to vector<16xf32>
        %add3A_658 = arith.addf %add3A_657, %mul3A_655 : vector<16xf32>
        %mul3A_659 = arith.mulf %bitcast_convert_type3A_652, %add3A_658 : vector<16xf32>
        %add3A_660 = arith.constant 1.45519483 : f32
        %add3A_661 = vector.broadcast %add3A_660 : f32 to vector<16xf32>
        %add3A_662 = arith.addf %add3A_661, %mul3A_659 : vector<16xf32>
        %mul3A_663 = arith.mulf %bitcast_convert_type3A_652, %add3A_662 : vector<16xf32>
        %add3A_664 = arith.constant -2.80698061 : f32
        %add3A_665 = vector.broadcast %add3A_664 : f32 to vector<16xf32>
        %add3A_666 = arith.addf %add3A_665, %mul3A_663 : vector<16xf32>
        %mul3A_667 = arith.mulf %bitcast_convert_type3A_652, %add3A_666 : vector<16xf32>
        %add3A_668 = arith.constant 89.7664489 : f32
        %add3A_669 = vector.broadcast %add3A_668 : f32 to vector<16xf32>
        %add3A_670 = arith.addf %add3A_669, %mul3A_667 : vector<16xf32>
        %mul3A_671 = arith.constant -0.693147182 : f32
        %mul3A_672 = vector.broadcast %mul3A_671 : f32 to vector<16xf32>
        %mul3A_673 = arith.mulf %convert_element_type3A_645, %mul3A_672 : vector<16xf32>
        %add3A_674 = arith.addf %mul3A_673, %add3A_670 : vector<16xf32>
        %gt3A_675 = arith.constant 0.000000e+00 : f32
        %gt3A_676 = vector.broadcast %gt3A_675 : f32 to vector<16xf32>
        %gt3A_677 = arith.cmpf ogt, %select_n3A_640, %gt3A_676 : vector<16xf32>
        %jit3A_678 = arith.constant 1.000000e+02 : f32
        %broadcast_in_dim3A_679 = vector.broadcast %jit3A_678 : f32 to vector<16xf32>
        %select_n3A_680 = arith.select %gt3A_677, %add3A_674, %broadcast_in_dim3A_679 : vector<16xi1>, vector<16xf32>
        %mul3A_681 = arith.mulf %get3A_627, %get3A_633 : vector<16xf32>
        %mul3A_682 = arith.mulf %select_n3A_680, %mul3A_681 : vector<16xf32>
        %add3A_683 = arith.addf %add3A_607, %mul3A_682 : vector<16xf32>
        %mul3A_684 = arith.mulf %select_n3A_680, %get3A_633 : vector<16xf32>
        %add3A_685 = arith.addf %add3A_609, %mul3A_684 : vector<16xf32>
        %add3A_686 = arith.addf %add3A_610, %mul3A_681 : vector<16xf32>
        %add3A_687 = arith.addf %add3A_611, %get3A_633 : vector<16xf32>
        %mul3A_688 = arith.constant 64 : i32
        %mul3A_689 = arith.muli %scan3A_465, %mul3A_688 : i32
        %add3A_690 = arith.constant 48 : i32
        %add3A_691 = arith.addi %mul3A_689, %add3A_690 : i32
        %get3A_692 = arith.constant 0 : i32
        %get3A_693 = arith.index_cast %get3A_692 : i32 to index
        %get3A_694 = arith.index_cast %scan3A_454 : i32 to index
        %get3A_695 = arith.index_cast %add3A_691 : i32 to index
        %get3A_696 = tpu.vector_load %arg6[%get3A_693, %get3A_694, %get3A_695] {strides = array<i32>} : memref<2x16x512xf32, #tpu.memory_space<vmem>>, vector<1x1x16xf32>,
        %get3A_697 = vector.shape_cast %get3A_696 : vector<1x1x16xf32> to vector<16xf32>
        %get3A_698 = arith.constant 0 : i32
        %get3A_699 = arith.index_cast %get3A_698 : i32 to index
        %get3A_700 = arith.index_cast %scan3A_454 : i32 to index
        %get3A_701 = arith.index_cast %add3A_691 : i32 to index
        %get3A_702 = tpu.vector_load %arg7[%get3A_699, %get3A_700, %get3A_701] {strides = array<i32>} : memref<2x16x512xf32, #tpu.memory_space<vmem>>, vector<1x1x16xf32>,
        %get3A_703 = vector.shape_cast %get3A_702 : vector<1x1x16xf32> to vector<16xf32>
        %get3A_704 = arith.constant 0 : i32
        %get3A_705 = arith.index_cast %get3A_704 : i32 to index
        %get3A_706 = arith.index_cast %scan3A_454 : i32 to index
        %get3A_707 = arith.index_cast %add3A_691 : i32 to index
        %get3A_708 = tpu.vector_load %arg8[%get3A_705, %get3A_706, %get3A_707] {strides = array<i32>} : memref<2x16x512xf32, #tpu.memory_space<vmem>>, vector<1x1x16xf32>,
        %get3A_709 = vector.shape_cast %get3A_708 : vector<1x1x16xf32> to vector<16xf32>
        %gt3A_710 = arith.constant 5.000000e-01 : f32
        %gt3A_711 = vector.broadcast %gt3A_710 : f32 to vector<16xf32>
        %gt3A_712 = arith.cmpf ogt, %get3A_703, %gt3A_711 : vector<16xf32>
        %sub3A_713 = arith.constant 1.000000e+00 : f32
        %sub3A_714 = vector.broadcast %sub3A_713 : f32 to vector<16xf32>
        %sub3A_715 = arith.subf %sub3A_714, %get3A_697 : vector<16xf32>
        %select_n3A_716 = arith.select %gt3A_712, %get3A_697, %sub3A_715 : vector<16xi1>, vector<16xf32>
        %bitcast_convert_type3A_717 = tpu.bitcast %select_n3A_716 : vector<16xf32> -> vector<16xi32>
        %shift_right_arithmetic3A_718 = arith.constant 23 : i32
        %shift_right_arithmetic3A_719 = vector.broadcast %shift_right_arithmetic3A_718 : i32 to vector<16xi32>
        %shift_right_arithmetic3A_720 = arith.shrsi %bitcast_convert_type3A_717, %shift_right_arithmetic3A_719 : vector<16xi32>
        %convert_element_type3A_721 = arith.sitofp %shift_right_arithmetic3A_720 : vector<16xi32> to vector<16xf32>
        %and3A_722 = arith.constant 8388607 : i32
        %and3A_723 = vector.broadcast %and3A_722 : i32 to vector<16xi32>
        %and3A_724 = arith.andi %bitcast_convert_type3A_717, %and3A_723 : vector<16xi32>
        %or3A_725 = arith.constant 1065353216 : i32
        %or3A_726 = vector.broadcast %or3A_725 : i32 to vector<16xi32>
        %or3A_727 = arith.ori %and3A_724, %or3A_726 : vector<16xi32>
        %bitcast_convert_type3A_728 = tpu.bitcast %or3A_727 : vector<16xi32> -> vector<16xf32>
        %mul3A_729 = arith.constant 0.0554593131 : f32
        %mul3A_730 = vector.broadcast %mul3A_729 : f32 to vector<16xf32>
        %mul3A_731 = arith.mulf %bitcast_convert_type3A_728, %mul3A_730 : vector<16xf32>
        %add3A_732 = arith.constant -0.440502733 : f32
        %add3A_733 = vector.broadcast %add3A_732 : f32 to vector<16xf32>
        %add3A_734 = arith.addf %add3A_733, %mul3A_731 : vector<16xf32>
        %mul3A_735 = arith.mulf %bitcast_convert_type3A_728, %add3A_734 : vector<16xf32>
        %add3A_736 = arith.constant 1.45519483 : f32
        %add3A_737 = vector.broadcast %add3A_736 : f32 to vector<16xf32>
        %add3A_738 = arith.addf %add3A_737, %mul3A_735 : vector<16xf32>
        %mul3A_739 = arith.mulf %bitcast_convert_type3A_728, %add3A_738 : vector<16xf32>
        %add3A_740 = arith.constant -2.80698061 : f32
        %add3A_741 = vector.broadcast %add3A_740 : f32 to vector<16xf32>
        %add3A_742 = arith.addf %add3A_741, %mul3A_739 : vector<16xf32>
        %mul3A_743 = arith.mulf %bitcast_convert_type3A_728, %add3A_742 : vector<16xf32>
        %add3A_744 = arith.constant 89.7664489 : f32
        %add3A_745 = vector.broadcast %add3A_744 : f32 to vector<16xf32>
        %add3A_746 = arith.addf %add3A_745, %mul3A_743 : vector<16xf32>
        %mul3A_747 = arith.constant -0.693147182 : f32
        %mul3A_748 = vector.broadcast %mul3A_747 : f32 to vector<16xf32>
        %mul3A_749 = arith.mulf %convert_element_type3A_721, %mul3A_748 : vector<16xf32>
        %add3A_750 = arith.addf %mul3A_749, %add3A_746 : vector<16xf32>
        %gt3A_751 = arith.constant 0.000000e+00 : f32
        %gt3A_752 = vector.broadcast %gt3A_751 : f32 to vector<16xf32>
        %gt3A_753 = arith.cmpf ogt, %select_n3A_716, %gt3A_752 : vector<16xf32>
        %jit3A_754 = arith.constant 1.000000e+02 : f32
        %broadcast_in_dim3A_755 = vector.broadcast %jit3A_754 : f32 to vector<16xf32>
        %select_n3A_756 = arith.select %gt3A_753, %add3A_750, %broadcast_in_dim3A_755 : vector<16xi1>, vector<16xf32>
        %mul3A_757 = arith.mulf %get3A_703, %get3A_709 : vector<16xf32>
        %mul3A_758 = arith.mulf %select_n3A_756, %mul3A_757 : vector<16xf32>
        %add3A_759 = arith.addf %add3A_683, %mul3A_758 : vector<16xf32>
        %mul3A_760 = arith.mulf %select_n3A_756, %get3A_709 : vector<16xf32>
        %add3A_761 = arith.addf %add3A_685, %mul3A_760 : vector<16xf32>
        %add3A_762 = arith.addf %add3A_686, %mul3A_757 : vector<16xf32>
        %add3A_763 = arith.addf %add3A_687, %get3A_709 : vector<16xf32>
        scf.yield %add3A_759, %add3A_761, %add3A_762, %add3A_763 : vector<16xf32>, vector<16xf32>, vector<16xf32>, vector<16xf32>
      }
      %scan3A_464 = arith.constant 8 : i32
      scf.yield %scan3A_463#0, %scan3A_463#1, %scan3A_463#2, %scan3A_463#3 : vector<16xf32>, vector<16xf32>, vector<16xf32>, vector<16xf32>
    }
    %scan3A_299 = arith.constant 16 : i32
    %add3A_300 = arith.constant 64 : i32
    %add3A_301 = arith.addi %mul3A_2, %add3A_300 : i32
    %dma_start3A_302 = arith.constant 0 : i32
    %dma_start3A_303 = arith.constant 0 : i32
    %dma_start3A_304 = arith.constant 0 : i32
    %dma_start3A_305 = tpu.memref_slice %arg6[%dma_start3A_302, %dma_start3A_303, %dma_start3A_304] : memref<2x16x512xf32, #tpu.memory_space<vmem>> -> memref<1x16x512xf32, #tpu.memory_space<vmem>>
    %dma_start3A_306 = tpu.memref_squeeze %dma_start3A_305 : memref<1x16x512xf32, #tpu.memory_space<vmem>> -> memref<16x512xf32, #tpu.memory_space<vmem>>
    %dma_start3A_307 = arith.constant 0 : i32
    %dma_start3A_308 = tpu.memref_slice %arg2[%add3A_301, %dma_start3A_307] : memref<8192x512xf32, #tpu.memory_space<hbm>> -> memref<16x512xf32, #tpu.memory_space<hbm>>
    %dma_start3A_309 = arith.constant 0 : i32
    %dma_start3A_310 = arith.constant 0 : i32
    %dma_start3A_311 = tpu.memref_slice %arg6[%dma_start3A_302, %dma_start3A_309, %dma_start3A_310] : memref<2x16x512xf32, #tpu.memory_space<vmem>> -> memref<1x16x512xf32, #tpu.memory_space<vmem>>
    %dma_start3A_312 = tpu.memref_squeeze %dma_start3A_311 : memref<1x16x512xf32, #tpu.memory_space<vmem>> -> memref<16x512xf32, #tpu.memory_space<vmem>>
    %dma_start3A_313 = arith.constant 0 : i32
    %dma_start3A_314 = tpu.memref_slice %arg2[%add3A_301, %dma_start3A_313] : memref<8192x512xf32, #tpu.memory_space<hbm>> -> memref<16x512xf32, #tpu.memory_space<hbm>>
    tpu.enqueue_dma source(%dma_start3A_314 : memref<16x512xf32, #tpu.memory_space<hbm>>) target(%dma_start3A_312 : memref<16x512xf32, #tpu.memory_space<vmem>>) target_semaphore(%arg10 : memref<!tpu.dma_semaphore, #tpu.memory_space<semaphore_mem>>)
    %dma_start3A_315 = arith.constant 0 : i32
    %dma_start3A_316 = arith.constant 0 : i32
    %dma_start3A_317 = arith.constant 0 : i32
    %dma_start3A_318 = tpu.memref_slice %arg7[%dma_start3A_315, %dma_start3A_316, %dma_start3A_317] : memref<2x16x512xf32, #tpu.memory_space<vmem>> -> memref<1x16x512xf32, #tpu.memory_space<vmem>>
    %dma_start3A_319 = tpu.memref_squeeze %dma_start3A_318 : memref<1x16x512xf32, #tpu.memory_space<vmem>> -> memref<16x512xf32, #tpu.memory_space<vmem>>
    %dma_start3A_320 = arith.constant 0 : i32
    %dma_start3A_321 = tpu.memref_slice %arg3[%add3A_301, %dma_start3A_320] : memref<8192x512xf32, #tpu.memory_space<hbm>> -> memref<16x512xf32, #tpu.memory_space<hbm>>
    %dma_start3A_322 = arith.constant 0 : i32
    %dma_start3A_323 = arith.constant 0 : i32
    %dma_start3A_324 = tpu.memref_slice %arg7[%dma_start3A_315, %dma_start3A_322, %dma_start3A_323] : memref<2x16x512xf32, #tpu.memory_space<vmem>> -> memref<1x16x512xf32, #tpu.memory_space<vmem>>
    %dma_start3A_325 = tpu.memref_squeeze %dma_start3A_324 : memref<1x16x512xf32, #tpu.memory_space<vmem>> -> memref<16x512xf32, #tpu.memory_space<vmem>>
    %dma_start3A_326 = arith.constant 0 : i32
    %dma_start3A_327 = tpu.memref_slice %arg3[%add3A_301, %dma_start3A_326] : memref<8192x512xf32, #tpu.memory_space<hbm>> -> memref<16x512xf32, #tpu.memory_space<hbm>>
    tpu.enqueue_dma source(%dma_start3A_327 : memref<16x512xf32, #tpu.memory_space<hbm>>) target(%dma_start3A_325 : memref<16x512xf32, #tpu.memory_space<vmem>>) target_semaphore(%arg10 : memref<!tpu.dma_semaphore, #tpu.memory_space<semaphore_mem>>)
    %dma_start3A_328 = arith.constant 0 : i32
    %dma_start3A_329 = arith.constant 0 : i32
    %dma_start3A_330 = arith.constant 0 : i32
    %dma_start3A_331 = tpu.memref_slice %arg8[%dma_start3A_328, %dma_start3A_329, %dma_start3A_330] : memref<2x16x512xf32, #tpu.memory_space<vmem>> -> memref<1x16x512xf32, #tpu.memory_space<vmem>>
    %dma_start3A_332 = tpu.memref_squeeze %dma_start3A_331 : memref<1x16x512xf32, #tpu.memory_space<vmem>> -> memref<16x512xf32, #tpu.memory_space<vmem>>
    %dma_start3A_333 = arith.constant 0 : i32
    %dma_start3A_334 = tpu.memref_slice %arg4[%add3A_301, %dma_start3A_333] : memref<8192x512xf32, #tpu.memory_space<hbm>> -> memref<16x512xf32, #tpu.memory_space<hbm>>
    %dma_start3A_335 = arith.constant 0 : i32
    %dma_start3A_336 = arith.constant 0 : i32
    %dma_start3A_337 = tpu.memref_slice %arg8[%dma_start3A_328, %dma_start3A_335, %dma_start3A_336] : memref<2x16x512xf32, #tpu.memory_space<vmem>> -> memref<1x16x512xf32, #tpu.memory_space<vmem>>
    %dma_start3A_338 = tpu.memref_squeeze %dma_start3A_337 : memref<1x16x512xf32, #tpu.memory_space<vmem>> -> memref<16x512xf32, #tpu.memory_space<vmem>>
    %dma_start3A_339 = arith.constant 0 : i32
    %dma_start3A_340 = tpu.memref_slice %arg4[%add3A_301, %dma_start3A_339] : memref<8192x512xf32, #tpu.memory_space<hbm>> -> memref<16x512xf32, #tpu.memory_space<hbm>>
    tpu.enqueue_dma source(%dma_start3A_340 : memref<16x512xf32, #tpu.memory_space<hbm>>) target(%dma_start3A_338 : memref<16x512xf32, #tpu.memory_space<vmem>>) target_semaphore(%arg10 : memref<!tpu.dma_semaphore, #tpu.memory_space<semaphore_mem>>)
    %dma_wait3A_341 = arith.constant 1 : i32
    %dma_wait3A_342 = arith.constant 0 : i32
    %dma_wait3A_343 = arith.constant 0 : i32
    %dma_wait3A_344 = tpu.memref_slice %arg6[%dma_wait3A_341, %dma_wait3A_342, %dma_wait3A_343] : memref<2x16x512xf32, #tpu.memory_space<vmem>> -> memref<1x16x512xf32, #tpu.memory_space<vmem>>
    %dma_wait3A_345 = tpu.memref_squeeze %dma_wait3A_344 : memref<1x16x512xf32, #tpu.memory_space<vmem>> -> memref<16x512xf32, #tpu.memory_space<vmem>>
    %dma_wait3A_346 = arith.constant 0 : i32
    %dma_wait3A_347 = tpu.memref_slice %arg2[%add3A_215, %dma_wait3A_346] : memref<8192x512xf32, #tpu.memory_space<hbm>> -> memref<16x512xf32, #tpu.memory_space<hbm>>
    %dma_wait3A_348 = arith.constant 0 : i32
    %dma_wait3A_349 = arith.constant 0 : i32
    %dma_wait3A_350 = tpu.memref_slice %arg6[%dma_wait3A_341, %dma_wait3A_348, %dma_wait3A_349] : memref<2x16x512xf32, #tpu.memory_space<vmem>> -> memref<1x16x512xf32, #tpu.memory_space<vmem>>
    %dma_wait3A_351 = tpu.memref_squeeze %dma_wait3A_350 : memref<1x16x512xf32, #tpu.memory_space<vmem>> -> memref<16x512xf32, #tpu.memory_space<vmem>>
    %dma_wait3A_352 = arith.constant 0 : i32
    %dma_wait3A_353 = tpu.memref_slice %arg2[%add3A_215, %dma_wait3A_352] : memref<8192x512xf32, #tpu.memory_space<hbm>> -> memref<16x512xf32, #tpu.memory_space<hbm>>
    tpu.wait_dma2 semaphore(%arg11 : memref<!tpu.dma_semaphore, #tpu.memory_space<semaphore_mem>>) src(%dma_wait3A_353 : memref<16x512xf32, #tpu.memory_space<hbm>>) dst(%dma_wait3A_351 : memref<16x512xf32, #tpu.memory_space<vmem>>)
    %dma_wait3A_354 = arith.constant 1 : i32
    %dma_wait3A_355 = arith.constant 0 : i32
    %dma_wait3A_356 = arith.constant 0 : i32
    %dma_wait3A_357 = tpu.memref_slice %arg7[%dma_wait3A_354, %dma_wait3A_355, %dma_wait3A_356] : memref<2x16x512xf32, #tpu.memory_space<vmem>> -> memref<1x16x512xf32, #tpu.memory_space<vmem>>
    %dma_wait3A_358 = tpu.memref_squeeze %dma_wait3A_357 : memref<1x16x512xf32, #tpu.memory_space<vmem>> -> memref<16x512xf32, #tpu.memory_space<vmem>>
    %dma_wait3A_359 = arith.constant 0 : i32
    %dma_wait3A_360 = tpu.memref_slice %arg3[%add3A_215, %dma_wait3A_359] : memref<8192x512xf32, #tpu.memory_space<hbm>> -> memref<16x512xf32, #tpu.memory_space<hbm>>
    %dma_wait3A_361 = arith.constant 0 : i32
    %dma_wait3A_362 = arith.constant 0 : i32
    %dma_wait3A_363 = tpu.memref_slice %arg7[%dma_wait3A_354, %dma_wait3A_361, %dma_wait3A_362] : memref<2x16x512xf32, #tpu.memory_space<vmem>> -> memref<1x16x512xf32, #tpu.memory_space<vmem>>
    %dma_wait3A_364 = tpu.memref_squeeze %dma_wait3A_363 : memref<1x16x512xf32, #tpu.memory_space<vmem>> -> memref<16x512xf32, #tpu.memory_space<vmem>>
    %dma_wait3A_365 = arith.constant 0 : i32
    %dma_wait3A_366 = tpu.memref_slice %arg3[%add3A_215, %dma_wait3A_365] : memref<8192x512xf32, #tpu.memory_space<hbm>> -> memref<16x512xf32, #tpu.memory_space<hbm>>
    tpu.wait_dma2 semaphore(%arg11 : memref<!tpu.dma_semaphore, #tpu.memory_space<semaphore_mem>>) src(%dma_wait3A_366 : memref<16x512xf32, #tpu.memory_space<hbm>>) dst(%dma_wait3A_364 : memref<16x512xf32, #tpu.memory_space<vmem>>)
    %dma_wait3A_367 = arith.constant 1 : i32
    %dma_wait3A_368 = arith.constant 0 : i32
    %dma_wait3A_369 = arith.constant 0 : i32
    %dma_wait3A_370 = tpu.memref_slice %arg8[%dma_wait3A_367, %dma_wait3A_368, %dma_wait3A_369] : memref<2x16x512xf32, #tpu.memory_space<vmem>> -> memref<1x16x512xf32, #tpu.memory_space<vmem>>
    %dma_wait3A_371 = tpu.memref_squeeze %dma_wait3A_370 : memref<1x16x512xf32, #tpu.memory_space<vmem>> -> memref<16x512xf32, #tpu.memory_space<vmem>>
    %dma_wait3A_372 = arith.constant 0 : i32
    %dma_wait3A_373 = tpu.memref_slice %arg4[%add3A_215, %dma_wait3A_372] : memref<8192x512xf32, #tpu.memory_space<hbm>> -> memref<16x512xf32, #tpu.memory_space<hbm>>
    %dma_wait3A_374 = arith.constant 0 : i32
    %dma_wait3A_375 = arith.constant 0 : i32
    %dma_wait3A_376 = tpu.memref_slice %arg8[%dma_wait3A_367, %dma_wait3A_374, %dma_wait3A_375] : memref<2x16x512xf32, #tpu.memory_space<vmem>> -> memref<1x16x512xf32, #tpu.memory_space<vmem>>
    %dma_wait3A_377 = tpu.memref_squeeze %dma_wait3A_376 : memref<1x16x512xf32, #tpu.memory_space<vmem>> -> memref<16x512xf32, #tpu.memory_space<vmem>>
    %dma_wait3A_378 = arith.constant 0 : i32
    %dma_wait3A_379 = tpu.memref_slice %arg4[%add3A_215, %dma_wait3A_378] : memref<8192x512xf32, #tpu.memory_space<hbm>> -> memref<16x512xf32, #tpu.memory_space<hbm>>
    tpu.wait_dma2 semaphore(%arg11 : memref<!tpu.dma_semaphore, #tpu.memory_space<semaphore_mem>>) src(%dma_wait3A_379 : memref<16x512xf32, #tpu.memory_space<hbm>>) dst(%dma_wait3A_377 : memref<16x512xf32, #tpu.memory_space<vmem>>)
    %scan3A_380 = arith.constant 0 : i32
    %scan3A_381 = arith.constant 16 : i32
    %scan3A_382 = arith.addi %scan3A_380, %scan3A_381 : i32
    %scan3A_383 = arith.constant 1 : i32
    %scan3A_384:4 = scf.for %scan3A_454 = %scan3A_380 to %scan3A_382 step %scan3A_383 iter_args(%scan3A_455 = %scan3A_298#0, %scan3A_456 = %scan3A_298#1, %scan3A_457 = %scan3A_298#2, %scan3A_458 = %scan3A_298#3) -> (vector<16xf32>, vector<16xf32>, vector<16xf32>, vector<16xf32>)  : i32 {
      %scan3A_459 = arith.constant 0 : i32
      %scan3A_460 = arith.constant 8 : i32
      %scan3A_461 = arith.addi %scan3A_459, %scan3A_460 : i32
      %scan3A_462 = arith.constant 1 : i32
      %scan3A_463:4 = scf.for %scan3A_465 = %scan3A_459 to %scan3A_461 step %scan3A_462 iter_args(%scan3A_466 = %scan3A_455, %scan3A_467 = %scan3A_456, %scan3A_468 = %scan3A_457, %scan3A_469 = %scan3A_458) -> (vector<16xf32>, vector<16xf32>, vector<16xf32>, vector<16xf32>)  : i32 {
        %mul3A_470 = arith.constant 64 : i32
        %mul3A_471 = arith.muli %scan3A_465, %mul3A_470 : i32
        %add3A_472 = arith.constant 0 : i32
        %add3A_473 = arith.addi %mul3A_471, %add3A_472 : i32
        %get3A = arith.constant 1 : i32
        %get3A_474 = arith.index_cast %get3A : i32 to index
        %get3A_475 = arith.index_cast %scan3A_454 : i32 to index
        %get3A_476 = arith.index_cast %add3A_473 : i32 to index
        %get3A_477 = tpu.vector_load %arg6[%get3A_474, %get3A_475, %get3A_476] {strides = array<i32>} : memref<2x16x512xf32, #tpu.memory_space<vmem>>, vector<1x1x16xf32>,
        %get3A_478 = vector.shape_cast %get3A_477 : vector<1x1x16xf32> to vector<16xf32>
        %get3A_479 = arith.constant 1 : i32
        %get3A_480 = arith.index_cast %get3A_479 : i32 to index
        %get3A_481 = arith.index_cast %scan3A_454 : i32 to index
        %get3A_482 = arith.index_cast %add3A_473 : i32 to index
        %get3A_483 = tpu.vector_load %arg7[%get3A_480, %get3A_481, %get3A_482] {strides = array<i32>} : memref<2x16x512xf32, #tpu.memory_space<vmem>>, vector<1x1x16xf32>,
        %get3A_484 = vector.shape_cast %get3A_483 : vector<1x1x16xf32> to vector<16xf32>
        %get3A_485 = arith.constant 1 : i32
        %get3A_486 = arith.index_cast %get3A_485 : i32 to index
        %get3A_487 = arith.index_cast %scan3A_454 : i32 to index
        %get3A_488 = arith.index_cast %add3A_473 : i32 to index
        %get3A_489 = tpu.vector_load %arg8[%get3A_486, %get3A_487, %get3A_488] {strides = array<i32>} : memref<2x16x512xf32, #tpu.memory_space<vmem>>, vector<1x1x16xf32>,
        %get3A_490 = vector.shape_cast %get3A_489 : vector<1x1x16xf32> to vector<16xf32>
        %gt3A = arith.constant 5.000000e-01 : f32
        %gt3A_491 = vector.broadcast %gt3A : f32 to vector<16xf32>
        %gt3A_492 = arith.cmpf ogt, %get3A_484, %gt3A_491 : vector<16xf32>
        %sub3A = arith.constant 1.000000e+00 : f32
        %sub3A_493 = vector.broadcast %sub3A : f32 to vector<16xf32>
        %sub3A_494 = arith.subf %sub3A_493, %get3A_478 : vector<16xf32>
        %select_n3A = arith.select %gt3A_492, %get3A_478, %sub3A_494 : vector<16xi1>, vector<16xf32>
        %bitcast_convert_type3A = tpu.bitcast %select_n3A : vector<16xf32> -> vector<16xi32>
        %shift_right_arithmetic3A = arith.constant 23 : i32
        %shift_right_arithmetic3A_495 = vector.broadcast %shift_right_arithmetic3A : i32 to vector<16xi32>
        %shift_right_arithmetic3A_496 = arith.shrsi %bitcast_convert_type3A, %shift_right_arithmetic3A_495 : vector<16xi32>
        %convert_element_type3A = arith.sitofp %shift_right_arithmetic3A_496 : vector<16xi32> to vector<16xf32>
        %and3A = arith.constant 8388607 : i32
        %and3A_497 = vector.broadcast %and3A : i32 to vector<16xi32>
        %and3A_498 = arith.andi %bitcast_convert_type3A, %and3A_497 : vector<16xi32>
        %or3A = arith.constant 1065353216 : i32
        %or3A_499 = vector.broadcast %or3A : i32 to vector<16xi32>
        %or3A_500 = arith.ori %and3A_498, %or3A_499 : vector<16xi32>
        %bitcast_convert_type3A_501 = tpu.bitcast %or3A_500 : vector<16xi32> -> vector<16xf32>
        %mul3A_502 = arith.constant 0.0554593131 : f32
        %mul3A_503 = vector.broadcast %mul3A_502 : f32 to vector<16xf32>
        %mul3A_504 = arith.mulf %bitcast_convert_type3A_501, %mul3A_503 : vector<16xf32>
        %add3A_505 = arith.constant -0.440502733 : f32
        %add3A_506 = vector.broadcast %add3A_505 : f32 to vector<16xf32>
        %add3A_507 = arith.addf %add3A_506, %mul3A_504 : vector<16xf32>
        %mul3A_508 = arith.mulf %bitcast_convert_type3A_501, %add3A_507 : vector<16xf32>
        %add3A_509 = arith.constant 1.45519483 : f32
        %add3A_510 = vector.broadcast %add3A_509 : f32 to vector<16xf32>
        %add3A_511 = arith.addf %add3A_510, %mul3A_508 : vector<16xf32>
        %mul3A_512 = arith.mulf %bitcast_convert_type3A_501, %add3A_511 : vector<16xf32>
        %add3A_513 = arith.constant -2.80698061 : f32
        %add3A_514 = vector.broadcast %add3A_513 : f32 to vector<16xf32>
        %add3A_515 = arith.addf %add3A_514, %mul3A_512 : vector<16xf32>
        %mul3A_516 = arith.mulf %bitcast_convert_type3A_501, %add3A_515 : vector<16xf32>
        %add3A_517 = arith.constant 89.7664489 : f32
        %add3A_518 = vector.broadcast %add3A_517 : f32 to vector<16xf32>
        %add3A_519 = arith.addf %add3A_518, %mul3A_516 : vector<16xf32>
        %mul3A_520 = arith.constant -0.693147182 : f32
        %mul3A_521 = vector.broadcast %mul3A_520 : f32 to vector<16xf32>
        %mul3A_522 = arith.mulf %convert_element_type3A, %mul3A_521 : vector<16xf32>
        %add3A_523 = arith.addf %mul3A_522, %add3A_519 : vector<16xf32>
        %gt3A_524 = arith.constant 0.000000e+00 : f32
        %gt3A_525 = vector.broadcast %gt3A_524 : f32 to vector<16xf32>
        %gt3A_526 = arith.cmpf ogt, %select_n3A, %gt3A_525 : vector<16xf32>
        %jit3A = arith.constant 1.000000e+02 : f32
        %broadcast_in_dim3A_527 = vector.broadcast %jit3A : f32 to vector<16xf32>
        %select_n3A_528 = arith.select %gt3A_526, %add3A_523, %broadcast_in_dim3A_527 : vector<16xi1>, vector<16xf32>
        %mul3A_529 = arith.mulf %get3A_484, %get3A_490 : vector<16xf32>
        %mul3A_530 = arith.mulf %select_n3A_528, %mul3A_529 : vector<16xf32>
        %add3A_531 = arith.addf %scan3A_466, %mul3A_530 : vector<16xf32>
        %mul3A_532 = arith.mulf %select_n3A_528, %get3A_490 : vector<16xf32>
        %add3A_533 = arith.addf %scan3A_467, %mul3A_532 : vector<16xf32>
        %add3A_534 = arith.addf %scan3A_468, %mul3A_529 : vector<16xf32>
        %add3A_535 = arith.addf %scan3A_469, %get3A_490 : vector<16xf32>
        %mul3A_536 = arith.constant 64 : i32
        %mul3A_537 = arith.muli %scan3A_465, %mul3A_536 : i32
        %add3A_538 = arith.constant 16 : i32
        %add3A_539 = arith.addi %mul3A_537, %add3A_538 : i32
        %get3A_540 = arith.constant 1 : i32
        %get3A_541 = arith.index_cast %get3A_540 : i32 to index
        %get3A_542 = arith.index_cast %scan3A_454 : i32 to index
        %get3A_543 = arith.index_cast %add3A_539 : i32 to index
        %get3A_544 = tpu.vector_load %arg6[%get3A_541, %get3A_542, %get3A_543] {strides = array<i32>} : memref<2x16x512xf32, #tpu.memory_space<vmem>>, vector<1x1x16xf32>,
        %get3A_545 = vector.shape_cast %get3A_544 : vector<1x1x16xf32> to vector<16xf32>
        %get3A_546 = arith.constant 1 : i32
        %get3A_547 = arith.index_cast %get3A_546 : i32 to index
        %get3A_548 = arith.index_cast %scan3A_454 : i32 to index
        %get3A_549 = arith.index_cast %add3A_539 : i32 to index
        %get3A_550 = tpu.vector_load %arg7[%get3A_547, %get3A_548, %get3A_549] {strides = array<i32>} : memref<2x16x512xf32, #tpu.memory_space<vmem>>, vector<1x1x16xf32>,
        %get3A_551 = vector.shape_cast %get3A_550 : vector<1x1x16xf32> to vector<16xf32>
        %get3A_552 = arith.constant 1 : i32
        %get3A_553 = arith.index_cast %get3A_552 : i32 to index
        %get3A_554 = arith.index_cast %scan3A_454 : i32 to index
        %get3A_555 = arith.index_cast %add3A_539 : i32 to index
        %get3A_556 = tpu.vector_load %arg8[%get3A_553, %get3A_554, %get3A_555] {strides = array<i32>} : memref<2x16x512xf32, #tpu.memory_space<vmem>>, vector<1x1x16xf32>,
        %get3A_557 = vector.shape_cast %get3A_556 : vector<1x1x16xf32> to vector<16xf32>
        %gt3A_558 = arith.constant 5.000000e-01 : f32
        %gt3A_559 = vector.broadcast %gt3A_558 : f32 to vector<16xf32>
        %gt3A_560 = arith.cmpf ogt, %get3A_551, %gt3A_559 : vector<16xf32>
        %sub3A_561 = arith.constant 1.000000e+00 : f32
        %sub3A_562 = vector.broadcast %sub3A_561 : f32 to vector<16xf32>
        %sub3A_563 = arith.subf %sub3A_562, %get3A_545 : vector<16xf32>
        %select_n3A_564 = arith.select %gt3A_560, %get3A_545, %sub3A_563 : vector<16xi1>, vector<16xf32>
        %bitcast_convert_type3A_565 = tpu.bitcast %select_n3A_564 : vector<16xf32> -> vector<16xi32>
        %shift_right_arithmetic3A_566 = arith.constant 23 : i32
        %shift_right_arithmetic3A_567 = vector.broadcast %shift_right_arithmetic3A_566 : i32 to vector<16xi32>
        %shift_right_arithmetic3A_568 = arith.shrsi %bitcast_convert_type3A_565, %shift_right_arithmetic3A_567 : vector<16xi32>
        %convert_element_type3A_569 = arith.sitofp %shift_right_arithmetic3A_568 : vector<16xi32> to vector<16xf32>
        %and3A_570 = arith.constant 8388607 : i32
        %and3A_571 = vector.broadcast %and3A_570 : i32 to vector<16xi32>
        %and3A_572 = arith.andi %bitcast_convert_type3A_565, %and3A_571 : vector<16xi32>
        %or3A_573 = arith.constant 1065353216 : i32
        %or3A_574 = vector.broadcast %or3A_573 : i32 to vector<16xi32>
        %or3A_575 = arith.ori %and3A_572, %or3A_574 : vector<16xi32>
        %bitcast_convert_type3A_576 = tpu.bitcast %or3A_575 : vector<16xi32> -> vector<16xf32>
        %mul3A_577 = arith.constant 0.0554593131 : f32
        %mul3A_578 = vector.broadcast %mul3A_577 : f32 to vector<16xf32>
        %mul3A_579 = arith.mulf %bitcast_convert_type3A_576, %mul3A_578 : vector<16xf32>
        %add3A_580 = arith.constant -0.440502733 : f32
        %add3A_581 = vector.broadcast %add3A_580 : f32 to vector<16xf32>
        %add3A_582 = arith.addf %add3A_581, %mul3A_579 : vector<16xf32>
        %mul3A_583 = arith.mulf %bitcast_convert_type3A_576, %add3A_582 : vector<16xf32>
        %add3A_584 = arith.constant 1.45519483 : f32
        %add3A_585 = vector.broadcast %add3A_584 : f32 to vector<16xf32>
        %add3A_586 = arith.addf %add3A_585, %mul3A_583 : vector<16xf32>
        %mul3A_587 = arith.mulf %bitcast_convert_type3A_576, %add3A_586 : vector<16xf32>
        %add3A_588 = arith.constant -2.80698061 : f32
        %add3A_589 = vector.broadcast %add3A_588 : f32 to vector<16xf32>
        %add3A_590 = arith.addf %add3A_589, %mul3A_587 : vector<16xf32>
        %mul3A_591 = arith.mulf %bitcast_convert_type3A_576, %add3A_590 : vector<16xf32>
        %add3A_592 = arith.constant 89.7664489 : f32
        %add3A_593 = vector.broadcast %add3A_592 : f32 to vector<16xf32>
        %add3A_594 = arith.addf %add3A_593, %mul3A_591 : vector<16xf32>
        %mul3A_595 = arith.constant -0.693147182 : f32
        %mul3A_596 = vector.broadcast %mul3A_595 : f32 to vector<16xf32>
        %mul3A_597 = arith.mulf %convert_element_type3A_569, %mul3A_596 : vector<16xf32>
        %add3A_598 = arith.addf %mul3A_597, %add3A_594 : vector<16xf32>
        %gt3A_599 = arith.constant 0.000000e+00 : f32
        %gt3A_600 = vector.broadcast %gt3A_599 : f32 to vector<16xf32>
        %gt3A_601 = arith.cmpf ogt, %select_n3A_564, %gt3A_600 : vector<16xf32>
        %jit3A_602 = arith.constant 1.000000e+02 : f32
        %broadcast_in_dim3A_603 = vector.broadcast %jit3A_602 : f32 to vector<16xf32>
        %select_n3A_604 = arith.select %gt3A_601, %add3A_598, %broadcast_in_dim3A_603 : vector<16xi1>, vector<16xf32>
        %mul3A_605 = arith.mulf %get3A_551, %get3A_557 : vector<16xf32>
        %mul3A_606 = arith.mulf %select_n3A_604, %mul3A_605 : vector<16xf32>
        %add3A_607 = arith.addf %add3A_531, %mul3A_606 : vector<16xf32>
        %mul3A_608 = arith.mulf %select_n3A_604, %get3A_557 : vector<16xf32>
        %add3A_609 = arith.addf %add3A_533, %mul3A_608 : vector<16xf32>
        %add3A_610 = arith.addf %add3A_534, %mul3A_605 : vector<16xf32>
        %add3A_611 = arith.addf %add3A_535, %get3A_557 : vector<16xf32>
        %mul3A_612 = arith.constant 64 : i32
        %mul3A_613 = arith.muli %scan3A_465, %mul3A_612 : i32
        %add3A_614 = arith.constant 32 : i32
        %add3A_615 = arith.addi %mul3A_613, %add3A_614 : i32
        %get3A_616 = arith.constant 1 : i32
        %get3A_617 = arith.index_cast %get3A_616 : i32 to index
        %get3A_618 = arith.index_cast %scan3A_454 : i32 to index
        %get3A_619 = arith.index_cast %add3A_615 : i32 to index
        %get3A_620 = tpu.vector_load %arg6[%get3A_617, %get3A_618, %get3A_619] {strides = array<i32>} : memref<2x16x512xf32, #tpu.memory_space<vmem>>, vector<1x1x16xf32>,
        %get3A_621 = vector.shape_cast %get3A_620 : vector<1x1x16xf32> to vector<16xf32>
        %get3A_622 = arith.constant 1 : i32
        %get3A_623 = arith.index_cast %get3A_622 : i32 to index
        %get3A_624 = arith.index_cast %scan3A_454 : i32 to index
        %get3A_625 = arith.index_cast %add3A_615 : i32 to index
        %get3A_626 = tpu.vector_load %arg7[%get3A_623, %get3A_624, %get3A_625] {strides = array<i32>} : memref<2x16x512xf32, #tpu.memory_space<vmem>>, vector<1x1x16xf32>,
        %get3A_627 = vector.shape_cast %get3A_626 : vector<1x1x16xf32> to vector<16xf32>
        %get3A_628 = arith.constant 1 : i32
        %get3A_629 = arith.index_cast %get3A_628 : i32 to index
        %get3A_630 = arith.index_cast %scan3A_454 : i32 to index
        %get3A_631 = arith.index_cast %add3A_615 : i32 to index
        %get3A_632 = tpu.vector_load %arg8[%get3A_629, %get3A_630, %get3A_631] {strides = array<i32>} : memref<2x16x512xf32, #tpu.memory_space<vmem>>, vector<1x1x16xf32>,
        %get3A_633 = vector.shape_cast %get3A_632 : vector<1x1x16xf32> to vector<16xf32>
        %gt3A_634 = arith.constant 5.000000e-01 : f32
        %gt3A_635 = vector.broadcast %gt3A_634 : f32 to vector<16xf32>
        %gt3A_636 = arith.cmpf ogt, %get3A_627, %gt3A_635 : vector<16xf32>
        %sub3A_637 = arith.constant 1.000000e+00 : f32
        %sub3A_638 = vector.broadcast %sub3A_637 : f32 to vector<16xf32>
        %sub3A_639 = arith.subf %sub3A_638, %get3A_621 : vector<16xf32>
        %select_n3A_640 = arith.select %gt3A_636, %get3A_621, %sub3A_639 : vector<16xi1>, vector<16xf32>
        %bitcast_convert_type3A_641 = tpu.bitcast %select_n3A_640 : vector<16xf32> -> vector<16xi32>
        %shift_right_arithmetic3A_642 = arith.constant 23 : i32
        %shift_right_arithmetic3A_643 = vector.broadcast %shift_right_arithmetic3A_642 : i32 to vector<16xi32>
        %shift_right_arithmetic3A_644 = arith.shrsi %bitcast_convert_type3A_641, %shift_right_arithmetic3A_643 : vector<16xi32>
        %convert_element_type3A_645 = arith.sitofp %shift_right_arithmetic3A_644 : vector<16xi32> to vector<16xf32>
        %and3A_646 = arith.constant 8388607 : i32
        %and3A_647 = vector.broadcast %and3A_646 : i32 to vector<16xi32>
        %and3A_648 = arith.andi %bitcast_convert_type3A_641, %and3A_647 : vector<16xi32>
        %or3A_649 = arith.constant 1065353216 : i32
        %or3A_650 = vector.broadcast %or3A_649 : i32 to vector<16xi32>
        %or3A_651 = arith.ori %and3A_648, %or3A_650 : vector<16xi32>
        %bitcast_convert_type3A_652 = tpu.bitcast %or3A_651 : vector<16xi32> -> vector<16xf32>
        %mul3A_653 = arith.constant 0.0554593131 : f32
        %mul3A_654 = vector.broadcast %mul3A_653 : f32 to vector<16xf32>
        %mul3A_655 = arith.mulf %bitcast_convert_type3A_652, %mul3A_654 : vector<16xf32>
        %add3A_656 = arith.constant -0.440502733 : f32
        %add3A_657 = vector.broadcast %add3A_656 : f32 to vector<16xf32>
        %add3A_658 = arith.addf %add3A_657, %mul3A_655 : vector<16xf32>
        %mul3A_659 = arith.mulf %bitcast_convert_type3A_652, %add3A_658 : vector<16xf32>
        %add3A_660 = arith.constant 1.45519483 : f32
        %add3A_661 = vector.broadcast %add3A_660 : f32 to vector<16xf32>
        %add3A_662 = arith.addf %add3A_661, %mul3A_659 : vector<16xf32>
        %mul3A_663 = arith.mulf %bitcast_convert_type3A_652, %add3A_662 : vector<16xf32>
        %add3A_664 = arith.constant -2.80698061 : f32
        %add3A_665 = vector.broadcast %add3A_664 : f32 to vector<16xf32>
        %add3A_666 = arith.addf %add3A_665, %mul3A_663 : vector<16xf32>
        %mul3A_667 = arith.mulf %bitcast_convert_type3A_652, %add3A_666 : vector<16xf32>
        %add3A_668 = arith.constant 89.7664489 : f32
        %add3A_669 = vector.broadcast %add3A_668 : f32 to vector<16xf32>
        %add3A_670 = arith.addf %add3A_669, %mul3A_667 : vector<16xf32>
        %mul3A_671 = arith.constant -0.693147182 : f32
        %mul3A_672 = vector.broadcast %mul3A_671 : f32 to vector<16xf32>
        %mul3A_673 = arith.mulf %convert_element_type3A_645, %mul3A_672 : vector<16xf32>
        %add3A_674 = arith.addf %mul3A_673, %add3A_670 : vector<16xf32>
        %gt3A_675 = arith.constant 0.000000e+00 : f32
        %gt3A_676 = vector.broadcast %gt3A_675 : f32 to vector<16xf32>
        %gt3A_677 = arith.cmpf ogt, %select_n3A_640, %gt3A_676 : vector<16xf32>
        %jit3A_678 = arith.constant 1.000000e+02 : f32
        %broadcast_in_dim3A_679 = vector.broadcast %jit3A_678 : f32 to vector<16xf32>
        %select_n3A_680 = arith.select %gt3A_677, %add3A_674, %broadcast_in_dim3A_679 : vector<16xi1>, vector<16xf32>
        %mul3A_681 = arith.mulf %get3A_627, %get3A_633 : vector<16xf32>
        %mul3A_682 = arith.mulf %select_n3A_680, %mul3A_681 : vector<16xf32>
        %add3A_683 = arith.addf %add3A_607, %mul3A_682 : vector<16xf32>
        %mul3A_684 = arith.mulf %select_n3A_680, %get3A_633 : vector<16xf32>
        %add3A_685 = arith.addf %add3A_609, %mul3A_684 : vector<16xf32>
        %add3A_686 = arith.addf %add3A_610, %mul3A_681 : vector<16xf32>
        %add3A_687 = arith.addf %add3A_611, %get3A_633 : vector<16xf32>
        %mul3A_688 = arith.constant 64 : i32
        %mul3A_689 = arith.muli %scan3A_465, %mul3A_688 : i32
        %add3A_690 = arith.constant 48 : i32
        %add3A_691 = arith.addi %mul3A_689, %add3A_690 : i32
        %get3A_692 = arith.constant 1 : i32
        %get3A_693 = arith.index_cast %get3A_692 : i32 to index
        %get3A_694 = arith.index_cast %scan3A_454 : i32 to index
        %get3A_695 = arith.index_cast %add3A_691 : i32 to index
        %get3A_696 = tpu.vector_load %arg6[%get3A_693, %get3A_694, %get3A_695] {strides = array<i32>} : memref<2x16x512xf32, #tpu.memory_space<vmem>>, vector<1x1x16xf32>,
        %get3A_697 = vector.shape_cast %get3A_696 : vector<1x1x16xf32> to vector<16xf32>
        %get3A_698 = arith.constant 1 : i32
        %get3A_699 = arith.index_cast %get3A_698 : i32 to index
        %get3A_700 = arith.index_cast %scan3A_454 : i32 to index
        %get3A_701 = arith.index_cast %add3A_691 : i32 to index
        %get3A_702 = tpu.vector_load %arg7[%get3A_699, %get3A_700, %get3A_701] {strides = array<i32>} : memref<2x16x512xf32, #tpu.memory_space<vmem>>, vector<1x1x16xf32>,
        %get3A_703 = vector.shape_cast %get3A_702 : vector<1x1x16xf32> to vector<16xf32>
        %get3A_704 = arith.constant 1 : i32
        %get3A_705 = arith.index_cast %get3A_704 : i32 to index
        %get3A_706 = arith.index_cast %scan3A_454 : i32 to index
        %get3A_707 = arith.index_cast %add3A_691 : i32 to index
        %get3A_708 = tpu.vector_load %arg8[%get3A_705, %get3A_706, %get3A_707] {strides = array<i32>} : memref<2x16x512xf32, #tpu.memory_space<vmem>>, vector<1x1x16xf32>,
        %get3A_709 = vector.shape_cast %get3A_708 : vector<1x1x16xf32> to vector<16xf32>
        %gt3A_710 = arith.constant 5.000000e-01 : f32
        %gt3A_711 = vector.broadcast %gt3A_710 : f32 to vector<16xf32>
        %gt3A_712 = arith.cmpf ogt, %get3A_703, %gt3A_711 : vector<16xf32>
        %sub3A_713 = arith.constant 1.000000e+00 : f32
        %sub3A_714 = vector.broadcast %sub3A_713 : f32 to vector<16xf32>
        %sub3A_715 = arith.subf %sub3A_714, %get3A_697 : vector<16xf32>
        %select_n3A_716 = arith.select %gt3A_712, %get3A_697, %sub3A_715 : vector<16xi1>, vector<16xf32>
        %bitcast_convert_type3A_717 = tpu.bitcast %select_n3A_716 : vector<16xf32> -> vector<16xi32>
        %shift_right_arithmetic3A_718 = arith.constant 23 : i32
        %shift_right_arithmetic3A_719 = vector.broadcast %shift_right_arithmetic3A_718 : i32 to vector<16xi32>
        %shift_right_arithmetic3A_720 = arith.shrsi %bitcast_convert_type3A_717, %shift_right_arithmetic3A_719 : vector<16xi32>
        %convert_element_type3A_721 = arith.sitofp %shift_right_arithmetic3A_720 : vector<16xi32> to vector<16xf32>
        %and3A_722 = arith.constant 8388607 : i32
        %and3A_723 = vector.broadcast %and3A_722 : i32 to vector<16xi32>
        %and3A_724 = arith.andi %bitcast_convert_type3A_717, %and3A_723 : vector<16xi32>
        %or3A_725 = arith.constant 1065353216 : i32
        %or3A_726 = vector.broadcast %or3A_725 : i32 to vector<16xi32>
        %or3A_727 = arith.ori %and3A_724, %or3A_726 : vector<16xi32>
        %bitcast_convert_type3A_728 = tpu.bitcast %or3A_727 : vector<16xi32> -> vector<16xf32>
        %mul3A_729 = arith.constant 0.0554593131 : f32
        %mul3A_730 = vector.broadcast %mul3A_729 : f32 to vector<16xf32>
        %mul3A_731 = arith.mulf %bitcast_convert_type3A_728, %mul3A_730 : vector<16xf32>
        %add3A_732 = arith.constant -0.440502733 : f32
        %add3A_733 = vector.broadcast %add3A_732 : f32 to vector<16xf32>
        %add3A_734 = arith.addf %add3A_733, %mul3A_731 : vector<16xf32>
        %mul3A_735 = arith.mulf %bitcast_convert_type3A_728, %add3A_734 : vector<16xf32>
        %add3A_736 = arith.constant 1.45519483 : f32
        %add3A_737 = vector.broadcast %add3A_736 : f32 to vector<16xf32>
        %add3A_738 = arith.addf %add3A_737, %mul3A_735 : vector<16xf32>
        %mul3A_739 = arith.mulf %bitcast_convert_type3A_728, %add3A_738 : vector<16xf32>
        %add3A_740 = arith.constant -2.80698061 : f32
        %add3A_741 = vector.broadcast %add3A_740 : f32 to vector<16xf32>
        %add3A_742 = arith.addf %add3A_741, %mul3A_739 : vector<16xf32>
        %mul3A_743 = arith.mulf %bitcast_convert_type3A_728, %add3A_742 : vector<16xf32>
        %add3A_744 = arith.constant 89.7664489 : f32
        %add3A_745 = vector.broadcast %add3A_744 : f32 to vector<16xf32>
        %add3A_746 = arith.addf %add3A_745, %mul3A_743 : vector<16xf32>
        %mul3A_747 = arith.constant -0.693147182 : f32
        %mul3A_748 = vector.broadcast %mul3A_747 : f32 to vector<16xf32>
        %mul3A_749 = arith.mulf %convert_element_type3A_721, %mul3A_748 : vector<16xf32>
        %add3A_750 = arith.addf %mul3A_749, %add3A_746 : vector<16xf32>
        %gt3A_751 = arith.constant 0.000000e+00 : f32
        %gt3A_752 = vector.broadcast %gt3A_751 : f32 to vector<16xf32>
        %gt3A_753 = arith.cmpf ogt, %select_n3A_716, %gt3A_752 : vector<16xf32>
        %jit3A_754 = arith.constant 1.000000e+02 : f32
        %broadcast_in_dim3A_755 = vector.broadcast %jit3A_754 : f32 to vector<16xf32>
        %select_n3A_756 = arith.select %gt3A_753, %add3A_750, %broadcast_in_dim3A_755 : vector<16xi1>, vector<16xf32>
        %mul3A_757 = arith.mulf %get3A_703, %get3A_709 : vector<16xf32>
        %mul3A_758 = arith.mulf %select_n3A_756, %mul3A_757 : vector<16xf32>
        %add3A_759 = arith.addf %add3A_683, %mul3A_758 : vector<16xf32>
        %mul3A_760 = arith.mulf %select_n3A_756, %get3A_709 : vector<16xf32>
        %add3A_761 = arith.addf %add3A_685, %mul3A_760 : vector<16xf32>
        %add3A_762 = arith.addf %add3A_686, %mul3A_757 : vector<16xf32>
        %add3A_763 = arith.addf %add3A_687, %get3A_709 : vector<16xf32>
        scf.yield %add3A_759, %add3A_761, %add3A_762, %add3A_763 : vector<16xf32>, vector<16xf32>, vector<16xf32>, vector<16xf32>
      }
      %scan3A_464 = arith.constant 8 : i32
      scf.yield %scan3A_463#0, %scan3A_463#1, %scan3A_463#2, %scan3A_463#3 : vector<16xf32>, vector<16xf32>, vector<16xf32>, vector<16xf32>
    }
    %scan3A_385 = arith.constant 16 : i32
    %dma_wait3A_386 = arith.constant 0 : i32
    %dma_wait3A_387 = arith.constant 0 : i32
    %dma_wait3A_388 = arith.constant 0 : i32
    %dma_wait3A_389 = tpu.memref_slice %arg6[%dma_wait3A_386, %dma_wait3A_387, %dma_wait3A_388] : memref<2x16x512xf32, #tpu.memory_space<vmem>> -> memref<1x16x512xf32, #tpu.memory_space<vmem>>
    %dma_wait3A_390 = tpu.memref_squeeze %dma_wait3A_389 : memref<1x16x512xf32, #tpu.memory_space<vmem>> -> memref<16x512xf32, #tpu.memory_space<vmem>>
    %dma_wait3A_391 = arith.constant 0 : i32
    %dma_wait3A_392 = tpu.memref_slice %arg2[%add3A_301, %dma_wait3A_391] : memref<8192x512xf32, #tpu.memory_space<hbm>> -> memref<16x512xf32, #tpu.memory_space<hbm>>
    %dma_wait3A_393 = arith.constant 0 : i32
    %dma_wait3A_394 = arith.constant 0 : i32
    %dma_wait3A_395 = tpu.memref_slice %arg6[%dma_wait3A_386, %dma_wait3A_393, %dma_wait3A_394] : memref<2x16x512xf32, #tpu.memory_space<vmem>> -> memref<1x16x512xf32, #tpu.memory_space<vmem>>
    %dma_wait3A_396 = tpu.memref_squeeze %dma_wait3A_395 : memref<1x16x512xf32, #tpu.memory_space<vmem>> -> memref<16x512xf32, #tpu.memory_space<vmem>>
    %dma_wait3A_397 = arith.constant 0 : i32
    %dma_wait3A_398 = tpu.memref_slice %arg2[%add3A_301, %dma_wait3A_397] : memref<8192x512xf32, #tpu.memory_space<hbm>> -> memref<16x512xf32, #tpu.memory_space<hbm>>
    tpu.wait_dma2 semaphore(%arg10 : memref<!tpu.dma_semaphore, #tpu.memory_space<semaphore_mem>>) src(%dma_wait3A_398 : memref<16x512xf32, #tpu.memory_space<hbm>>) dst(%dma_wait3A_396 : memref<16x512xf32, #tpu.memory_space<vmem>>)
    %dma_wait3A_399 = arith.constant 0 : i32
    %dma_wait3A_400 = arith.constant 0 : i32
    %dma_wait3A_401 = arith.constant 0 : i32
    %dma_wait3A_402 = tpu.memref_slice %arg7[%dma_wait3A_399, %dma_wait3A_400, %dma_wait3A_401] : memref<2x16x512xf32, #tpu.memory_space<vmem>> -> memref<1x16x512xf32, #tpu.memory_space<vmem>>
    %dma_wait3A_403 = tpu.memref_squeeze %dma_wait3A_402 : memref<1x16x512xf32, #tpu.memory_space<vmem>> -> memref<16x512xf32, #tpu.memory_space<vmem>>
    %dma_wait3A_404 = arith.constant 0 : i32
    %dma_wait3A_405 = tpu.memref_slice %arg3[%add3A_301, %dma_wait3A_404] : memref<8192x512xf32, #tpu.memory_space<hbm>> -> memref<16x512xf32, #tpu.memory_space<hbm>>
    %dma_wait3A_406 = arith.constant 0 : i32
    %dma_wait3A_407 = arith.constant 0 : i32
    %dma_wait3A_408 = tpu.memref_slice %arg7[%dma_wait3A_399, %dma_wait3A_406, %dma_wait3A_407] : memref<2x16x512xf32, #tpu.memory_space<vmem>> -> memref<1x16x512xf32, #tpu.memory_space<vmem>>
    %dma_wait3A_409 = tpu.memref_squeeze %dma_wait3A_408 : memref<1x16x512xf32, #tpu.memory_space<vmem>> -> memref<16x512xf32, #tpu.memory_space<vmem>>
    %dma_wait3A_410 = arith.constant 0 : i32
    %dma_wait3A_411 = tpu.memref_slice %arg3[%add3A_301, %dma_wait3A_410] : memref<8192x512xf32, #tpu.memory_space<hbm>> -> memref<16x512xf32, #tpu.memory_space<hbm>>
    tpu.wait_dma2 semaphore(%arg10 : memref<!tpu.dma_semaphore, #tpu.memory_space<semaphore_mem>>) src(%dma_wait3A_411 : memref<16x512xf32, #tpu.memory_space<hbm>>) dst(%dma_wait3A_409 : memref<16x512xf32, #tpu.memory_space<vmem>>)
    %dma_wait3A_412 = arith.constant 0 : i32
    %dma_wait3A_413 = arith.constant 0 : i32
    %dma_wait3A_414 = arith.constant 0 : i32
    %dma_wait3A_415 = tpu.memref_slice %arg8[%dma_wait3A_412, %dma_wait3A_413, %dma_wait3A_414] : memref<2x16x512xf32, #tpu.memory_space<vmem>> -> memref<1x16x512xf32, #tpu.memory_space<vmem>>
    %dma_wait3A_416 = tpu.memref_squeeze %dma_wait3A_415 : memref<1x16x512xf32, #tpu.memory_space<vmem>> -> memref<16x512xf32, #tpu.memory_space<vmem>>
    %dma_wait3A_417 = arith.constant 0 : i32
    %dma_wait3A_418 = tpu.memref_slice %arg4[%add3A_301, %dma_wait3A_417] : memref<8192x512xf32, #tpu.memory_space<hbm>> -> memref<16x512xf32, #tpu.memory_space<hbm>>
    %dma_wait3A_419 = arith.constant 0 : i32
    %dma_wait3A_420 = arith.constant 0 : i32
    %dma_wait3A_421 = tpu.memref_slice %arg8[%dma_wait3A_412, %dma_wait3A_419, %dma_wait3A_420] : memref<2x16x512xf32, #tpu.memory_space<vmem>> -> memref<1x16x512xf32, #tpu.memory_space<vmem>>
    %dma_wait3A_422 = tpu.memref_squeeze %dma_wait3A_421 : memref<1x16x512xf32, #tpu.memory_space<vmem>> -> memref<16x512xf32, #tpu.memory_space<vmem>>
    %dma_wait3A_423 = arith.constant 0 : i32
    %dma_wait3A_424 = tpu.memref_slice %arg4[%add3A_301, %dma_wait3A_423] : memref<8192x512xf32, #tpu.memory_space<hbm>> -> memref<16x512xf32, #tpu.memory_space<hbm>>
    tpu.wait_dma2 semaphore(%arg10 : memref<!tpu.dma_semaphore, #tpu.memory_space<semaphore_mem>>) src(%dma_wait3A_424 : memref<16x512xf32, #tpu.memory_space<hbm>>) dst(%dma_wait3A_422 : memref<16x512xf32, #tpu.memory_space<vmem>>)
    %scan3A_425 = arith.constant 0 : i32
    %scan3A_426 = arith.constant 16 : i32
    %scan3A_427 = arith.addi %scan3A_425, %scan3A_426 : i32
    %scan3A_428 = arith.constant 1 : i32
    %scan3A_429:4 = scf.for %scan3A_454 = %scan3A_425 to %scan3A_427 step %scan3A_428 iter_args(%scan3A_455 = %scan3A_384#0, %scan3A_456 = %scan3A_384#1, %scan3A_457 = %scan3A_384#2, %scan3A_458 = %scan3A_384#3) -> (vector<16xf32>, vector<16xf32>, vector<16xf32>, vector<16xf32>)  : i32 {
      %scan3A_459 = arith.constant 0 : i32
      %scan3A_460 = arith.constant 8 : i32
      %scan3A_461 = arith.addi %scan3A_459, %scan3A_460 : i32
      %scan3A_462 = arith.constant 1 : i32
      %scan3A_463:4 = scf.for %scan3A_465 = %scan3A_459 to %scan3A_461 step %scan3A_462 iter_args(%scan3A_466 = %scan3A_455, %scan3A_467 = %scan3A_456, %scan3A_468 = %scan3A_457, %scan3A_469 = %scan3A_458) -> (vector<16xf32>, vector<16xf32>, vector<16xf32>, vector<16xf32>)  : i32 {
        %mul3A_470 = arith.constant 64 : i32
        %mul3A_471 = arith.muli %scan3A_465, %mul3A_470 : i32
        %add3A_472 = arith.constant 0 : i32
        %add3A_473 = arith.addi %mul3A_471, %add3A_472 : i32
        %get3A = arith.constant 0 : i32
        %get3A_474 = arith.index_cast %get3A : i32 to index
        %get3A_475 = arith.index_cast %scan3A_454 : i32 to index
        %get3A_476 = arith.index_cast %add3A_473 : i32 to index
        %get3A_477 = tpu.vector_load %arg6[%get3A_474, %get3A_475, %get3A_476] {strides = array<i32>} : memref<2x16x512xf32, #tpu.memory_space<vmem>>, vector<1x1x16xf32>,
        %get3A_478 = vector.shape_cast %get3A_477 : vector<1x1x16xf32> to vector<16xf32>
        %get3A_479 = arith.constant 0 : i32
        %get3A_480 = arith.index_cast %get3A_479 : i32 to index
        %get3A_481 = arith.index_cast %scan3A_454 : i32 to index
        %get3A_482 = arith.index_cast %add3A_473 : i32 to index
        %get3A_483 = tpu.vector_load %arg7[%get3A_480, %get3A_481, %get3A_482] {strides = array<i32>} : memref<2x16x512xf32, #tpu.memory_space<vmem>>, vector<1x1x16xf32>,
        %get3A_484 = vector.shape_cast %get3A_483 : vector<1x1x16xf32> to vector<16xf32>
        %get3A_485 = arith.constant 0 : i32
        %get3A_486 = arith.index_cast %get3A_485 : i32 to index
        %get3A_487 = arith.index_cast %scan3A_454 : i32 to index
        %get3A_488 = arith.index_cast %add3A_473 : i32 to index
        %get3A_489 = tpu.vector_load %arg8[%get3A_486, %get3A_487, %get3A_488] {strides = array<i32>} : memref<2x16x512xf32, #tpu.memory_space<vmem>>, vector<1x1x16xf32>,
        %get3A_490 = vector.shape_cast %get3A_489 : vector<1x1x16xf32> to vector<16xf32>
        %gt3A = arith.constant 5.000000e-01 : f32
        %gt3A_491 = vector.broadcast %gt3A : f32 to vector<16xf32>
        %gt3A_492 = arith.cmpf ogt, %get3A_484, %gt3A_491 : vector<16xf32>
        %sub3A = arith.constant 1.000000e+00 : f32
        %sub3A_493 = vector.broadcast %sub3A : f32 to vector<16xf32>
        %sub3A_494 = arith.subf %sub3A_493, %get3A_478 : vector<16xf32>
        %select_n3A = arith.select %gt3A_492, %get3A_478, %sub3A_494 : vector<16xi1>, vector<16xf32>
        %bitcast_convert_type3A = tpu.bitcast %select_n3A : vector<16xf32> -> vector<16xi32>
        %shift_right_arithmetic3A = arith.constant 23 : i32
        %shift_right_arithmetic3A_495 = vector.broadcast %shift_right_arithmetic3A : i32 to vector<16xi32>
        %shift_right_arithmetic3A_496 = arith.shrsi %bitcast_convert_type3A, %shift_right_arithmetic3A_495 : vector<16xi32>
        %convert_element_type3A = arith.sitofp %shift_right_arithmetic3A_496 : vector<16xi32> to vector<16xf32>
        %and3A = arith.constant 8388607 : i32
        %and3A_497 = vector.broadcast %and3A : i32 to vector<16xi32>
        %and3A_498 = arith.andi %bitcast_convert_type3A, %and3A_497 : vector<16xi32>
        %or3A = arith.constant 1065353216 : i32
        %or3A_499 = vector.broadcast %or3A : i32 to vector<16xi32>
        %or3A_500 = arith.ori %and3A_498, %or3A_499 : vector<16xi32>
        %bitcast_convert_type3A_501 = tpu.bitcast %or3A_500 : vector<16xi32> -> vector<16xf32>
        %mul3A_502 = arith.constant 0.0554593131 : f32
        %mul3A_503 = vector.broadcast %mul3A_502 : f32 to vector<16xf32>
        %mul3A_504 = arith.mulf %bitcast_convert_type3A_501, %mul3A_503 : vector<16xf32>
        %add3A_505 = arith.constant -0.440502733 : f32
        %add3A_506 = vector.broadcast %add3A_505 : f32 to vector<16xf32>
        %add3A_507 = arith.addf %add3A_506, %mul3A_504 : vector<16xf32>
        %mul3A_508 = arith.mulf %bitcast_convert_type3A_501, %add3A_507 : vector<16xf32>
        %add3A_509 = arith.constant 1.45519483 : f32
        %add3A_510 = vector.broadcast %add3A_509 : f32 to vector<16xf32>
        %add3A_511 = arith.addf %add3A_510, %mul3A_508 : vector<16xf32>
        %mul3A_512 = arith.mulf %bitcast_convert_type3A_501, %add3A_511 : vector<16xf32>
        %add3A_513 = arith.constant -2.80698061 : f32
        %add3A_514 = vector.broadcast %add3A_513 : f32 to vector<16xf32>
        %add3A_515 = arith.addf %add3A_514, %mul3A_512 : vector<16xf32>
        %mul3A_516 = arith.mulf %bitcast_convert_type3A_501, %add3A_515 : vector<16xf32>
        %add3A_517 = arith.constant 89.7664489 : f32
        %add3A_518 = vector.broadcast %add3A_517 : f32 to vector<16xf32>
        %add3A_519 = arith.addf %add3A_518, %mul3A_516 : vector<16xf32>
        %mul3A_520 = arith.constant -0.693147182 : f32
        %mul3A_521 = vector.broadcast %mul3A_520 : f32 to vector<16xf32>
        %mul3A_522 = arith.mulf %convert_element_type3A, %mul3A_521 : vector<16xf32>
        %add3A_523 = arith.addf %mul3A_522, %add3A_519 : vector<16xf32>
        %gt3A_524 = arith.constant 0.000000e+00 : f32
        %gt3A_525 = vector.broadcast %gt3A_524 : f32 to vector<16xf32>
        %gt3A_526 = arith.cmpf ogt, %select_n3A, %gt3A_525 : vector<16xf32>
        %jit3A = arith.constant 1.000000e+02 : f32
        %broadcast_in_dim3A_527 = vector.broadcast %jit3A : f32 to vector<16xf32>
        %select_n3A_528 = arith.select %gt3A_526, %add3A_523, %broadcast_in_dim3A_527 : vector<16xi1>, vector<16xf32>
        %mul3A_529 = arith.mulf %get3A_484, %get3A_490 : vector<16xf32>
        %mul3A_530 = arith.mulf %select_n3A_528, %mul3A_529 : vector<16xf32>
        %add3A_531 = arith.addf %scan3A_466, %mul3A_530 : vector<16xf32>
        %mul3A_532 = arith.mulf %select_n3A_528, %get3A_490 : vector<16xf32>
        %add3A_533 = arith.addf %scan3A_467, %mul3A_532 : vector<16xf32>
        %add3A_534 = arith.addf %scan3A_468, %mul3A_529 : vector<16xf32>
        %add3A_535 = arith.addf %scan3A_469, %get3A_490 : vector<16xf32>
        %mul3A_536 = arith.constant 64 : i32
        %mul3A_537 = arith.muli %scan3A_465, %mul3A_536 : i32
        %add3A_538 = arith.constant 16 : i32
        %add3A_539 = arith.addi %mul3A_537, %add3A_538 : i32
        %get3A_540 = arith.constant 0 : i32
        %get3A_541 = arith.index_cast %get3A_540 : i32 to index
        %get3A_542 = arith.index_cast %scan3A_454 : i32 to index
        %get3A_543 = arith.index_cast %add3A_539 : i32 to index
        %get3A_544 = tpu.vector_load %arg6[%get3A_541, %get3A_542, %get3A_543] {strides = array<i32>} : memref<2x16x512xf32, #tpu.memory_space<vmem>>, vector<1x1x16xf32>,
        %get3A_545 = vector.shape_cast %get3A_544 : vector<1x1x16xf32> to vector<16xf32>
        %get3A_546 = arith.constant 0 : i32
        %get3A_547 = arith.index_cast %get3A_546 : i32 to index
        %get3A_548 = arith.index_cast %scan3A_454 : i32 to index
        %get3A_549 = arith.index_cast %add3A_539 : i32 to index
        %get3A_550 = tpu.vector_load %arg7[%get3A_547, %get3A_548, %get3A_549] {strides = array<i32>} : memref<2x16x512xf32, #tpu.memory_space<vmem>>, vector<1x1x16xf32>,
        %get3A_551 = vector.shape_cast %get3A_550 : vector<1x1x16xf32> to vector<16xf32>
        %get3A_552 = arith.constant 0 : i32
        %get3A_553 = arith.index_cast %get3A_552 : i32 to index
        %get3A_554 = arith.index_cast %scan3A_454 : i32 to index
        %get3A_555 = arith.index_cast %add3A_539 : i32 to index
        %get3A_556 = tpu.vector_load %arg8[%get3A_553, %get3A_554, %get3A_555] {strides = array<i32>} : memref<2x16x512xf32, #tpu.memory_space<vmem>>, vector<1x1x16xf32>,
        %get3A_557 = vector.shape_cast %get3A_556 : vector<1x1x16xf32> to vector<16xf32>
        %gt3A_558 = arith.constant 5.000000e-01 : f32
        %gt3A_559 = vector.broadcast %gt3A_558 : f32 to vector<16xf32>
        %gt3A_560 = arith.cmpf ogt, %get3A_551, %gt3A_559 : vector<16xf32>
        %sub3A_561 = arith.constant 1.000000e+00 : f32
        %sub3A_562 = vector.broadcast %sub3A_561 : f32 to vector<16xf32>
        %sub3A_563 = arith.subf %sub3A_562, %get3A_545 : vector<16xf32>
        %select_n3A_564 = arith.select %gt3A_560, %get3A_545, %sub3A_563 : vector<16xi1>, vector<16xf32>
        %bitcast_convert_type3A_565 = tpu.bitcast %select_n3A_564 : vector<16xf32> -> vector<16xi32>
        %shift_right_arithmetic3A_566 = arith.constant 23 : i32
        %shift_right_arithmetic3A_567 = vector.broadcast %shift_right_arithmetic3A_566 : i32 to vector<16xi32>
        %shift_right_arithmetic3A_568 = arith.shrsi %bitcast_convert_type3A_565, %shift_right_arithmetic3A_567 : vector<16xi32>
        %convert_element_type3A_569 = arith.sitofp %shift_right_arithmetic3A_568 : vector<16xi32> to vector<16xf32>
        %and3A_570 = arith.constant 8388607 : i32
        %and3A_571 = vector.broadcast %and3A_570 : i32 to vector<16xi32>
        %and3A_572 = arith.andi %bitcast_convert_type3A_565, %and3A_571 : vector<16xi32>
        %or3A_573 = arith.constant 1065353216 : i32
        %or3A_574 = vector.broadcast %or3A_573 : i32 to vector<16xi32>
        %or3A_575 = arith.ori %and3A_572, %or3A_574 : vector<16xi32>
        %bitcast_convert_type3A_576 = tpu.bitcast %or3A_575 : vector<16xi32> -> vector<16xf32>
        %mul3A_577 = arith.constant 0.0554593131 : f32
        %mul3A_578 = vector.broadcast %mul3A_577 : f32 to vector<16xf32>
        %mul3A_579 = arith.mulf %bitcast_convert_type3A_576, %mul3A_578 : vector<16xf32>
        %add3A_580 = arith.constant -0.440502733 : f32
        %add3A_581 = vector.broadcast %add3A_580 : f32 to vector<16xf32>
        %add3A_582 = arith.addf %add3A_581, %mul3A_579 : vector<16xf32>
        %mul3A_583 = arith.mulf %bitcast_convert_type3A_576, %add3A_582 : vector<16xf32>
        %add3A_584 = arith.constant 1.45519483 : f32
        %add3A_585 = vector.broadcast %add3A_584 : f32 to vector<16xf32>
        %add3A_586 = arith.addf %add3A_585, %mul3A_583 : vector<16xf32>
        %mul3A_587 = arith.mulf %bitcast_convert_type3A_576, %add3A_586 : vector<16xf32>
        %add3A_588 = arith.constant -2.80698061 : f32
        %add3A_589 = vector.broadcast %add3A_588 : f32 to vector<16xf32>
        %add3A_590 = arith.addf %add3A_589, %mul3A_587 : vector<16xf32>
        %mul3A_591 = arith.mulf %bitcast_convert_type3A_576, %add3A_590 : vector<16xf32>
        %add3A_592 = arith.constant 89.7664489 : f32
        %add3A_593 = vector.broadcast %add3A_592 : f32 to vector<16xf32>
        %add3A_594 = arith.addf %add3A_593, %mul3A_591 : vector<16xf32>
        %mul3A_595 = arith.constant -0.693147182 : f32
        %mul3A_596 = vector.broadcast %mul3A_595 : f32 to vector<16xf32>
        %mul3A_597 = arith.mulf %convert_element_type3A_569, %mul3A_596 : vector<16xf32>
        %add3A_598 = arith.addf %mul3A_597, %add3A_594 : vector<16xf32>
        %gt3A_599 = arith.constant 0.000000e+00 : f32
        %gt3A_600 = vector.broadcast %gt3A_599 : f32 to vector<16xf32>
        %gt3A_601 = arith.cmpf ogt, %select_n3A_564, %gt3A_600 : vector<16xf32>
        %jit3A_602 = arith.constant 1.000000e+02 : f32
        %broadcast_in_dim3A_603 = vector.broadcast %jit3A_602 : f32 to vector<16xf32>
        %select_n3A_604 = arith.select %gt3A_601, %add3A_598, %broadcast_in_dim3A_603 : vector<16xi1>, vector<16xf32>
        %mul3A_605 = arith.mulf %get3A_551, %get3A_557 : vector<16xf32>
        %mul3A_606 = arith.mulf %select_n3A_604, %mul3A_605 : vector<16xf32>
        %add3A_607 = arith.addf %add3A_531, %mul3A_606 : vector<16xf32>
        %mul3A_608 = arith.mulf %select_n3A_604, %get3A_557 : vector<16xf32>
        %add3A_609 = arith.addf %add3A_533, %mul3A_608 : vector<16xf32>
        %add3A_610 = arith.addf %add3A_534, %mul3A_605 : vector<16xf32>
        %add3A_611 = arith.addf %add3A_535, %get3A_557 : vector<16xf32>
        %mul3A_612 = arith.constant 64 : i32
        %mul3A_613 = arith.muli %scan3A_465, %mul3A_612 : i32
        %add3A_614 = arith.constant 32 : i32
        %add3A_615 = arith.addi %mul3A_613, %add3A_614 : i32
        %get3A_616 = arith.constant 0 : i32
        %get3A_617 = arith.index_cast %get3A_616 : i32 to index
        %get3A_618 = arith.index_cast %scan3A_454 : i32 to index
        %get3A_619 = arith.index_cast %add3A_615 : i32 to index
        %get3A_620 = tpu.vector_load %arg6[%get3A_617, %get3A_618, %get3A_619] {strides = array<i32>} : memref<2x16x512xf32, #tpu.memory_space<vmem>>, vector<1x1x16xf32>,
        %get3A_621 = vector.shape_cast %get3A_620 : vector<1x1x16xf32> to vector<16xf32>
        %get3A_622 = arith.constant 0 : i32
        %get3A_623 = arith.index_cast %get3A_622 : i32 to index
        %get3A_624 = arith.index_cast %scan3A_454 : i32 to index
        %get3A_625 = arith.index_cast %add3A_615 : i32 to index
        %get3A_626 = tpu.vector_load %arg7[%get3A_623, %get3A_624, %get3A_625] {strides = array<i32>} : memref<2x16x512xf32, #tpu.memory_space<vmem>>, vector<1x1x16xf32>,
        %get3A_627 = vector.shape_cast %get3A_626 : vector<1x1x16xf32> to vector<16xf32>
        %get3A_628 = arith.constant 0 : i32
        %get3A_629 = arith.index_cast %get3A_628 : i32 to index
        %get3A_630 = arith.index_cast %scan3A_454 : i32 to index
        %get3A_631 = arith.index_cast %add3A_615 : i32 to index
        %get3A_632 = tpu.vector_load %arg8[%get3A_629, %get3A_630, %get3A_631] {strides = array<i32>} : memref<2x16x512xf32, #tpu.memory_space<vmem>>, vector<1x1x16xf32>,
        %get3A_633 = vector.shape_cast %get3A_632 : vector<1x1x16xf32> to vector<16xf32>
        %gt3A_634 = arith.constant 5.000000e-01 : f32
        %gt3A_635 = vector.broadcast %gt3A_634 : f32 to vector<16xf32>
        %gt3A_636 = arith.cmpf ogt, %get3A_627, %gt3A_635 : vector<16xf32>
        %sub3A_637 = arith.constant 1.000000e+00 : f32
        %sub3A_638 = vector.broadcast %sub3A_637 : f32 to vector<16xf32>
        %sub3A_639 = arith.subf %sub3A_638, %get3A_621 : vector<16xf32>
        %select_n3A_640 = arith.select %gt3A_636, %get3A_621, %sub3A_639 : vector<16xi1>, vector<16xf32>
        %bitcast_convert_type3A_641 = tpu.bitcast %select_n3A_640 : vector<16xf32> -> vector<16xi32>
        %shift_right_arithmetic3A_642 = arith.constant 23 : i32
        %shift_right_arithmetic3A_643 = vector.broadcast %shift_right_arithmetic3A_642 : i32 to vector<16xi32>
        %shift_right_arithmetic3A_644 = arith.shrsi %bitcast_convert_type3A_641, %shift_right_arithmetic3A_643 : vector<16xi32>
        %convert_element_type3A_645 = arith.sitofp %shift_right_arithmetic3A_644 : vector<16xi32> to vector<16xf32>
        %and3A_646 = arith.constant 8388607 : i32
        %and3A_647 = vector.broadcast %and3A_646 : i32 to vector<16xi32>
        %and3A_648 = arith.andi %bitcast_convert_type3A_641, %and3A_647 : vector<16xi32>
        %or3A_649 = arith.constant 1065353216 : i32
        %or3A_650 = vector.broadcast %or3A_649 : i32 to vector<16xi32>
        %or3A_651 = arith.ori %and3A_648, %or3A_650 : vector<16xi32>
        %bitcast_convert_type3A_652 = tpu.bitcast %or3A_651 : vector<16xi32> -> vector<16xf32>
        %mul3A_653 = arith.constant 0.0554593131 : f32
        %mul3A_654 = vector.broadcast %mul3A_653 : f32 to vector<16xf32>
        %mul3A_655 = arith.mulf %bitcast_convert_type3A_652, %mul3A_654 : vector<16xf32>
        %add3A_656 = arith.constant -0.440502733 : f32
        %add3A_657 = vector.broadcast %add3A_656 : f32 to vector<16xf32>
        %add3A_658 = arith.addf %add3A_657, %mul3A_655 : vector<16xf32>
        %mul3A_659 = arith.mulf %bitcast_convert_type3A_652, %add3A_658 : vector<16xf32>
        %add3A_660 = arith.constant 1.45519483 : f32
        %add3A_661 = vector.broadcast %add3A_660 : f32 to vector<16xf32>
        %add3A_662 = arith.addf %add3A_661, %mul3A_659 : vector<16xf32>
        %mul3A_663 = arith.mulf %bitcast_convert_type3A_652, %add3A_662 : vector<16xf32>
        %add3A_664 = arith.constant -2.80698061 : f32
        %add3A_665 = vector.broadcast %add3A_664 : f32 to vector<16xf32>
        %add3A_666 = arith.addf %add3A_665, %mul3A_663 : vector<16xf32>
        %mul3A_667 = arith.mulf %bitcast_convert_type3A_652, %add3A_666 : vector<16xf32>
        %add3A_668 = arith.constant 89.7664489 : f32
        %add3A_669 = vector.broadcast %add3A_668 : f32 to vector<16xf32>
        %add3A_670 = arith.addf %add3A_669, %mul3A_667 : vector<16xf32>
        %mul3A_671 = arith.constant -0.693147182 : f32
        %mul3A_672 = vector.broadcast %mul3A_671 : f32 to vector<16xf32>
        %mul3A_673 = arith.mulf %convert_element_type3A_645, %mul3A_672 : vector<16xf32>
        %add3A_674 = arith.addf %mul3A_673, %add3A_670 : vector<16xf32>
        %gt3A_675 = arith.constant 0.000000e+00 : f32
        %gt3A_676 = vector.broadcast %gt3A_675 : f32 to vector<16xf32>
        %gt3A_677 = arith.cmpf ogt, %select_n3A_640, %gt3A_676 : vector<16xf32>
        %jit3A_678 = arith.constant 1.000000e+02 : f32
        %broadcast_in_dim3A_679 = vector.broadcast %jit3A_678 : f32 to vector<16xf32>
        %select_n3A_680 = arith.select %gt3A_677, %add3A_674, %broadcast_in_dim3A_679 : vector<16xi1>, vector<16xf32>
        %mul3A_681 = arith.mulf %get3A_627, %get3A_633 : vector<16xf32>
        %mul3A_682 = arith.mulf %select_n3A_680, %mul3A_681 : vector<16xf32>
        %add3A_683 = arith.addf %add3A_607, %mul3A_682 : vector<16xf32>
        %mul3A_684 = arith.mulf %select_n3A_680, %get3A_633 : vector<16xf32>
        %add3A_685 = arith.addf %add3A_609, %mul3A_684 : vector<16xf32>
        %add3A_686 = arith.addf %add3A_610, %mul3A_681 : vector<16xf32>
        %add3A_687 = arith.addf %add3A_611, %get3A_633 : vector<16xf32>
        %mul3A_688 = arith.constant 64 : i32
        %mul3A_689 = arith.muli %scan3A_465, %mul3A_688 : i32
        %add3A_690 = arith.constant 48 : i32
        %add3A_691 = arith.addi %mul3A_689, %add3A_690 : i32
        %get3A_692 = arith.constant 0 : i32
        %get3A_693 = arith.index_cast %get3A_692 : i32 to index
        %get3A_694 = arith.index_cast %scan3A_454 : i32 to index
        %get3A_695 = arith.index_cast %add3A_691 : i32 to index
        %get3A_696 = tpu.vector_load %arg6[%get3A_693, %get3A_694, %get3A_695] {strides = array<i32>} : memref<2x16x512xf32, #tpu.memory_space<vmem>>, vector<1x1x16xf32>,
        %get3A_697 = vector.shape_cast %get3A_696 : vector<1x1x16xf32> to vector<16xf32>
        %get3A_698 = arith.constant 0 : i32
        %get3A_699 = arith.index_cast %get3A_698 : i32 to index
        %get3A_700 = arith.index_cast %scan3A_454 : i32 to index
        %get3A_701 = arith.index_cast %add3A_691 : i32 to index
        %get3A_702 = tpu.vector_load %arg7[%get3A_699, %get3A_700, %get3A_701] {strides = array<i32>} : memref<2x16x512xf32, #tpu.memory_space<vmem>>, vector<1x1x16xf32>,
        %get3A_703 = vector.shape_cast %get3A_702 : vector<1x1x16xf32> to vector<16xf32>
        %get3A_704 = arith.constant 0 : i32
        %get3A_705 = arith.index_cast %get3A_704 : i32 to index
        %get3A_706 = arith.index_cast %scan3A_454 : i32 to index
        %get3A_707 = arith.index_cast %add3A_691 : i32 to index
        %get3A_708 = tpu.vector_load %arg8[%get3A_705, %get3A_706, %get3A_707] {strides = array<i32>} : memref<2x16x512xf32, #tpu.memory_space<vmem>>, vector<1x1x16xf32>,
        %get3A_709 = vector.shape_cast %get3A_708 : vector<1x1x16xf32> to vector<16xf32>
        %gt3A_710 = arith.constant 5.000000e-01 : f32
        %gt3A_711 = vector.broadcast %gt3A_710 : f32 to vector<16xf32>
        %gt3A_712 = arith.cmpf ogt, %get3A_703, %gt3A_711 : vector<16xf32>
        %sub3A_713 = arith.constant 1.000000e+00 : f32
        %sub3A_714 = vector.broadcast %sub3A_713 : f32 to vector<16xf32>
        %sub3A_715 = arith.subf %sub3A_714, %get3A_697 : vector<16xf32>
        %select_n3A_716 = arith.select %gt3A_712, %get3A_697, %sub3A_715 : vector<16xi1>, vector<16xf32>
        %bitcast_convert_type3A_717 = tpu.bitcast %select_n3A_716 : vector<16xf32> -> vector<16xi32>
        %shift_right_arithmetic3A_718 = arith.constant 23 : i32
        %shift_right_arithmetic3A_719 = vector.broadcast %shift_right_arithmetic3A_718 : i32 to vector<16xi32>
        %shift_right_arithmetic3A_720 = arith.shrsi %bitcast_convert_type3A_717, %shift_right_arithmetic3A_719 : vector<16xi32>
        %convert_element_type3A_721 = arith.sitofp %shift_right_arithmetic3A_720 : vector<16xi32> to vector<16xf32>
        %and3A_722 = arith.constant 8388607 : i32
        %and3A_723 = vector.broadcast %and3A_722 : i32 to vector<16xi32>
        %and3A_724 = arith.andi %bitcast_convert_type3A_717, %and3A_723 : vector<16xi32>
        %or3A_725 = arith.constant 1065353216 : i32
        %or3A_726 = vector.broadcast %or3A_725 : i32 to vector<16xi32>
        %or3A_727 = arith.ori %and3A_724, %or3A_726 : vector<16xi32>
        %bitcast_convert_type3A_728 = tpu.bitcast %or3A_727 : vector<16xi32> -> vector<16xf32>
        %mul3A_729 = arith.constant 0.0554593131 : f32
        %mul3A_730 = vector.broadcast %mul3A_729 : f32 to vector<16xf32>
        %mul3A_731 = arith.mulf %bitcast_convert_type3A_728, %mul3A_730 : vector<16xf32>
        %add3A_732 = arith.constant -0.440502733 : f32
        %add3A_733 = vector.broadcast %add3A_732 : f32 to vector<16xf32>
        %add3A_734 = arith.addf %add3A_733, %mul3A_731 : vector<16xf32>
        %mul3A_735 = arith.mulf %bitcast_convert_type3A_728, %add3A_734 : vector<16xf32>
        %add3A_736 = arith.constant 1.45519483 : f32
        %add3A_737 = vector.broadcast %add3A_736 : f32 to vector<16xf32>
        %add3A_738 = arith.addf %add3A_737, %mul3A_735 : vector<16xf32>
        %mul3A_739 = arith.mulf %bitcast_convert_type3A_728, %add3A_738 : vector<16xf32>
        %add3A_740 = arith.constant -2.80698061 : f32
        %add3A_741 = vector.broadcast %add3A_740 : f32 to vector<16xf32>
        %add3A_742 = arith.addf %add3A_741, %mul3A_739 : vector<16xf32>
        %mul3A_743 = arith.mulf %bitcast_convert_type3A_728, %add3A_742 : vector<16xf32>
        %add3A_744 = arith.constant 89.7664489 : f32
        %add3A_745 = vector.broadcast %add3A_744 : f32 to vector<16xf32>
        %add3A_746 = arith.addf %add3A_745, %mul3A_743 : vector<16xf32>
        %mul3A_747 = arith.constant -0.693147182 : f32
        %mul3A_748 = vector.broadcast %mul3A_747 : f32 to vector<16xf32>
        %mul3A_749 = arith.mulf %convert_element_type3A_721, %mul3A_748 : vector<16xf32>
        %add3A_750 = arith.addf %mul3A_749, %add3A_746 : vector<16xf32>
        %gt3A_751 = arith.constant 0.000000e+00 : f32
        %gt3A_752 = vector.broadcast %gt3A_751 : f32 to vector<16xf32>
        %gt3A_753 = arith.cmpf ogt, %select_n3A_716, %gt3A_752 : vector<16xf32>
        %jit3A_754 = arith.constant 1.000000e+02 : f32
        %broadcast_in_dim3A_755 = vector.broadcast %jit3A_754 : f32 to vector<16xf32>
        %select_n3A_756 = arith.select %gt3A_753, %add3A_750, %broadcast_in_dim3A_755 : vector<16xi1>, vector<16xf32>
        %mul3A_757 = arith.mulf %get3A_703, %get3A_709 : vector<16xf32>
        %mul3A_758 = arith.mulf %select_n3A_756, %mul3A_757 : vector<16xf32>
        %add3A_759 = arith.addf %add3A_683, %mul3A_758 : vector<16xf32>
        %mul3A_760 = arith.mulf %select_n3A_756, %get3A_709 : vector<16xf32>
        %add3A_761 = arith.addf %add3A_685, %mul3A_760 : vector<16xf32>
        %add3A_762 = arith.addf %add3A_686, %mul3A_757 : vector<16xf32>
        %add3A_763 = arith.addf %add3A_687, %get3A_709 : vector<16xf32>
        scf.yield %add3A_759, %add3A_761, %add3A_762, %add3A_763 : vector<16xf32>, vector<16xf32>, vector<16xf32>, vector<16xf32>
      }
      %scan3A_464 = arith.constant 8 : i32
      scf.yield %scan3A_463#0, %scan3A_463#1, %scan3A_463#2, %scan3A_463#3 : vector<16xf32>, vector<16xf32>, vector<16xf32>, vector<16xf32>
    }
    %scan3A_430 = arith.constant 16 : i32
    %swap3A = arith.constant 0 : i32
    %swap3A_431 = arith.index_cast %swap3A : i32 to index
    %swap3A_432 = arith.constant 0 : index
    %swap3A_433 = tpu.vector_load %arg9[%swap3A_431, %swap3A_432] {strides = array<i32>} : memref<4x16xf32, #tpu.memory_space<vmem>>, vector<1x16xf32>,
    %swap3A_434 = vector.shape_cast %swap3A_433 : vector<1x16xf32> to vector<16xf32>
    %swap3A_435 = vector.shape_cast %scan3A_429#0 : vector<16xf32> to vector<1x16xf32>
    tpu.vector_store %arg9[%swap3A_431, %swap3A_432], %swap3A_435 {strides = array<i32>} : memref<4x16xf32, #tpu.memory_space<vmem>>, vector<1x16xf32>,
    %swap3A_436 = arith.constant 1 : i32
    %swap3A_437 = arith.index_cast %swap3A_436 : i32 to index
    %swap3A_438 = arith.constant 0 : index
    %swap3A_439 = tpu.vector_load %arg9[%swap3A_437, %swap3A_438] {strides = array<i32>} : memref<4x16xf32, #tpu.memory_space<vmem>>, vector<1x16xf32>,
    %swap3A_440 = vector.shape_cast %swap3A_439 : vector<1x16xf32> to vector<16xf32>
    %swap3A_441 = vector.shape_cast %scan3A_429#1 : vector<16xf32> to vector<1x16xf32>
    tpu.vector_store %arg9[%swap3A_437, %swap3A_438], %swap3A_441 {strides = array<i32>} : memref<4x16xf32, #tpu.memory_space<vmem>>, vector<1x16xf32>,
    %swap3A_442 = arith.constant 2 : i32
    %swap3A_443 = arith.index_cast %swap3A_442 : i32 to index
    %swap3A_444 = arith.constant 0 : index
    %swap3A_445 = tpu.vector_load %arg9[%swap3A_443, %swap3A_444] {strides = array<i32>} : memref<4x16xf32, #tpu.memory_space<vmem>>, vector<1x16xf32>,
    %swap3A_446 = vector.shape_cast %swap3A_445 : vector<1x16xf32> to vector<16xf32>
    %swap3A_447 = vector.shape_cast %scan3A_429#2 : vector<16xf32> to vector<1x16xf32>
    tpu.vector_store %arg9[%swap3A_443, %swap3A_444], %swap3A_447 {strides = array<i32>} : memref<4x16xf32, #tpu.memory_space<vmem>>, vector<1x16xf32>,
    %swap3A_448 = arith.constant 3 : i32
    %swap3A_449 = arith.index_cast %swap3A_448 : i32 to index
    %swap3A_450 = arith.constant 0 : index
    %swap3A_451 = tpu.vector_load %arg9[%swap3A_449, %swap3A_450] {strides = array<i32>} : memref<4x16xf32, #tpu.memory_space<vmem>>, vector<1x16xf32>,
    %swap3A_452 = vector.shape_cast %swap3A_451 : vector<1x16xf32> to vector<16xf32>
    %swap3A_453 = vector.shape_cast %scan3A_429#3 : vector<16xf32> to vector<1x16xf32>
    tpu.vector_store %arg9[%swap3A_449, %swap3A_450], %swap3A_453 {strides = array<i32>} : memref<4x16xf32, #tpu.memory_space<vmem>>, vector<1x16xf32>,
    "tpu.region"() ({
      %run_scoped3A = tpu.sem_alloc : memref<!tpu.dma_semaphore, #tpu.memory_space<semaphore_mem>>
      %dma_start3A_454 = arith.constant 0 : i32
      %dma_start3A_455 = arith.constant 0 : i32
      %dma_start3A_456 = tpu.memref_slice %arg5[%add3A, %dma_start3A_454, %dma_start3A_455] : memref<32x4x16xf32, #tpu.memory_space<hbm>> -> memref<1x4x16xf32, #tpu.memory_space<hbm>>
      %dma_start3A_457 = tpu.memref_squeeze %dma_start3A_456 : memref<1x4x16xf32, #tpu.memory_space<hbm>> -> memref<4x16xf32, #tpu.memory_space<hbm>>
      %dma_start3A_458 = arith.constant 0 : i32
      %dma_start3A_459 = arith.constant 0 : i32
      %dma_start3A_460 = tpu.memref_slice %arg5[%add3A, %dma_start3A_458, %dma_start3A_459] : memref<32x4x16xf32, #tpu.memory_space<hbm>> -> memref<1x4x16xf32, #tpu.memory_space<hbm>>
      %dma_start3A_461 = tpu.memref_squeeze %dma_start3A_460 : memref<1x4x16xf32, #tpu.memory_space<hbm>> -> memref<4x16xf32, #tpu.memory_space<hbm>>
      tpu.enqueue_dma source(%arg9 : memref<4x16xf32, #tpu.memory_space<vmem>>) target(%dma_start3A_461 : memref<4x16xf32, #tpu.memory_space<hbm>>) target_semaphore(%run_scoped3A : memref<!tpu.dma_semaphore, #tpu.memory_space<semaphore_mem>>)
      %dma_wait3A_462 = arith.constant 0 : i32
      %dma_wait3A_463 = arith.constant 0 : i32
      %dma_wait3A_464 = tpu.memref_slice %arg5[%add3A, %dma_wait3A_462, %dma_wait3A_463] : memref<32x4x16xf32, #tpu.memory_space<hbm>> -> memref<1x4x16xf32, #tpu.memory_space<hbm>>
      %dma_wait3A_465 = tpu.memref_squeeze %dma_wait3A_464 : memref<1x4x16xf32, #tpu.memory_space<hbm>> -> memref<4x16xf32, #tpu.memory_space<hbm>>
      %dma_wait3A_466 = arith.constant 0 : i32
      %dma_wait3A_467 = arith.constant 0 : i32
      %dma_wait3A_468 = tpu.memref_slice %arg5[%add3A, %dma_wait3A_466, %dma_wait3A_467] : memref<32x4x16xf32, #tpu.memory_space<hbm>> -> memref<1x4x16xf32, #tpu.memory_space<hbm>>
      %dma_wait3A_469 = tpu.memref_squeeze %dma_wait3A_468 : memref<1x4x16xf32, #tpu.memory_space<hbm>> -> memref<4x16xf32, #tpu.memory_space<hbm>>
      tpu.wait_dma2 semaphore(%run_scoped3A : memref<!tpu.dma_semaphore, #tpu.memory_space<semaphore_mem>>) src(%arg9 : memref<4x16xf32, #tpu.memory_space<vmem>>) dst(%dma_wait3A_469 : memref<4x16xf32, #tpu.memory_space<hbm>>)
      tpu.yield
    }) : () -> ()
    return
  }
}

module attributes {stable_mosaic.version = 14 : i64} {
  func.func @_tc_body(%arg0: i32, %arg1: memref<512x512xf32, #tpu.memory_space<vmem>>, %arg2: memref<512x512xf32, #tpu.memory_space<vmem>>, %arg3: memref<512x512xf32, #tpu.memory_space<vmem>>, %arg4: memref<32x512xf32, #tpu.memory_space<vmem>>) attributes {dimension_semantics = [#tpu.dimension_semantics<arbitrary>], iteration_bounds = array<i64: 11>, scalar_prefetch = 0 : i64, scratch_operands = 0 : i64, tpu.core_type = #tpu.core_type<tc>, window_params = [{transform_indices = @transform_0, window_bounds = array<i64: 512, 512>}, {transform_indices = @transform_1, window_bounds = array<i64: 512, 512>}, {transform_indices = @transform_2, window_bounds = array<i64: 512, 512>}, {transform_indices = @transform_3, window_bounds = array<i64: 32, 512>}]} {
    %get3A = arith.constant 0 : index
    %get3A_0 = arith.constant 0 : index
    %get3A_1 = vector.load %arg1[%get3A, %get3A_0] : memref<512x512xf32, #tpu.memory_space<vmem>>, vector<512x512xf32>
    %get3A_2 = arith.constant 0 : index
    %get3A_3 = arith.constant 0 : index
    %get3A_4 = vector.load %arg2[%get3A_2, %get3A_3] : memref<512x512xf32, #tpu.memory_space<vmem>>, vector<512x512xf32>
    %get3A_5 = arith.constant 0 : index
    %get3A_6 = arith.constant 0 : index
    %get3A_7 = vector.load %arg3[%get3A_5, %get3A_6] : memref<512x512xf32, #tpu.memory_space<vmem>>, vector<512x512xf32>
    %gt3A = arith.constant 5.000000e-01 : f32
    %gt3A_8 = vector.broadcast %gt3A : f32 to vector<512x512xf32>
    %gt3A_9 = arith.cmpf ogt, %get3A_4, %gt3A_8 : vector<512x512xf32>
    %sub3A = arith.constant 1.000000e+00 : f32
    %sub3A_10 = vector.broadcast %sub3A : f32 to vector<512x512xf32>
    %sub3A_11 = arith.subf %sub3A_10, %get3A_1 : vector<512x512xf32>
    %select_n3A = arith.select %gt3A_9, %get3A_1, %sub3A_11 : vector<512x512xi1>, vector<512x512xf32>
    %bitcast_convert_type3A = tpu.bitcast %select_n3A : vector<512x512xf32> -> vector<512x512xi32>
    %shift_right_arithmetic3A = arith.constant 23 : i32
    %shift_right_arithmetic3A_12 = vector.broadcast %shift_right_arithmetic3A : i32 to vector<512x512xi32>
    %shift_right_arithmetic3A_13 = arith.shrsi %bitcast_convert_type3A, %shift_right_arithmetic3A_12 : vector<512x512xi32>
    %convert_element_type3A = arith.sitofp %shift_right_arithmetic3A_13 : vector<512x512xi32> to vector<512x512xf32>
    %and3A = arith.constant 8388607 : i32
    %and3A_14 = vector.broadcast %and3A : i32 to vector<512x512xi32>
    %and3A_15 = arith.andi %bitcast_convert_type3A, %and3A_14 : vector<512x512xi32>
    %or3A = arith.constant 1065353216 : i32
    %or3A_16 = vector.broadcast %or3A : i32 to vector<512x512xi32>
    %or3A_17 = arith.ori %and3A_15, %or3A_16 : vector<512x512xi32>
    %bitcast_convert_type3A_18 = tpu.bitcast %or3A_17 : vector<512x512xi32> -> vector<512x512xf32>
    %mul3A = arith.constant 0.0554593131 : f32
    %mul3A_19 = vector.broadcast %mul3A : f32 to vector<512x512xf32>
    %mul3A_20 = arith.mulf %bitcast_convert_type3A_18, %mul3A_19 : vector<512x512xf32>
    %add3A = arith.constant -0.440502733 : f32
    %add3A_21 = vector.broadcast %add3A : f32 to vector<512x512xf32>
    %add3A_22 = arith.addf %add3A_21, %mul3A_20 : vector<512x512xf32>
    %mul3A_23 = arith.mulf %bitcast_convert_type3A_18, %add3A_22 : vector<512x512xf32>
    %add3A_24 = arith.constant 1.45519483 : f32
    %add3A_25 = vector.broadcast %add3A_24 : f32 to vector<512x512xf32>
    %add3A_26 = arith.addf %add3A_25, %mul3A_23 : vector<512x512xf32>
    %mul3A_27 = arith.mulf %bitcast_convert_type3A_18, %add3A_26 : vector<512x512xf32>
    %add3A_28 = arith.constant -2.80698061 : f32
    %add3A_29 = vector.broadcast %add3A_28 : f32 to vector<512x512xf32>
    %add3A_30 = arith.addf %add3A_29, %mul3A_27 : vector<512x512xf32>
    %mul3A_31 = arith.mulf %bitcast_convert_type3A_18, %add3A_30 : vector<512x512xf32>
    %add3A_32 = arith.constant 89.7664489 : f32
    %add3A_33 = vector.broadcast %add3A_32 : f32 to vector<512x512xf32>
    %add3A_34 = arith.addf %add3A_33, %mul3A_31 : vector<512x512xf32>
    %gt3A_35 = arith.constant 0.000000e+00 : f32
    %gt3A_36 = vector.broadcast %gt3A_35 : f32 to vector<512x512xf32>
    %gt3A_37 = arith.cmpf ogt, %select_n3A, %gt3A_36 : vector<512x512xf32>
    %mul3A_38 = arith.constant -0.693147182 : f32
    %mul3A_39 = vector.broadcast %mul3A_38 : f32 to vector<512x512xf32>
    %mul3A_40 = arith.mulf %convert_element_type3A, %mul3A_39 : vector<512x512xf32>
    %add3A_41 = arith.addf %mul3A_40, %add3A_34 : vector<512x512xf32>
    %jit3A = arith.constant 1.000000e+02 : f32
    %broadcast_in_dim3A = vector.broadcast %jit3A : f32 to vector<512x512xf32>
    %select_n3A_42 = arith.select %gt3A_37, %add3A_41, %broadcast_in_dim3A : vector<512x512xi1>, vector<512x512xf32>
    %mul3A_43 = arith.mulf %get3A_4, %get3A_7 : vector<512x512xf32>
    %broadcast_in_dim3A_44 = arith.constant 1.250000e-01 : f32
    %broadcast_in_dim3A_45 = vector.broadcast %broadcast_in_dim3A_44 : f32 to vector<8x512xf32>
    %mul3A_46 = arith.mulf %select_n3A_42, %mul3A_43 : vector<512x512xf32>
    %dot_general3A = arith.constant dense<0.000000e+00> : vector<8x512xf32>
    %dot_general3A_47 = tpu.matmul %broadcast_in_dim3A_45, %mul3A_46, %dot_general3A {dimension_numbers = #tpu.dot_dimension_numbers<[1], [0], [0], [1], [0, 0, 1, 1], [], []>, transpose_lhs_hint = false} : vector<8x512xf32>, vector<512x512xf32>, vector<8x512xf32> -> vector<8x512xf32>
    %mul3A_48 = arith.mulf %select_n3A_42, %get3A_7 : vector<512x512xf32>
    %dot_general3A_49 = arith.constant dense<0.000000e+00> : vector<8x512xf32>
    %dot_general3A_50 = tpu.matmul %broadcast_in_dim3A_45, %mul3A_48, %dot_general3A_49 {dimension_numbers = #tpu.dot_dimension_numbers<[1], [0], [0], [1], [0, 0, 1, 1], [], []>, transpose_lhs_hint = false} : vector<8x512xf32>, vector<512x512xf32>, vector<8x512xf32> -> vector<8x512xf32>
    %dot_general3A_51 = arith.constant dense<0.000000e+00> : vector<8x512xf32>
    %dot_general3A_52 = tpu.matmul %broadcast_in_dim3A_45, %mul3A_43, %dot_general3A_51 {dimension_numbers = #tpu.dot_dimension_numbers<[1], [0], [0], [1], [0, 0, 1, 1], [], []>, transpose_lhs_hint = false} : vector<8x512xf32>, vector<512x512xf32>, vector<8x512xf32> -> vector<8x512xf32>
    %dot_general3A_53 = arith.constant dense<0.000000e+00> : vector<8x512xf32>
    %dot_general3A_54 = tpu.matmul %broadcast_in_dim3A_45, %get3A_7, %dot_general3A_53 {dimension_numbers = #tpu.dot_dimension_numbers<[1], [0], [0], [1], [0, 0, 1, 1], [], []>, transpose_lhs_hint = false} : vector<8x512xf32>, vector<512x512xf32>, vector<8x512xf32> -> vector<8x512xf32>
    %concatenate3A = tpu.concatenate %dot_general3A_47, %dot_general3A_50, %dot_general3A_52, %dot_general3A_54 in 0 : vector<8x512xf32>, vector<8x512xf32>, vector<8x512xf32>, vector<8x512xf32> -> vector<32x512xf32>
    %swap3A = arith.constant 0 : index
    %swap3A_55 = arith.constant 0 : index
    %swap3A_56 = vector.load %arg4[%swap3A, %swap3A_55] : memref<32x512xf32, #tpu.memory_space<vmem>>, vector<32x512xf32>
    tpu.vector_store %arg4[%swap3A, %swap3A_55], %concatenate3A {strides = array<i32>} : memref<32x512xf32, #tpu.memory_space<vmem>>, vector<32x512xf32>,
    return
  }
  func.func @transform_0(%arg0: i32) -> (i32, i32) {
    %add3A = arith.constant 5 : i32
    %add3A_0 = arith.addi %arg0, %add3A : i32
    %c0_i32 = arith.constant 0 : i32
    %c0_i32_1 = arith.constant 0 : i32
    return %add3A_0, %c0_i32 : i32, i32
  }
  func.func @transform_1(%arg0: i32) -> (i32, i32) {
    %add3A = arith.constant 5 : i32
    %add3A_0 = arith.addi %arg0, %add3A : i32
    %c0_i32 = arith.constant 0 : i32
    %c0_i32_1 = arith.constant 0 : i32
    return %add3A_0, %c0_i32 : i32, i32
  }
  func.func @transform_2(%arg0: i32) -> (i32, i32) {
    %add3A = arith.constant 5 : i32
    %add3A_0 = arith.addi %arg0, %add3A : i32
    %c0_i32 = arith.constant 0 : i32
    %c0_i32_1 = arith.constant 0 : i32
    return %add3A_0, %c0_i32 : i32, i32
  }
  func.func @transform_3(%arg0: i32) -> (i32, i32) {
    %c0_i32 = arith.constant 0 : i32
    %c0_i32_0 = arith.constant 0 : i32
    return %arg0, %c0_i32 : i32, i32
  }
}

module attributes {stable_mosaic.version = 14 : i64} {
  func.func @_thr_body(%arg0: i32, %arg1: memref<512x512xf32, #tpu.memory_space<vmem>>, %arg2: memref<512x512xf32, #tpu.memory_space<vmem>>, %arg3: memref<512x512xf32, #tpu.memory_space<vmem>>, %arg4: memref<1x1xf32, #tpu.memory_space<smem>>, %arg5: memref<16x512xf32, #tpu.memory_space<vmem>>) attributes {dimension_semantics = [#tpu.dimension_semantics<arbitrary>], iteration_bounds = array<i64: 16>, scalar_prefetch = 0 : i64, scratch_operands = 0 : i64, tpu.core_type = #tpu.core_type<tc>, window_params = [{transform_indices = @transform_0, window_bounds = array<i64: 512, 512>}, {transform_indices = @transform_1, window_bounds = array<i64: 512, 512>}, {transform_indices = @transform_2, window_bounds = array<i64: 512, 512>}, {transform_indices = @transform_3, window_bounds = array<i64: 1, 1>}, {transform_indices = @transform_4, window_bounds = array<i64: 16, 512>}]} {
    %get3A = arith.constant 0 : index
    %get3A_0 = arith.constant 0 : index
    %get3A_1 = memref.load %arg4[%get3A, %get3A_0] : memref<1x1xf32, #tpu.memory_space<smem>>
    %get3A_2 = arith.constant 0 : index
    %get3A_3 = arith.constant 0 : index
    %get3A_4 = vector.load %arg1[%get3A_2, %get3A_3] : memref<512x512xf32, #tpu.memory_space<vmem>>, vector<512x512xf32>
    %get3A_5 = arith.constant 0 : index
    %get3A_6 = arith.constant 0 : index
    %get3A_7 = vector.load %arg2[%get3A_5, %get3A_6] : memref<512x512xf32, #tpu.memory_space<vmem>>, vector<512x512xf32>
    %get3A_8 = arith.constant 0 : index
    %get3A_9 = arith.constant 0 : index
    %get3A_10 = vector.load %arg3[%get3A_8, %get3A_9] : memref<512x512xf32, #tpu.memory_space<vmem>>, vector<512x512xf32>
    %gt3A = arith.constant 5.000000e-01 : f32
    %gt3A_11 = vector.broadcast %gt3A : f32 to vector<512x512xf32>
    %gt3A_12 = arith.cmpf ogt, %get3A_7, %gt3A_11 : vector<512x512xf32>
    %sub3A = arith.constant 1.000000e+00 : f32
    %sub3A_13 = vector.broadcast %sub3A : f32 to vector<512x512xf32>
    %sub3A_14 = arith.subf %sub3A_13, %get3A_4 : vector<512x512xf32>
    %select_n3A = arith.select %gt3A_12, %get3A_4, %sub3A_14 : vector<512x512xi1>, vector<512x512xf32>
    %bitcast_convert_type3A = tpu.bitcast %select_n3A : vector<512x512xf32> -> vector<512x512xi32>
    %shift_right_arithmetic3A = arith.constant 23 : i32
    %shift_right_arithmetic3A_15 = vector.broadcast %shift_right_arithmetic3A : i32 to vector<512x512xi32>
    %shift_right_arithmetic3A_16 = arith.shrsi %bitcast_convert_type3A, %shift_right_arithmetic3A_15 : vector<512x512xi32>
    %convert_element_type3A = arith.sitofp %shift_right_arithmetic3A_16 : vector<512x512xi32> to vector<512x512xf32>
    %and3A = arith.constant 8388607 : i32
    %and3A_17 = vector.broadcast %and3A : i32 to vector<512x512xi32>
    %and3A_18 = arith.andi %bitcast_convert_type3A, %and3A_17 : vector<512x512xi32>
    %or3A = arith.constant 1065353216 : i32
    %or3A_19 = vector.broadcast %or3A : i32 to vector<512x512xi32>
    %or3A_20 = arith.ori %and3A_18, %or3A_19 : vector<512x512xi32>
    %bitcast_convert_type3A_21 = tpu.bitcast %or3A_20 : vector<512x512xi32> -> vector<512x512xf32>
    %mul3A = arith.constant 0.0554593131 : f32
    %mul3A_22 = vector.broadcast %mul3A : f32 to vector<512x512xf32>
    %mul3A_23 = arith.mulf %bitcast_convert_type3A_21, %mul3A_22 : vector<512x512xf32>
    %add3A = arith.constant -0.440502733 : f32
    %add3A_24 = vector.broadcast %add3A : f32 to vector<512x512xf32>
    %add3A_25 = arith.addf %add3A_24, %mul3A_23 : vector<512x512xf32>
    %mul3A_26 = arith.mulf %bitcast_convert_type3A_21, %add3A_25 : vector<512x512xf32>
    %add3A_27 = arith.constant 1.45519483 : f32
    %add3A_28 = vector.broadcast %add3A_27 : f32 to vector<512x512xf32>
    %add3A_29 = arith.addf %add3A_28, %mul3A_26 : vector<512x512xf32>
    %mul3A_30 = arith.mulf %bitcast_convert_type3A_21, %add3A_29 : vector<512x512xf32>
    %add3A_31 = arith.constant -2.80698061 : f32
    %add3A_32 = vector.broadcast %add3A_31 : f32 to vector<512x512xf32>
    %add3A_33 = arith.addf %add3A_32, %mul3A_30 : vector<512x512xf32>
    %mul3A_34 = arith.mulf %bitcast_convert_type3A_21, %add3A_33 : vector<512x512xf32>
    %add3A_35 = arith.constant 89.7664489 : f32
    %add3A_36 = vector.broadcast %add3A_35 : f32 to vector<512x512xf32>
    %add3A_37 = arith.addf %add3A_36, %mul3A_34 : vector<512x512xf32>
    %gt3A_38 = arith.constant 0.000000e+00 : f32
    %gt3A_39 = vector.broadcast %gt3A_38 : f32 to vector<512x512xf32>
    %gt3A_40 = arith.cmpf ogt, %select_n3A, %gt3A_39 : vector<512x512xf32>
    %mul3A_41 = arith.constant -0.693147182 : f32
    %mul3A_42 = vector.broadcast %mul3A_41 : f32 to vector<512x512xf32>
    %mul3A_43 = arith.mulf %convert_element_type3A, %mul3A_42 : vector<512x512xf32>
    %add3A_44 = arith.addf %mul3A_43, %add3A_37 : vector<512x512xf32>
    %jit3A = arith.constant 1.000000e+02 : f32
    %broadcast_in_dim3A = vector.broadcast %jit3A : f32 to vector<512x512xf32>
    %select_n3A_45 = arith.select %gt3A_40, %add3A_44, %broadcast_in_dim3A : vector<512x512xi1>, vector<512x512xf32>
    %sub3A_46 = arith.constant 1.000000e+00 : f32
    %sub3A_47 = vector.broadcast %sub3A_46 : f32 to vector<512x512xf32>
    %sub3A_48 = arith.subf %sub3A_47, %get3A_7 : vector<512x512xf32>
    %mul3A_49 = arith.mulf %sub3A_48, %get3A_10 : vector<512x512xf32>
    %mul3A_50 = arith.mulf %select_n3A_45, %mul3A_49 : vector<512x512xf32>
    %gt3A_51 = vector.broadcast %get3A_1 : f32 to vector<512x512xf32>
    %gt3A_52 = arith.cmpf ogt, %mul3A_50, %gt3A_51 : vector<512x512xf32>
    %convert_element_type3A_53 = arith.extui %gt3A_52 : vector<512x512xi1> to vector<512x512xi32>
    %convert_element_type3A_54 = arith.sitofp %convert_element_type3A_53 : vector<512x512xi32> to vector<512x512xf32>
    %slice3A = vector.extract_strided_slice %convert_element_type3A_54 {offsets = [0, 0], sizes = [8, 512], strides = [1, 1]} : vector<512x512xf32> to vector<8x512xf32>
    %slice3A_55 = vector.extract_strided_slice %convert_element_type3A_54 {offsets = [8, 0], sizes = [8, 512], strides = [1, 1]} : vector<512x512xf32> to vector<8x512xf32>
    %add3A_56 = arith.addf %slice3A, %slice3A_55 : vector<8x512xf32>
    %slice3A_57 = vector.extract_strided_slice %convert_element_type3A_54 {offsets = [16, 0], sizes = [8, 512], strides = [1, 1]} : vector<512x512xf32> to vector<8x512xf32>
    %add3A_58 = arith.addf %add3A_56, %slice3A_57 : vector<8x512xf32>
    %slice3A_59 = vector.extract_strided_slice %convert_element_type3A_54 {offsets = [24, 0], sizes = [8, 512], strides = [1, 1]} : vector<512x512xf32> to vector<8x512xf32>
    %add3A_60 = arith.addf %add3A_58, %slice3A_59 : vector<8x512xf32>
    %slice3A_61 = vector.extract_strided_slice %convert_element_type3A_54 {offsets = [32, 0], sizes = [8, 512], strides = [1, 1]} : vector<512x512xf32> to vector<8x512xf32>
    %add3A_62 = arith.addf %add3A_60, %slice3A_61 : vector<8x512xf32>
    %slice3A_63 = vector.extract_strided_slice %convert_element_type3A_54 {offsets = [40, 0], sizes = [8, 512], strides = [1, 1]} : vector<512x512xf32> to vector<8x512xf32>
    %add3A_64 = arith.addf %add3A_62, %slice3A_63 : vector<8x512xf32>
    %slice3A_65 = vector.extract_strided_slice %convert_element_type3A_54 {offsets = [48, 0], sizes = [8, 512], strides = [1, 1]} : vector<512x512xf32> to vector<8x512xf32>
    %add3A_66 = arith.addf %add3A_64, %slice3A_65 : vector<8x512xf32>
    %slice3A_67 = vector.extract_strided_slice %convert_element_type3A_54 {offsets = [56, 0], sizes = [8, 512], strides = [1, 1]} : vector<512x512xf32> to vector<8x512xf32>
    %add3A_68 = arith.addf %add3A_66, %slice3A_67 : vector<8x512xf32>
    %slice3A_69 = vector.extract_strided_slice %convert_element_type3A_54 {offsets = [64, 0], sizes = [8, 512], strides = [1, 1]} : vector<512x512xf32> to vector<8x512xf32>
    %add3A_70 = arith.addf %add3A_68, %slice3A_69 : vector<8x512xf32>
    %slice3A_71 = vector.extract_strided_slice %convert_element_type3A_54 {offsets = [72, 0], sizes = [8, 512], strides = [1, 1]} : vector<512x512xf32> to vector<8x512xf32>
    %add3A_72 = arith.addf %add3A_70, %slice3A_71 : vector<8x512xf32>
    %slice3A_73 = vector.extract_strided_slice %convert_element_type3A_54 {offsets = [80, 0], sizes = [8, 512], strides = [1, 1]} : vector<512x512xf32> to vector<8x512xf32>
    %add3A_74 = arith.addf %add3A_72, %slice3A_73 : vector<8x512xf32>
    %slice3A_75 = vector.extract_strided_slice %convert_element_type3A_54 {offsets = [88, 0], sizes = [8, 512], strides = [1, 1]} : vector<512x512xf32> to vector<8x512xf32>
    %add3A_76 = arith.addf %add3A_74, %slice3A_75 : vector<8x512xf32>
    %slice3A_77 = vector.extract_strided_slice %convert_element_type3A_54 {offsets = [96, 0], sizes = [8, 512], strides = [1, 1]} : vector<512x512xf32> to vector<8x512xf32>
    %add3A_78 = arith.addf %add3A_76, %slice3A_77 : vector<8x512xf32>
    %slice3A_79 = vector.extract_strided_slice %convert_element_type3A_54 {offsets = [104, 0], sizes = [8, 512], strides = [1, 1]} : vector<512x512xf32> to vector<8x512xf32>
    %add3A_80 = arith.addf %add3A_78, %slice3A_79 : vector<8x512xf32>
    %slice3A_81 = vector.extract_strided_slice %convert_element_type3A_54 {offsets = [112, 0], sizes = [8, 512], strides = [1, 1]} : vector<512x512xf32> to vector<8x512xf32>
    %add3A_82 = arith.addf %add3A_80, %slice3A_81 : vector<8x512xf32>
    %slice3A_83 = vector.extract_strided_slice %convert_element_type3A_54 {offsets = [120, 0], sizes = [8, 512], strides = [1, 1]} : vector<512x512xf32> to vector<8x512xf32>
    %add3A_84 = arith.addf %add3A_82, %slice3A_83 : vector<8x512xf32>
    %slice3A_85 = vector.extract_strided_slice %convert_element_type3A_54 {offsets = [128, 0], sizes = [8, 512], strides = [1, 1]} : vector<512x512xf32> to vector<8x512xf32>
    %add3A_86 = arith.addf %add3A_84, %slice3A_85 : vector<8x512xf32>
    %slice3A_87 = vector.extract_strided_slice %convert_element_type3A_54 {offsets = [136, 0], sizes = [8, 512], strides = [1, 1]} : vector<512x512xf32> to vector<8x512xf32>
    %add3A_88 = arith.addf %add3A_86, %slice3A_87 : vector<8x512xf32>
    %slice3A_89 = vector.extract_strided_slice %convert_element_type3A_54 {offsets = [144, 0], sizes = [8, 512], strides = [1, 1]} : vector<512x512xf32> to vector<8x512xf32>
    %add3A_90 = arith.addf %add3A_88, %slice3A_89 : vector<8x512xf32>
    %slice3A_91 = vector.extract_strided_slice %convert_element_type3A_54 {offsets = [152, 0], sizes = [8, 512], strides = [1, 1]} : vector<512x512xf32> to vector<8x512xf32>
    %add3A_92 = arith.addf %add3A_90, %slice3A_91 : vector<8x512xf32>
    %slice3A_93 = vector.extract_strided_slice %convert_element_type3A_54 {offsets = [160, 0], sizes = [8, 512], strides = [1, 1]} : vector<512x512xf32> to vector<8x512xf32>
    %add3A_94 = arith.addf %add3A_92, %slice3A_93 : vector<8x512xf32>
    %slice3A_95 = vector.extract_strided_slice %convert_element_type3A_54 {offsets = [168, 0], sizes = [8, 512], strides = [1, 1]} : vector<512x512xf32> to vector<8x512xf32>
    %add3A_96 = arith.addf %add3A_94, %slice3A_95 : vector<8x512xf32>
    %slice3A_97 = vector.extract_strided_slice %convert_element_type3A_54 {offsets = [176, 0], sizes = [8, 512], strides = [1, 1]} : vector<512x512xf32> to vector<8x512xf32>
    %add3A_98 = arith.addf %add3A_96, %slice3A_97 : vector<8x512xf32>
    %slice3A_99 = vector.extract_strided_slice %convert_element_type3A_54 {offsets = [184, 0], sizes = [8, 512], strides = [1, 1]} : vector<512x512xf32> to vector<8x512xf32>
    %add3A_100 = arith.addf %add3A_98, %slice3A_99 : vector<8x512xf32>
    %slice3A_101 = vector.extract_strided_slice %convert_element_type3A_54 {offsets = [192, 0], sizes = [8, 512], strides = [1, 1]} : vector<512x512xf32> to vector<8x512xf32>
    %add3A_102 = arith.addf %add3A_100, %slice3A_101 : vector<8x512xf32>
    %slice3A_103 = vector.extract_strided_slice %convert_element_type3A_54 {offsets = [200, 0], sizes = [8, 512], strides = [1, 1]} : vector<512x512xf32> to vector<8x512xf32>
    %add3A_104 = arith.addf %add3A_102, %slice3A_103 : vector<8x512xf32>
    %slice3A_105 = vector.extract_strided_slice %convert_element_type3A_54 {offsets = [208, 0], sizes = [8, 512], strides = [1, 1]} : vector<512x512xf32> to vector<8x512xf32>
    %add3A_106 = arith.addf %add3A_104, %slice3A_105 : vector<8x512xf32>
    %slice3A_107 = vector.extract_strided_slice %convert_element_type3A_54 {offsets = [216, 0], sizes = [8, 512], strides = [1, 1]} : vector<512x512xf32> to vector<8x512xf32>
    %add3A_108 = arith.addf %add3A_106, %slice3A_107 : vector<8x512xf32>
    %slice3A_109 = vector.extract_strided_slice %convert_element_type3A_54 {offsets = [224, 0], sizes = [8, 512], strides = [1, 1]} : vector<512x512xf32> to vector<8x512xf32>
    %add3A_110 = arith.addf %add3A_108, %slice3A_109 : vector<8x512xf32>
    %slice3A_111 = vector.extract_strided_slice %convert_element_type3A_54 {offsets = [232, 0], sizes = [8, 512], strides = [1, 1]} : vector<512x512xf32> to vector<8x512xf32>
    %add3A_112 = arith.addf %add3A_110, %slice3A_111 : vector<8x512xf32>
    %slice3A_113 = vector.extract_strided_slice %convert_element_type3A_54 {offsets = [240, 0], sizes = [8, 512], strides = [1, 1]} : vector<512x512xf32> to vector<8x512xf32>
    %add3A_114 = arith.addf %add3A_112, %slice3A_113 : vector<8x512xf32>
    %slice3A_115 = vector.extract_strided_slice %convert_element_type3A_54 {offsets = [248, 0], sizes = [8, 512], strides = [1, 1]} : vector<512x512xf32> to vector<8x512xf32>
    %add3A_116 = arith.addf %add3A_114, %slice3A_115 : vector<8x512xf32>
    %slice3A_117 = vector.extract_strided_slice %convert_element_type3A_54 {offsets = [256, 0], sizes = [8, 512], strides = [1, 1]} : vector<512x512xf32> to vector<8x512xf32>
    %add3A_118 = arith.addf %add3A_116, %slice3A_117 : vector<8x512xf32>
    %slice3A_119 = vector.extract_strided_slice %convert_element_type3A_54 {offsets = [264, 0], sizes = [8, 512], strides = [1, 1]} : vector<512x512xf32> to vector<8x512xf32>
    %add3A_120 = arith.addf %add3A_118, %slice3A_119 : vector<8x512xf32>
    %slice3A_121 = vector.extract_strided_slice %convert_element_type3A_54 {offsets = [272, 0], sizes = [8, 512], strides = [1, 1]} : vector<512x512xf32> to vector<8x512xf32>
    %add3A_122 = arith.addf %add3A_120, %slice3A_121 : vector<8x512xf32>
    %slice3A_123 = vector.extract_strided_slice %convert_element_type3A_54 {offsets = [280, 0], sizes = [8, 512], strides = [1, 1]} : vector<512x512xf32> to vector<8x512xf32>
    %add3A_124 = arith.addf %add3A_122, %slice3A_123 : vector<8x512xf32>
    %slice3A_125 = vector.extract_strided_slice %convert_element_type3A_54 {offsets = [288, 0], sizes = [8, 512], strides = [1, 1]} : vector<512x512xf32> to vector<8x512xf32>
    %add3A_126 = arith.addf %add3A_124, %slice3A_125 : vector<8x512xf32>
    %slice3A_127 = vector.extract_strided_slice %convert_element_type3A_54 {offsets = [296, 0], sizes = [8, 512], strides = [1, 1]} : vector<512x512xf32> to vector<8x512xf32>
    %add3A_128 = arith.addf %add3A_126, %slice3A_127 : vector<8x512xf32>
    %slice3A_129 = vector.extract_strided_slice %convert_element_type3A_54 {offsets = [304, 0], sizes = [8, 512], strides = [1, 1]} : vector<512x512xf32> to vector<8x512xf32>
    %add3A_130 = arith.addf %add3A_128, %slice3A_129 : vector<8x512xf32>
    %slice3A_131 = vector.extract_strided_slice %convert_element_type3A_54 {offsets = [312, 0], sizes = [8, 512], strides = [1, 1]} : vector<512x512xf32> to vector<8x512xf32>
    %add3A_132 = arith.addf %add3A_130, %slice3A_131 : vector<8x512xf32>
    %slice3A_133 = vector.extract_strided_slice %convert_element_type3A_54 {offsets = [320, 0], sizes = [8, 512], strides = [1, 1]} : vector<512x512xf32> to vector<8x512xf32>
    %add3A_134 = arith.addf %add3A_132, %slice3A_133 : vector<8x512xf32>
    %slice3A_135 = vector.extract_strided_slice %convert_element_type3A_54 {offsets = [328, 0], sizes = [8, 512], strides = [1, 1]} : vector<512x512xf32> to vector<8x512xf32>
    %add3A_136 = arith.addf %add3A_134, %slice3A_135 : vector<8x512xf32>
    %slice3A_137 = vector.extract_strided_slice %convert_element_type3A_54 {offsets = [336, 0], sizes = [8, 512], strides = [1, 1]} : vector<512x512xf32> to vector<8x512xf32>
    %add3A_138 = arith.addf %add3A_136, %slice3A_137 : vector<8x512xf32>
    %slice3A_139 = vector.extract_strided_slice %convert_element_type3A_54 {offsets = [344, 0], sizes = [8, 512], strides = [1, 1]} : vector<512x512xf32> to vector<8x512xf32>
    %add3A_140 = arith.addf %add3A_138, %slice3A_139 : vector<8x512xf32>
    %slice3A_141 = vector.extract_strided_slice %convert_element_type3A_54 {offsets = [352, 0], sizes = [8, 512], strides = [1, 1]} : vector<512x512xf32> to vector<8x512xf32>
    %add3A_142 = arith.addf %add3A_140, %slice3A_141 : vector<8x512xf32>
    %slice3A_143 = vector.extract_strided_slice %convert_element_type3A_54 {offsets = [360, 0], sizes = [8, 512], strides = [1, 1]} : vector<512x512xf32> to vector<8x512xf32>
    %add3A_144 = arith.addf %add3A_142, %slice3A_143 : vector<8x512xf32>
    %slice3A_145 = vector.extract_strided_slice %convert_element_type3A_54 {offsets = [368, 0], sizes = [8, 512], strides = [1, 1]} : vector<512x512xf32> to vector<8x512xf32>
    %add3A_146 = arith.addf %add3A_144, %slice3A_145 : vector<8x512xf32>
    %slice3A_147 = vector.extract_strided_slice %convert_element_type3A_54 {offsets = [376, 0], sizes = [8, 512], strides = [1, 1]} : vector<512x512xf32> to vector<8x512xf32>
    %add3A_148 = arith.addf %add3A_146, %slice3A_147 : vector<8x512xf32>
    %slice3A_149 = vector.extract_strided_slice %convert_element_type3A_54 {offsets = [384, 0], sizes = [8, 512], strides = [1, 1]} : vector<512x512xf32> to vector<8x512xf32>
    %add3A_150 = arith.addf %add3A_148, %slice3A_149 : vector<8x512xf32>
    %slice3A_151 = vector.extract_strided_slice %convert_element_type3A_54 {offsets = [392, 0], sizes = [8, 512], strides = [1, 1]} : vector<512x512xf32> to vector<8x512xf32>
    %add3A_152 = arith.addf %add3A_150, %slice3A_151 : vector<8x512xf32>
    %slice3A_153 = vector.extract_strided_slice %convert_element_type3A_54 {offsets = [400, 0], sizes = [8, 512], strides = [1, 1]} : vector<512x512xf32> to vector<8x512xf32>
    %add3A_154 = arith.addf %add3A_152, %slice3A_153 : vector<8x512xf32>
    %slice3A_155 = vector.extract_strided_slice %convert_element_type3A_54 {offsets = [408, 0], sizes = [8, 512], strides = [1, 1]} : vector<512x512xf32> to vector<8x512xf32>
    %add3A_156 = arith.addf %add3A_154, %slice3A_155 : vector<8x512xf32>
    %slice3A_157 = vector.extract_strided_slice %convert_element_type3A_54 {offsets = [416, 0], sizes = [8, 512], strides = [1, 1]} : vector<512x512xf32> to vector<8x512xf32>
    %add3A_158 = arith.addf %add3A_156, %slice3A_157 : vector<8x512xf32>
    %slice3A_159 = vector.extract_strided_slice %convert_element_type3A_54 {offsets = [424, 0], sizes = [8, 512], strides = [1, 1]} : vector<512x512xf32> to vector<8x512xf32>
    %add3A_160 = arith.addf %add3A_158, %slice3A_159 : vector<8x512xf32>
    %slice3A_161 = vector.extract_strided_slice %convert_element_type3A_54 {offsets = [432, 0], sizes = [8, 512], strides = [1, 1]} : vector<512x512xf32> to vector<8x512xf32>
    %add3A_162 = arith.addf %add3A_160, %slice3A_161 : vector<8x512xf32>
    %slice3A_163 = vector.extract_strided_slice %convert_element_type3A_54 {offsets = [440, 0], sizes = [8, 512], strides = [1, 1]} : vector<512x512xf32> to vector<8x512xf32>
    %add3A_164 = arith.addf %add3A_162, %slice3A_163 : vector<8x512xf32>
    %slice3A_165 = vector.extract_strided_slice %convert_element_type3A_54 {offsets = [448, 0], sizes = [8, 512], strides = [1, 1]} : vector<512x512xf32> to vector<8x512xf32>
    %add3A_166 = arith.addf %add3A_164, %slice3A_165 : vector<8x512xf32>
    %slice3A_167 = vector.extract_strided_slice %convert_element_type3A_54 {offsets = [456, 0], sizes = [8, 512], strides = [1, 1]} : vector<512x512xf32> to vector<8x512xf32>
    %add3A_168 = arith.addf %add3A_166, %slice3A_167 : vector<8x512xf32>
    %slice3A_169 = vector.extract_strided_slice %convert_element_type3A_54 {offsets = [464, 0], sizes = [8, 512], strides = [1, 1]} : vector<512x512xf32> to vector<8x512xf32>
    %add3A_170 = arith.addf %add3A_168, %slice3A_169 : vector<8x512xf32>
    %slice3A_171 = vector.extract_strided_slice %convert_element_type3A_54 {offsets = [472, 0], sizes = [8, 512], strides = [1, 1]} : vector<512x512xf32> to vector<8x512xf32>
    %add3A_172 = arith.addf %add3A_170, %slice3A_171 : vector<8x512xf32>
    %slice3A_173 = vector.extract_strided_slice %convert_element_type3A_54 {offsets = [480, 0], sizes = [8, 512], strides = [1, 1]} : vector<512x512xf32> to vector<8x512xf32>
    %add3A_174 = arith.addf %add3A_172, %slice3A_173 : vector<8x512xf32>
    %slice3A_175 = vector.extract_strided_slice %convert_element_type3A_54 {offsets = [488, 0], sizes = [8, 512], strides = [1, 1]} : vector<512x512xf32> to vector<8x512xf32>
    %add3A_176 = arith.addf %add3A_174, %slice3A_175 : vector<8x512xf32>
    %slice3A_177 = vector.extract_strided_slice %convert_element_type3A_54 {offsets = [496, 0], sizes = [8, 512], strides = [1, 1]} : vector<512x512xf32> to vector<8x512xf32>
    %add3A_178 = arith.addf %add3A_176, %slice3A_177 : vector<8x512xf32>
    %slice3A_179 = vector.extract_strided_slice %convert_element_type3A_54 {offsets = [504, 0], sizes = [8, 512], strides = [1, 1]} : vector<512x512xf32> to vector<8x512xf32>
    %add3A_180 = arith.addf %add3A_178, %slice3A_179 : vector<8x512xf32>
    %mul3A_181 = arith.mulf %mul3A_50, %convert_element_type3A_54 : vector<512x512xf32>
    %slice3A_182 = vector.extract_strided_slice %mul3A_181 {offsets = [0, 0], sizes = [8, 512], strides = [1, 1]} : vector<512x512xf32> to vector<8x512xf32>
    %slice3A_183 = vector.extract_strided_slice %mul3A_181 {offsets = [8, 0], sizes = [8, 512], strides = [1, 1]} : vector<512x512xf32> to vector<8x512xf32>
    %add3A_184 = arith.addf %slice3A_182, %slice3A_183 : vector<8x512xf32>
    %slice3A_185 = vector.extract_strided_slice %mul3A_181 {offsets = [16, 0], sizes = [8, 512], strides = [1, 1]} : vector<512x512xf32> to vector<8x512xf32>
    %add3A_186 = arith.addf %add3A_184, %slice3A_185 : vector<8x512xf32>
    %slice3A_187 = vector.extract_strided_slice %mul3A_181 {offsets = [24, 0], sizes = [8, 512], strides = [1, 1]} : vector<512x512xf32> to vector<8x512xf32>
    %add3A_188 = arith.addf %add3A_186, %slice3A_187 : vector<8x512xf32>
    %slice3A_189 = vector.extract_strided_slice %mul3A_181 {offsets = [32, 0], sizes = [8, 512], strides = [1, 1]} : vector<512x512xf32> to vector<8x512xf32>
    %add3A_190 = arith.addf %add3A_188, %slice3A_189 : vector<8x512xf32>
    %slice3A_191 = vector.extract_strided_slice %mul3A_181 {offsets = [40, 0], sizes = [8, 512], strides = [1, 1]} : vector<512x512xf32> to vector<8x512xf32>
    %add3A_192 = arith.addf %add3A_190, %slice3A_191 : vector<8x512xf32>
    %slice3A_193 = vector.extract_strided_slice %mul3A_181 {offsets = [48, 0], sizes = [8, 512], strides = [1, 1]} : vector<512x512xf32> to vector<8x512xf32>
    %add3A_194 = arith.addf %add3A_192, %slice3A_193 : vector<8x512xf32>
    %slice3A_195 = vector.extract_strided_slice %mul3A_181 {offsets = [56, 0], sizes = [8, 512], strides = [1, 1]} : vector<512x512xf32> to vector<8x512xf32>
    %add3A_196 = arith.addf %add3A_194, %slice3A_195 : vector<8x512xf32>
    %slice3A_197 = vector.extract_strided_slice %mul3A_181 {offsets = [64, 0], sizes = [8, 512], strides = [1, 1]} : vector<512x512xf32> to vector<8x512xf32>
    %add3A_198 = arith.addf %add3A_196, %slice3A_197 : vector<8x512xf32>
    %slice3A_199 = vector.extract_strided_slice %mul3A_181 {offsets = [72, 0], sizes = [8, 512], strides = [1, 1]} : vector<512x512xf32> to vector<8x512xf32>
    %add3A_200 = arith.addf %add3A_198, %slice3A_199 : vector<8x512xf32>
    %slice3A_201 = vector.extract_strided_slice %mul3A_181 {offsets = [80, 0], sizes = [8, 512], strides = [1, 1]} : vector<512x512xf32> to vector<8x512xf32>
    %add3A_202 = arith.addf %add3A_200, %slice3A_201 : vector<8x512xf32>
    %slice3A_203 = vector.extract_strided_slice %mul3A_181 {offsets = [88, 0], sizes = [8, 512], strides = [1, 1]} : vector<512x512xf32> to vector<8x512xf32>
    %add3A_204 = arith.addf %add3A_202, %slice3A_203 : vector<8x512xf32>
    %slice3A_205 = vector.extract_strided_slice %mul3A_181 {offsets = [96, 0], sizes = [8, 512], strides = [1, 1]} : vector<512x512xf32> to vector<8x512xf32>
    %add3A_206 = arith.addf %add3A_204, %slice3A_205 : vector<8x512xf32>
    %slice3A_207 = vector.extract_strided_slice %mul3A_181 {offsets = [104, 0], sizes = [8, 512], strides = [1, 1]} : vector<512x512xf32> to vector<8x512xf32>
    %add3A_208 = arith.addf %add3A_206, %slice3A_207 : vector<8x512xf32>
    %slice3A_209 = vector.extract_strided_slice %mul3A_181 {offsets = [112, 0], sizes = [8, 512], strides = [1, 1]} : vector<512x512xf32> to vector<8x512xf32>
    %add3A_210 = arith.addf %add3A_208, %slice3A_209 : vector<8x512xf32>
    %slice3A_211 = vector.extract_strided_slice %mul3A_181 {offsets = [120, 0], sizes = [8, 512], strides = [1, 1]} : vector<512x512xf32> to vector<8x512xf32>
    %add3A_212 = arith.addf %add3A_210, %slice3A_211 : vector<8x512xf32>
    %slice3A_213 = vector.extract_strided_slice %mul3A_181 {offsets = [128, 0], sizes = [8, 512], strides = [1, 1]} : vector<512x512xf32> to vector<8x512xf32>
    %add3A_214 = arith.addf %add3A_212, %slice3A_213 : vector<8x512xf32>
    %slice3A_215 = vector.extract_strided_slice %mul3A_181 {offsets = [136, 0], sizes = [8, 512], strides = [1, 1]} : vector<512x512xf32> to vector<8x512xf32>
    %add3A_216 = arith.addf %add3A_214, %slice3A_215 : vector<8x512xf32>
    %slice3A_217 = vector.extract_strided_slice %mul3A_181 {offsets = [144, 0], sizes = [8, 512], strides = [1, 1]} : vector<512x512xf32> to vector<8x512xf32>
    %add3A_218 = arith.addf %add3A_216, %slice3A_217 : vector<8x512xf32>
    %slice3A_219 = vector.extract_strided_slice %mul3A_181 {offsets = [152, 0], sizes = [8, 512], strides = [1, 1]} : vector<512x512xf32> to vector<8x512xf32>
    %add3A_220 = arith.addf %add3A_218, %slice3A_219 : vector<8x512xf32>
    %slice3A_221 = vector.extract_strided_slice %mul3A_181 {offsets = [160, 0], sizes = [8, 512], strides = [1, 1]} : vector<512x512xf32> to vector<8x512xf32>
    %add3A_222 = arith.addf %add3A_220, %slice3A_221 : vector<8x512xf32>
    %slice3A_223 = vector.extract_strided_slice %mul3A_181 {offsets = [168, 0], sizes = [8, 512], strides = [1, 1]} : vector<512x512xf32> to vector<8x512xf32>
    %add3A_224 = arith.addf %add3A_222, %slice3A_223 : vector<8x512xf32>
    %slice3A_225 = vector.extract_strided_slice %mul3A_181 {offsets = [176, 0], sizes = [8, 512], strides = [1, 1]} : vector<512x512xf32> to vector<8x512xf32>
    %add3A_226 = arith.addf %add3A_224, %slice3A_225 : vector<8x512xf32>
    %slice3A_227 = vector.extract_strided_slice %mul3A_181 {offsets = [184, 0], sizes = [8, 512], strides = [1, 1]} : vector<512x512xf32> to vector<8x512xf32>
    %add3A_228 = arith.addf %add3A_226, %slice3A_227 : vector<8x512xf32>
    %slice3A_229 = vector.extract_strided_slice %mul3A_181 {offsets = [192, 0], sizes = [8, 512], strides = [1, 1]} : vector<512x512xf32> to vector<8x512xf32>
    %add3A_230 = arith.addf %add3A_228, %slice3A_229 : vector<8x512xf32>
    %slice3A_231 = vector.extract_strided_slice %mul3A_181 {offsets = [200, 0], sizes = [8, 512], strides = [1, 1]} : vector<512x512xf32> to vector<8x512xf32>
    %add3A_232 = arith.addf %add3A_230, %slice3A_231 : vector<8x512xf32>
    %slice3A_233 = vector.extract_strided_slice %mul3A_181 {offsets = [208, 0], sizes = [8, 512], strides = [1, 1]} : vector<512x512xf32> to vector<8x512xf32>
    %add3A_234 = arith.addf %add3A_232, %slice3A_233 : vector<8x512xf32>
    %slice3A_235 = vector.extract_strided_slice %mul3A_181 {offsets = [216, 0], sizes = [8, 512], strides = [1, 1]} : vector<512x512xf32> to vector<8x512xf32>
    %add3A_236 = arith.addf %add3A_234, %slice3A_235 : vector<8x512xf32>
    %slice3A_237 = vector.extract_strided_slice %mul3A_181 {offsets = [224, 0], sizes = [8, 512], strides = [1, 1]} : vector<512x512xf32> to vector<8x512xf32>
    %add3A_238 = arith.addf %add3A_236, %slice3A_237 : vector<8x512xf32>
    %slice3A_239 = vector.extract_strided_slice %mul3A_181 {offsets = [232, 0], sizes = [8, 512], strides = [1, 1]} : vector<512x512xf32> to vector<8x512xf32>
    %add3A_240 = arith.addf %add3A_238, %slice3A_239 : vector<8x512xf32>
    %slice3A_241 = vector.extract_strided_slice %mul3A_181 {offsets = [240, 0], sizes = [8, 512], strides = [1, 1]} : vector<512x512xf32> to vector<8x512xf32>
    %add3A_242 = arith.addf %add3A_240, %slice3A_241 : vector<8x512xf32>
    %slice3A_243 = vector.extract_strided_slice %mul3A_181 {offsets = [248, 0], sizes = [8, 512], strides = [1, 1]} : vector<512x512xf32> to vector<8x512xf32>
    %add3A_244 = arith.addf %add3A_242, %slice3A_243 : vector<8x512xf32>
    %slice3A_245 = vector.extract_strided_slice %mul3A_181 {offsets = [256, 0], sizes = [8, 512], strides = [1, 1]} : vector<512x512xf32> to vector<8x512xf32>
    %add3A_246 = arith.addf %add3A_244, %slice3A_245 : vector<8x512xf32>
    %slice3A_247 = vector.extract_strided_slice %mul3A_181 {offsets = [264, 0], sizes = [8, 512], strides = [1, 1]} : vector<512x512xf32> to vector<8x512xf32>
    %add3A_248 = arith.addf %add3A_246, %slice3A_247 : vector<8x512xf32>
    %slice3A_249 = vector.extract_strided_slice %mul3A_181 {offsets = [272, 0], sizes = [8, 512], strides = [1, 1]} : vector<512x512xf32> to vector<8x512xf32>
    %add3A_250 = arith.addf %add3A_248, %slice3A_249 : vector<8x512xf32>
    %slice3A_251 = vector.extract_strided_slice %mul3A_181 {offsets = [280, 0], sizes = [8, 512], strides = [1, 1]} : vector<512x512xf32> to vector<8x512xf32>
    %add3A_252 = arith.addf %add3A_250, %slice3A_251 : vector<8x512xf32>
    %slice3A_253 = vector.extract_strided_slice %mul3A_181 {offsets = [288, 0], sizes = [8, 512], strides = [1, 1]} : vector<512x512xf32> to vector<8x512xf32>
    %add3A_254 = arith.addf %add3A_252, %slice3A_253 : vector<8x512xf32>
    %slice3A_255 = vector.extract_strided_slice %mul3A_181 {offsets = [296, 0], sizes = [8, 512], strides = [1, 1]} : vector<512x512xf32> to vector<8x512xf32>
    %add3A_256 = arith.addf %add3A_254, %slice3A_255 : vector<8x512xf32>
    %slice3A_257 = vector.extract_strided_slice %mul3A_181 {offsets = [304, 0], sizes = [8, 512], strides = [1, 1]} : vector<512x512xf32> to vector<8x512xf32>
    %add3A_258 = arith.addf %add3A_256, %slice3A_257 : vector<8x512xf32>
    %slice3A_259 = vector.extract_strided_slice %mul3A_181 {offsets = [312, 0], sizes = [8, 512], strides = [1, 1]} : vector<512x512xf32> to vector<8x512xf32>
    %add3A_260 = arith.addf %add3A_258, %slice3A_259 : vector<8x512xf32>
    %slice3A_261 = vector.extract_strided_slice %mul3A_181 {offsets = [320, 0], sizes = [8, 512], strides = [1, 1]} : vector<512x512xf32> to vector<8x512xf32>
    %add3A_262 = arith.addf %add3A_260, %slice3A_261 : vector<8x512xf32>
    %slice3A_263 = vector.extract_strided_slice %mul3A_181 {offsets = [328, 0], sizes = [8, 512], strides = [1, 1]} : vector<512x512xf32> to vector<8x512xf32>
    %add3A_264 = arith.addf %add3A_262, %slice3A_263 : vector<8x512xf32>
    %slice3A_265 = vector.extract_strided_slice %mul3A_181 {offsets = [336, 0], sizes = [8, 512], strides = [1, 1]} : vector<512x512xf32> to vector<8x512xf32>
    %add3A_266 = arith.addf %add3A_264, %slice3A_265 : vector<8x512xf32>
    %slice3A_267 = vector.extract_strided_slice %mul3A_181 {offsets = [344, 0], sizes = [8, 512], strides = [1, 1]} : vector<512x512xf32> to vector<8x512xf32>
    %add3A_268 = arith.addf %add3A_266, %slice3A_267 : vector<8x512xf32>
    %slice3A_269 = vector.extract_strided_slice %mul3A_181 {offsets = [352, 0], sizes = [8, 512], strides = [1, 1]} : vector<512x512xf32> to vector<8x512xf32>
    %add3A_270 = arith.addf %add3A_268, %slice3A_269 : vector<8x512xf32>
    %slice3A_271 = vector.extract_strided_slice %mul3A_181 {offsets = [360, 0], sizes = [8, 512], strides = [1, 1]} : vector<512x512xf32> to vector<8x512xf32>
    %add3A_272 = arith.addf %add3A_270, %slice3A_271 : vector<8x512xf32>
    %slice3A_273 = vector.extract_strided_slice %mul3A_181 {offsets = [368, 0], sizes = [8, 512], strides = [1, 1]} : vector<512x512xf32> to vector<8x512xf32>
    %add3A_274 = arith.addf %add3A_272, %slice3A_273 : vector<8x512xf32>
    %slice3A_275 = vector.extract_strided_slice %mul3A_181 {offsets = [376, 0], sizes = [8, 512], strides = [1, 1]} : vector<512x512xf32> to vector<8x512xf32>
    %add3A_276 = arith.addf %add3A_274, %slice3A_275 : vector<8x512xf32>
    %slice3A_277 = vector.extract_strided_slice %mul3A_181 {offsets = [384, 0], sizes = [8, 512], strides = [1, 1]} : vector<512x512xf32> to vector<8x512xf32>
    %add3A_278 = arith.addf %add3A_276, %slice3A_277 : vector<8x512xf32>
    %slice3A_279 = vector.extract_strided_slice %mul3A_181 {offsets = [392, 0], sizes = [8, 512], strides = [1, 1]} : vector<512x512xf32> to vector<8x512xf32>
    %add3A_280 = arith.addf %add3A_278, %slice3A_279 : vector<8x512xf32>
    %slice3A_281 = vector.extract_strided_slice %mul3A_181 {offsets = [400, 0], sizes = [8, 512], strides = [1, 1]} : vector<512x512xf32> to vector<8x512xf32>
    %add3A_282 = arith.addf %add3A_280, %slice3A_281 : vector<8x512xf32>
    %slice3A_283 = vector.extract_strided_slice %mul3A_181 {offsets = [408, 0], sizes = [8, 512], strides = [1, 1]} : vector<512x512xf32> to vector<8x512xf32>
    %add3A_284 = arith.addf %add3A_282, %slice3A_283 : vector<8x512xf32>
    %slice3A_285 = vector.extract_strided_slice %mul3A_181 {offsets = [416, 0], sizes = [8, 512], strides = [1, 1]} : vector<512x512xf32> to vector<8x512xf32>
    %add3A_286 = arith.addf %add3A_284, %slice3A_285 : vector<8x512xf32>
    %slice3A_287 = vector.extract_strided_slice %mul3A_181 {offsets = [424, 0], sizes = [8, 512], strides = [1, 1]} : vector<512x512xf32> to vector<8x512xf32>
    %add3A_288 = arith.addf %add3A_286, %slice3A_287 : vector<8x512xf32>
    %slice3A_289 = vector.extract_strided_slice %mul3A_181 {offsets = [432, 0], sizes = [8, 512], strides = [1, 1]} : vector<512x512xf32> to vector<8x512xf32>
    %add3A_290 = arith.addf %add3A_288, %slice3A_289 : vector<8x512xf32>
    %slice3A_291 = vector.extract_strided_slice %mul3A_181 {offsets = [440, 0], sizes = [8, 512], strides = [1, 1]} : vector<512x512xf32> to vector<8x512xf32>
    %add3A_292 = arith.addf %add3A_290, %slice3A_291 : vector<8x512xf32>
    %slice3A_293 = vector.extract_strided_slice %mul3A_181 {offsets = [448, 0], sizes = [8, 512], strides = [1, 1]} : vector<512x512xf32> to vector<8x512xf32>
    %add3A_294 = arith.addf %add3A_292, %slice3A_293 : vector<8x512xf32>
    %slice3A_295 = vector.extract_strided_slice %mul3A_181 {offsets = [456, 0], sizes = [8, 512], strides = [1, 1]} : vector<512x512xf32> to vector<8x512xf32>
    %add3A_296 = arith.addf %add3A_294, %slice3A_295 : vector<8x512xf32>
    %slice3A_297 = vector.extract_strided_slice %mul3A_181 {offsets = [464, 0], sizes = [8, 512], strides = [1, 1]} : vector<512x512xf32> to vector<8x512xf32>
    %add3A_298 = arith.addf %add3A_296, %slice3A_297 : vector<8x512xf32>
    %slice3A_299 = vector.extract_strided_slice %mul3A_181 {offsets = [472, 0], sizes = [8, 512], strides = [1, 1]} : vector<512x512xf32> to vector<8x512xf32>
    %add3A_300 = arith.addf %add3A_298, %slice3A_299 : vector<8x512xf32>
    %slice3A_301 = vector.extract_strided_slice %mul3A_181 {offsets = [480, 0], sizes = [8, 512], strides = [1, 1]} : vector<512x512xf32> to vector<8x512xf32>
    %add3A_302 = arith.addf %add3A_300, %slice3A_301 : vector<8x512xf32>
    %slice3A_303 = vector.extract_strided_slice %mul3A_181 {offsets = [488, 0], sizes = [8, 512], strides = [1, 1]} : vector<512x512xf32> to vector<8x512xf32>
    %add3A_304 = arith.addf %add3A_302, %slice3A_303 : vector<8x512xf32>
    %slice3A_305 = vector.extract_strided_slice %mul3A_181 {offsets = [496, 0], sizes = [8, 512], strides = [1, 1]} : vector<512x512xf32> to vector<8x512xf32>
    %add3A_306 = arith.addf %add3A_304, %slice3A_305 : vector<8x512xf32>
    %slice3A_307 = vector.extract_strided_slice %mul3A_181 {offsets = [504, 0], sizes = [8, 512], strides = [1, 1]} : vector<512x512xf32> to vector<8x512xf32>
    %add3A_308 = arith.addf %add3A_306, %slice3A_307 : vector<8x512xf32>
    %concatenate3A = tpu.concatenate %add3A_180, %add3A_308 in 0 : vector<8x512xf32>, vector<8x512xf32> -> vector<16x512xf32>
    %swap3A = arith.constant 0 : index
    %swap3A_309 = arith.constant 0 : index
    %swap3A_310 = vector.load %arg5[%swap3A, %swap3A_309] : memref<16x512xf32, #tpu.memory_space<vmem>>, vector<16x512xf32>
    tpu.vector_store %arg5[%swap3A, %swap3A_309], %concatenate3A {strides = array<i32>} : memref<16x512xf32, #tpu.memory_space<vmem>>, vector<16x512xf32>,
    return
  }
  func.func @transform_0(%arg0: i32) -> (i32, i32) {
    %c0_i32 = arith.constant 0 : i32
    %c0_i32_0 = arith.constant 0 : i32
    return %arg0, %c0_i32 : i32, i32
  }
  func.func @transform_1(%arg0: i32) -> (i32, i32) {
    %c0_i32 = arith.constant 0 : i32
    %c0_i32_0 = arith.constant 0 : i32
    return %arg0, %c0_i32 : i32, i32
  }
  func.func @transform_2(%arg0: i32) -> (i32, i32) {
    %c0_i32 = arith.constant 0 : i32
    %c0_i32_0 = arith.constant 0 : i32
    return %arg0, %c0_i32 : i32, i32
  }
  func.func @transform_3(%arg0: i32) -> (i32, i32) {
    %c0_i32 = arith.constant 0 : i32
    %c0_i32_0 = arith.constant 0 : i32
    %c0_i32_1 = arith.constant 0 : i32
    return %c0_i32, %c0_i32_0 : i32, i32
  }
  func.func @transform_4(%arg0: i32) -> (i32, i32) {
    %c0_i32 = arith.constant 0 : i32
    %c0_i32_0 = arith.constant 0 : i32
    return %arg0, %c0_i32 : i32, i32
  }
}

</mosaic_0001>

<sc_bundles>
// kernel: kernel.4.cloned.1.call-start
scs
__scs_entry_jumppad:
0x0: {  	(pc) =	sbr.rel $0x88, $3  }
0x1: {  	(tag) =	ssettag $0x0;
	lr =	simm.s32 $0x1  }
0x2: {  	[smem:$0x3F9E] =	sst lr;
	_ =	strace $0xD0000000  }
0x3: {  	_ = 	snop  }
0x4: {  	_ = 	snop  }
0x5: {  	_ = 	snop  }
0x6: {  	_ = 	snop  }
0x7: {  	_ = 	snop  }
__scs_overlays_trampoline_lowered:
0x8: {  	[smem:$0x3FAD] =	sst s0  }
0x9: {  	[smem:$0x3FAE] =	sst s1  }
0xa: {  	[smem:$0x3FAF] =	sst s2  }
0xb: {  	[smem:$0x3FB0] =	sst s3  }
0xc: {  	[smem:$0x3FB1] =	sst s4  }
0xd: {  	[smem:$0x3FB2] =	sst s5  }
0xe: {  	[smem:$0x3FB3] =	sst s6  }
0xf: {  	[smem:$0x3FB4] =	sst s7  }
0x10: {  	[smem:$0x3FB5] =	sst s8  }
0x11: {  	[smem:$0x3FB6] =	sst s9;
	s0 =	simm.s32 @!p0 $0x0  }
0x12: {  	s1 =	sld [smem:$0x3F9C];
	s0 =	simm.s32 @p0 $0x1  }
0x13: {  	[smem:$0x3FB7] =	sst s0;
	s0 =	simm.s32 @!p1 $0x0  }
0x14: {  	s2 =	sld [smem:$0x3F9B];
	s0 =	simm.s32 @p1 $0x1  }
0x15: {  	[smem:$0x3FB8] =	sst s0;
	s0 =	simm.s32 @!p2 $0x0  }
0x16: {  	s3 =	sld [smem:$0x3FDB];
	s0 =	simm.s32 @p2 $0x1  }
0x17: {  	s4 =	simm.s32 $0x1BF5;
	[smem:$0x3FBA] =	sst s0  }
0x18: {  	s0 =	sld [smem:$0x3F9D];
	_ =	swait.ge [sflag:s4], $0x0  }
0x19: {  	s7 =	sld [smem:$0x3F9E]  }
0x1a: {  	s8 =	sadd.s32 $0xFFFFE003, lr  }
0x1b: {  	s9 =	sadd.s32 $0xFFFFFEF7, lr;
	s5 =	simm.s32 $0xFFFFFFFF;
	p2 =	slt.u32 s8, $0xFFFFF086  }
0x1c: {  	p1 =	slt.u32 s9, $0xF7A;
	s5 =	simm.s32 @!p2 $0x0  }
0x1d: {  	s5 =	simm.s32 @p1 $0x1;
	p0 =	seq.s32 s7, s2  }
0x1e: {  	s7 =	smul.u32 @!p0 $0xF7A, s2;
	p2 =	seq.s32 @!p0 s5, $0x0  }
0x1f: {  	s9 =	smul.u32 $0xF7A, s1;
	s8 =	simm.s32 @!p0 $0x1BF5;
	p2 =	por !p2, p0  }
0x20: {  	[sflag:s8] =	ssyncset.s32 @!p0 $0xFFFFF086;
	s6 =	sadd.s32 @!p0 s3, s7;
	s7 =	simm.s32 @!p0 $0x108  }
0x21: {  	s3 =	sadd.s32 s3, s9;
	s6 =	sadd.s32 @!p0 $0x88, s6;
	s7 =	simm.s32 @p2 $0x1082  }
0x22: {  	[simem:s7], [sflag:s8] =	dma.local @!p0 [hbm:s6], $0xF7A  }
0x23: {  	s9 =	sor.u32 $0xD0000000, s2;
	s6 =	simm.s32 $0x108;
	_ =	swait.ge @!p0 [sflag:s8], $0x0  }
0x24: {  	s3 =	sadd.s32 $0x88, s3;
	s6 =	simm.s32 @!p1 $0x1082;
	[sflag:s4] =	ssyncset.s32 $0xFFFFF086  }
0x25: {  	[simem:s6], [sflag:s4] =	dma.local [hbm:s3], $0xF7A  }
0x26: {  	[smem:$0x3F9E] =	sst s1;
	(tag) =	ssettag s2;
	_ =	strace s9  }
0x27: {  	s1 =	sld [smem:$0x3FAE]  }
0x28: {  	s2 =	sld [smem:$0x3FAF]  }
0x29: {  	s4 =	sld [smem:$0x3FB1]  }
0x2a: {  	p0 =	seq.s32 s5, $0x0;
	s5 =	sld [smem:$0x3FB2]  }
0x2b: {  	s6 =	sld [smem:$0x3FB3]  }
0x2c: {  	s7 =	sld [smem:$0x3FB4]  }
0x2d: {  	s3 =	simm.s32 $0x108;
	s8 =	sld [smem:$0x3FB5]  }
0x2e: {  	s3 =	simm.s32 @!p0 $0x1082;
	s9 =	sld [smem:$0x3FB6]  }
0x2f: {  	lr =	sadd.s32 s0, s3;
	s0 =	sld [smem:$0x3FAD]  }
0x30: {  	s3 =	sld [smem:$0x3FB0]  }
0x31: {  	[smem:$0x3FB9] =	sst s10  }
0x32: {  	s10 =	sld [smem:$0x3FB7];
	_ =	sdelay $0x3  }
0x33: {  	p0 =	seq.s32 s10, $0x1;
	s10 =	sld [smem:$0x3FB9];
	_ =	sdelay $0x3  }
0x34: {  	[smem:$0x3FB9] =	sst s10  }
0x35: {  	s10 =	sld [smem:$0x3FB8];
	_ =	sdelay $0x3  }
0x36: {  	p1 =	seq.s32 s10, $0x1;
	s10 =	sld [smem:$0x3FB9];
	_ =	sdelay $0x3  }
0x37: {  	[smem:$0x3FB9] =	sst s10  }
0x38: {  	s10 =	sld [smem:$0x3FBA]  }
0x39: {  	_ = 	snop;
	(pc) =	sbr.ind lr, $3  }
0x3a: {  	_ = 	snop  }
0x3b: {  	_ = 	snop  }
0x3c: {  	p2 =	seq.s32 s10, $0x1;
	s10 =	sld [smem:$0x3FB9]  }
0x3d: {  	_ =	shalt  }
0x3e: {  	_ =	shalt  }
0x3f: {  	_ =	shalt  }
0x40: {  	_ =	shalt  }
0x41: {  	_ =	shalt  }
0x42: {  	_ =	shalt  }
0x43: {  	_ =	shalt  }
0x44: {  	_ =	shalt  }
0x45: {  	_ =	shalt  }
0x46: {  	_ =	shalt  }
0x47: {  	_ =	shalt  }
0x48: {  	_ =	shalt  }
0x49: {  	_ =	shalt  }
0x4a: {  	_ =	shalt  }
0x4b: {  	_ =	shalt  }
0x4c: {  	_ =	shalt  }
0x4d: {  	_ =	shalt  }
0x4e: {  	_ =	shalt  }
0x4f: {  	_ =	shalt  }
0x50: {  	_ =	shalt  }
0x51: {  	_ =	shalt  }
0x52: {  	_ =	shalt  }
0x53: {  	_ =	shalt  }
0x54: {  	_ =	shalt  }
0x55: {  	_ =	shalt  }
0x56: {  	_ =	shalt  }
0x57: {  	_ =	shalt  }
0x58: {  	_ =	shalt  }
0x59: {  	_ =	shalt  }
0x5a: {  	_ =	shalt  }
0x5b: {  	_ =	shalt  }
0x5c: {  	_ =	shalt  }
0x5d: {  	_ =	shalt  }
0x5e: {  	_ =	shalt  }
0x5f: {  	_ =	shalt  }
0x60: {  	_ =	shalt  }
0x61: {  	_ =	shalt  }
0x62: {  	_ =	shalt  }
0x63: {  	_ =	shalt  }
0x64: {  	_ =	shalt  }
0x65: {  	_ =	shalt  }
0x66: {  	_ =	shalt  }
0x67: {  	_ =	shalt  }
0x68: {  	_ =	shalt  }
0x69: {  	_ =	shalt  }
0x6a: {  	_ =	shalt  }
0x6b: {  	_ =	shalt  }
0x6c: {  	_ =	shalt  }
0x6d: {  	_ =	shalt  }
0x6e: {  	_ =	shalt  }
0x6f: {  	_ =	shalt  }
0x70: {  	_ =	shalt  }
0x71: {  	_ =	shalt  }
0x72: {  	_ =	shalt  }
0x73: {  	_ =	shalt  }
0x74: {  	_ =	shalt  }
0x75: {  	_ =	shalt  }
0x76: {  	_ =	shalt  }
0x77: {  	_ =	shalt  }
0x78: {  	_ =	shalt  }
0x79: {  	_ =	shalt  }
0x7a: {  	_ =	shalt  }
0x7b: {  	_ =	shalt  }
0x7c: {  	_ =	shalt  }
0x7d: {  	_ =	shalt  }
0x7e: {  	_ =	shalt  }
0x7f: {  	_ =	shalt  }
0x80: {  	_ =	shalt  }
0x81: {  	_ =	shalt  }
0x82: {  	_ =	shalt  }
0x83: {  	_ =	shalt  }
0x84: {  	_ =	shalt  }
0x85: {  	_ =	shalt  }
0x86: {  	_ =	shalt  }
0x87: {  	_ =	shalt  }
.Lfunc_end0:
.L_simem_size_0:
called_computation_lowered:
.L_overlay_start_0:
0x88: {  	s2 =	sld [smem:$0x3FD9]  }
0x89: {  	s3 =	sld [smem:$0x3FFE];
	_ =	sdelay $0x1  }
0x8a: {  	s1 =	srdreg.scid  }
0x8b: {  	s0 =	sand.u32 $0x1, s1  }
0x8c: {  	s17 =	sshll.u32 s0, $0xA;
	s2 =	sadd.s32 s3, s2  }
0x8d: {  	s2 =	sadd.s32 s2, s17  }
0x8e: {  	[smem:$0x3FC5] =	sst s2  }
0x8f: {  	_ = 	snop  }
0x90: {  	s2 =	sld [smem:$0x3FC9]  }
0x91: {  	s18 =	sld [smem:$0x3FC8]  }
0x92: {  	s4 =	sld [smem:$0x3FC7];
	(tm) =	ssettm $0x1  }
0x93: {  	s5 =	sld [smem:$0x3FFB];
	_ =	sdelay $0x3  }
0x94: {  	_ =	strace s5  }
0x95: {  	s5 =	sld [smem:$0x3FFC];
	_ =	sdelay $0x3  }
0x96: {  	_ =	strace s5  }
0x97: {  	s5 =	sld [smem:$0x3FFD];
	_ =	sdelay $0x3  }
0x98: {  	_ =	strace s5  }
0x99: {  	_ =	strace $0x8FFFFFFF  }
0x9a: {  	s19 =	sld [smem:$0x3FDB];
	_ =	sdelay $0x1  }
0x9b: {  	s6 =	simm.s32 $_scs_section_size  }
0x9c: {  	s7 =	simm.s32 $_size__tile_overlayer_lowered;
	s8 =	simm.s32 $_tile_overlayer_lowered  }
0x9d: {  	s22 =	simm.s32 $0x1BFF;
	s21 =	sshll.u32 s8, $0x1;
	s5 =	sadd.s32 s6, s19  }
0x9e: {  	s9 =	simm.s32 $0x0;
	s20 =	sshll.u32 s7, $0x1;
	s7 =	sadd.s32 s21, s5  }
0x9f: {  	[timem:s9], [sflag:s22] =	dma.local [hbm:s7], s20  }
0xa0: {  	_ =	swait.ge [sflag:s22], s20  }
0xa1: {  	s6 =	ssub.s32 $0x0, s20;
	[sflag:s22] =	ssyncset.done $0x0  }
0xa2: {  	[sflag:s22] =	ssyncadd.s32 s6;
	_ =	sdelay $0x1  }
0xa3: {  	s23 =	simm.s32 $0x1B8B  }
0xa4: {  	_ =	swait.ge [sflag:s23], $0x1  }
0xa5: {  	[sflag:s23] =	ssyncset.done $0x0  }
0xa6: {  	s25 =	simm.s32 $0x1B8E;
	s24 =	sld [smem:$0x3FFE];
	[sflag:s23] =	ssyncadd.s32 $0xFFFFFFFF  }
0xa7: {  	s26 =	simm.s32 $execute0_lowered;
	[smem:$0x3FD2] =	sst s25  }
0xa8: {  	s7 =	sshll.u32 s26, $0x1;
	_ =	strace $0x80000046;
	[dreg:$0x1] =	wrdreg $0xFFFFFFFF  }
0xa9: {  	s28 =	simm.s32 $_size_execute0_lowered;
	s5 =	sadd.s32 s5, s7;
	[dreg:$0x0] =	wrdreg $0x0  }
0xaa: {  	s7 =	sshll.u32 s28, $0x1;
	[dreg:$0x2] =	wrdreg s5  }
0xab: {  	[dreg:$0x3] =	wrdreg s7  }
0xac: {  	[dreg:$0x4] =	wrdreg $0xC0  }
0xad: {  	_ =	task [dreg:s9], $0x5FFFF  }
0xae: {  	[dreg:$0x1] =	wrdreg $0xFFFFFFFF  }
0xaf: {  	[dreg:$0x0] =	wrdreg $0x60  }
0xb0: {  	[dreg:$0x2] =	wrdreg s2  }
0xb1: {  	[dreg:$0x3] =	wrdreg s18  }
0xb2: {  	[dreg:$0x4] =	wrdreg s4  }
0xb3: {  	[dreg:$0x5] =	wrdreg s24  }
0xb4: {  	[dreg:$0x6] =	wrdreg $0x9  }
0xb5: {  	_ =	task.clear_ibuf [dreg:s9], $0x7FFFF;
	_ =	strace $0x90000046  }
0xb6: {  	s29 =	simm.s32 $0x9;
	_ =	strace $0x80000048  }
0xb7: {  	_ =	swait.ge [sflag:s29], $0x1  }
0xb8: {  	[sflag:s29] =	ssyncadd.s32 $0xFFFFFFFF  }
0xb9: {  	_ =	strace $0x90000048  }
0xba: {  	_ =	sfence  }
0xbb: {  	s30 =	sld [smem:$0x0];
	_ =	sdelay $0x2  }
0xbc: {  	s31 =	sshll.u32 s1, $0xD;
	s1 =	sshrl.u32 s1, $0x2  }
0xbd: {  	s3 =	sand.u32 $0x4000, s31;
	s1 =	sadd.s32 s1, s30  }
0xbe: {  	s0 =	sor.u32 s3, s0;
	s1 =	sshll.u32 s1, $0x11  }
0xbf: {  	s0 =	sor.u32 s1, s0  }
0xc0: {  	s0 =	sadd.s32 $0x8F2B, s0  }
0xc1: {  	[sflag:s0] =	ssyncadd.remote.s32 $0x1  }
0xc2: {  	_ =	sfence.sel $0xFFFF  }
0xc3: {  	[dreg:$0x0] =	wrdreg $0xFFFFFFFF;
	(pc) =	sbr.abs _section_cstart, $3  }
0xc4: {  	[dreg:$0x1] =	wrdreg $0xFFFFFFFF  }
0xc5: {  	_ =	task.clear_ibuf [dreg:s9], $0x2FFFF;
	_ =	strace $0x9FFFFFFF  }
0xc6: {  	(tm) =	ssettm $0x7FFFFFFF  }
0xc7: {  	_ =	shalt  }
tec
execute0_lowered:
.L_overlay_start_1:
0x0: {  	(tag) =	ssettag $0x1  }
0x1: {  	s0 =	rddreg [dreg:$0x0]  }
0x2: {  	s1 =	srdreg.scid;
	s16 =	rddreg [dreg:$0x1]  }
0x3: {  	s17 =	rddreg [dreg:$0x2];
	s3 =	stileid.u32  }
0x4: {  	s18 =	rddreg [dreg:$0x3];
	s21 =	simm.s32 $0x8000;
	s1 =	sand.u32 $0x1, s1  }
0x5: {  	s25 =	simm.s32 $0x1;
	s26 =	simm.s32 $0x2;
	s2 =	sshll.u32 s1, $0x4  }
0x6: {  	s29 =	simm.s32 $0x3;
	s30 =	simm.s32 $0x0;
	s19 =	sor.u32 s3, s2  }
0x7: {  	s1 =	ssub.s32 $0x2, s1;
	s2 =	simm.s32 $0x0;
	s3 =	smul.u32 $0xA000, s19  }
0x8: {  	s4 =	sshrl.u32 s1, $0x1;
	[smem:$0x7FF] =	sst s2;
	s5 =	smul.u32 $0x1400, s19  }
0x9: {  	s1 =	ssub.s32 s1, s4;
	s31 =	sshll.u32 s19, $0x6;
	_ =	strace $0x80000047  }
0xa: {  	s18 =	sadd.s32 s18, s31;
	s19 =	smax.u32 s1, $0x1;
	s13 =	sshrl.u32 s3, $0x3  }
0xb: {  	s28 =	sadd.s32 s0, s5;
	s4 =	sadd.s32 s16, s5;
	s5 =	sadd.s32 s17, s5  }
0xc: {  	[dreg:$0x5] =	wrdreg s28;
	s8 =	sadd.s32 $0x400, s13;
	s11 =	sadd.s32 $0x800, s13  }
0xd: {  	s14 =	sadd.s32 $0xC00, s13;
	s20 =	sadd.s32 $0x1000, s13;
	s6 =	sadd.s32 s0, s8  }
0xe: {  	s7 =	sadd.s32 s16, s8;
	s8 =	sadd.s32 s17, s8;
	s9 =	sadd.s32 s0, s11  }
0xf: {  	s10 =	sadd.s32 s16, s11;
	s11 =	sadd.s32 s17, s11;
	s12 =	sadd.s32 s0, s14  }
0x10: {  	s13 =	sadd.s32 s16, s14;
	s14 =	sadd.s32 s17, s14;
	s15 =	sadd.s32 s0, s20  }
0x11: {  	s16 =	sadd.s32 s16, s20;
	s17 =	sadd.s32 s17, s20;
	s20 =	simm.s32 $0x4000  }
.LBB2_1:
0x12: {  	s0 =	rddreg [dreg:$0x5]  }
0x13: {  	[tilespmem:s2], [sflag:$0x1] =	stream.linear.gather [hbm4b:s0+s2], $0x2000, $0x38;
	[tilespmem:$0xC200] =	vst v63  }
0x14: {  	_ = 	snop  }
0x15: {  	[tilespmem:s20], [sflag:$0x1] =	stream.linear.gather [hbm4b:s4+s2], $0x2000, $0x38;
	[tilespmem:$0xC200] =	vst v63  }
0x16: {  	_ = 	snop  }
0x17: {  	[tilespmem:s21], [sflag:$0x1] =	stream.linear.gather [hbm4b:s5+s2], $0x2000, $0x38;
	[tilespmem:$0xC200] =	vst v63  }
0x18: {  	s23 =	simm.s32 $0x2000  }
0x19: {  	[tilespmem:s23], [sflag:$0x2] =	stream.linear.gather [hbm4b:s6+s2], $0x2000, $0x38;
	[tilespmem:$0xC200] =	vst v63  }
0x1a: {  	s24 =	simm.s32 $0x6000  }
0x1b: {  	[tilespmem:s24], [sflag:$0x2] =	stream.linear.gather [hbm4b:s7+s2], $0x2000, $0x38;
	[tilespmem:$0xC200] =	vst v63  }
0x1c: {  	s28 =	simm.s32 $0xA000  }
0x1d: {  	[tilespmem:s28], [sflag:$0x2] =	stream.linear.gather [hbm4b:s8+s2], $0x2000, $0x38;
	[tilespmem:$0xC200] =	vst v63  }
0x1e: {  	_ =	swait.ge [sflag:s25], $0x2000  }
0x1f: {  	[sflag:s25] =	ssyncset.done $0x0  }
0x20: {  	[sflag:s25] =	ssyncadd.s32 $0xFFFFE000  }
0x21: {  	_ =	swait.ge [sflag:s25], $0x2000  }
0x22: {  	[sflag:s25] =	ssyncset.done $0x0  }
0x23: {  	[sflag:s25] =	ssyncadd.s32 $0xFFFFE000  }
0x24: {  	_ =	swait.ge [sflag:s25], $0x2000  }
0x25: {  	v0 =	vimm.f32 $0.0e+00;
	[sflag:s25] =	ssyncset.done $0x0  }
0x26: {  	v1 =	vimm.f32 $0.0e+00;
	v2 =	vimm.f32 $0.0e+00;
	v3 =	vimm.f32 $0.0e+00;
	s31 =	simm.s32 $0x0;
	[sflag:s25] =	ssyncadd.s32 $0xFFFFE000  }
.LBB2_2:
0x27: {  	s0 =	sshll.u32 s31, $0x9;
	s1 =	sshll.u32 s31, $0x7  }
0x28: {  	s22 =	simm.s32 $0x0;
	s0 =	sand.u32 $0x1000, s0;
	s1 =	sand.u32 $0x380, s1  }
0x29: {  	s23 =	sand.u32 $0x40, s22;
	s1 =	sor.u32 s0, s1  }
0x2a: {  	s22 =	sand.u32 $0xC00, s22;
	s0 =	sor.u32 s23, s1  }
0x2b: {  	s0 =	sor.u32 s22, s0  }
0x2c: {  	v14 =	vld [tilespmem:s0+$0x8000]  }
0x2d: {  	v5 =	vld [tilespmem:s0+$0x4000]  }
0x2e: {  	v9 =	vld [tilespmem:s0+$0x0];
	s22 =	sor.u32 $0x8030, s0  }
0x2f: {  	s23 =	sor.u32 $0x8020, s0;
	v4 =	vld [tilespmem:s22+$0x0]  }
0x30: {  	s24 =	sor.u32 $0x4030, s0;
	v6 =	vld [tilespmem:s23+$0x0]  }
0x31: {  	s3 =	sor.u32 $0x30, s0;
	v10 =	vld [tilespmem:s24+$0x0]  }
0x32: {  	s24 =	sor.u32 $0x4020, s0;
	v11 =	vld [tilespmem:s3+$0x0]  }
0x33: {  	s3 =	sor.u32 $0x20, s0;
	v12 =	vld [tilespmem:s24+$0x0]  }
0x34: {  	s24 =	sor.u32 $0x4010, s0;
	v13 =	vld [tilespmem:s3+$0x0]  }
0x35: {  	s3 =	sor.u32 $0x10, s0;
	v15 =	vld [tilespmem:s24+$0x0]  }
0x36: {  	v16 =	vld [tilespmem:s3+$0x0]  }
0x37: {  	v18 =	vmul.f32 v14, v5;
	vm0 =	vgt.f32 v5, $5.000000000e-01  }
0x38: {  	v5 =	vsub.f32 $1.000000000e+00, v9;
	v7 =	vmul.f32 v4, v10;
	vm1 =	vgt.f32 v10, $5.000000000e-01  }
0x39: {  	s0 =	sor.u32 $0x8010, s0;
	v10 =	vsub.f32 $1.000000000e+00, v11;
	v8 =	vmul.f32 v6, v12;
	v17 =	vsub.f32 $1.000000000e+00, v13  }
0x3a: {  	vm3 =	vgt.f32 v12, $5.000000000e-01;
	v5 =	vsel vm0, v9, v5;
	v9 =	vld [tilespmem:s0+$0x0];
	vm2 =	vgt.f32 v15, $5.000000000e-01  }
0x3b: {  	v19 =	vsub.f32 $1.000000000e+00, v16;
	v10 =	vsel vm1, v11, v10;
	v11 =	vand.u32 $0x7FFFFF, v5  }
0x3c: {  	vm0 =	vgt.f32 v5, $0.0e+00;
	v12 =	vsel vm3, v13, v17;
	v17 =	vor.u32 $0x3F800000, v11  }
0x3d: {  	v13 =	vsel vm2, v16, v19;
	v19 =	vand.u32 $0x7FFFFF, v12;
	v20 =	vmul.f32 $5.545931310e-02, v17  }
0x3e: {  	v16 =	vand.u32 $0x7FFFFF, v10;
	v11 =	vand.u32 $0x7FFFFF, v13;
	v19 =	vor.u32 $0x3F800000, v19  }
0x3f: {  	v21 =	vor.u32 $0x3F800000, v11;
	v20 =	vadd.f32 $-4.405027330e-01, v20;
	v11 =	vmul.f32 v9, v15  }
0x40: {  	v16 =	vor.u32 $0x3F800000, v16;
	v15 =	vmul.f32 $5.545931310e-02, v19;
	v22 =	vmul.f32 $5.545931310e-02, v21  }
0x41: {  	v5 =	vshra.s32 v5, $0x17;
	v23 =	vmul.f32 $5.545931310e-02, v16;
	v20 =	vmul.f32 v17, v20  }
0x42: {  	v24 =	vshra.s32 v10, $0x17;
	v15 =	vadd.f32 $-4.405027330e-01, v15;
	v22 =	vadd.f32 $-4.405027330e-01, v22  }
0x43: {  	v5 =	vcvt.s32.f32 v5;
	v23 =	vadd.f32 $-4.405027330e-01, v23;
	v20 =	vadd.f32 $1.455194830e+00, v20  }
0x44: {  	vm1 =	vgt.f32 v10, $0.0e+00;
	v15 =	vmul.f32 v19, v15;
	v22 =	vmul.f32 v21, v22  }
0x45: {  	v25 =	vshra.s32 v12, $0x17;
	v23 =	vmul.f32 v16, v23;
	v20 =	vmul.f32 v17, v20  }
0x46: {  	v24 =	vcvt.s32.f32 v24;
	v15 =	vadd.f32 $1.455194830e+00, v15;
	v22 =	vadd.f32 $1.455194830e+00, v22  }
0x47: {  	v25 =	vcvt.s32.f32 v25;
	v23 =	vadd.f32 $1.455194830e+00, v23;
	v20 =	vadd.f32 $-2.806980610e+00, v20  }
0x48: {  	vm3 =	vgt.f32 v12, $0.0e+00;
	v15 =	vmul.f32 v19, v15;
	v22 =	vmul.f32 v21, v22  }
0x49: {  	v26 =	vshra.s32 v13, $0x17;
	v23 =	vmul.f32 v16, v23;
	v17 =	vmul.f32 v17, v20  }
0x4a: {  	s23 =	simm.s32 $0x40;
	v20 =	vmul.f32 $6.931471820e-01, v5;
	v5 =	vadd.f32 $-2.806980610e+00, v15;
	v22 =	vadd.f32 $-2.806980610e+00, v22  }
0x4b: {  	s24 =	sand.u32 $0x40, s23;
	s0 =	simm.s32 $0x200;
	v26 =	vcvt.s32.f32 v26;
	v23 =	vadd.f32 $-2.806980610e+00, v23;
	v10 =	vadd.f32 $8.976644890e+01, v17  }
0x4c: {  	s22 =	sor.u32 s24, s1;
	s3 =	sand.u32 $0xC00, s0;
	vm2 =	vgt.f32 v13, $0.0e+00;
	v17 =	vmul.f32 v19, v5;
	v15 =	vmul.f32 v21, v22  }
0x4d: {  	s22 =	sor.u32 s3, s22;
	v16 =	vmul.f32 v16, v23;
	v22 =	vmul.f32 $6.931471820e-01, v26;
	v10 =	vsub.f32 v10, v20  }
0x4e: {  	v13 =	vld [tilespmem:s22+$0x0];
	v17 =	vadd.f32 $8.976644890e+01, v17;
	v20 =	vmul.f32 $6.931471820e-01, v25;
	v21 =	vadd.f32 $8.976644890e+01, v15  }
0x4f: {  	v19 =	vmul.f32 $6.931471820e-01, v24;
	v5 =	vld [tilespmem:s22+$0x8000];
	v16 =	vadd.f32 $8.976644890e+01, v16;
	v12 =	vnsel vm0, $0x42C80000, v10  }
0x50: {  	s23 =	sor.u32 $0x8030, s22;
	v15 =	vld [tilespmem:s22+$0x4000];
	v17 =	vsub.f32 v17, v20;
	v21 =	vsub.f32 v21, v22;
	v20 =	vmul.f32 v12, v18  }
0x51: {  	v1 =	vadd.f32 v18, v1;
	s24 =	sor.u32 $0x8020, s22;
	v16 =	vsub.f32 v16, v19;
	v10 =	vld [tilespmem:s23+$0x0];
	v22 =	vmul.f32 v12, v14  }
0x52: {  	s28 =	sor.u32 $0x4020, s22;
	v12 =	vld [tilespmem:s24+$0x0];
	v63 =	vnsel vm3, $0x42C80000, v17;
	v21 =	vnsel vm2, $0x42C80000, v21;
	v3 =	vadd.f32 v20, v3  }
0x53: {  	s24 =	sor.u32 $0x4030, s22;
	v18 =	vld [tilespmem:s28+$0x0];
	v20 =	vadd.f32 v22, v2;
	v23 =	vmul.f32 v21, v11;
	v21 =	vmul.f32 v21, v9  }
0x54: {  	s3 =	sor.u32 $0x30, s22;
	v19 =	vnsel vm1, $0x42C80000, v16;
	v17 =	vld [tilespmem:s24+$0x0];
	v2 =	vadd.f32 v14, v0;
	v0 =	vmul.f32 v63, v8  }
0x55: {  	s23 =	sor.u32 $0x20, s22;
	s28 =	simm.s32 $0x80;
	v16 =	vld [tilespmem:s3+$0x0];
	v3 =	vadd.f32 v23, v3;
	v14 =	vadd.f32 v21, v20;
	v20 =	vmul.f32 v63, v6  }
.LBB2_3:
0x56: {  	p0 =	sne.s32 s28, $0x1C0;
	s24 =	sor.u32 $0x4010, s22;
	v21 =	vld [tilespmem:s23+$0x0];
	v1 =	vadd.f32 v11, v1;
	v2 =	vadd.f32 v9, v2;
	v9 =	vmul.f32 v19, v7  }
0x57: {  	s23 =	sor.u32 $0x10, s22;
	v19 =	vmul.f32 v19, v4;
	v11 =	vld [tilespmem:s24+$0x0];
	v3 =	vadd.f32 v0, v3;
	v14 =	vadd.f32 v20, v14  }
0x58: {  	v20 =	vld [tilespmem:s23+$0x0];
	v1 =	vadd.f32 v8, v1;
	v2 =	vadd.f32 v6, v2;
	v6 =	vmov v12  }
0x59: {  	v0 =	vmul.f32 v5, v15;
	v3 =	vadd.f32 v9, v3;
	v14 =	vadd.f32 v19, v14  }
0x5a: {  	vm0 =	vgt.f32 v15, $5.000000000e-01;
	v1 =	vadd.f32 v7, v1;
	v2 =	vadd.f32 v4, v2;
	v4 =	vmovc v10  }
0x5b: {  	v9 =	vsub.f32 $1.000000000e+00, v13;
	v8 =	vmul.f32 v6, v18;
	v7 =	vmul.f32 v4, v17  }
0x5c: {  	vm1 =	vgt.f32 v17, $5.000000000e-01;
	v12 =	vsub.f32 $1.000000000e+00, v16;
	v10 =	vsub.f32 $1.000000000e+00, v21  }
0x5d: {  	s22 =	sor.u32 $0x8010, s22;
	vm3 =	vgt.f32 v18, $5.000000000e-01;
	vm2 =	vgt.f32 v11, $5.000000000e-01;
	v15 =	vsub.f32 $1.000000000e+00, v20  }
0x5e: {  	v13 =	vsel vm0, v13, v9;
	v12 =	vsel vm1, v16, v12;
	v10 =	vsel vm3, v21, v10;
	v9 =	vld [tilespmem:s22+$0x0]  }
0x5f: {  	v16 =	vand.u32 $0x7FFFFF, v13;
	v17 =	vsel vm2, v20, v15;
	v15 =	vand.u32 $0x7FFFFF, v12  }
0x60: {  	v16 =	vor.u32 $0x3F800000, v16;
	v19 =	vand.u32 $0x7FFFFF, v10;
	v18 =	vand.u32 $0x7FFFFF, v17  }
0x61: {  	v20 =	vmul.f32 $5.545931310e-02, v16;
	v15 =	vor.u32 $0x3F800000, v15;
	v18 =	vor.u32 $0x3F800000, v18  }
0x62: {  	v19 =	vor.u32 $0x3F800000, v19;
	v22 =	vmul.f32 $5.545931310e-02, v15;
	v21 =	vmul.f32 $5.545931310e-02, v18  }
0x63: {  	v23 =	vmul.f32 $5.545931310e-02, v19;
	v20 =	vadd.f32 $-4.405027330e-01, v20;
	v11 =	vmul.f32 v9, v11  }
0x64: {  	vm0 =	vgt.f32 v13, $0.0e+00;
	v22 =	vadd.f32 $-4.405027330e-01, v22;
	v21 =	vadd.f32 $-4.405027330e-01, v21  }
0x65: {  	v13 =	vshra.s32 v13, $0x17;
	v23 =	vadd.f32 $-4.405027330e-01, v23;
	v20 =	vmul.f32 v16, v20  }
0x66: {  	v24 =	vshra.s32 v12, $0x17;
	v22 =	vmul.f32 v15, v22;
	v21 =	vmul.f32 v18, v21  }
0x67: {  	v25 =	vshra.s32 v10, $0x17;
	v23 =	vmul.f32 v19, v23;
	v20 =	vadd.f32 $1.455194830e+00, v20  }
0x68: {  	v13 =	vcvt.s32.f32 v13;
	v22 =	vadd.f32 $1.455194830e+00, v22;
	v21 =	vadd.f32 $1.455194830e+00, v21  }
0x69: {  	v24 =	vcvt.s32.f32 v24;
	v23 =	vadd.f32 $1.455194830e+00, v23;
	v20 =	vmul.f32 v16, v20  }
0x6a: {  	v26 =	vshra.s32 v17, $0x17;
	v22 =	vmul.f32 v15, v22;
	v21 =	vmul.f32 v18, v21  }
0x6b: {  	v25 =	vcvt.s32.f32 v25;
	v23 =	vmul.f32 v19, v23;
	v20 =	vadd.f32 $-2.806980610e+00, v20  }
0x6c: {  	v26 =	vcvt.s32.f32 v26;
	v22 =	vadd.f32 $-2.806980610e+00, v22;
	v21 =	vadd.f32 $-2.806980610e+00, v21  }
0x6d: {  	v13 =	vmul.f32 $6.931471820e-01, v13;
	v16 =	vmul.f32 v16, v20;
	v20 =	vadd.f32 $-2.806980610e+00, v23  }
0x6e: {  	s0 =	sadd.s32 $0x200, s0;
	vm1 =	vgt.f32 v12, $0.0e+00;
	s22 =	sand.u32 $0x40, s28;
	v15 =	vmul.f32 v15, v22;
	v18 =	vmul.f32 v18, v21  }
0x6f: {  	s23 =	sand.u32 $0xC00, s0;
	s22 =	sor.u32 s22, s1;
	v12 =	vadd.f32 $8.976644890e+01, v16;
	v16 =	vmul.f32 v19, v20;
	v19 =	vmul.f32 $6.931471820e-01, v24  }
0x70: {  	s22 =	sor.u32 s23, s22;
	v20 =	vmul.f32 $6.931471820e-01, v26;
	v21 =	vadd.f32 $8.976644890e+01, v15;
	v18 =	vadd.f32 $8.976644890e+01, v18  }
0x71: {  	v23 =	vmul.f32 $6.931471820e-01, v25;
	v12 =	vsub.f32 v12, v13;
	v16 =	vadd.f32 $8.976644890e+01, v16;
	v22 =	vld [tilespmem:s22+$0x8000]  }
0x72: {  	vm3 =	vgt.f32 v10, $0.0e+00;
	vm2 =	vgt.f32 v17, $0.0e+00;
	v15 =	vld [tilespmem:s22+$0x4000];
	v18 =	vsub.f32 v18, v20  }
0x73: {  	s23 =	sor.u32 $0x8030, s22;
	v12 =	vnsel vm0, $0x42C80000, v12;
	v16 =	vsub.f32 v16, v23;
	v17 =	vsub.f32 v21, v19;
	v13 =	vld [tilespmem:s22+$0x0]  }
.Ltmp0:
0x74: {  	s24 =	sor.u32 $0x8020, s22;
	v20 =	vmul.f32 v12, v0;
	v21 =	vmul.f32 v12, v5;
	v10 =	vld [tilespmem:s23+$0x0];
	v18 =	vnsel vm2, $0x42C80000, v18;
	(pc) =	sbr.rel @p0 .LBB2_3-.Ltmp0, $4  }
0x75: {  	v24 =	vnsel vm3, $0x42C80000, v16;
	v19 =	vnsel vm1, $0x42C80000, v17;
	s23 =	sor.u32 $0x4030, s22;
	v12 =	vld [tilespmem:s24+$0x0];
	v23 =	vmul.f32 v18, v11  }
0x76: {  	v3 =	vadd.f32 v20, v3;
	v14 =	vadd.f32 v21, v14;
	s24 =	sor.u32 $0x30, s22;
	v20 =	vmul.f32 v18, v9;
	v17 =	vld [tilespmem:s23+$0x0]  }
0x77: {  	v1 =	vadd.f32 v0, v1;
	v2 =	vadd.f32 v5, v2;
	s3 =	sor.u32 $0x4020, s22;
	v0 =	vmul.f32 v24, v8;
	v5 =	vmovc v22;
	v16 =	vld [tilespmem:s24+$0x0]  }
0x78: {  	s28 =	sadd.s32 $0x40, s28;
	s23 =	sor.u32 $0x20, s22;
	v3 =	vadd.f32 v23, v3;
	v14 =	vadd.f32 v20, v14;
	v20 =	vmul.f32 v24, v6;
	v18 =	vld [tilespmem:s3+$0x0]  }
0x79: {  	v1 =	vadd.f32 v11, v1  }
0x7a: {  	s0 =	sor.u32 $0x4010, s22;
	v21 =	vld [tilespmem:s23+$0x0];
	v2 =	vadd.f32 v9, v2;
	v33 =	vmul.f32 v19, v7;
	v35 =	vmul.f32 v19, v4  }
0x7b: {  	s1 =	sor.u32 $0x10, s22;
	v37 =	vmul.f32 v5, v15;
	v34 =	vld [tilespmem:s0+$0x0];
	v0 =	vadd.f32 v0, v3;
	v3 =	vadd.f32 v20, v14  }
0x7c: {  	vm0 =	vgt.f32 v15, $5.000000000e-01;
	s28 =	sor.u32 $0x8010, s22;
	v36 =	vld [tilespmem:s1+$0x0];
	v1 =	vadd.f32 v8, v1;
	v2 =	vadd.f32 v6, v2  }
0x7d: {  	v43 =	vld [tilespmem:s28+$0x0];
	v39 =	vmul.f32 v10, v17;
	v0 =	vadd.f32 v33, v0;
	v3 =	vadd.f32 v35, v3  }
0x7e: {  	vm1 =	vgt.f32 v17, $5.000000000e-01;
	v41 =	vsub.f32 $1.000000000e+00, v16;
	v1 =	vadd.f32 v7, v1  }
0x7f: {  	v2 =	vadd.f32 v4, v2;
	v4 =	vsub.f32 $1.000000000e+00, v13;
	v38 =	vmul.f32 v12, v18  }
0x80: {  	vm3 =	vgt.f32 v18, $5.000000000e-01;
	v40 =	vsub.f32 $1.000000000e+00, v21;
	v14 =	vsel vm1, v16, v41  }
0x81: {  	vm2 =	vgt.f32 v34, $5.000000000e-01;
	v42 =	vsub.f32 $1.000000000e+00, v36;
	v4 =	vsel vm0, v13, v4  }
0x82: {  	v45 =	vand.u32 $0x7FFFFF, v14;
	v11 =	vmul.f32 v43, v34;
	v44 =	vand.u32 $0x7FFFFF, v4  }
0x83: {  	v24 =	vshra.s32 v14, $0x17;
	v15 =	vsel vm2, v36, v42;
	v16 =	vor.u32 $0x3F800000, v44  }
0x84: {  	vm1 =	vgt.f32 v14, $0.0e+00;
	v46 =	vand.u32 $0x7FFFFF, v15;
	v48 =	vmul.f32 $5.545931310e-02, v16  }
0x85: {  	v1 =	vadd.f32 v37, v1;
	v9 =	vsel vm3, v21, v40;
	v18 =	vor.u32 $0x3F800000, v46  }
0x86: {  	v47 =	vand.u32 $0x7FFFFF, v9;
	v49 =	vmul.f32 $5.545931310e-02, v18;
	v20 =	vadd.f32 $-4.405027330e-01, v48  }
0x87: {  	v2 =	vadd.f32 v5, v2;
	v17 =	vor.u32 $0x3F800000, v45;
	v19 =	vor.u32 $0x3F800000, v47  }
0x88: {  	v23 =	vmul.f32 $5.545931310e-02, v19;
	v21 =	vadd.f32 $-4.405027330e-01, v49;
	v20 =	vmul.f32 v16, v20  }
0x89: {  	vm0 =	vgt.f32 v4, $0.0e+00;
	v4 =	vshra.s32 v4, $0x17;
	v22 =	vmul.f32 $5.545931310e-02, v17  }
0x8a: {  	v23 =	vadd.f32 $-4.405027330e-01, v23;
	v21 =	vmul.f32 v18, v21;
	v20 =	vadd.f32 $1.455194830e+00, v20  }
0x8b: {  	v24 =	vcvt.s32.f32 v24;
	v25 =	vshra.s32 v9, $0x17;
	v22 =	vadd.f32 $-4.405027330e-01, v22  }
0x8c: {  	v23 =	vmul.f32 v19, v23;
	v21 =	vadd.f32 $1.455194830e+00, v21;
	v20 =	vmul.f32 v16, v20  }
0x8d: {  	v4 =	vcvt.s32.f32 v4;
	v26 =	vshra.s32 v15, $0x17;
	v22 =	vmul.f32 v17, v22  }
0x8e: {  	v23 =	vadd.f32 $1.455194830e+00, v23;
	v21 =	vmul.f32 v18, v21;
	v20 =	vadd.f32 $-2.806980610e+00, v20  }
0x8f: {  	v25 =	vcvt.s32.f32 v25;
	v26 =	vcvt.s32.f32 v26;
	v22 =	vadd.f32 $1.455194830e+00, v22  }
0x90: {  	v23 =	vmul.f32 v19, v23;
	v21 =	vadd.f32 $-2.806980610e+00, v21;
	v16 =	vmul.f32 v16, v20  }
0x91: {  	vm3 =	vgt.f32 v9, $0.0e+00;
	v4 =	vmul.f32 $6.931471820e-01, v4;
	v22 =	vmul.f32 v17, v22  }
0x92: {  	v50 =	vadd.f32 $-2.806980610e+00, v23;
	v18 =	vmul.f32 v18, v21;
	v51 =	vadd.f32 $8.976644890e+01, v16  }
0x93: {  	v53 =	vmul.f32 $6.931471820e-01, v24;
	v54 =	vmul.f32 $6.931471820e-01, v26;
	v22 =	vadd.f32 $-2.806980610e+00, v22  }
0x94: {  	v52 =	vmul.f32 v19, v50;
	v18 =	vadd.f32 $8.976644890e+01, v18;
	v4 =	vsub.f32 v51, v4  }
0x95: {  	v1 =	vadd.f32 v11, v1;
	v56 =	vmul.f32 $6.931471820e-01, v25;
	v17 =	vmul.f32 v17, v22  }
0x96: {  	v55 =	vadd.f32 $8.976644890e+01, v52;
	v18 =	vsub.f32 v18, v54;
	v4 =	vnsel vm0, $0x42C80000, v4  }
0x97: {  	vm2 =	vgt.f32 v15, $0.0e+00;
	v17 =	vadd.f32 $8.976644890e+01, v17;
	v59 =	vmul.f32 v4, v37  }
0x98: {  	v57 =	vsub.f32 v55, v56;
	v4 =	vmul.f32 v4, v5;
	v60 =	vnsel vm2, $0x42C80000, v18  }
0x99: {  	v58 =	vsub.f32 v17, v53;
	v61 =	vmul.f32 v60, v11;
	v0 =	vadd.f32 v59, v0  }
0x9a: {  	s31 =	sadd.s32 $0x1, s31;
	v9 =	vnsel vm3, $0x42C80000, v57;
	v3 =	vadd.f32 v4, v3;
	v4 =	vmul.f32 v60, v43  }
0x9b: {  	p0 =	sne.s32 s31, $0x10;
	v2 =	vadd.f32 v43, v2;
	v5 =	vmul.f32 v9, v38;
	v0 =	vadd.f32 v61, v0  }
.Ltmp1:
0x9c: {  	v14 =	vnsel vm1, $0x42C80000, v58;
	v3 =	vadd.f32 v4, v3;
	v4 =	vmul.f32 v9, v12;
	(pc) =	sbr.rel @p0 .LBB2_2-.Ltmp1, $4  }
0x9d: {  	v1 =	vadd.f32 v38, v1;
	v62 =	vmul.f32 v14, v39;
	v0 =	vadd.f32 v5, v0  }
0x9e: {  	v63 =	vadd.f32 v12, v2;
	v4 =	vadd.f32 v4, v3;
	v5 =	vmul.f32 v14, v10  }
0x9f: {  	v1 =	vadd.f32 v39, v1;
	v3 =	vadd.f32 v62, v0  }
0xa0: {  	v2 =	vadd.f32 v5, v4;
	v0 =	vadd.f32 v10, v63  }
0xa1: {  	s31 =	simm.s32 $0x0  }
0xa2: {  	[tilespmem:s31], [sflag:$0x1] =	stream.linear.gather [hbm4b:s9+s31], $0x2000, $0x38;
	[tilespmem:$0xC200] =	vst v63  }
0xa3: {  	_ = 	snop  }
0xa4: {  	[tilespmem:s20], [sflag:$0x1] =	stream.linear.gather [hbm4b:s10+s31], $0x2000, $0x38;
	[tilespmem:$0xC200] =	vst v63  }
0xa5: {  	_ = 	snop  }
0xa6: {  	[tilespmem:s21], [sflag:$0x1] =	stream.linear.gather [hbm4b:s11+s31], $0x2000, $0x38;
	[tilespmem:$0xC200] =	vst v63  }
0xa7: {  	_ =	swait.ge [sflag:s26], $0x2000  }
0xa8: {  	[sflag:s26] =	ssyncset.done $0x0  }
0xa9: {  	[sflag:s26] =	ssyncadd.s32 $0xFFFFE000  }
0xaa: {  	_ =	swait.ge [sflag:s26], $0x2000  }
0xab: {  	[sflag:s26] =	ssyncset.done $0x0  }
0xac: {  	[sflag:s26] =	ssyncadd.s32 $0xFFFFE000  }
0xad: {  	_ =	swait.ge [sflag:s26], $0x2000  }
0xae: {  	[sflag:s26] =	ssyncset.done $0x0  }
0xaf: {  	s1 =	simm.s32 $0x0;
	[sflag:s26] =	ssyncadd.s32 $0xFFFFE000  }
.LBB2_6:
0xb0: {  	s0 =	sshll.u32 s1, $0x9;
	s3 =	sshll.u32 s1, $0x7  }
0xb1: {  	s0 =	sand.u32 $0x1000, s0;
	s3 =	sand.u32 $0x380, s3  }
0xb2: {  	s24 =	sand.u32 $0x40, s31;
	s0 =	sor.u32 s3, s0  }
0xb3: {  	s22 =	sand.u32 $0xC00, s31;
	s3 =	sor.u32 s24, s0  }
0xb4: {  	s3 =	sor.u32 s22, s3  }
0xb5: {  	v14 =	vld [tilespmem:s3+$0xA000]  }
0xb6: {  	v5 =	vld [tilespmem:s3+$0x6000]  }
0xb7: {  	v9 =	vld [tilespmem:s3+$0x2000];
	s22 =	sor.u32 $0xA030, s3  }
0xb8: {  	s23 =	sor.u32 $0xA020, s3;
	v4 =	vld [tilespmem:s22+$0x0]  }
0xb9: {  	s24 =	sor.u32 $0x2030, s3;
	v6 =	vld [tilespmem:s23+$0x0]  }
0xba: {  	s23 =	sor.u32 $0x6030, s3;
	v11 =	vld [tilespmem:s24+$0x0]  }
0xbb: {  	s22 =	sor.u32 $0x6020, s3;
	v10 =	vld [tilespmem:s23+$0x0]  }
0xbc: {  	s24 =	sor.u32 $0x2020, s3;
	v12 =	vld [tilespmem:s22+$0x0]  }
0xbd: {  	s22 =	sor.u32 $0x6010, s3;
	v13 =	vld [tilespmem:s24+$0x0]  }
0xbe: {  	s24 =	sor.u32 $0x2010, s3;
	v15 =	vld [tilespmem:s22+$0x0]  }
0xbf: {  	v16 =	vld [tilespmem:s24+$0x0];
	_ =	sdelay $0x1  }
0xc0: {  	v18 =	vmul.f32 v14, v5;
	vm0 =	vgt.f32 v5, $5.000000000e-01;
	v5 =	vsub.f32 $1.000000000e+00, v9  }
0xc1: {  	v8 =	vmul.f32 v6, v12;
	v7 =	vmul.f32 v4, v10;
	v17 =	vsub.f32 $1.000000000e+00, v13  }
0xc2: {  	vm1 =	vgt.f32 v10, $5.000000000e-01;
	v10 =	vsub.f32 $1.000000000e+00, v11;
	vm3 =	vgt.f32 v12, $5.000000000e-01  }
0xc3: {  	s3 =	sor.u32 $0xA010, s3;
	v5 =	vsel vm0, v9, v5;
	vm2 =	vgt.f32 v15, $5.000000000e-01;
	v19 =	vsub.f32 $1.000000000e+00, v16  }
0xc4: {  	v9 =	vld [tilespmem:s3+$0x0];
	vm0 =	vgt.f32 v5, $0.0e+00;
	v12 =	vsel vm3, v13, v17;
	v10 =	vsel vm1, v11, v10  }
0xc5: {  	v11 =	vand.u32 $0x7FFFFF, v5;
	v13 =	vsel vm2, v16, v19;
	v16 =	vand.u32 $0x7FFFFF, v10  }
0xc6: {  	v17 =	vor.u32 $0x3F800000, v11;
	v19 =	vand.u32 $0x7FFFFF, v12;
	v11 =	vand.u32 $0x7FFFFF, v13  }
0xc7: {  	v20 =	vmul.f32 $5.545931310e-02, v17;
	v16 =	vor.u32 $0x3F800000, v16;
	v21 =	vor.u32 $0x3F800000, v11  }
0xc8: {  	v19 =	vor.u32 $0x3F800000, v19;
	v23 =	vmul.f32 $5.545931310e-02, v16;
	v22 =	vmul.f32 $5.545931310e-02, v21  }
0xc9: {  	v11 =	vmul.f32 v9, v15;
	v15 =	vmul.f32 $5.545931310e-02, v19;
	v20 =	vadd.f32 $-4.405027330e-01, v20  }
0xca: {  	v5 =	vshra.s32 v5, $0x17;
	v23 =	vadd.f32 $-4.405027330e-01, v23;
	v22 =	vadd.f32 $-4.405027330e-01, v22  }
0xcb: {  	v24 =	vshra.s32 v10, $0x17;
	v15 =	vadd.f32 $-4.405027330e-01, v15;
	v20 =	vmul.f32 v17, v20  }
0xcc: {  	v25 =	vshra.s32 v12, $0x17;
	v23 =	vmul.f32 v16, v23;
	v22 =	vmul.f32 v21, v22  }
0xcd: {  	v5 =	vcvt.s32.f32 v5;
	v15 =	vmul.f32 v19, v15;
	v20 =	vadd.f32 $1.455194830e+00, v20  }
0xce: {  	vm1 =	vgt.f32 v10, $0.0e+00;
	v23 =	vadd.f32 $1.455194830e+00, v23;
	v22 =	vadd.f32 $1.455194830e+00, v22  }
0xcf: {  	v24 =	vcvt.s32.f32 v24;
	v15 =	vadd.f32 $1.455194830e+00, v15;
	v20 =	vmul.f32 v17, v20  }
0xd0: {  	v26 =	vshra.s32 v13, $0x17;
	v23 =	vmul.f32 v16, v23;
	v22 =	vmul.f32 v21, v22  }
0xd1: {  	v25 =	vcvt.s32.f32 v25;
	v15 =	vmul.f32 v19, v15;
	v20 =	vadd.f32 $-2.806980610e+00, v20  }
0xd2: {  	v26 =	vcvt.s32.f32 v26;
	v23 =	vadd.f32 $-2.806980610e+00, v23;
	v22 =	vadd.f32 $-2.806980610e+00, v22  }
0xd3: {  	s23 =	simm.s32 $0x40;
	v17 =	vmul.f32 v17, v20;
	v20 =	vmul.f32 $6.931471820e-01, v5;
	v5 =	vadd.f32 $-2.806980610e+00, v15  }
0xd4: {  	s28 =	simm.s32 $0x200;
	s3 =	sand.u32 $0x40, s23;
	vm2 =	vgt.f32 v13, $0.0e+00;
	v16 =	vmul.f32 v16, v23;
	v15 =	vmul.f32 v21, v22  }
0xd5: {  	s24 =	sand.u32 $0xC00, s28;
	s3 =	sor.u32 s3, s0;
	v10 =	vadd.f32 $8.976644890e+01, v17;
	v17 =	vmul.f32 v19, v5;
	v19 =	vmul.f32 $6.931471820e-01, v24  }
0xd6: {  	s23 =	sor.u32 s24, s3;
	v22 =	vmul.f32 $6.931471820e-01, v26;
	v16 =	vadd.f32 $8.976644890e+01, v16;
	v21 =	vadd.f32 $8.976644890e+01, v15  }
0xd7: {  	v13 =	vld [tilespmem:s23+$0x2000];
	v10 =	vsub.f32 v10, v20;
	v17 =	vadd.f32 $8.976644890e+01, v17;
	v20 =	vmul.f32 $6.931471820e-01, v25  }
0xd8: {  	vm3 =	vgt.f32 v12, $0.0e+00;
	v5 =	vld [tilespmem:s23+$0xA000];
	v21 =	vsub.f32 v21, v22  }
0xd9: {  	s3 =	sor.u32 $0xA030, s23;
	v15 =	vld [tilespmem:s23+$0x6000];
	v16 =	vsub.f32 v16, v19;
	v12 =	vnsel vm0, $0x42C80000, v10;
	v17 =	vsub.f32 v17, v20  }
0xda: {  	s22 =	sor.u32 $0xA020, s23;
	v10 =	vld [tilespmem:s3+$0x0];
	v20 =	vmul.f32 v12, v18;
	v22 =	vmul.f32 v12, v14;
	v21 =	vnsel vm2, $0x42C80000, v21  }
0xdb: {  	s24 =	sor.u32 $0x2030, s23;
	v12 =	vld [tilespmem:s22+$0x0];
	v19 =	vnsel vm1, $0x42C80000, v16;
	v63 =	vnsel vm3, $0x42C80000, v17;
	v23 =	vmul.f32 v21, v11  }
0xdc: {  	s3 =	sor.u32 $0x6020, s23;
	v16 =	vld [tilespmem:s24+$0x0];
	v3 =	vadd.f32 v20, v3;
	v20 =	vadd.f32 v22, v2;
	v21 =	vmul.f32 v21, v9  }
0xdd: {  	v1 =	vadd.f32 v18, v1;
	s22 =	sor.u32 $0x6030, s23;
	v18 =	vld [tilespmem:s3+$0x0];
	v2 =	vadd.f32 v14, v0;
	v0 =	vmul.f32 v63, v8  }
0xde: {  	s24 =	sor.u32 $0x2020, s23;
	v17 =	vld [tilespmem:s22+$0x0];
	s22 =	simm.s32 $0x80;
	v3 =	vadd.f32 v23, v3;
	v14 =	vadd.f32 v21, v20;
	v20 =	vmul.f32 v63, v6  }
.LBB2_7:
0xdf: {  	p0 =	sne.s32 s22, $0x1C0;
	s3 =	sor.u32 $0x6010, s23;
	v21 =	vld [tilespmem:s24+$0x0];
	v1 =	vadd.f32 v11, v1;
	v2 =	vadd.f32 v9, v2;
	v9 =	vmul.f32 v19, v7  }
0xe0: {  	s24 =	sor.u32 $0x2010, s23;
	v19 =	vmul.f32 v19, v4;
	v11 =	vld [tilespmem:s3+$0x0];
	v3 =	vadd.f32 v0, v3;
	v14 =	vadd.f32 v20, v14  }
0xe1: {  	v20 =	vld [tilespmem:s24+$0x0];
	v1 =	vadd.f32 v8, v1;
	v2 =	vadd.f32 v6, v2;
	v6 =	vmov v12  }
0xe2: {  	v0 =	vmul.f32 v5, v15;
	v3 =	vadd.f32 v9, v3;
	v14 =	vadd.f32 v19, v14  }
0xe3: {  	vm0 =	vgt.f32 v15, $5.000000000e-01;
	v1 =	vadd.f32 v7, v1;
	v2 =	vadd.f32 v4, v2;
	v4 =	vmovc v10  }
0xe4: {  	v9 =	vsub.f32 $1.000000000e+00, v13;
	v8 =	vmul.f32 v6, v18;
	v7 =	vmul.f32 v4, v17  }
0xe5: {  	vm1 =	vgt.f32 v17, $5.000000000e-01;
	v12 =	vsub.f32 $1.000000000e+00, v16;
	v10 =	vsub.f32 $1.000000000e+00, v21  }
0xe6: {  	s3 =	sor.u32 $0xA010, s23;
	vm3 =	vgt.f32 v18, $5.000000000e-01;
	vm2 =	vgt.f32 v11, $5.000000000e-01;
	v15 =	vsub.f32 $1.000000000e+00, v20  }
0xe7: {  	v13 =	vsel vm0, v13, v9;
	v12 =	vsel vm1, v16, v12;
	v10 =	vsel vm3, v21, v10;
	v9 =	vld [tilespmem:s3+$0x0]  }
0xe8: {  	v16 =	vand.u32 $0x7FFFFF, v13;
	v17 =	vsel vm2, v20, v15;
	v15 =	vand.u32 $0x7FFFFF, v12  }
0xe9: {  	v16 =	vor.u32 $0x3F800000, v16;
	v19 =	vand.u32 $0x7FFFFF, v10;
	v18 =	vand.u32 $0x7FFFFF, v17  }
0xea: {  	v20 =	vmul.f32 $5.545931310e-02, v16;
	v15 =	vor.u32 $0x3F800000, v15;
	v18 =	vor.u32 $0x3F800000, v18  }
0xeb: {  	v19 =	vor.u32 $0x3F800000, v19;
	v22 =	vmul.f32 $5.545931310e-02, v15;
	v21 =	vmul.f32 $5.545931310e-02, v18  }
0xec: {  	v23 =	vmul.f32 $5.545931310e-02, v19;
	v20 =	vadd.f32 $-4.405027330e-01, v20;
	v11 =	vmul.f32 v9, v11  }
0xed: {  	vm0 =	vgt.f32 v13, $0.0e+00;
	v22 =	vadd.f32 $-4.405027330e-01, v22;
	v21 =	vadd.f32 $-4.405027330e-01, v21  }
0xee: {  	v13 =	vshra.s32 v13, $0x17;
	v23 =	vadd.f32 $-4.405027330e-01, v23;
	v20 =	vmul.f32 v16, v20  }
0xef: {  	v24 =	vshra.s32 v12, $0x17;
	v22 =	vmul.f32 v15, v22;
	v21 =	vmul.f32 v18, v21  }
0xf0: {  	v25 =	vshra.s32 v10, $0x17;
	v23 =	vmul.f32 v19, v23;
	v20 =	vadd.f32 $1.455194830e+00, v20  }
0xf1: {  	v13 =	vcvt.s32.f32 v13;
	v22 =	vadd.f32 $1.455194830e+00, v22;
	v21 =	vadd.f32 $1.455194830e+00, v21  }
0xf2: {  	v24 =	vcvt.s32.f32 v24;
	v23 =	vadd.f32 $1.455194830e+00, v23;
	v20 =	vmul.f32 v16, v20  }
0xf3: {  	v26 =	vshra.s32 v17, $0x17;
	v22 =	vmul.f32 v15, v22;
	v21 =	vmul.f32 v18, v21  }
0xf4: {  	v25 =	vcvt.s32.f32 v25;
	v23 =	vmul.f32 v19, v23;
	v20 =	vadd.f32 $-2.806980610e+00, v20  }
0xf5: {  	v26 =	vcvt.s32.f32 v26;
	v22 =	vadd.f32 $-2.806980610e+00, v22;
	v21 =	vadd.f32 $-2.806980610e+00, v21  }
0xf6: {  	v13 =	vmul.f32 $6.931471820e-01, v13;
	v16 =	vmul.f32 v16, v20;
	v20 =	vadd.f32 $-2.806980610e+00, v23  }
0xf7: {  	s28 =	sadd.s32 $0x200, s28;
	vm1 =	vgt.f32 v12, $0.0e+00;
	s3 =	sand.u32 $0x40, s22;
	v15 =	vmul.f32 v15, v22;
	v18 =	vmul.f32 v18, v21  }
0xf8: {  	s23 =	sand.u32 $0xC00, s28;
	s3 =	sor.u32 s3, s0;
	v12 =	vadd.f32 $8.976644890e+01, v16;
	v16 =	vmul.f32 v19, v20;
	v19 =	vmul.f32 $6.931471820e-01, v24  }
0xf9: {  	s23 =	sor.u32 s23, s3;
	v20 =	vmul.f32 $6.931471820e-01, v26;
	v21 =	vadd.f32 $8.976644890e+01, v15;
	v18 =	vadd.f32 $8.976644890e+01, v18  }
0xfa: {  	v23 =	vmul.f32 $6.931471820e-01, v25;
	v12 =	vsub.f32 v12, v13;
	v16 =	vadd.f32 $8.976644890e+01, v16;
	v22 =	vld [tilespmem:s23+$0xA000]  }
0xfb: {  	vm3 =	vgt.f32 v10, $0.0e+00;
	vm2 =	vgt.f32 v17, $0.0e+00;
	v15 =	vld [tilespmem:s23+$0x6000];
	v18 =	vsub.f32 v18, v20  }
0xfc: {  	s3 =	sor.u32 $0xA030, s23;
	v12 =	vnsel vm0, $0x42C80000, v12;
	v16 =	vsub.f32 v16, v23;
	v17 =	vsub.f32 v21, v19;
	v13 =	vld [tilespmem:s23+$0x2000]  }
.Ltmp2:
0xfd: {  	s24 =	sor.u32 $0xA020, s23;
	v20 =	vmul.f32 v12, v0;
	v21 =	vmul.f32 v12, v5;
	v10 =	vld [tilespmem:s3+$0x0];
	v18 =	vnsel vm2, $0x42C80000, v18;
	(pc) =	sbr.rel @p0 .LBB2_7-.Ltmp2, $4  }
0xfe: {  	v24 =	vnsel vm3, $0x42C80000, v16;
	v19 =	vnsel vm1, $0x42C80000, v17;
	s3 =	sor.u32 $0x6030, s23;
	v12 =	vld [tilespmem:s24+$0x0];
	v23 =	vmul.f32 v18, v11  }
0xff: {  	v3 =	vadd.f32 v20, v3;
	v14 =	vadd.f32 v21, v14;
	s24 =	sor.u32 $0x2030, s23;
	v20 =	vmul.f32 v18, v9;
	v17 =	vld [tilespmem:s3+$0x0]  }
0x100: {  	v1 =	vadd.f32 v0, v1;
	v2 =	vadd.f32 v5, v2;
	v0 =	vmul.f32 v24, v8;
	s3 =	sor.u32 $0x6020, s23;
	v5 =	vmovc v22;
	v16 =	vld [tilespmem:s24+$0x0]  }
0x101: {  	s22 =	sadd.s32 $0x40, s22;
	s24 =	sor.u32 $0x2020, s23;
	v3 =	vadd.f32 v23, v3;
	v14 =	vadd.f32 v20, v14;
	v20 =	vmul.f32 v24, v6;
	v18 =	vld [tilespmem:s3+$0x0]  }
0x102: {  	v1 =	vadd.f32 v11, v1  }
0x103: {  	s0 =	sor.u32 $0x6010, s23;
	v21 =	vld [tilespmem:s24+$0x0];
	v2 =	vadd.f32 v9, v2;
	v33 =	vmul.f32 v19, v7;
	v35 =	vmul.f32 v19, v4  }
0x104: {  	s3 =	sor.u32 $0x2010, s23;
	v37 =	vmul.f32 v5, v15;
	v34 =	vld [tilespmem:s0+$0x0];
	v0 =	vadd.f32 v0, v3;
	v3 =	vadd.f32 v20, v14  }
0x105: {  	vm0 =	vgt.f32 v15, $5.000000000e-01;
	s28 =	sor.u32 $0xA010, s23;
	v36 =	vld [tilespmem:s3+$0x0];
	v1 =	vadd.f32 v8, v1;
	v2 =	vadd.f32 v6, v2  }
0x106: {  	v43 =	vld [tilespmem:s28+$0x0];
	v39 =	vmul.f32 v10, v17;
	v0 =	vadd.f32 v33, v0;
	v3 =	vadd.f32 v35, v3  }
0x107: {  	vm1 =	vgt.f32 v17, $5.000000000e-01;
	v41 =	vsub.f32 $1.000000000e+00, v16;
	v1 =	vadd.f32 v7, v1  }
0x108: {  	v2 =	vadd.f32 v4, v2;
	v4 =	vsub.f32 $1.000000000e+00, v13;
	v38 =	vmul.f32 v12, v18  }
0x109: {  	vm3 =	vgt.f32 v18, $5.000000000e-01;
	v40 =	vsub.f32 $1.000000000e+00, v21;
	v14 =	vsel vm1, v16, v41  }
0x10a: {  	vm2 =	vgt.f32 v34, $5.000000000e-01;
	v42 =	vsub.f32 $1.000000000e+00, v36;
	v4 =	vsel vm0, v13, v4  }
0x10b: {  	v45 =	vand.u32 $0x7FFFFF, v14;
	v11 =	vmul.f32 v43, v34;
	v44 =	vand.u32 $0x7FFFFF, v4  }
0x10c: {  	v24 =	vshra.s32 v14, $0x17;
	v15 =	vsel vm2, v36, v42;
	v16 =	vor.u32 $0x3F800000, v44  }
0x10d: {  	vm1 =	vgt.f32 v14, $0.0e+00;
	v46 =	vand.u32 $0x7FFFFF, v15;
	v48 =	vmul.f32 $5.545931310e-02, v16  }
0x10e: {  	v1 =	vadd.f32 v37, v1;
	v9 =	vsel vm3, v21, v40;
	v18 =	vor.u32 $0x3F800000, v46  }
0x10f: {  	v47 =	vand.u32 $0x7FFFFF, v9;
	v49 =	vmul.f32 $5.545931310e-02, v18;
	v20 =	vadd.f32 $-4.405027330e-01, v48  }
0x110: {  	v2 =	vadd.f32 v5, v2;
	v17 =	vor.u32 $0x3F800000, v45;
	v19 =	vor.u32 $0x3F800000, v47  }
0x111: {  	v23 =	vmul.f32 $5.545931310e-02, v19;
	v21 =	vadd.f32 $-4.405027330e-01, v49;
	v20 =	vmul.f32 v16, v20  }
0x112: {  	vm0 =	vgt.f32 v4, $0.0e+00;
	v4 =	vshra.s32 v4, $0x17;
	v22 =	vmul.f32 $5.545931310e-02, v17  }
0x113: {  	v23 =	vadd.f32 $-4.405027330e-01, v23;
	v21 =	vmul.f32 v18, v21;
	v20 =	vadd.f32 $1.455194830e+00, v20  }
0x114: {  	v24 =	vcvt.s32.f32 v24;
	v25 =	vshra.s32 v9, $0x17;
	v22 =	vadd.f32 $-4.405027330e-01, v22  }
0x115: {  	v23 =	vmul.f32 v19, v23;
	v21 =	vadd.f32 $1.455194830e+00, v21;
	v20 =	vmul.f32 v16, v20  }
0x116: {  	v4 =	vcvt.s32.f32 v4;
	v26 =	vshra.s32 v15, $0x17;
	v22 =	vmul.f32 v17, v22  }
0x117: {  	v23 =	vadd.f32 $1.455194830e+00, v23;
	v21 =	vmul.f32 v18, v21;
	v20 =	vadd.f32 $-2.806980610e+00, v20  }
0x118: {  	v25 =	vcvt.s32.f32 v25;
	v26 =	vcvt.s32.f32 v26;
	v22 =	vadd.f32 $1.455194830e+00, v22  }
0x119: {  	v23 =	vmul.f32 v19, v23;
	v21 =	vadd.f32 $-2.806980610e+00, v21;
	v16 =	vmul.f32 v16, v20  }
0x11a: {  	vm3 =	vgt.f32 v9, $0.0e+00;
	v4 =	vmul.f32 $6.931471820e-01, v4;
	v22 =	vmul.f32 v17, v22  }
0x11b: {  	v50 =	vadd.f32 $-2.806980610e+00, v23;
	v18 =	vmul.f32 v18, v21;
	v51 =	vadd.f32 $8.976644890e+01, v16  }
0x11c: {  	v53 =	vmul.f32 $6.931471820e-01, v24;
	v54 =	vmul.f32 $6.931471820e-01, v26;
	v22 =	vadd.f32 $-2.806980610e+00, v22  }
0x11d: {  	v52 =	vmul.f32 v19, v50;
	v18 =	vadd.f32 $8.976644890e+01, v18;
	v4 =	vsub.f32 v51, v4  }
0x11e: {  	v1 =	vadd.f32 v11, v1;
	v56 =	vmul.f32 $6.931471820e-01, v25;
	v17 =	vmul.f32 v17, v22  }
0x11f: {  	v55 =	vadd.f32 $8.976644890e+01, v52;
	v18 =	vsub.f32 v18, v54;
	v4 =	vnsel vm0, $0x42C80000, v4  }
0x120: {  	vm2 =	vgt.f32 v15, $0.0e+00;
	v17 =	vadd.f32 $8.976644890e+01, v17;
	v59 =	vmul.f32 v4, v37  }
0x121: {  	v57 =	vsub.f32 v55, v56;
	v4 =	vmul.f32 v4, v5;
	v60 =	vnsel vm2, $0x42C80000, v18  }
0x122: {  	v58 =	vsub.f32 v17, v53;
	v61 =	vmul.f32 v60, v11;
	v0 =	vadd.f32 v59, v0  }
0x123: {  	s1 =	sadd.s32 $0x1, s1;
	v9 =	vnsel vm3, $0x42C80000, v57;
	v3 =	vadd.f32 v4, v3;
	v4 =	vmul.f32 v60, v43  }
0x124: {  	p0 =	sne.s32 s1, $0x10;
	v2 =	vadd.f32 v43, v2;
	v5 =	vmul.f32 v9, v38;
	v0 =	vadd.f32 v61, v0  }
.Ltmp3:
0x125: {  	v14 =	vnsel vm1, $0x42C80000, v58;
	v3 =	vadd.f32 v4, v3;
	v4 =	vmul.f32 v9, v12;
	(pc) =	sbr.rel @p0 .LBB2_6-.Ltmp3, $4  }
0x126: {  	v1 =	vadd.f32 v38, v1;
	v62 =	vmul.f32 v14, v39;
	v0 =	vadd.f32 v5, v0  }
0x127: {  	v63 =	vadd.f32 v12, v2;
	v4 =	vadd.f32 v4, v3;
	v5 =	vmul.f32 v14, v10  }
0x128: {  	v1 =	vadd.f32 v39, v1;
	v3 =	vadd.f32 v62, v0  }
0x129: {  	v2 =	vadd.f32 v5, v4;
	v0 =	vadd.f32 v10, v63  }
0x12a: {  	s31 =	simm.s32 $0x0;
	s0 =	simm.s32 $0x2000  }
0x12b: {  	[tilespmem:s0], [sflag:$0x2] =	stream.linear.gather [hbm4b:s12+s31], $0x2000, $0x38;
	[tilespmem:$0xC200] =	vst v63  }
0x12c: {  	s24 =	simm.s32 $0x6000  }
0x12d: {  	[tilespmem:s24], [sflag:$0x2] =	stream.linear.gather [hbm4b:s13+s31], $0x2000, $0x38;
	[tilespmem:$0xC200] =	vst v63  }
0x12e: {  	s28 =	simm.s32 $0xA000  }
0x12f: {  	[tilespmem:s28], [sflag:$0x2] =	stream.linear.gather [hbm4b:s14+s31], $0x2000, $0x38;
	[tilespmem:$0xC200] =	vst v63  }
0x130: {  	_ =	swait.ge [sflag:s25], $0x2000  }
0x131: {  	[sflag:s25] =	ssyncset.done $0x0  }
0x132: {  	[sflag:s25] =	ssyncadd.s32 $0xFFFFE000  }
0x133: {  	_ =	swait.ge [sflag:s25], $0x2000  }
0x134: {  	[sflag:s25] =	ssyncset.done $0x0  }
0x135: {  	[sflag:s25] =	ssyncadd.s32 $0xFFFFE000  }
0x136: {  	_ =	swait.ge [sflag:s25], $0x2000  }
0x137: {  	[sflag:s25] =	ssyncset.done $0x0  }
0x138: {  	s1 =	simm.s32 $0x0;
	[sflag:s25] =	ssyncadd.s32 $0xFFFFE000  }
.LBB2_10:
0x139: {  	s0 =	sshll.u32 s1, $0x9;
	s3 =	sshll.u32 s1, $0x7  }
0x13a: {  	s0 =	sand.u32 $0x1000, s0;
	s3 =	sand.u32 $0x380, s3  }
0x13b: {  	s24 =	sand.u32 $0x40, s31;
	s0 =	sor.u32 s0, s3  }
0x13c: {  	s22 =	sand.u32 $0xC00, s31;
	s3 =	sor.u32 s24, s0  }
0x13d: {  	s3 =	sor.u32 s22, s3  }
0x13e: {  	v14 =	vld [tilespmem:s3+$0x8000]  }
0x13f: {  	v5 =	vld [tilespmem:s3+$0x4000]  }
0x140: {  	v9 =	vld [tilespmem:s3+$0x0];
	s22 =	sor.u32 $0x8030, s3  }
0x141: {  	s23 =	sor.u32 $0x8020, s3;
	v4 =	vld [tilespmem:s22+$0x0]  }
0x142: {  	s24 =	sor.u32 $0x30, s3;
	v6 =	vld [tilespmem:s23+$0x0]  }
0x143: {  	s23 =	sor.u32 $0x4030, s3;
	v11 =	vld [tilespmem:s24+$0x0]  }
0x144: {  	s22 =	sor.u32 $0x4020, s3;
	v10 =	vld [tilespmem:s23+$0x0]  }
0x145: {  	s24 =	sor.u32 $0x20, s3;
	v12 =	vld [tilespmem:s22+$0x0]  }
0x146: {  	s22 =	sor.u32 $0x4010, s3;
	v13 =	vld [tilespmem:s24+$0x0]  }
0x147: {  	s24 =	sor.u32 $0x10, s3;
	v15 =	vld [tilespmem:s22+$0x0]  }
0x148: {  	v16 =	vld [tilespmem:s24+$0x0];
	_ =	sdelay $0x1  }
0x149: {  	v18 =	vmul.f32 v14, v5;
	vm0 =	vgt.f32 v5, $5.000000000e-01;
	v5 =	vsub.f32 $1.000000000e+00, v9  }
0x14a: {  	v8 =	vmul.f32 v6, v12;
	v7 =	vmul.f32 v4, v10;
	v17 =	vsub.f32 $1.000000000e+00, v13  }
0x14b: {  	vm1 =	vgt.f32 v10, $5.000000000e-01;
	v10 =	vsub.f32 $1.000000000e+00, v11;
	vm3 =	vgt.f32 v12, $5.000000000e-01  }
0x14c: {  	s3 =	sor.u32 $0x8010, s3;
	v5 =	vsel vm0, v9, v5;
	vm2 =	vgt.f32 v15, $5.000000000e-01;
	v19 =	vsub.f32 $1.000000000e+00, v16  }
0x14d: {  	v9 =	vld [tilespmem:s3+$0x0];
	vm0 =	vgt.f32 v5, $0.0e+00;
	v12 =	vsel vm3, v13, v17;
	v10 =	vsel vm1, v11, v10  }
0x14e: {  	v11 =	vand.u32 $0x7FFFFF, v5;
	v13 =	vsel vm2, v16, v19;
	v16 =	vand.u32 $0x7FFFFF, v10  }
0x14f: {  	v17 =	vor.u32 $0x3F800000, v11;
	v19 =	vand.u32 $0x7FFFFF, v12;
	v11 =	vand.u32 $0x7FFFFF, v13  }
0x150: {  	v20 =	vmul.f32 $5.545931310e-02, v17;
	v16 =	vor.u32 $0x3F800000, v16;
	v21 =	vor.u32 $0x3F800000, v11  }
0x151: {  	v19 =	vor.u32 $0x3F800000, v19;
	v23 =	vmul.f32 $5.545931310e-02, v16;
	v22 =	vmul.f32 $5.545931310e-02, v21  }
0x152: {  	v11 =	vmul.f32 v9, v15;
	v15 =	vmul.f32 $5.545931310e-02, v19;
	v20 =	vadd.f32 $-4.405027330e-01, v20  }
0x153: {  	v5 =	vshra.s32 v5, $0x17;
	v23 =	vadd.f32 $-4.405027330e-01, v23;
	v22 =	vadd.f32 $-4.405027330e-01, v22  }
0x154: {  	v24 =	vshra.s32 v10, $0x17;
	v15 =	vadd.f32 $-4.405027330e-01, v15;
	v20 =	vmul.f32 v17, v20  }
0x155: {  	v25 =	vshra.s32 v12, $0x17;
	v23 =	vmul.f32 v16, v23;
	v22 =	vmul.f32 v21, v22  }
0x156: {  	v5 =	vcvt.s32.f32 v5;
	v15 =	vmul.f32 v19, v15;
	v20 =	vadd.f32 $1.455194830e+00, v20  }
0x157: {  	vm1 =	vgt.f32 v10, $0.0e+00;
	v23 =	vadd.f32 $1.455194830e+00, v23;
	v22 =	vadd.f32 $1.455194830e+00, v22  }
0x158: {  	v24 =	vcvt.s32.f32 v24;
	v15 =	vadd.f32 $1.455194830e+00, v15;
	v20 =	vmul.f32 v17, v20  }
0x159: {  	v26 =	vshra.s32 v13, $0x17;
	v23 =	vmul.f32 v16, v23;
	v22 =	vmul.f32 v21, v22  }
0x15a: {  	v25 =	vcvt.s32.f32 v25;
	v15 =	vmul.f32 v19, v15;
	v20 =	vadd.f32 $-2.806980610e+00, v20  }
0x15b: {  	v26 =	vcvt.s32.f32 v26;
	v23 =	vadd.f32 $-2.806980610e+00, v23;
	v22 =	vadd.f32 $-2.806980610e+00, v22  }
0x15c: {  	s23 =	simm.s32 $0x40;
	v17 =	vmul.f32 v17, v20;
	v20 =	vmul.f32 $6.931471820e-01, v5;
	v5 =	vadd.f32 $-2.806980610e+00, v15  }
0x15d: {  	s28 =	simm.s32 $0x200;
	s3 =	sand.u32 $0x40, s23;
	vm2 =	vgt.f32 v13, $0.0e+00;
	v16 =	vmul.f32 v16, v23;
	v15 =	vmul.f32 v21, v22  }
0x15e: {  	s24 =	sand.u32 $0xC00, s28;
	s3 =	sor.u32 s3, s0;
	v10 =	vadd.f32 $8.976644890e+01, v17;
	v17 =	vmul.f32 v19, v5;
	v19 =	vmul.f32 $6.931471820e-01, v24  }
0x15f: {  	s23 =	sor.u32 s24, s3;
	v22 =	vmul.f32 $6.931471820e-01, v26;
	v16 =	vadd.f32 $8.976644890e+01, v16;
	v21 =	vadd.f32 $8.976644890e+01, v15  }
0x160: {  	v13 =	vld [tilespmem:s23+$0x0];
	v10 =	vsub.f32 v10, v20;
	v17 =	vadd.f32 $8.976644890e+01, v17;
	v20 =	vmul.f32 $6.931471820e-01, v25  }
0x161: {  	vm3 =	vgt.f32 v12, $0.0e+00;
	v5 =	vld [tilespmem:s23+$0x8000];
	v21 =	vsub.f32 v21, v22  }
0x162: {  	s3 =	sor.u32 $0x8030, s23;
	v15 =	vld [tilespmem:s23+$0x4000];
	v16 =	vsub.f32 v16, v19;
	v12 =	vnsel vm0, $0x42C80000, v10;
	v17 =	vsub.f32 v17, v20  }
0x163: {  	s22 =	sor.u32 $0x8020, s23;
	v10 =	vld [tilespmem:s3+$0x0];
	v20 =	vmul.f32 v12, v18;
	v22 =	vmul.f32 v12, v14;
	v21 =	vnsel vm2, $0x42C80000, v21  }
0x164: {  	s24 =	sor.u32 $0x30, s23;
	v12 =	vld [tilespmem:s22+$0x0];
	v19 =	vnsel vm1, $0x42C80000, v16;
	v63 =	vnsel vm3, $0x42C80000, v17;
	v23 =	vmul.f32 v21, v11  }
0x165: {  	s3 =	sor.u32 $0x4020, s23;
	v16 =	vld [tilespmem:s24+$0x0];
	v3 =	vadd.f32 v20, v3;
	v20 =	vadd.f32 v22, v2;
	v21 =	vmul.f32 v21, v9  }
0x166: {  	v1 =	vadd.f32 v18, v1;
	s22 =	sor.u32 $0x4030, s23;
	v18 =	vld [tilespmem:s3+$0x0];
	v2 =	vadd.f32 v14, v0;
	v0 =	vmul.f32 v63, v8  }
0x167: {  	s24 =	sor.u32 $0x20, s23;
	v17 =	vld [tilespmem:s22+$0x0];
	s22 =	simm.s32 $0x80;
	v3 =	vadd.f32 v23, v3;
	v14 =	vadd.f32 v21, v20;
	v20 =	vmul.f32 v63, v6  }
.LBB2_11:
0x168: {  	p0 =	sne.s32 s22, $0x1C0;
	s3 =	sor.u32 $0x4010, s23;
	v21 =	vld [tilespmem:s24+$0x0];
	v1 =	vadd.f32 v11, v1;
	v2 =	vadd.f32 v9, v2;
	v9 =	vmul.f32 v19, v7  }
0x169: {  	s24 =	sor.u32 $0x10, s23;
	v19 =	vmul.f32 v19, v4;
	v11 =	vld [tilespmem:s3+$0x0];
	v3 =	vadd.f32 v0, v3;
	v14 =	vadd.f32 v20, v14  }
0x16a: {  	v20 =	vld [tilespmem:s24+$0x0];
	v1 =	vadd.f32 v8, v1;
	v2 =	vadd.f32 v6, v2;
	v6 =	vmov v12  }
0x16b: {  	v0 =	vmul.f32 v5, v15;
	v3 =	vadd.f32 v9, v3;
	v14 =	vadd.f32 v19, v14  }
0x16c: {  	vm0 =	vgt.f32 v15, $5.000000000e-01;
	v1 =	vadd.f32 v7, v1;
	v2 =	vadd.f32 v4, v2;
	v4 =	vmovc v10  }
0x16d: {  	v9 =	vsub.f32 $1.000000000e+00, v13;
	v8 =	vmul.f32 v6, v18;
	v7 =	vmul.f32 v4, v17  }
0x16e: {  	vm1 =	vgt.f32 v17, $5.000000000e-01;
	v12 =	vsub.f32 $1.000000000e+00, v16;
	v10 =	vsub.f32 $1.000000000e+00, v21  }
0x16f: {  	s3 =	sor.u32 $0x8010, s23;
	vm3 =	vgt.f32 v18, $5.000000000e-01;
	vm2 =	vgt.f32 v11, $5.000000000e-01;
	v15 =	vsub.f32 $1.000000000e+00, v20  }
0x170: {  	v13 =	vsel vm0, v13, v9;
	v12 =	vsel vm1, v16, v12;
	v10 =	vsel vm3, v21, v10;
	v9 =	vld [tilespmem:s3+$0x0]  }
0x171: {  	v16 =	vand.u32 $0x7FFFFF, v13;
	v17 =	vsel vm2, v20, v15;
	v15 =	vand.u32 $0x7FFFFF, v12  }
0x172: {  	v16 =	vor.u32 $0x3F800000, v16;
	v19 =	vand.u32 $0x7FFFFF, v10;
	v18 =	vand.u32 $0x7FFFFF, v17  }
0x173: {  	v20 =	vmul.f32 $5.545931310e-02, v16;
	v15 =	vor.u32 $0x3F800000, v15;
	v18 =	vor.u32 $0x3F800000, v18  }
0x174: {  	v19 =	vor.u32 $0x3F800000, v19;
	v22 =	vmul.f32 $5.545931310e-02, v15;
	v21 =	vmul.f32 $5.545931310e-02, v18  }
0x175: {  	v23 =	vmul.f32 $5.545931310e-02, v19;
	v20 =	vadd.f32 $-4.405027330e-01, v20;
	v11 =	vmul.f32 v9, v11  }
0x176: {  	vm0 =	vgt.f32 v13, $0.0e+00;
	v22 =	vadd.f32 $-4.405027330e-01, v22;
	v21 =	vadd.f32 $-4.405027330e-01, v21  }
0x177: {  	v13 =	vshra.s32 v13, $0x17;
	v23 =	vadd.f32 $-4.405027330e-01, v23;
	v20 =	vmul.f32 v16, v20  }
0x178: {  	v24 =	vshra.s32 v12, $0x17;
	v22 =	vmul.f32 v15, v22;
	v21 =	vmul.f32 v18, v21  }
0x179: {  	v25 =	vshra.s32 v10, $0x17;
	v23 =	vmul.f32 v19, v23;
	v20 =	vadd.f32 $1.455194830e+00, v20  }
0x17a: {  	v13 =	vcvt.s32.f32 v13;
	v22 =	vadd.f32 $1.455194830e+00, v22;
	v21 =	vadd.f32 $1.455194830e+00, v21  }
0x17b: {  	v24 =	vcvt.s32.f32 v24;
	v23 =	vadd.f32 $1.455194830e+00, v23;
	v20 =	vmul.f32 v16, v20  }
0x17c: {  	v26 =	vshra.s32 v17, $0x17;
	v22 =	vmul.f32 v15, v22;
	v21 =	vmul.f32 v18, v21  }
0x17d: {  	v25 =	vcvt.s32.f32 v25;
	v23 =	vmul.f32 v19, v23;
	v20 =	vadd.f32 $-2.806980610e+00, v20  }
0x17e: {  	v26 =	vcvt.s32.f32 v26;
	v22 =	vadd.f32 $-2.806980610e+00, v22;
	v21 =	vadd.f32 $-2.806980610e+00, v21  }
0x17f: {  	v13 =	vmul.f32 $6.931471820e-01, v13;
	v16 =	vmul.f32 v16, v20;
	v20 =	vadd.f32 $-2.806980610e+00, v23  }
0x180: {  	s28 =	sadd.s32 $0x200, s28;
	vm1 =	vgt.f32 v12, $0.0e+00;
	s3 =	sand.u32 $0x40, s22;
	v15 =	vmul.f32 v15, v22;
	v18 =	vmul.f32 v18, v21  }
0x181: {  	s23 =	sand.u32 $0xC00, s28;
	s3 =	sor.u32 s3, s0;
	v12 =	vadd.f32 $8.976644890e+01, v16;
	v16 =	vmul.f32 v19, v20;
	v19 =	vmul.f32 $6.931471820e-01, v24  }
0x182: {  	s23 =	sor.u32 s23, s3;
	v20 =	vmul.f32 $6.931471820e-01, v26;
	v21 =	vadd.f32 $8.976644890e+01, v15;
	v18 =	vadd.f32 $8.976644890e+01, v18  }
0x183: {  	v23 =	vmul.f32 $6.931471820e-01, v25;
	v12 =	vsub.f32 v12, v13;
	v16 =	vadd.f32 $8.976644890e+01, v16;
	v22 =	vld [tilespmem:s23+$0x8000]  }
0x184: {  	vm3 =	vgt.f32 v10, $0.0e+00;
	vm2 =	vgt.f32 v17, $0.0e+00;
	v15 =	vld [tilespmem:s23+$0x4000];
	v18 =	vsub.f32 v18, v20  }
0x185: {  	s3 =	sor.u32 $0x8030, s23;
	v12 =	vnsel vm0, $0x42C80000, v12;
	v16 =	vsub.f32 v16, v23;
	v17 =	vsub.f32 v21, v19;
	v13 =	vld [tilespmem:s23+$0x0]  }
.Ltmp4:
0x186: {  	s24 =	sor.u32 $0x8020, s23;
	v20 =	vmul.f32 v12, v0;
	v21 =	vmul.f32 v12, v5;
	v10 =	vld [tilespmem:s3+$0x0];
	v18 =	vnsel vm2, $0x42C80000, v18;
	(pc) =	sbr.rel @p0 .LBB2_11-.Ltmp4, $4  }
0x187: {  	v24 =	vnsel vm3, $0x42C80000, v16;
	v19 =	vnsel vm1, $0x42C80000, v17;
	s3 =	sor.u32 $0x4030, s23;
	v12 =	vld [tilespmem:s24+$0x0];
	v23 =	vmul.f32 v18, v11  }
0x188: {  	v3 =	vadd.f32 v20, v3;
	v14 =	vadd.f32 v21, v14;
	s24 =	sor.u32 $0x30, s23;
	v20 =	vmul.f32 v18, v9;
	v17 =	vld [tilespmem:s3+$0x0]  }
0x189: {  	v1 =	vadd.f32 v0, v1;
	v2 =	vadd.f32 v5, v2;
	v0 =	vmul.f32 v24, v8;
	s3 =	sor.u32 $0x4020, s23;
	v5 =	vmovc v22;
	v16 =	vld [tilespmem:s24+$0x0]  }
0x18a: {  	s22 =	sadd.s32 $0x40, s22;
	s24 =	sor.u32 $0x20, s23;
	v3 =	vadd.f32 v23, v3;
	v14 =	vadd.f32 v20, v14;
	v20 =	vmul.f32 v24, v6;
	v18 =	vld [tilespmem:s3+$0x0]  }
0x18b: {  	v1 =	vadd.f32 v11, v1  }
0x18c: {  	s0 =	sor.u32 $0x4010, s23;
	v21 =	vld [tilespmem:s24+$0x0];
	v2 =	vadd.f32 v9, v2;
	v33 =	vmul.f32 v19, v7;
	v35 =	vmul.f32 v19, v4  }
0x18d: {  	s3 =	sor.u32 $0x10, s23;
	v37 =	vmul.f32 v5, v15;
	v34 =	vld [tilespmem:s0+$0x0];
	v0 =	vadd.f32 v0, v3;
	v3 =	vadd.f32 v20, v14  }
0x18e: {  	vm0 =	vgt.f32 v15, $5.000000000e-01;
	s28 =	sor.u32 $0x8010, s23;
	v36 =	vld [tilespmem:s3+$0x0];
	v1 =	vadd.f32 v8, v1;
	v2 =	vadd.f32 v6, v2  }
0x18f: {  	v43 =	vld [tilespmem:s28+$0x0];
	v39 =	vmul.f32 v10, v17;
	v0 =	vadd.f32 v33, v0;
	v3 =	vadd.f32 v35, v3  }
0x190: {  	vm1 =	vgt.f32 v17, $5.000000000e-01;
	v41 =	vsub.f32 $1.000000000e+00, v16;
	v1 =	vadd.f32 v7, v1  }
0x191: {  	v2 =	vadd.f32 v4, v2;
	v4 =	vsub.f32 $1.000000000e+00, v13;
	v38 =	vmul.f32 v12, v18  }
0x192: {  	vm3 =	vgt.f32 v18, $5.000000000e-01;
	v40 =	vsub.f32 $1.000000000e+00, v21;
	v14 =	vsel vm1, v16, v41  }
0x193: {  	vm2 =	vgt.f32 v34, $5.000000000e-01;
	v42 =	vsub.f32 $1.000000000e+00, v36;
	v4 =	vsel vm0, v13, v4  }
0x194: {  	v45 =	vand.u32 $0x7FFFFF, v14;
	v11 =	vmul.f32 v43, v34;
	v44 =	vand.u32 $0x7FFFFF, v4  }
0x195: {  	v24 =	vshra.s32 v14, $0x17;
	v15 =	vsel vm2, v36, v42;
	v16 =	vor.u32 $0x3F800000, v44  }
0x196: {  	vm1 =	vgt.f32 v14, $0.0e+00;
	v46 =	vand.u32 $0x7FFFFF, v15;
	v48 =	vmul.f32 $5.545931310e-02, v16  }
0x197: {  	v1 =	vadd.f32 v37, v1;
	v9 =	vsel vm3, v21, v40;
	v18 =	vor.u32 $0x3F800000, v46  }
0x198: {  	v47 =	vand.u32 $0x7FFFFF, v9;
	v49 =	vmul.f32 $5.545931310e-02, v18;
	v20 =	vadd.f32 $-4.405027330e-01, v48  }
0x199: {  	v2 =	vadd.f32 v5, v2;
	v17 =	vor.u32 $0x3F800000, v45;
	v19 =	vor.u32 $0x3F800000, v47  }
0x19a: {  	v23 =	vmul.f32 $5.545931310e-02, v19;
	v21 =	vadd.f32 $-4.405027330e-01, v49;
	v20 =	vmul.f32 v16, v20  }
0x19b: {  	vm0 =	vgt.f32 v4, $0.0e+00;
	v4 =	vshra.s32 v4, $0x17;
	v22 =	vmul.f32 $5.545931310e-02, v17  }
0x19c: {  	v23 =	vadd.f32 $-4.405027330e-01, v23;
	v21 =	vmul.f32 v18, v21;
	v20 =	vadd.f32 $1.455194830e+00, v20  }
0x19d: {  	v24 =	vcvt.s32.f32 v24;
	v25 =	vshra.s32 v9, $0x17;
	v22 =	vadd.f32 $-4.405027330e-01, v22  }
0x19e: {  	v23 =	vmul.f32 v19, v23;
	v21 =	vadd.f32 $1.455194830e+00, v21;
	v20 =	vmul.f32 v16, v20  }
0x19f: {  	v4 =	vcvt.s32.f32 v4;
	v26 =	vshra.s32 v15, $0x17;
	v22 =	vmul.f32 v17, v22  }
0x1a0: {  	v23 =	vadd.f32 $1.455194830e+00, v23;
	v21 =	vmul.f32 v18, v21;
	v20 =	vadd.f32 $-2.806980610e+00, v20  }
0x1a1: {  	v25 =	vcvt.s32.f32 v25;
	v26 =	vcvt.s32.f32 v26;
	v22 =	vadd.f32 $1.455194830e+00, v22  }
0x1a2: {  	v23 =	vmul.f32 v19, v23;
	v21 =	vadd.f32 $-2.806980610e+00, v21;
	v16 =	vmul.f32 v16, v20  }
0x1a3: {  	vm3 =	vgt.f32 v9, $0.0e+00;
	v4 =	vmul.f32 $6.931471820e-01, v4;
	v22 =	vmul.f32 v17, v22  }
0x1a4: {  	v50 =	vadd.f32 $-2.806980610e+00, v23;
	v18 =	vmul.f32 v18, v21;
	v51 =	vadd.f32 $8.976644890e+01, v16  }
0x1a5: {  	v53 =	vmul.f32 $6.931471820e-01, v24;
	v54 =	vmul.f32 $6.931471820e-01, v26;
	v22 =	vadd.f32 $-2.806980610e+00, v22  }
0x1a6: {  	v52 =	vmul.f32 v19, v50;
	v18 =	vadd.f32 $8.976644890e+01, v18;
	v4 =	vsub.f32 v51, v4  }
0x1a7: {  	v1 =	vadd.f32 v11, v1;
	v56 =	vmul.f32 $6.931471820e-01, v25;
	v17 =	vmul.f32 v17, v22  }
0x1a8: {  	v55 =	vadd.f32 $8.976644890e+01, v52;
	v18 =	vsub.f32 v18, v54;
	v4 =	vnsel vm0, $0x42C80000, v4  }
0x1a9: {  	vm2 =	vgt.f32 v15, $0.0e+00;
	v17 =	vadd.f32 $8.976644890e+01, v17;
	v59 =	vmul.f32 v4, v37  }
0x1aa: {  	v57 =	vsub.f32 v55, v56;
	v4 =	vmul.f32 v4, v5;
	v60 =	vnsel vm2, $0x42C80000, v18  }
0x1ab: {  	v58 =	vsub.f32 v17, v53;
	v61 =	vmul.f32 v60, v11;
	v0 =	vadd.f32 v59, v0  }
0x1ac: {  	s1 =	sadd.s32 $0x1, s1;
	v9 =	vnsel vm3, $0x42C80000, v57;
	v3 =	vadd.f32 v4, v3;
	v4 =	vmul.f32 v60, v43  }
0x1ad: {  	p0 =	sne.s32 s1, $0x10;
	v2 =	vadd.f32 v43, v2;
	v5 =	vmul.f32 v9, v38;
	v0 =	vadd.f32 v61, v0  }
.Ltmp5:
0x1ae: {  	v14 =	vnsel vm1, $0x42C80000, v58;
	v3 =	vadd.f32 v4, v3;
	v4 =	vmul.f32 v9, v12;
	(pc) =	sbr.rel @p0 .LBB2_10-.Ltmp5, $4  }
0x1af: {  	v1 =	vadd.f32 v38, v1;
	v62 =	vmul.f32 v14, v39;
	v0 =	vadd.f32 v5, v0  }
0x1b0: {  	v63 =	vadd.f32 v12, v2;
	v4 =	vadd.f32 v4, v3;
	v5 =	vmul.f32 v14, v10  }
0x1b1: {  	v1 =	vadd.f32 v39, v1;
	v3 =	vadd.f32 v62, v0  }
0x1b2: {  	v2 =	vadd.f32 v5, v4;
	v0 =	vadd.f32 v10, v63  }
0x1b3: {  	s31 =	simm.s32 $0x0  }
0x1b4: {  	[tilespmem:s31], [sflag:$0x1] =	stream.linear.gather [hbm4b:s15+s31], $0x2000, $0x38;
	[tilespmem:$0xC200] =	vst v63  }
0x1b5: {  	_ = 	snop  }
0x1b6: {  	[tilespmem:s20], [sflag:$0x1] =	stream.linear.gather [hbm4b:s16+s31], $0x2000, $0x38;
	[tilespmem:$0xC200] =	vst v63  }
0x1b7: {  	_ = 	snop  }
0x1b8: {  	[tilespmem:s21], [sflag:$0x1] =	stream.linear.gather [hbm4b:s17+s31], $0x2000, $0x38;
	[tilespmem:$0xC200] =	vst v63  }
0x1b9: {  	_ =	swait.ge [sflag:s26], $0x2000  }
0x1ba: {  	[sflag:s26] =	ssyncset.done $0x0  }
0x1bb: {  	[sflag:s26] =	ssyncadd.s32 $0xFFFFE000  }
0x1bc: {  	_ =	swait.ge [sflag:s26], $0x2000  }
0x1bd: {  	[sflag:s26] =	ssyncset.done $0x0  }
0x1be: {  	[sflag:s26] =	ssyncadd.s32 $0xFFFFE000  }
0x1bf: {  	_ =	swait.ge [sflag:s26], $0x2000  }
0x1c0: {  	[sflag:s26] =	ssyncset.done $0x0  }
0x1c1: {  	s1 =	simm.s32 $0x0;
	[sflag:s26] =	ssyncadd.s32 $0xFFFFE000  }
.LBB2_14:
0x1c2: {  	s0 =	sshll.u32 s1, $0x9;
	s3 =	sshll.u32 s1, $0x7  }
0x1c3: {  	s0 =	sand.u32 $0x1000, s0;
	s3 =	sand.u32 $0x380, s3  }
0x1c4: {  	s24 =	sand.u32 $0x40, s31;
	s0 =	sor.u32 s3, s0  }
0x1c5: {  	s22 =	sand.u32 $0xC00, s31;
	s3 =	sor.u32 s24, s0  }
0x1c6: {  	s3 =	sor.u32 s22, s3  }
0x1c7: {  	v14 =	vld [tilespmem:s3+$0xA000]  }
0x1c8: {  	v5 =	vld [tilespmem:s3+$0x6000]  }
0x1c9: {  	v9 =	vld [tilespmem:s3+$0x2000];
	s22 =	sor.u32 $0xA030, s3  }
0x1ca: {  	s23 =	sor.u32 $0xA020, s3;
	v4 =	vld [tilespmem:s22+$0x0]  }
0x1cb: {  	s24 =	sor.u32 $0x2030, s3;
	v6 =	vld [tilespmem:s23+$0x0]  }
0x1cc: {  	s23 =	sor.u32 $0x6030, s3;
	v11 =	vld [tilespmem:s24+$0x0]  }
0x1cd: {  	s22 =	sor.u32 $0x6020, s3;
	v10 =	vld [tilespmem:s23+$0x0]  }
0x1ce: {  	s24 =	sor.u32 $0x2020, s3;
	v12 =	vld [tilespmem:s22+$0x0]  }
0x1cf: {  	s22 =	sor.u32 $0x6010, s3;
	v13 =	vld [tilespmem:s24+$0x0]  }
0x1d0: {  	s24 =	sor.u32 $0x2010, s3;
	v15 =	vld [tilespmem:s22+$0x0]  }
0x1d1: {  	v16 =	vld [tilespmem:s24+$0x0];
	_ =	sdelay $0x1  }
0x1d2: {  	v18 =	vmul.f32 v14, v5;
	vm0 =	vgt.f32 v5, $5.000000000e-01;
	v5 =	vsub.f32 $1.000000000e+00, v9  }
0x1d3: {  	v8 =	vmul.f32 v6, v12;
	v7 =	vmul.f32 v4, v10;
	v17 =	vsub.f32 $1.000000000e+00, v13  }
0x1d4: {  	vm1 =	vgt.f32 v10, $5.000000000e-01;
	v10 =	vsub.f32 $1.000000000e+00, v11;
	vm3 =	vgt.f32 v12, $5.000000000e-01  }
0x1d5: {  	s3 =	sor.u32 $0xA010, s3;
	v5 =	vsel vm0, v9, v5;
	vm2 =	vgt.f32 v15, $5.000000000e-01;
	v19 =	vsub.f32 $1.000000000e+00, v16  }
0x1d6: {  	v9 =	vld [tilespmem:s3+$0x0];
	vm0 =	vgt.f32 v5, $0.0e+00;
	v12 =	vsel vm3, v13, v17;
	v10 =	vsel vm1, v11, v10  }
0x1d7: {  	v11 =	vand.u32 $0x7FFFFF, v5;
	v13 =	vsel vm2, v16, v19;
	v16 =	vand.u32 $0x7FFFFF, v10  }
0x1d8: {  	v17 =	vor.u32 $0x3F800000, v11;
	v19 =	vand.u32 $0x7FFFFF, v12;
	v11 =	vand.u32 $0x7FFFFF, v13  }
0x1d9: {  	v20 =	vmul.f32 $5.545931310e-02, v17;
	v16 =	vor.u32 $0x3F800000, v16;
	v21 =	vor.u32 $0x3F800000, v11  }
0x1da: {  	v19 =	vor.u32 $0x3F800000, v19;
	v23 =	vmul.f32 $5.545931310e-02, v16;
	v22 =	vmul.f32 $5.545931310e-02, v21  }
0x1db: {  	v11 =	vmul.f32 v9, v15;
	v15 =	vmul.f32 $5.545931310e-02, v19;
	v20 =	vadd.f32 $-4.405027330e-01, v20  }
0x1dc: {  	v5 =	vshra.s32 v5, $0x17;
	v23 =	vadd.f32 $-4.405027330e-01, v23;
	v22 =	vadd.f32 $-4.405027330e-01, v22  }
0x1dd: {  	v24 =	vshra.s32 v10, $0x17;
	v15 =	vadd.f32 $-4.405027330e-01, v15;
	v20 =	vmul.f32 v17, v20  }
0x1de: {  	v25 =	vshra.s32 v12, $0x17;
	v23 =	vmul.f32 v16, v23;
	v22 =	vmul.f32 v21, v22  }
0x1df: {  	v5 =	vcvt.s32.f32 v5;
	v15 =	vmul.f32 v19, v15;
	v20 =	vadd.f32 $1.455194830e+00, v20  }
0x1e0: {  	vm1 =	vgt.f32 v10, $0.0e+00;
	v23 =	vadd.f32 $1.455194830e+00, v23;
	v22 =	vadd.f32 $1.455194830e+00, v22  }
0x1e1: {  	v24 =	vcvt.s32.f32 v24;
	v15 =	vadd.f32 $1.455194830e+00, v15;
	v20 =	vmul.f32 v17, v20  }
0x1e2: {  	v26 =	vshra.s32 v13, $0x17;
	v23 =	vmul.f32 v16, v23;
	v22 =	vmul.f32 v21, v22  }
0x1e3: {  	v25 =	vcvt.s32.f32 v25;
	v15 =	vmul.f32 v19, v15;
	v20 =	vadd.f32 $-2.806980610e+00, v20  }
0x1e4: {  	v26 =	vcvt.s32.f32 v26;
	v23 =	vadd.f32 $-2.806980610e+00, v23;
	v22 =	vadd.f32 $-2.806980610e+00, v22  }
0x1e5: {  	s23 =	simm.s32 $0x40;
	v17 =	vmul.f32 v17, v20;
	v20 =	vmul.f32 $6.931471820e-01, v5;
	v5 =	vadd.f32 $-2.806980610e+00, v15  }
0x1e6: {  	s28 =	simm.s32 $0x200;
	s3 =	sand.u32 $0x40, s23;
	vm2 =	vgt.f32 v13, $0.0e+00;
	v16 =	vmul.f32 v16, v23;
	v15 =	vmul.f32 v21, v22  }
0x1e7: {  	s24 =	sand.u32 $0xC00, s28;
	s3 =	sor.u32 s3, s0;
	v10 =	vadd.f32 $8.976644890e+01, v17;
	v17 =	vmul.f32 v19, v5;
	v19 =	vmul.f32 $6.931471820e-01, v24  }
0x1e8: {  	s23 =	sor.u32 s24, s3;
	v22 =	vmul.f32 $6.931471820e-01, v26;
	v16 =	vadd.f32 $8.976644890e+01, v16;
	v21 =	vadd.f32 $8.976644890e+01, v15  }
0x1e9: {  	v13 =	vld [tilespmem:s23+$0x2000];
	v10 =	vsub.f32 v10, v20;
	v17 =	vadd.f32 $8.976644890e+01, v17;
	v20 =	vmul.f32 $6.931471820e-01, v25  }
0x1ea: {  	vm3 =	vgt.f32 v12, $0.0e+00;
	v5 =	vld [tilespmem:s23+$0xA000];
	v21 =	vsub.f32 v21, v22  }
0x1eb: {  	s3 =	sor.u32 $0xA030, s23;
	v15 =	vld [tilespmem:s23+$0x6000];
	v16 =	vsub.f32 v16, v19;
	v12 =	vnsel vm0, $0x42C80000, v10;
	v17 =	vsub.f32 v17, v20  }
0x1ec: {  	s22 =	sor.u32 $0xA020, s23;
	v10 =	vld [tilespmem:s3+$0x0];
	v20 =	vmul.f32 v12, v18;
	v22 =	vmul.f32 v12, v14;
	v21 =	vnsel vm2, $0x42C80000, v21  }
0x1ed: {  	s24 =	sor.u32 $0x2030, s23;
	v12 =	vld [tilespmem:s22+$0x0];
	v19 =	vnsel vm1, $0x42C80000, v16;
	v63 =	vnsel vm3, $0x42C80000, v17;
	v23 =	vmul.f32 v21, v11  }
0x1ee: {  	s3 =	sor.u32 $0x6020, s23;
	v16 =	vld [tilespmem:s24+$0x0];
	v3 =	vadd.f32 v20, v3;
	v20 =	vadd.f32 v22, v2;
	v21 =	vmul.f32 v21, v9  }
0x1ef: {  	v1 =	vadd.f32 v18, v1;
	s22 =	sor.u32 $0x6030, s23;
	v18 =	vld [tilespmem:s3+$0x0];
	v2 =	vadd.f32 v14, v0;
	v0 =	vmul.f32 v63, v8  }
0x1f0: {  	s24 =	sor.u32 $0x2020, s23;
	v17 =	vld [tilespmem:s22+$0x0];
	s22 =	simm.s32 $0x80;
	v3 =	vadd.f32 v23, v3;
	v14 =	vadd.f32 v21, v20;
	v20 =	vmul.f32 v63, v6  }
.LBB2_15:
0x1f1: {  	p0 =	sne.s32 s22, $0x1C0;
	s3 =	sor.u32 $0x6010, s23;
	v21 =	vld [tilespmem:s24+$0x0];
	v1 =	vadd.f32 v11, v1;
	v2 =	vadd.f32 v9, v2;
	v9 =	vmul.f32 v19, v7  }
0x1f2: {  	s24 =	sor.u32 $0x2010, s23;
	v19 =	vmul.f32 v19, v4;
	v11 =	vld [tilespmem:s3+$0x0];
	v3 =	vadd.f32 v0, v3;
	v14 =	vadd.f32 v20, v14  }
0x1f3: {  	v20 =	vld [tilespmem:s24+$0x0];
	v1 =	vadd.f32 v8, v1;
	v2 =	vadd.f32 v6, v2;
	v6 =	vmov v12  }
0x1f4: {  	v0 =	vmul.f32 v5, v15;
	v3 =	vadd.f32 v9, v3;
	v14 =	vadd.f32 v19, v14  }
0x1f5: {  	vm0 =	vgt.f32 v15, $5.000000000e-01;
	v1 =	vadd.f32 v7, v1;
	v2 =	vadd.f32 v4, v2;
	v4 =	vmovc v10  }
0x1f6: {  	v9 =	vsub.f32 $1.000000000e+00, v13;
	v8 =	vmul.f32 v6, v18;
	v7 =	vmul.f32 v4, v17  }
0x1f7: {  	vm1 =	vgt.f32 v17, $5.000000000e-01;
	v12 =	vsub.f32 $1.000000000e+00, v16;
	v10 =	vsub.f32 $1.000000000e+00, v21  }
0x1f8: {  	s3 =	sor.u32 $0xA010, s23;
	vm3 =	vgt.f32 v18, $5.000000000e-01;
	vm2 =	vgt.f32 v11, $5.000000000e-01;
	v15 =	vsub.f32 $1.000000000e+00, v20  }
0x1f9: {  	v13 =	vsel vm0, v13, v9;
	v12 =	vsel vm1, v16, v12;
	v10 =	vsel vm3, v21, v10;
	v9 =	vld [tilespmem:s3+$0x0]  }
0x1fa: {  	v16 =	vand.u32 $0x7FFFFF, v13;
	v17 =	vsel vm2, v20, v15;
	v15 =	vand.u32 $0x7FFFFF, v12  }
0x1fb: {  	v16 =	vor.u32 $0x3F800000, v16;
	v19 =	vand.u32 $0x7FFFFF, v10;
	v18 =	vand.u32 $0x7FFFFF, v17  }
0x1fc: {  	v20 =	vmul.f32 $5.545931310e-02, v16;
	v15 =	vor.u32 $0x3F800000, v15;
	v18 =	vor.u32 $0x3F800000, v18  }
0x1fd: {  	v19 =	vor.u32 $0x3F800000, v19;
	v22 =	vmul.f32 $5.545931310e-02, v15;
	v21 =	vmul.f32 $5.545931310e-02, v18  }
0x1fe: {  	v23 =	vmul.f32 $5.545931310e-02, v19;
	v20 =	vadd.f32 $-4.405027330e-01, v20;
	v11 =	vmul.f32 v9, v11  }
0x1ff: {  	vm0 =	vgt.f32 v13, $0.0e+00;
	v22 =	vadd.f32 $-4.405027330e-01, v22;
	v21 =	vadd.f32 $-4.405027330e-01, v21  }
0x200: {  	v13 =	vshra.s32 v13, $0x17;
	v23 =	vadd.f32 $-4.405027330e-01, v23;
	v20 =	vmul.f32 v16, v20  }
0x201: {  	v24 =	vshra.s32 v12, $0x17;
	v22 =	vmul.f32 v15, v22;
	v21 =	vmul.f32 v18, v21  }
0x202: {  	v25 =	vshra.s32 v10, $0x17;
	v23 =	vmul.f32 v19, v23;
	v20 =	vadd.f32 $1.455194830e+00, v20  }
0x203: {  	v13 =	vcvt.s32.f32 v13;
	v22 =	vadd.f32 $1.455194830e+00, v22;
	v21 =	vadd.f32 $1.455194830e+00, v21  }
0x204: {  	v24 =	vcvt.s32.f32 v24;
	v23 =	vadd.f32 $1.455194830e+00, v23;
	v20 =	vmul.f32 v16, v20  }
0x205: {  	v26 =	vshra.s32 v17, $0x17;
	v22 =	vmul.f32 v15, v22;
	v21 =	vmul.f32 v18, v21  }
0x206: {  	v25 =	vcvt.s32.f32 v25;
	v23 =	vmul.f32 v19, v23;
	v20 =	vadd.f32 $-2.806980610e+00, v20  }
0x207: {  	v26 =	vcvt.s32.f32 v26;
	v22 =	vadd.f32 $-2.806980610e+00, v22;
	v21 =	vadd.f32 $-2.806980610e+00, v21  }
0x208: {  	v13 =	vmul.f32 $6.931471820e-01, v13;
	v16 =	vmul.f32 v16, v20;
	v20 =	vadd.f32 $-2.806980610e+00, v23  }
0x209: {  	s28 =	sadd.s32 $0x200, s28;
	vm1 =	vgt.f32 v12, $0.0e+00;
	s3 =	sand.u32 $0x40, s22;
	v15 =	vmul.f32 v15, v22;
	v18 =	vmul.f32 v18, v21  }
0x20a: {  	s23 =	sand.u32 $0xC00, s28;
	s3 =	sor.u32 s3, s0;
	v12 =	vadd.f32 $8.976644890e+01, v16;
	v16 =	vmul.f32 v19, v20;
	v19 =	vmul.f32 $6.931471820e-01, v24  }
0x20b: {  	s23 =	sor.u32 s23, s3;
	v20 =	vmul.f32 $6.931471820e-01, v26;
	v21 =	vadd.f32 $8.976644890e+01, v15;
	v18 =	vadd.f32 $8.976644890e+01, v18  }
0x20c: {  	v23 =	vmul.f32 $6.931471820e-01, v25;
	v12 =	vsub.f32 v12, v13;
	v16 =	vadd.f32 $8.976644890e+01, v16;
	v22 =	vld [tilespmem:s23+$0xA000]  }
0x20d: {  	vm3 =	vgt.f32 v10, $0.0e+00;
	vm2 =	vgt.f32 v17, $0.0e+00;
	v15 =	vld [tilespmem:s23+$0x6000];
	v18 =	vsub.f32 v18, v20  }
0x20e: {  	s3 =	sor.u32 $0xA030, s23;
	v12 =	vnsel vm0, $0x42C80000, v12;
	v16 =	vsub.f32 v16, v23;
	v17 =	vsub.f32 v21, v19;
	v13 =	vld [tilespmem:s23+$0x2000]  }
.Ltmp6:
0x20f: {  	s24 =	sor.u32 $0xA020, s23;
	v20 =	vmul.f32 v12, v0;
	v21 =	vmul.f32 v12, v5;
	v10 =	vld [tilespmem:s3+$0x0];
	v18 =	vnsel vm2, $0x42C80000, v18;
	(pc) =	sbr.rel @p0 .LBB2_15-.Ltmp6, $4  }
0x210: {  	v24 =	vnsel vm3, $0x42C80000, v16;
	v19 =	vnsel vm1, $0x42C80000, v17;
	s3 =	sor.u32 $0x6030, s23;
	v12 =	vld [tilespmem:s24+$0x0];
	v23 =	vmul.f32 v18, v11  }
0x211: {  	v3 =	vadd.f32 v20, v3;
	v14 =	vadd.f32 v21, v14;
	s24 =	sor.u32 $0x2030, s23;
	v20 =	vmul.f32 v18, v9;
	v17 =	vld [tilespmem:s3+$0x0]  }
0x212: {  	v1 =	vadd.f32 v0, v1;
	v2 =	vadd.f32 v5, v2;
	v0 =	vmul.f32 v24, v8;
	s3 =	sor.u32 $0x6020, s23;
	v5 =	vmovc v22;
	v16 =	vld [tilespmem:s24+$0x0]  }
0x213: {  	s22 =	sadd.s32 $0x40, s22;
	s24 =	sor.u32 $0x2020, s23;
	v3 =	vadd.f32 v23, v3;
	v14 =	vadd.f32 v20, v14;
	v20 =	vmul.f32 v24, v6;
	v18 =	vld [tilespmem:s3+$0x0]  }
0x214: {  	v1 =	vadd.f32 v11, v1  }
0x215: {  	s0 =	sor.u32 $0x6010, s23;
	v21 =	vld [tilespmem:s24+$0x0];
	v2 =	vadd.f32 v9, v2;
	v33 =	vmul.f32 v19, v7;
	v35 =	vmul.f32 v19, v4  }
0x216: {  	s3 =	sor.u32 $0x2010, s23;
	v37 =	vmul.f32 v5, v15;
	v34 =	vld [tilespmem:s0+$0x0];
	v0 =	vadd.f32 v0, v3;
	v3 =	vadd.f32 v20, v14  }
0x217: {  	vm0 =	vgt.f32 v15, $5.000000000e-01;
	s28 =	sor.u32 $0xA010, s23;
	v36 =	vld [tilespmem:s3+$0x0];
	v1 =	vadd.f32 v8, v1;
	v2 =	vadd.f32 v6, v2  }
0x218: {  	v43 =	vld [tilespmem:s28+$0x0];
	v39 =	vmul.f32 v10, v17;
	v0 =	vadd.f32 v33, v0;
	v3 =	vadd.f32 v35, v3  }
0x219: {  	vm1 =	vgt.f32 v17, $5.000000000e-01;
	v41 =	vsub.f32 $1.000000000e+00, v16;
	v1 =	vadd.f32 v7, v1  }
0x21a: {  	v2 =	vadd.f32 v4, v2;
	v4 =	vsub.f32 $1.000000000e+00, v13;
	v38 =	vmul.f32 v12, v18  }
0x21b: {  	vm3 =	vgt.f32 v18, $5.000000000e-01;
	v40 =	vsub.f32 $1.000000000e+00, v21;
	v14 =	vsel vm1, v16, v41  }
0x21c: {  	vm2 =	vgt.f32 v34, $5.000000000e-01;
	v42 =	vsub.f32 $1.000000000e+00, v36;
	v4 =	vsel vm0, v13, v4  }
0x21d: {  	v45 =	vand.u32 $0x7FFFFF, v14;
	v11 =	vmul.f32 v43, v34;
	v44 =	vand.u32 $0x7FFFFF, v4  }
0x21e: {  	v24 =	vshra.s32 v14, $0x17;
	v15 =	vsel vm2, v36, v42;
	v16 =	vor.u32 $0x3F800000, v44  }
0x21f: {  	vm1 =	vgt.f32 v14, $0.0e+00;
	v46 =	vand.u32 $0x7FFFFF, v15;
	v48 =	vmul.f32 $5.545931310e-02, v16  }
0x220: {  	v1 =	vadd.f32 v37, v1;
	v9 =	vsel vm3, v21, v40;
	v18 =	vor.u32 $0x3F800000, v46  }
0x221: {  	v47 =	vand.u32 $0x7FFFFF, v9;
	v49 =	vmul.f32 $5.545931310e-02, v18;
	v20 =	vadd.f32 $-4.405027330e-01, v48  }
0x222: {  	v2 =	vadd.f32 v5, v2;
	v17 =	vor.u32 $0x3F800000, v45;
	v19 =	vor.u32 $0x3F800000, v47  }
0x223: {  	v23 =	vmul.f32 $5.545931310e-02, v19;
	v21 =	vadd.f32 $-4.405027330e-01, v49;
	v20 =	vmul.f32 v16, v20  }
0x224: {  	vm0 =	vgt.f32 v4, $0.0e+00;
	v4 =	vshra.s32 v4, $0x17;
	v22 =	vmul.f32 $5.545931310e-02, v17  }
0x225: {  	v23 =	vadd.f32 $-4.405027330e-01, v23;
	v21 =	vmul.f32 v18, v21;
	v20 =	vadd.f32 $1.455194830e+00, v20  }
0x226: {  	v24 =	vcvt.s32.f32 v24;
	v25 =	vshra.s32 v9, $0x17;
	v22 =	vadd.f32 $-4.405027330e-01, v22  }
0x227: {  	v23 =	vmul.f32 v19, v23;
	v21 =	vadd.f32 $1.455194830e+00, v21;
	v20 =	vmul.f32 v16, v20  }
0x228: {  	v4 =	vcvt.s32.f32 v4;
	v26 =	vshra.s32 v15, $0x17;
	v22 =	vmul.f32 v17, v22  }
0x229: {  	v23 =	vadd.f32 $1.455194830e+00, v23;
	v21 =	vmul.f32 v18, v21;
	v20 =	vadd.f32 $-2.806980610e+00, v20  }
0x22a: {  	v25 =	vcvt.s32.f32 v25;
	v26 =	vcvt.s32.f32 v26;
	v22 =	vadd.f32 $1.455194830e+00, v22  }
0x22b: {  	v23 =	vmul.f32 v19, v23;
	v21 =	vadd.f32 $-2.806980610e+00, v21;
	v16 =	vmul.f32 v16, v20  }
0x22c: {  	vm3 =	vgt.f32 v9, $0.0e+00;
	v4 =	vmul.f32 $6.931471820e-01, v4;
	v22 =	vmul.f32 v17, v22  }
0x22d: {  	v50 =	vadd.f32 $-2.806980610e+00, v23;
	v18 =	vmul.f32 v18, v21;
	v51 =	vadd.f32 $8.976644890e+01, v16  }
0x22e: {  	v53 =	vmul.f32 $6.931471820e-01, v24;
	v54 =	vmul.f32 $6.931471820e-01, v26;
	v22 =	vadd.f32 $-2.806980610e+00, v22  }
0x22f: {  	v52 =	vmul.f32 v19, v50;
	v18 =	vadd.f32 $8.976644890e+01, v18;
	v4 =	vsub.f32 v51, v4  }
0x230: {  	v1 =	vadd.f32 v11, v1;
	v56 =	vmul.f32 $6.931471820e-01, v25;
	v17 =	vmul.f32 v17, v22  }
0x231: {  	v55 =	vadd.f32 $8.976644890e+01, v52;
	v18 =	vsub.f32 v18, v54;
	v4 =	vnsel vm0, $0x42C80000, v4  }
0x232: {  	vm2 =	vgt.f32 v15, $0.0e+00;
	v17 =	vadd.f32 $8.976644890e+01, v17;
	v59 =	vmul.f32 v4, v37  }
0x233: {  	v57 =	vsub.f32 v55, v56;
	v4 =	vmul.f32 v4, v5;
	v60 =	vnsel vm2, $0x42C80000, v18  }
0x234: {  	v58 =	vsub.f32 v17, v53;
	v61 =	vmul.f32 v60, v11;
	v0 =	vadd.f32 v59, v0  }
0x235: {  	s1 =	sadd.s32 $0x1, s1;
	v9 =	vnsel vm3, $0x42C80000, v57;
	v3 =	vadd.f32 v4, v3;
	v4 =	vmul.f32 v60, v43  }
0x236: {  	p0 =	sne.s32 s1, $0x10;
	v2 =	vadd.f32 v43, v2;
	v5 =	vmul.f32 v9, v38;
	v0 =	vadd.f32 v61, v0  }
.Ltmp7:
0x237: {  	v14 =	vnsel vm1, $0x42C80000, v58;
	v3 =	vadd.f32 v4, v3;
	v4 =	vmul.f32 v9, v12;
	(pc) =	sbr.rel @p0 .LBB2_14-.Ltmp7, $4  }
0x238: {  	v1 =	vadd.f32 v38, v1;
	v62 =	vmul.f32 v14, v39;
	v0 =	vadd.f32 v5, v0  }
0x239: {  	v63 =	vadd.f32 v12, v2;
	v4 =	vadd.f32 v4, v3;
	v5 =	vmul.f32 v14, v10  }
0x23a: {  	v1 =	vadd.f32 v39, v1;
	v3 =	vadd.f32 v62, v0  }
0x23b: {  	v2 =	vadd.f32 v5, v4;
	v0 =	vadd.f32 v10, v63  }
0x23c: {  	_ =	swait.ge [sflag:s25], $0x2000  }
0x23d: {  	[sflag:s25] =	ssyncset.done $0x0  }
0x23e: {  	[sflag:s25] =	ssyncadd.s32 $0xFFFFE000  }
0x23f: {  	_ =	swait.ge [sflag:s25], $0x2000  }
0x240: {  	[sflag:s25] =	ssyncset.done $0x0  }
0x241: {  	[sflag:s25] =	ssyncadd.s32 $0xFFFFE000  }
0x242: {  	_ =	swait.ge [sflag:s25], $0x2000  }
0x243: {  	[sflag:s25] =	ssyncset.done $0x0  }
0x244: {  	s31 =	simm.s32 $0x0;
	s1 =	simm.s32 $0x0;
	[sflag:s25] =	ssyncadd.s32 $0xFFFFE000  }
.LBB2_18:
0x245: {  	s0 =	sshll.u32 s1, $0x9;
	s3 =	sshll.u32 s1, $0x7  }
0x246: {  	s0 =	sand.u32 $0x1000, s0;
	s3 =	sand.u32 $0x380, s3  }
0x247: {  	s24 =	sand.u32 $0x40, s31;
	s0 =	sor.u32 s0, s3  }
0x248: {  	s22 =	sand.u32 $0xC00, s31;
	s3 =	sor.u32 s24, s0  }
0x249: {  	s3 =	sor.u32 s22, s3  }
0x24a: {  	v14 =	vld [tilespmem:s3+$0x8000]  }
0x24b: {  	v5 =	vld [tilespmem:s3+$0x4000]  }
0x24c: {  	v9 =	vld [tilespmem:s3+$0x0];
	s22 =	sor.u32 $0x8030, s3  }
0x24d: {  	s23 =	sor.u32 $0x8020, s3;
	v4 =	vld [tilespmem:s22+$0x0]  }
0x24e: {  	s24 =	sor.u32 $0x30, s3;
	v6 =	vld [tilespmem:s23+$0x0]  }
0x24f: {  	s23 =	sor.u32 $0x4030, s3;
	v11 =	vld [tilespmem:s24+$0x0]  }
0x250: {  	s22 =	sor.u32 $0x4020, s3;
	v10 =	vld [tilespmem:s23+$0x0]  }
0x251: {  	s24 =	sor.u32 $0x20, s3;
	v12 =	vld [tilespmem:s22+$0x0]  }
0x252: {  	s22 =	sor.u32 $0x4010, s3;
	v13 =	vld [tilespmem:s24+$0x0]  }
0x253: {  	s24 =	sor.u32 $0x10, s3;
	v15 =	vld [tilespmem:s22+$0x0]  }
0x254: {  	v16 =	vld [tilespmem:s24+$0x0];
	_ =	sdelay $0x1  }
0x255: {  	v18 =	vmul.f32 v14, v5;
	vm0 =	vgt.f32 v5, $5.000000000e-01;
	v5 =	vsub.f32 $1.000000000e+00, v9  }
0x256: {  	v8 =	vmul.f32 v6, v12;
	v7 =	vmul.f32 v4, v10;
	v17 =	vsub.f32 $1.000000000e+00, v13  }
0x257: {  	vm1 =	vgt.f32 v10, $5.000000000e-01;
	v10 =	vsub.f32 $1.000000000e+00, v11;
	vm3 =	vgt.f32 v12, $5.000000000e-01  }
0x258: {  	s3 =	sor.u32 $0x8010, s3;
	v5 =	vsel vm0, v9, v5;
	vm2 =	vgt.f32 v15, $5.000000000e-01;
	v19 =	vsub.f32 $1.000000000e+00, v16  }
0x259: {  	v9 =	vld [tilespmem:s3+$0x0];
	vm0 =	vgt.f32 v5, $0.0e+00;
	v12 =	vsel vm3, v13, v17;
	v10 =	vsel vm1, v11, v10  }
0x25a: {  	v11 =	vand.u32 $0x7FFFFF, v5;
	v13 =	vsel vm2, v16, v19;
	v16 =	vand.u32 $0x7FFFFF, v10  }
0x25b: {  	v17 =	vor.u32 $0x3F800000, v11;
	v19 =	vand.u32 $0x7FFFFF, v12;
	v11 =	vand.u32 $0x7FFFFF, v13  }
0x25c: {  	v20 =	vmul.f32 $5.545931310e-02, v17;
	v16 =	vor.u32 $0x3F800000, v16;
	v21 =	vor.u32 $0x3F800000, v11  }
0x25d: {  	v19 =	vor.u32 $0x3F800000, v19;
	v23 =	vmul.f32 $5.545931310e-02, v16;
	v22 =	vmul.f32 $5.545931310e-02, v21  }
0x25e: {  	v11 =	vmul.f32 v9, v15;
	v15 =	vmul.f32 $5.545931310e-02, v19;
	v20 =	vadd.f32 $-4.405027330e-01, v20  }
0x25f: {  	v5 =	vshra.s32 v5, $0x17;
	v23 =	vadd.f32 $-4.405027330e-01, v23;
	v22 =	vadd.f32 $-4.405027330e-01, v22  }
0x260: {  	v24 =	vshra.s32 v10, $0x17;
	v15 =	vadd.f32 $-4.405027330e-01, v15;
	v20 =	vmul.f32 v17, v20  }
0x261: {  	v25 =	vshra.s32 v12, $0x17;
	v23 =	vmul.f32 v16, v23;
	v22 =	vmul.f32 v21, v22  }
0x262: {  	v5 =	vcvt.s32.f32 v5;
	v15 =	vmul.f32 v19, v15;
	v20 =	vadd.f32 $1.455194830e+00, v20  }
0x263: {  	vm1 =	vgt.f32 v10, $0.0e+00;
	v23 =	vadd.f32 $1.455194830e+00, v23;
	v22 =	vadd.f32 $1.455194830e+00, v22  }
0x264: {  	v24 =	vcvt.s32.f32 v24;
	v15 =	vadd.f32 $1.455194830e+00, v15;
	v20 =	vmul.f32 v17, v20  }
0x265: {  	v26 =	vshra.s32 v13, $0x17;
	v23 =	vmul.f32 v16, v23;
	v22 =	vmul.f32 v21, v22  }
0x266: {  	v25 =	vcvt.s32.f32 v25;
	v15 =	vmul.f32 v19, v15;
	v20 =	vadd.f32 $-2.806980610e+00, v20  }
0x267: {  	v26 =	vcvt.s32.f32 v26;
	v23 =	vadd.f32 $-2.806980610e+00, v23;
	v22 =	vadd.f32 $-2.806980610e+00, v22  }
0x268: {  	s23 =	simm.s32 $0x40;
	v17 =	vmul.f32 v17, v20;
	v20 =	vmul.f32 $6.931471820e-01, v5;
	v5 =	vadd.f32 $-2.806980610e+00, v15  }
0x269: {  	s28 =	simm.s32 $0x200;
	s3 =	sand.u32 $0x40, s23;
	vm2 =	vgt.f32 v13, $0.0e+00;
	v16 =	vmul.f32 v16, v23;
	v15 =	vmul.f32 v21, v22  }
0x26a: {  	s24 =	sand.u32 $0xC00, s28;
	s3 =	sor.u32 s3, s0;
	v10 =	vadd.f32 $8.976644890e+01, v17;
	v17 =	vmul.f32 v19, v5;
	v19 =	vmul.f32 $6.931471820e-01, v24  }
0x26b: {  	s23 =	sor.u32 s24, s3;
	v22 =	vmul.f32 $6.931471820e-01, v26;
	v16 =	vadd.f32 $8.976644890e+01, v16;
	v21 =	vadd.f32 $8.976644890e+01, v15  }
0x26c: {  	v13 =	vld [tilespmem:s23+$0x0];
	v10 =	vsub.f32 v10, v20;
	v17 =	vadd.f32 $8.976644890e+01, v17;
	v20 =	vmul.f32 $6.931471820e-01, v25  }
0x26d: {  	vm3 =	vgt.f32 v12, $0.0e+00;
	v5 =	vld [tilespmem:s23+$0x8000];
	v21 =	vsub.f32 v21, v22  }
0x26e: {  	s3 =	sor.u32 $0x8030, s23;
	v15 =	vld [tilespmem:s23+$0x4000];
	v16 =	vsub.f32 v16, v19;
	v12 =	vnsel vm0, $0x42C80000, v10;
	v17 =	vsub.f32 v17, v20  }
0x26f: {  	s22 =	sor.u32 $0x8020, s23;
	v10 =	vld [tilespmem:s3+$0x0];
	v20 =	vmul.f32 v12, v18;
	v22 =	vmul.f32 v12, v14;
	v21 =	vnsel vm2, $0x42C80000, v21  }
0x270: {  	s24 =	sor.u32 $0x30, s23;
	v12 =	vld [tilespmem:s22+$0x0];
	v19 =	vnsel vm1, $0x42C80000, v16;
	v63 =	vnsel vm3, $0x42C80000, v17;
	v23 =	vmul.f32 v21, v11  }
0x271: {  	s3 =	sor.u32 $0x4020, s23;
	v16 =	vld [tilespmem:s24+$0x0];
	v3 =	vadd.f32 v20, v3;
	v20 =	vadd.f32 v22, v2;
	v21 =	vmul.f32 v21, v9  }
0x272: {  	v1 =	vadd.f32 v18, v1;
	s22 =	sor.u32 $0x4030, s23;
	v18 =	vld [tilespmem:s3+$0x0];
	v2 =	vadd.f32 v14, v0;
	v0 =	vmul.f32 v63, v8  }
0x273: {  	s24 =	sor.u32 $0x20, s23;
	v17 =	vld [tilespmem:s22+$0x0];
	s22 =	simm.s32 $0x80;
	v3 =	vadd.f32 v23, v3;
	v14 =	vadd.f32 v21, v20;
	v20 =	vmul.f32 v63, v6  }
.LBB2_19:
0x274: {  	p0 =	sne.s32 s22, $0x1C0;
	s3 =	sor.u32 $0x4010, s23;
	v21 =	vld [tilespmem:s24+$0x0];
	v1 =	vadd.f32 v11, v1;
	v2 =	vadd.f32 v9, v2;
	v9 =	vmul.f32 v19, v7  }
0x275: {  	s24 =	sor.u32 $0x10, s23;
	v19 =	vmul.f32 v19, v4;
	v11 =	vld [tilespmem:s3+$0x0];
	v3 =	vadd.f32 v0, v3;
	v14 =	vadd.f32 v20, v14  }
0x276: {  	v20 =	vld [tilespmem:s24+$0x0];
	v1 =	vadd.f32 v8, v1;
	v2 =	vadd.f32 v6, v2;
	v6 =	vmov v12  }
0x277: {  	v0 =	vmul.f32 v5, v15;
	v3 =	vadd.f32 v9, v3;
	v14 =	vadd.f32 v19, v14  }
0x278: {  	vm0 =	vgt.f32 v15, $5.000000000e-01;
	v1 =	vadd.f32 v7, v1;
	v2 =	vadd.f32 v4, v2;
	v4 =	vmovc v10  }
0x279: {  	v9 =	vsub.f32 $1.000000000e+00, v13;
	v8 =	vmul.f32 v6, v18;
	v7 =	vmul.f32 v4, v17  }
0x27a: {  	vm1 =	vgt.f32 v17, $5.000000000e-01;
	v12 =	vsub.f32 $1.000000000e+00, v16;
	v10 =	vsub.f32 $1.000000000e+00, v21  }
0x27b: {  	s3 =	sor.u32 $0x8010, s23;
	vm3 =	vgt.f32 v18, $5.000000000e-01;
	vm2 =	vgt.f32 v11, $5.000000000e-01;
	v15 =	vsub.f32 $1.000000000e+00, v20  }
0x27c: {  	v13 =	vsel vm0, v13, v9;
	v12 =	vsel vm1, v16, v12;
	v10 =	vsel vm3, v21, v10;
	v9 =	vld [tilespmem:s3+$0x0]  }
0x27d: {  	v16 =	vand.u32 $0x7FFFFF, v13;
	v17 =	vsel vm2, v20, v15;
	v15 =	vand.u32 $0x7FFFFF, v12  }
0x27e: {  	v16 =	vor.u32 $0x3F800000, v16;
	v19 =	vand.u32 $0x7FFFFF, v10;
	v18 =	vand.u32 $0x7FFFFF, v17  }
0x27f: {  	v20 =	vmul.f32 $5.545931310e-02, v16;
	v15 =	vor.u32 $0x3F800000, v15;
	v18 =	vor.u32 $0x3F800000, v18  }
0x280: {  	v19 =	vor.u32 $0x3F800000, v19;
	v22 =	vmul.f32 $5.545931310e-02, v15;
	v21 =	vmul.f32 $5.545931310e-02, v18  }
0x281: {  	v23 =	vmul.f32 $5.545931310e-02, v19;
	v20 =	vadd.f32 $-4.405027330e-01, v20;
	v11 =	vmul.f32 v9, v11  }
0x282: {  	vm0 =	vgt.f32 v13, $0.0e+00;
	v22 =	vadd.f32 $-4.405027330e-01, v22;
	v21 =	vadd.f32 $-4.405027330e-01, v21  }
0x283: {  	v13 =	vshra.s32 v13, $0x17;
	v23 =	vadd.f32 $-4.405027330e-01, v23;
	v20 =	vmul.f32 v16, v20  }
0x284: {  	v24 =	vshra.s32 v12, $0x17;
	v22 =	vmul.f32 v15, v22;
	v21 =	vmul.f32 v18, v21  }
0x285: {  	v25 =	vshra.s32 v10, $0x17;
	v23 =	vmul.f32 v19, v23;
	v20 =	vadd.f32 $1.455194830e+00, v20  }
0x286: {  	v13 =	vcvt.s32.f32 v13;
	v22 =	vadd.f32 $1.455194830e+00, v22;
	v21 =	vadd.f32 $1.455194830e+00, v21  }
0x287: {  	v24 =	vcvt.s32.f32 v24;
	v23 =	vadd.f32 $1.455194830e+00, v23;
	v20 =	vmul.f32 v16, v20  }
0x288: {  	v26 =	vshra.s32 v17, $0x17;
	v22 =	vmul.f32 v15, v22;
	v21 =	vmul.f32 v18, v21  }
0x289: {  	v25 =	vcvt.s32.f32 v25;
	v23 =	vmul.f32 v19, v23;
	v20 =	vadd.f32 $-2.806980610e+00, v20  }
0x28a: {  	v26 =	vcvt.s32.f32 v26;
	v22 =	vadd.f32 $-2.806980610e+00, v22;
	v21 =	vadd.f32 $-2.806980610e+00, v21  }
0x28b: {  	v13 =	vmul.f32 $6.931471820e-01, v13;
	v16 =	vmul.f32 v16, v20;
	v20 =	vadd.f32 $-2.806980610e+00, v23  }
0x28c: {  	s28 =	sadd.s32 $0x200, s28;
	vm1 =	vgt.f32 v12, $0.0e+00;
	s3 =	sand.u32 $0x40, s22;
	v15 =	vmul.f32 v15, v22;
	v18 =	vmul.f32 v18, v21  }
0x28d: {  	s23 =	sand.u32 $0xC00, s28;
	s3 =	sor.u32 s3, s0;
	v12 =	vadd.f32 $8.976644890e+01, v16;
	v16 =	vmul.f32 v19, v20;
	v19 =	vmul.f32 $6.931471820e-01, v24  }
0x28e: {  	s23 =	sor.u32 s23, s3;
	v20 =	vmul.f32 $6.931471820e-01, v26;
	v21 =	vadd.f32 $8.976644890e+01, v15;
	v18 =	vadd.f32 $8.976644890e+01, v18  }
0x28f: {  	v23 =	vmul.f32 $6.931471820e-01, v25;
	v12 =	vsub.f32 v12, v13;
	v16 =	vadd.f32 $8.976644890e+01, v16;
	v22 =	vld [tilespmem:s23+$0x8000]  }
0x290: {  	vm3 =	vgt.f32 v10, $0.0e+00;
	vm2 =	vgt.f32 v17, $0.0e+00;
	v15 =	vld [tilespmem:s23+$0x4000];
	v18 =	vsub.f32 v18, v20  }
0x291: {  	s3 =	sor.u32 $0x8030, s23;
	v12 =	vnsel vm0, $0x42C80000, v12;
	v16 =	vsub.f32 v16, v23;
	v17 =	vsub.f32 v21, v19;
	v13 =	vld [tilespmem:s23+$0x0]  }
.Ltmp8:
0x292: {  	s24 =	sor.u32 $0x8020, s23;
	v20 =	vmul.f32 v12, v0;
	v21 =	vmul.f32 v12, v5;
	v10 =	vld [tilespmem:s3+$0x0];
	v18 =	vnsel vm2, $0x42C80000, v18;
	(pc) =	sbr.rel @p0 .LBB2_19-.Ltmp8, $4  }
0x293: {  	v24 =	vnsel vm3, $0x42C80000, v16;
	v19 =	vnsel vm1, $0x42C80000, v17;
	s3 =	sor.u32 $0x4030, s23;
	v12 =	vld [tilespmem:s24+$0x0];
	v23 =	vmul.f32 v18, v11  }
0x294: {  	v3 =	vadd.f32 v20, v3;
	v14 =	vadd.f32 v21, v14;
	s24 =	sor.u32 $0x30, s23;
	v20 =	vmul.f32 v18, v9;
	v17 =	vld [tilespmem:s3+$0x0]  }
0x295: {  	v1 =	vadd.f32 v0, v1;
	v2 =	vadd.f32 v5, v2;
	v0 =	vmul.f32 v24, v8;
	s3 =	sor.u32 $0x4020, s23;
	v5 =	vmovc v22;
	v16 =	vld [tilespmem:s24+$0x0]  }
0x296: {  	s22 =	sadd.s32 $0x40, s22;
	s24 =	sor.u32 $0x20, s23;
	v3 =	vadd.f32 v23, v3;
	v14 =	vadd.f32 v20, v14;
	v20 =	vmul.f32 v24, v6;
	v18 =	vld [tilespmem:s3+$0x0]  }
0x297: {  	v1 =	vadd.f32 v11, v1  }
0x298: {  	s0 =	sor.u32 $0x4010, s23;
	v21 =	vld [tilespmem:s24+$0x0];
	v2 =	vadd.f32 v9, v2;
	v33 =	vmul.f32 v19, v7;
	v35 =	vmul.f32 v19, v4  }
0x299: {  	s3 =	sor.u32 $0x10, s23;
	v37 =	vmul.f32 v5, v15;
	v34 =	vld [tilespmem:s0+$0x0];
	v0 =	vadd.f32 v0, v3;
	v3 =	vadd.f32 v20, v14  }
0x29a: {  	vm0 =	vgt.f32 v15, $5.000000000e-01;
	s28 =	sor.u32 $0x8010, s23;
	v36 =	vld [tilespmem:s3+$0x0];
	v1 =	vadd.f32 v8, v1;
	v2 =	vadd.f32 v6, v2  }
0x29b: {  	v43 =	vld [tilespmem:s28+$0x0];
	v39 =	vmul.f32 v10, v17;
	v0 =	vadd.f32 v33, v0;
	v3 =	vadd.f32 v35, v3  }
0x29c: {  	vm1 =	vgt.f32 v17, $5.000000000e-01;
	v41 =	vsub.f32 $1.000000000e+00, v16;
	v1 =	vadd.f32 v7, v1  }
0x29d: {  	v2 =	vadd.f32 v4, v2;
	v4 =	vsub.f32 $1.000000000e+00, v13;
	v38 =	vmul.f32 v12, v18  }
0x29e: {  	vm3 =	vgt.f32 v18, $5.000000000e-01;
	v40 =	vsub.f32 $1.000000000e+00, v21;
	v14 =	vsel vm1, v16, v41  }
0x29f: {  	vm2 =	vgt.f32 v34, $5.000000000e-01;
	v42 =	vsub.f32 $1.000000000e+00, v36;
	v4 =	vsel vm0, v13, v4  }
0x2a0: {  	v45 =	vand.u32 $0x7FFFFF, v14;
	v11 =	vmul.f32 v43, v34;
	v44 =	vand.u32 $0x7FFFFF, v4  }
0x2a1: {  	v24 =	vshra.s32 v14, $0x17;
	v15 =	vsel vm2, v36, v42;
	v16 =	vor.u32 $0x3F800000, v44  }
0x2a2: {  	vm1 =	vgt.f32 v14, $0.0e+00;
	v46 =	vand.u32 $0x7FFFFF, v15;
	v48 =	vmul.f32 $5.545931310e-02, v16  }
0x2a3: {  	v1 =	vadd.f32 v37, v1;
	v9 =	vsel vm3, v21, v40;
	v18 =	vor.u32 $0x3F800000, v46  }
0x2a4: {  	v47 =	vand.u32 $0x7FFFFF, v9;
	v49 =	vmul.f32 $5.545931310e-02, v18;
	v20 =	vadd.f32 $-4.405027330e-01, v48  }
0x2a5: {  	v2 =	vadd.f32 v5, v2;
	v17 =	vor.u32 $0x3F800000, v45;
	v19 =	vor.u32 $0x3F800000, v47  }
0x2a6: {  	v23 =	vmul.f32 $5.545931310e-02, v19;
	v21 =	vadd.f32 $-4.405027330e-01, v49;
	v20 =	vmul.f32 v16, v20  }
0x2a7: {  	vm0 =	vgt.f32 v4, $0.0e+00;
	v4 =	vshra.s32 v4, $0x17;
	v22 =	vmul.f32 $5.545931310e-02, v17  }
0x2a8: {  	v23 =	vadd.f32 $-4.405027330e-01, v23;
	v21 =	vmul.f32 v18, v21;
	v20 =	vadd.f32 $1.455194830e+00, v20  }
0x2a9: {  	v24 =	vcvt.s32.f32 v24;
	v25 =	vshra.s32 v9, $0x17;
	v22 =	vadd.f32 $-4.405027330e-01, v22  }
0x2aa: {  	v23 =	vmul.f32 v19, v23;
	v21 =	vadd.f32 $1.455194830e+00, v21;
	v20 =	vmul.f32 v16, v20  }
0x2ab: {  	v4 =	vcvt.s32.f32 v4;
	v26 =	vshra.s32 v15, $0x17;
	v22 =	vmul.f32 v17, v22  }
0x2ac: {  	v23 =	vadd.f32 $1.455194830e+00, v23;
	v21 =	vmul.f32 v18, v21;
	v20 =	vadd.f32 $-2.806980610e+00, v20  }
0x2ad: {  	v25 =	vcvt.s32.f32 v25;
	v26 =	vcvt.s32.f32 v26;
	v22 =	vadd.f32 $1.455194830e+00, v22  }
0x2ae: {  	v23 =	vmul.f32 v19, v23;
	v21 =	vadd.f32 $-2.806980610e+00, v21;
	v16 =	vmul.f32 v16, v20  }
0x2af: {  	vm3 =	vgt.f32 v9, $0.0e+00;
	v4 =	vmul.f32 $6.931471820e-01, v4;
	v22 =	vmul.f32 v17, v22  }
0x2b0: {  	v50 =	vadd.f32 $-2.806980610e+00, v23;
	v18 =	vmul.f32 v18, v21;
	v51 =	vadd.f32 $8.976644890e+01, v16  }
0x2b1: {  	v53 =	vmul.f32 $6.931471820e-01, v24;
	v54 =	vmul.f32 $6.931471820e-01, v26;
	v22 =	vadd.f32 $-2.806980610e+00, v22  }
0x2b2: {  	v52 =	vmul.f32 v19, v50;
	v18 =	vadd.f32 $8.976644890e+01, v18;
	v4 =	vsub.f32 v51, v4  }
0x2b3: {  	v1 =	vadd.f32 v11, v1;
	v56 =	vmul.f32 $6.931471820e-01, v25;
	v17 =	vmul.f32 v17, v22  }
0x2b4: {  	v55 =	vadd.f32 $8.976644890e+01, v52;
	v18 =	vsub.f32 v18, v54;
	v4 =	vnsel vm0, $0x42C80000, v4  }
0x2b5: {  	vm2 =	vgt.f32 v15, $0.0e+00;
	v17 =	vadd.f32 $8.976644890e+01, v17;
	v59 =	vmul.f32 v4, v37  }
0x2b6: {  	v57 =	vsub.f32 v55, v56;
	v4 =	vmul.f32 v4, v5;
	v60 =	vnsel vm2, $0x42C80000, v18  }
0x2b7: {  	v58 =	vsub.f32 v17, v53;
	v61 =	vmul.f32 v60, v11;
	v0 =	vadd.f32 v59, v0  }
0x2b8: {  	s1 =	sadd.s32 $0x1, s1;
	v9 =	vnsel vm3, $0x42C80000, v57;
	v3 =	vadd.f32 v4, v3;
	v4 =	vmul.f32 v60, v43  }
0x2b9: {  	p0 =	sne.s32 s1, $0x10;
	v2 =	vadd.f32 v43, v2;
	v5 =	vmul.f32 v9, v38;
	v0 =	vadd.f32 v61, v0  }
.Ltmp9:
0x2ba: {  	v14 =	vnsel vm1, $0x42C80000, v58;
	v3 =	vadd.f32 v4, v3;
	v4 =	vmul.f32 v9, v12;
	(pc) =	sbr.rel @p0 .LBB2_18-.Ltmp9, $4  }
0x2bb: {  	v1 =	vadd.f32 v38, v1;
	v62 =	vmul.f32 v14, v39;
	v0 =	vadd.f32 v5, v0  }
0x2bc: {  	v63 =	vadd.f32 v12, v2;
	v4 =	vadd.f32 v4, v3;
	v5 =	vmul.f32 v14, v10  }
0x2bd: {  	v1 =	vadd.f32 v39, v1;
	v3 =	vadd.f32 v62, v0  }
0x2be: {  	v2 =	vadd.f32 v5, v4;
	v0 =	vadd.f32 v10, v63  }
0x2bf: {  	[tilespmem:$0xC000] =	vst v3  }
0x2c0: {  	[tilespmem:$0xC100] =	vst v1;
	s30 =	sadd.s32 $0x1, s30  }
0x2c1: {  	[tilespmem:$0xC080] =	vst v2;
	p0 =	sne.s32 s30, s19  }
.Ltmp10:
0x2c2: {  	s0 =	simm.s32 $0xC000;
	[tilespmem:$0xC180] =	vst v0;
	(pc) =	sbr.rel @p0 .LBB2_1-.Ltmp10, $4  }
0x2c3: {  	[hbm4b:s18+s2] =	stream.linear.scatter [tilespmem:s0], [sflag:$0x3], $0x200, $0x38;
	[tilespmem:$0xC200] =	vst v63  }
0x2c4: {  	_ =	swait.ge [sflag:s29], $0x200  }
0x2c5: {  	[sflag:s29] =	ssyncset.done $0x0  }
0x2c6: {  	[sflag:s29] =	ssyncadd.s32 $0xFFFFFE00  }
0x2c7: {  	_ =	sfence.sel $0x180000  }
0x2c8: {  	[bflag:$0x0] =	sbarrier.arrive $0xFFFF  }
0x2c9: {  	_ =	strace $0x90000047  }
0x2ca: {  	s0 =	stileid.u32;
	[bflag:$0x2] =	sbarrier.arrive $0xFFFF  }
0x2cb: {  	p0 =	sne.s32 s0, $0x0;
	s0 =	rddreg [dreg:$0x4]  }
0x2cc: {  	s0 =	sadd.s32 @!p0 $0x100000, s0  }
0x2cd: {  	[sflag:s0] =	ssyncadd.tile.s32 @!p0 $0x1;
	_ =	shalt  }
.Lfunc_end2:
_tile_overlayer_lowered:
.L_overlay_start_2:
0x2ce: {  	(tag) =	ssettag $0x2  }
0x2cf: {  	s0 =	rddreg [dreg:$0x0];
	s2 =	stileid.u32  }
0x2d0: {  	s1 =	rddreg [dreg:$0x1];
	p0 =	sne.s32 s2, $0x0  }
0x2d1: {  	s3 =	rddreg [dreg:$0x2];
	[bflag:$0x3] =	sbarrier.arrive $0xFFFF;
	s2 =	simm.s32 @!p0 $0x1C03  }
0x2d2: {  	[timem:s3], [sflag:s2] =	dma.local @!p0 [hbm:s0], s1  }
0x2d3: {  	s0 =	simm.s32 @!p0 $0x3  }
0x2d4: {  	_ =	swait.ge @!p0 [sflag:s0], s1  }
0x2d5: {  	s1 =	ssub.s32 @!p0 $0x0, s1;
	[sflag:s0] =	ssyncset.done @!p0 $0x0  }
0x2d6: {  	[sflag:s0] =	ssyncadd.s32 @!p0 s1  }
0x2d7: {  	[bflag:$0x3] =	sbarrier.arrive $0xFFFF  }
0x2d8: {  	_ =	shalt  }

</sc_bundles>
